<compile_context>
chip_gen: v7x
topology: tpu7x:2x2x1
jax: 0.10.2.dev20260603
libtpu: 0.0.44.dev20260713+nightly
codegen_flags: <defaults>
</compile_context>

<pallas_src>
import functools
import math

import jax
import jax.numpy as jnp
from jax import lax
from jax.experimental import pallas as pl
from jax.experimental.pallas import tpu as pltpu
from jax.experimental.pallas import tpu_sc as plsc

EMB_DIM = 64
NEG_NUM = 20
HIST_LEN = 200
NUM_CAND = NEG_NUM + 1
NUM_WORKERS = 32
LANES = 16
NVREG = EMB_DIM // LANES
FIJ_PAD = 224
N_SLOTS = HIST_LEN + 2 * NUM_CAND + 1
PP_BASE = HIST_LEN
HJ_BASE = HIST_LEN + NUM_CAND
U_SLOT = HIST_LEN + 2 * NUM_CAND


def _tc_gather(idx_ref, geoinf, poi, geosus, user, out, rows_v, sem, osem):
    srcs = ([geoinf] * HIST_LEN + [poi, geosus] * NUM_CAND + [user])
    slots = (list(range(HIST_LEN))
             + [b + j for j in range(NUM_CAND) for b in (PP_BASE, HJ_BASE)]
             + [U_SLOT])
    copies = []
    for src, h in zip(srcs, slots):
        copies.append(pltpu.make_async_copy(
            src.at[pl.ds(idx_ref[h], 1)], rows_v.at[pl.ds(h, 1)], sem))
    for c in copies:
        c.start()
    for c in copies:
        c.wait()
    oc = pltpu.make_async_copy(rows_v, out, osem)
    oc.start()
    oc.wait()


@functools.partial(
    pl.kernel,
    out_type=jax.ShapeDtypeStruct((NUM_WORKERS * EMB_DIM,), jnp.float32),
    mesh=plsc.VectorSubcoreMesh(core_axis_name="c", subcore_axis_name="s"),
    compiler_params=pltpu.CompilerParams(use_tc_tiling_on_sc=False),
    scratch_types=[
        pltpu.VMEM((FIJ_PAD,), jnp.float32),
        pltpu.VMEM((FIJ_PAD,), jnp.float32),
        pltpu.VMEM((HIST_LEN * EMB_DIM,), jnp.float32),
        pltpu.VMEM((EMB_DIM,), jnp.float32),
        pltpu.VMEM((EMB_DIM,), jnp.float32),
        pltpu.VMEM((EMB_DIM,), jnp.float32),
        pltpu.VMEM((EMB_DIM,), jnp.float32),
        pltpu.SemaphoreType.DMA,
    ],
)
def _sc_weighted_dots(dist_hbm, rows_hbm, out_hbm,
                      dist_v, fij_v, g_v, hj_v, pp_v, u_v, r_v, sem):
    w = lax.axis_index("s") * 2 + lax.axis_index("c")
    row = jnp.minimum(w, NUM_CAND - 1)

    dist_off = pl.multiple_of(row * HIST_LEN, 8)
    cd = pltpu.async_copy(dist_hbm.at[pl.ds(dist_off, HIST_LEN)],
                          dist_v.at[pl.ds(0, HIST_LEN)], sem)
    cg = pltpu.async_copy(rows_hbm.at[pl.ds(0, HIST_LEN * EMB_DIM)], g_v, sem)
    pp_off = pl.multiple_of((PP_BASE + row) * EMB_DIM, 8)
    hj_off = pl.multiple_of((HJ_BASE + row) * EMB_DIM, 8)
    cp = pltpu.async_copy(rows_hbm.at[pl.ds(pp_off, EMB_DIM)], pp_v, sem)
    chj = pltpu.async_copy(rows_hbm.at[pl.ds(hj_off, EMB_DIM)], hj_v, sem)
    cu = pltpu.async_copy(rows_hbm.at[pl.ds(U_SLOT * EMB_DIM, EMB_DIM)],
                          u_v, sem)

    cd.wait()
    for c in range(13):
        d = dist_v[pl.ds(c * LANES, LANES)]
        fij_v[pl.ds(c * LANES, LANES)] = 0.1 / (d * d)

    cg.wait()
    cp.wait()
    chj.wait()
    cu.wait()

    def h_step(h, accs):
        f = fij_v[pl.ds(h, LANES)][0]
        base = h * EMB_DIM
        return tuple(
            acc + f * g_v[pl.ds(base + k * LANES, LANES)]
            for k, acc in enumerate(accs)
        )

    zeros = tuple(jnp.zeros((LANES,), jnp.float32) for _ in range(NVREG))
    accs = lax.fori_loop(0, HIST_LEN, h_step, zeros)

    inv_h = jnp.float32(1.0 / HIST_LEN)
    for k in range(NVREG):
        sl = pl.ds(k * LANES, LANES)
        r_v[sl] = hj_v[sl] * accs[k] * inv_h + u_v[sl] * pp_v[sl]
    out_off = pl.multiple_of(w * EMB_DIM, 8)
    pltpu.sync_copy(r_v, out_hbm.at[pl.ds(out_off, EMB_DIM)])


def _tc_logsigmoid_sum(r_ref, o_ref):
    r = jnp.sum(r_ref[...], axis=1, keepdims=True)
    rows = lax.broadcasted_iota(jnp.int32, (NUM_WORKERS, 1), 0)
    sign = jnp.where(rows == 0, jnp.float32(1.0), jnp.float32(-1.0))
    z = sign * r
    ls = jnp.minimum(z, 0.0) - jnp.log1p(jnp.exp(-jnp.abs(z)))
    loss = jnp.sum(jnp.where(rows < NUM_CAND, ls, jnp.float32(0.0)))
    wuj = 1.0 + math.log(1.0 + 1.0 * 10 ** 10)
    o_ref[...] = jnp.reshape(-wuj * loss, (1, 1))


def kernel(cuj, pos_u, pos_p, neg_p, History, distance,
           UserPreference, PoiPreference, GeoInfluence, GeoSusceptibility):
    i32 = jnp.int32
    cand = jnp.concatenate([pos_p.astype(i32), neg_p.astype(i32)])
    all_idx = jnp.concatenate([
        History.astype(i32), cand, cand, pos_u.astype(i32),
        jnp.zeros((256 - N_SLOTS,), i32),
    ])
    rows = pl.pallas_call(
        _tc_gather,
        out_shape=jax.ShapeDtypeStruct((256, EMB_DIM), jnp.float32),
        in_specs=[
            pl.BlockSpec(memory_space=pltpu.SMEM),
            pl.BlockSpec(memory_space=pl.ANY),
            pl.BlockSpec(memory_space=pl.ANY),
            pl.BlockSpec(memory_space=pl.ANY),
            pl.BlockSpec(memory_space=pl.ANY),
        ],
        out_specs=pl.BlockSpec(memory_space=pl.ANY),
        scratch_shapes=[pltpu.VMEM((256, EMB_DIM), jnp.float32),
                        pltpu.SemaphoreType.DMA,
                        pltpu.SemaphoreType.DMA],
    )(all_idx, GeoInfluence, PoiPreference, GeoSusceptibility, UserPreference)
    r = _sc_weighted_dots(distance.reshape(-1), rows.reshape(-1))
    r = r.reshape(NUM_WORKERS, EMB_DIM)
    out = pl.pallas_call(
        _tc_logsigmoid_sum,
        out_shape=jax.ShapeDtypeStruct((1, 1), jnp.float32),
    )(r)
    return out + 0.0 * jnp.asarray(cuj).astype(jnp.float32)

# --- scband reference (transcript-rebuilt; emitter-appended) ---
"""Pipeline reference for scband-geo-ie-44951127720009 (READ-ONLY COPY).

The authoritative reference and input builder live on the scoring server;
editing this copy changes nothing except your own understanding.
"""

import jax, jax.numpy as jnp
import numpy as np
import math

USER_COUNT = 100000
POI_COUNT = 100000
EMB_DIM = 64
NEG_NUM = 20
HIST_LEN = 200


def setup_inputs(seed: int = 0) -> dict:
    key = jax.random.key(seed)
    ks = jax.random.split(key, 9)
    initrange = 0.5 / EMB_DIM
    UserPreference = jax.random.uniform(ks[0], (USER_COUNT, EMB_DIM), minval=-initrange, maxval=initrange, dtype=jnp.float32)
    PoiPreference = jax.random.uniform(ks[1], (POI_COUNT, EMB_DIM), minval=-initrange, maxval=initrange, dtype=jnp.float32)
    GeoInfluence = jax.random.uniform(ks[2], (POI_COUNT, EMB_DIM), minval=-initrange, maxval=initrange, dtype=jnp.float32)
    GeoSusceptibility = jax.random.uniform(ks[3], (POI_COUNT, EMB_DIM), minval=-initrange, maxval=initrange, dtype=jnp.float32)
    cuj = 1  # scalar visit count
    pos_u = jax.random.randint(ks[4], (1,), 0, USER_COUNT, dtype=jnp.int64 if jax.config.jax_enable_x64 else jnp.int32)
    pos_p = jax.random.randint(ks[5], (1,), 0, POI_COUNT, dtype=jnp.int64 if jax.config.jax_enable_x64 else jnp.int32)
    neg_p = jax.random.randint(ks[6], (NEG_NUM,), 0, POI_COUNT, dtype=jnp.int64 if jax.config.jax_enable_x64 else jnp.int32)
    History = jax.random.randint(ks[7], (HIST_LEN,), 0, POI_COUNT, dtype=jnp.int64 if jax.config.jax_enable_x64 else jnp.int32)
    distance = jax.random.uniform(ks[8], (NEG_NUM + 1, HIST_LEN), dtype=jnp.float32)
    return {
        "cuj": cuj,
        "pos_u": pos_u,
        "pos_p": pos_p,
        "neg_p": neg_p,
        "History": History,
        "distance": distance,
        "UserPreference": UserPreference,
        "PoiPreference": PoiPreference,
        "GeoInfluence": GeoInfluence,
        "GeoSusceptibility": GeoSusceptibility,
    }


def reference(cuj, pos_u, pos_p, neg_p, History, distance, UserPreference, PoiPreference, GeoInfluence, GeoSusceptibility):
    scaling = 10
    a = 0.1
    b = -2.0
    negnum = NEG_NUM
    wuj = 1.0 + math.log(1.0 + 1.0 * 10 ** scaling)
    # fij[i][j] = a * distance[i][j] ** b
    fij = a * jnp.power(distance, b)
    UPre = jnp.take(UserPreference, pos_u, axis=0)  # [1, d]
    PPre = jnp.take(PoiPreference, pos_p, axis=0)   # [1, d]
    Hnum = History.shape[0]
    hj = jnp.take(GeoSusceptibility, pos_p, axis=0)  # [1, d]
    g = jnp.take(GeoInfluence, History, axis=0)      # [H, d]
    f = fij[0:1]                                     # [1, H]
    posresult = UPre @ PPre.T + jnp.sum(f * (hj @ g.T)) / float(Hnum)
    loss = jax.nn.log_sigmoid(posresult)
    for j in range(negnum):
        f = fij[j + 1:j + 2]
        NegPPre = jnp.take(PoiPreference, neg_p[j:j + 1], axis=0)
        hjn = jnp.take(GeoSusceptibility, neg_p[j:j + 1], axis=0)
        negresult = UPre @ NegPPre.T + jnp.sum(f * (hjn @ g.T)) / float(Hnum)
        loss = loss + jax.nn.log_sigmoid(-negresult)
    return -1.0 * wuj * loss + 0.0 * jnp.asarray(cuj).astype(jnp.float32)

if __name__ == "__main__":
    import jax
    _d = setup_inputs()
    print(jax.jit(kernel)(*tuple(_d.values())))

</pallas_src>

<mosaic_0001>
#map = affine_map<(d0, d1) -> (0)>
module attributes {stable_mosaic.version = 14 : i64} {
  func.func @_sc_weighted_dots(%arg0: i32, %arg1: i32, %arg2: memref<4200xf32, #tpu.memory_space<hbm>>, %arg3: memref<16384xf32, #tpu.memory_space<hbm>>, %arg4: memref<2048xf32, #tpu.memory_space<hbm>>, %arg5: memref<224xf32, #tpu.memory_space<vmem>>, %arg6: memref<224xf32, #tpu.memory_space<vmem>>, %arg7: memref<12800xf32, #tpu.memory_space<vmem>>, %arg8: memref<64xf32, #tpu.memory_space<vmem>>, %arg9: memref<64xf32, #tpu.memory_space<vmem>>, %arg10: memref<64xf32, #tpu.memory_space<vmem>>, %arg11: memref<64xf32, #tpu.memory_space<vmem>>, %arg12: memref<!tpu.dma_semaphore, #tpu.memory_space<semaphore_mem>>) attributes {dimension_semantics = [#tpu.dimension_semantics<core_parallel>, #tpu.dimension_semantics<subcore_parallel>], iteration_bounds = array<i64: 2, 16>, scalar_prefetch = 0 : i64, scratch_operands = 8 : i64, tpu.core_type = #tpu.core_type<sc_vector_subcore>, window_params = [{transform_indices = #map}, {transform_indices = #map}, {transform_indices = #map}]} {
    %mul3A = arith.constant 2 : i32
    %mul3A_0 = arith.muli %arg1, %mul3A : i32
    %add3A = arith.addi %mul3A_0, %arg0 : i32
    %min3A = arith.constant 20 : i32
    %min3A_1 = arith.minsi %add3A, %min3A : i32
    %mul3A_2 = arith.constant 200 : i32
    %mul3A_3 = arith.muli %min3A_1, %mul3A_2 : i32
    %multiple_of3A = tpu.assume_multiple %mul3A_3, 8 : i32
    %dma_start3A = arith.constant 0 : i32
    %dma_start3A_4 = tpu.memref_slice %arg5[%dma_start3A] : memref<224xf32, #tpu.memory_space<vmem>> -> memref<200xf32, #tpu.memory_space<vmem>>
    %dma_start3A_5 = tpu.memref_slice %arg2[%multiple_of3A] : memref<4200xf32, #tpu.memory_space<hbm>> -> memref<200xf32, #tpu.memory_space<hbm>>
    %dma_start3A_6 = arith.constant 0 : i32
    %dma_start3A_7 = tpu.memref_slice %arg5[%dma_start3A_6] : memref<224xf32, #tpu.memory_space<vmem>> -> memref<200xf32, #tpu.memory_space<vmem>>
    %dma_start3A_8 = tpu.memref_slice %arg2[%multiple_of3A] : memref<4200xf32, #tpu.memory_space<hbm>> -> memref<200xf32, #tpu.memory_space<hbm>>
    tpu.enqueue_dma source(%dma_start3A_8 : memref<200xf32, #tpu.memory_space<hbm>>) target(%dma_start3A_7 : memref<200xf32, #tpu.memory_space<vmem>>) target_semaphore(%arg12 : memref<!tpu.dma_semaphore, #tpu.memory_space<semaphore_mem>>)
    %dma_start3A_9 = arith.constant 0 : i32
    %dma_start3A_10 = tpu.memref_slice %arg3[%dma_start3A_9] : memref<16384xf32, #tpu.memory_space<hbm>> -> memref<12800xf32, #tpu.memory_space<hbm>>
    %dma_start3A_11 = arith.constant 0 : i32
    %dma_start3A_12 = tpu.memref_slice %arg3[%dma_start3A_11] : memref<16384xf32, #tpu.memory_space<hbm>> -> memref<12800xf32, #tpu.memory_space<hbm>>
    tpu.enqueue_dma source(%dma_start3A_12 : memref<12800xf32, #tpu.memory_space<hbm>>) target(%arg7 : memref<12800xf32, #tpu.memory_space<vmem>>) target_semaphore(%arg12 : memref<!tpu.dma_semaphore, #tpu.memory_space<semaphore_mem>>)
    %add3A_13 = arith.constant 200 : i32
    %add3A_14 = arith.addi %add3A_13, %min3A_1 : i32
    %mul3A_15 = arith.constant 64 : i32
    %mul3A_16 = arith.muli %add3A_14, %mul3A_15 : i32
    %multiple_of3A_17 = tpu.assume_multiple %mul3A_16, 8 : i32
    %add3A_18 = arith.constant 221 : i32
    %add3A_19 = arith.addi %add3A_18, %min3A_1 : i32
    %mul3A_20 = arith.constant 64 : i32
    %mul3A_21 = arith.muli %add3A_19, %mul3A_20 : i32
    %multiple_of3A_22 = tpu.assume_multiple %mul3A_21, 8 : i32
    %dma_start3A_23 = tpu.memref_slice %arg3[%multiple_of3A_17] : memref<16384xf32, #tpu.memory_space<hbm>> -> memref<64xf32, #tpu.memory_space<hbm>>
    %dma_start3A_24 = tpu.memref_slice %arg3[%multiple_of3A_17] : memref<16384xf32, #tpu.memory_space<hbm>> -> memref<64xf32, #tpu.memory_space<hbm>>
    tpu.enqueue_dma source(%dma_start3A_24 : memref<64xf32, #tpu.memory_space<hbm>>) target(%arg9 : memref<64xf32, #tpu.memory_space<vmem>>) target_semaphore(%arg12 : memref<!tpu.dma_semaphore, #tpu.memory_space<semaphore_mem>>)
    %dma_start3A_25 = tpu.memref_slice %arg3[%multiple_of3A_22] : memref<16384xf32, #tpu.memory_space<hbm>> -> memref<64xf32, #tpu.memory_space<hbm>>
    %dma_start3A_26 = tpu.memref_slice %arg3[%multiple_of3A_22] : memref<16384xf32, #tpu.memory_space<hbm>> -> memref<64xf32, #tpu.memory_space<hbm>>
    tpu.enqueue_dma source(%dma_start3A_26 : memref<64xf32, #tpu.memory_space<hbm>>) target(%arg8 : memref<64xf32, #tpu.memory_space<vmem>>) target_semaphore(%arg12 : memref<!tpu.dma_semaphore, #tpu.memory_space<semaphore_mem>>)
    %dma_start3A_27 = arith.constant 15488 : i32
    %dma_start3A_28 = tpu.memref_slice %arg3[%dma_start3A_27] : memref<16384xf32, #tpu.memory_space<hbm>> -> memref<64xf32, #tpu.memory_space<hbm>>
    %dma_start3A_29 = arith.constant 15488 : i32
    %dma_start3A_30 = tpu.memref_slice %arg3[%dma_start3A_29] : memref<16384xf32, #tpu.memory_space<hbm>> -> memref<64xf32, #tpu.memory_space<hbm>>
    tpu.enqueue_dma source(%dma_start3A_30 : memref<64xf32, #tpu.memory_space<hbm>>) target(%arg10 : memref<64xf32, #tpu.memory_space<vmem>>) target_semaphore(%arg12 : memref<!tpu.dma_semaphore, #tpu.memory_space<semaphore_mem>>)
    %dma_wait3A = arith.constant 0 : i32
    %dma_wait3A_31 = tpu.memref_slice %arg5[%dma_wait3A] : memref<224xf32, #tpu.memory_space<vmem>> -> memref<200xf32, #tpu.memory_space<vmem>>
    %dma_wait3A_32 = tpu.memref_slice %arg2[%multiple_of3A] : memref<4200xf32, #tpu.memory_space<hbm>> -> memref<200xf32, #tpu.memory_space<hbm>>
    %dma_wait3A_33 = arith.constant 0 : i32
    %dma_wait3A_34 = tpu.memref_slice %arg5[%dma_wait3A_33] : memref<224xf32, #tpu.memory_space<vmem>> -> memref<200xf32, #tpu.memory_space<vmem>>
    %dma_wait3A_35 = tpu.memref_slice %arg2[%multiple_of3A] : memref<4200xf32, #tpu.memory_space<hbm>> -> memref<200xf32, #tpu.memory_space<hbm>>
    tpu.wait_dma2 semaphore(%arg12 : memref<!tpu.dma_semaphore, #tpu.memory_space<semaphore_mem>>) src(%dma_wait3A_35 : memref<200xf32, #tpu.memory_space<hbm>>) dst(%dma_wait3A_34 : memref<200xf32, #tpu.memory_space<vmem>>)
    %get3A = arith.constant 0 : index
    %get3A_36 = tpu.vector_load %arg5[%get3A] {strides = array<i32>} : memref<224xf32, #tpu.memory_space<vmem>>, vector<16xf32>,
    %get3A_37 = vector.shape_cast %get3A_36 : vector<16xf32> to vector<16xf32>
    %mul3A_38 = arith.mulf %get3A_37, %get3A_37 : vector<16xf32>
    %div3A = arith.constant 1.000000e-01 : f32
    %div3A_39 = vector.broadcast %div3A : f32 to vector<16xf32>
    %div3A_40 = arith.divf %div3A_39, %mul3A_38 : vector<16xf32>
    %swap3A = arith.constant 0 : index
    %swap3A_41 = tpu.vector_load %arg6[%swap3A] {strides = array<i32>} : memref<224xf32, #tpu.memory_space<vmem>>, vector<16xf32>,
    %swap3A_42 = vector.shape_cast %swap3A_41 : vector<16xf32> to vector<16xf32>
    %swap3A_43 = vector.shape_cast %div3A_40 : vector<16xf32> to vector<16xf32>
    tpu.vector_store %arg6[%swap3A], %swap3A_43 {strides = array<i32>} : memref<224xf32, #tpu.memory_space<vmem>>, vector<16xf32>,
    %get3A_44 = arith.constant 16 : index
    %get3A_45 = tpu.vector_load %arg5[%get3A_44] {strides = array<i32>} : memref<224xf32, #tpu.memory_space<vmem>>, vector<16xf32>,
    %get3A_46 = vector.shape_cast %get3A_45 : vector<16xf32> to vector<16xf32>
    %mul3A_47 = arith.mulf %get3A_46, %get3A_46 : vector<16xf32>
    %div3A_48 = arith.constant 1.000000e-01 : f32
    %div3A_49 = vector.broadcast %div3A_48 : f32 to vector<16xf32>
    %div3A_50 = arith.divf %div3A_49, %mul3A_47 : vector<16xf32>
    %swap3A_51 = arith.constant 16 : index
    %swap3A_52 = tpu.vector_load %arg6[%swap3A_51] {strides = array<i32>} : memref<224xf32, #tpu.memory_space<vmem>>, vector<16xf32>,
    %swap3A_53 = vector.shape_cast %swap3A_52 : vector<16xf32> to vector<16xf32>
    %swap3A_54 = vector.shape_cast %div3A_50 : vector<16xf32> to vector<16xf32>
    tpu.vector_store %arg6[%swap3A_51], %swap3A_54 {strides = array<i32>} : memref<224xf32, #tpu.memory_space<vmem>>, vector<16xf32>,
    %get3A_55 = arith.constant 32 : index
    %get3A_56 = tpu.vector_load %arg5[%get3A_55] {strides = array<i32>} : memref<224xf32, #tpu.memory_space<vmem>>, vector<16xf32>,
    %get3A_57 = vector.shape_cast %get3A_56 : vector<16xf32> to vector<16xf32>
    %mul3A_58 = arith.mulf %get3A_57, %get3A_57 : vector<16xf32>
    %div3A_59 = arith.constant 1.000000e-01 : f32
    %div3A_60 = vector.broadcast %div3A_59 : f32 to vector<16xf32>
    %div3A_61 = arith.divf %div3A_60, %mul3A_58 : vector<16xf32>
    %swap3A_62 = arith.constant 32 : index
    %swap3A_63 = tpu.vector_load %arg6[%swap3A_62] {strides = array<i32>} : memref<224xf32, #tpu.memory_space<vmem>>, vector<16xf32>,
    %swap3A_64 = vector.shape_cast %swap3A_63 : vector<16xf32> to vector<16xf32>
    %swap3A_65 = vector.shape_cast %div3A_61 : vector<16xf32> to vector<16xf32>
    tpu.vector_store %arg6[%swap3A_62], %swap3A_65 {strides = array<i32>} : memref<224xf32, #tpu.memory_space<vmem>>, vector<16xf32>,
    %get3A_66 = arith.constant 48 : index
    %get3A_67 = tpu.vector_load %arg5[%get3A_66] {strides = array<i32>} : memref<224xf32, #tpu.memory_space<vmem>>, vector<16xf32>,
    %get3A_68 = vector.shape_cast %get3A_67 : vector<16xf32> to vector<16xf32>
    %mul3A_69 = arith.mulf %get3A_68, %get3A_68 : vector<16xf32>
    %div3A_70 = arith.constant 1.000000e-01 : f32
    %div3A_71 = vector.broadcast %div3A_70 : f32 to vector<16xf32>
    %div3A_72 = arith.divf %div3A_71, %mul3A_69 : vector<16xf32>
    %swap3A_73 = arith.constant 48 : index
    %swap3A_74 = tpu.vector_load %arg6[%swap3A_73] {strides = array<i32>} : memref<224xf32, #tpu.memory_space<vmem>>, vector<16xf32>,
    %swap3A_75 = vector.shape_cast %swap3A_74 : vector<16xf32> to vector<16xf32>
    %swap3A_76 = vector.shape_cast %div3A_72 : vector<16xf32> to vector<16xf32>
    tpu.vector_store %arg6[%swap3A_73], %swap3A_76 {strides = array<i32>} : memref<224xf32, #tpu.memory_space<vmem>>, vector<16xf32>,
    %get3A_77 = arith.constant 64 : index
    %get3A_78 = tpu.vector_load %arg5[%get3A_77] {strides = array<i32>} : memref<224xf32, #tpu.memory_space<vmem>>, vector<16xf32>,
    %get3A_79 = vector.shape_cast %get3A_78 : vector<16xf32> to vector<16xf32>
    %mul3A_80 = arith.mulf %get3A_79, %get3A_79 : vector<16xf32>
    %div3A_81 = arith.constant 1.000000e-01 : f32
    %div3A_82 = vector.broadcast %div3A_81 : f32 to vector<16xf32>
    %div3A_83 = arith.divf %div3A_82, %mul3A_80 : vector<16xf32>
    %swap3A_84 = arith.constant 64 : index
    %swap3A_85 = tpu.vector_load %arg6[%swap3A_84] {strides = array<i32>} : memref<224xf32, #tpu.memory_space<vmem>>, vector<16xf32>,
    %swap3A_86 = vector.shape_cast %swap3A_85 : vector<16xf32> to vector<16xf32>
    %swap3A_87 = vector.shape_cast %div3A_83 : vector<16xf32> to vector<16xf32>
    tpu.vector_store %arg6[%swap3A_84], %swap3A_87 {strides = array<i32>} : memref<224xf32, #tpu.memory_space<vmem>>, vector<16xf32>,
    %get3A_88 = arith.constant 80 : index
    %get3A_89 = tpu.vector_load %arg5[%get3A_88] {strides = array<i32>} : memref<224xf32, #tpu.memory_space<vmem>>, vector<16xf32>,
    %get3A_90 = vector.shape_cast %get3A_89 : vector<16xf32> to vector<16xf32>
    %mul3A_91 = arith.mulf %get3A_90, %get3A_90 : vector<16xf32>
    %div3A_92 = arith.constant 1.000000e-01 : f32
    %div3A_93 = vector.broadcast %div3A_92 : f32 to vector<16xf32>
    %div3A_94 = arith.divf %div3A_93, %mul3A_91 : vector<16xf32>
    %swap3A_95 = arith.constant 80 : index
    %swap3A_96 = tpu.vector_load %arg6[%swap3A_95] {strides = array<i32>} : memref<224xf32, #tpu.memory_space<vmem>>, vector<16xf32>,
    %swap3A_97 = vector.shape_cast %swap3A_96 : vector<16xf32> to vector<16xf32>
    %swap3A_98 = vector.shape_cast %div3A_94 : vector<16xf32> to vector<16xf32>
    tpu.vector_store %arg6[%swap3A_95], %swap3A_98 {strides = array<i32>} : memref<224xf32, #tpu.memory_space<vmem>>, vector<16xf32>,
    %get3A_99 = arith.constant 96 : index
    %get3A_100 = tpu.vector_load %arg5[%get3A_99] {strides = array<i32>} : memref<224xf32, #tpu.memory_space<vmem>>, vector<16xf32>,
    %get3A_101 = vector.shape_cast %get3A_100 : vector<16xf32> to vector<16xf32>
    %mul3A_102 = arith.mulf %get3A_101, %get3A_101 : vector<16xf32>
    %div3A_103 = arith.constant 1.000000e-01 : f32
    %div3A_104 = vector.broadcast %div3A_103 : f32 to vector<16xf32>
    %div3A_105 = arith.divf %div3A_104, %mul3A_102 : vector<16xf32>
    %swap3A_106 = arith.constant 96 : index
    %swap3A_107 = tpu.vector_load %arg6[%swap3A_106] {strides = array<i32>} : memref<224xf32, #tpu.memory_space<vmem>>, vector<16xf32>,
    %swap3A_108 = vector.shape_cast %swap3A_107 : vector<16xf32> to vector<16xf32>
    %swap3A_109 = vector.shape_cast %div3A_105 : vector<16xf32> to vector<16xf32>
    tpu.vector_store %arg6[%swap3A_106], %swap3A_109 {strides = array<i32>} : memref<224xf32, #tpu.memory_space<vmem>>, vector<16xf32>,
    %get3A_110 = arith.constant 112 : index
    %get3A_111 = tpu.vector_load %arg5[%get3A_110] {strides = array<i32>} : memref<224xf32, #tpu.memory_space<vmem>>, vector<16xf32>,
    %get3A_112 = vector.shape_cast %get3A_111 : vector<16xf32> to vector<16xf32>
    %mul3A_113 = arith.mulf %get3A_112, %get3A_112 : vector<16xf32>
    %div3A_114 = arith.constant 1.000000e-01 : f32
    %div3A_115 = vector.broadcast %div3A_114 : f32 to vector<16xf32>
    %div3A_116 = arith.divf %div3A_115, %mul3A_113 : vector<16xf32>
    %swap3A_117 = arith.constant 112 : index
    %swap3A_118 = tpu.vector_load %arg6[%swap3A_117] {strides = array<i32>} : memref<224xf32, #tpu.memory_space<vmem>>, vector<16xf32>,
    %swap3A_119 = vector.shape_cast %swap3A_118 : vector<16xf32> to vector<16xf32>
    %swap3A_120 = vector.shape_cast %div3A_116 : vector<16xf32> to vector<16xf32>
    tpu.vector_store %arg6[%swap3A_117], %swap3A_120 {strides = array<i32>} : memref<224xf32, #tpu.memory_space<vmem>>, vector<16xf32>,
    %get3A_121 = arith.constant 128 : index
    %get3A_122 = tpu.vector_load %arg5[%get3A_121] {strides = array<i32>} : memref<224xf32, #tpu.memory_space<vmem>>, vector<16xf32>,
    %get3A_123 = vector.shape_cast %get3A_122 : vector<16xf32> to vector<16xf32>
    %mul3A_124 = arith.mulf %get3A_123, %get3A_123 : vector<16xf32>
    %div3A_125 = arith.constant 1.000000e-01 : f32
    %div3A_126 = vector.broadcast %div3A_125 : f32 to vector<16xf32>
    %div3A_127 = arith.divf %div3A_126, %mul3A_124 : vector<16xf32>
    %swap3A_128 = arith.constant 128 : index
    %swap3A_129 = tpu.vector_load %arg6[%swap3A_128] {strides = array<i32>} : memref<224xf32, #tpu.memory_space<vmem>>, vector<16xf32>,
    %swap3A_130 = vector.shape_cast %swap3A_129 : vector<16xf32> to vector<16xf32>
    %swap3A_131 = vector.shape_cast %div3A_127 : vector<16xf32> to vector<16xf32>
    tpu.vector_store %arg6[%swap3A_128], %swap3A_131 {strides = array<i32>} : memref<224xf32, #tpu.memory_space<vmem>>, vector<16xf32>,
    %get3A_132 = arith.constant 144 : index
    %get3A_133 = tpu.vector_load %arg5[%get3A_132] {strides = array<i32>} : memref<224xf32, #tpu.memory_space<vmem>>, vector<16xf32>,
    %get3A_134 = vector.shape_cast %get3A_133 : vector<16xf32> to vector<16xf32>
    %mul3A_135 = arith.mulf %get3A_134, %get3A_134 : vector<16xf32>
    %div3A_136 = arith.constant 1.000000e-01 : f32
    %div3A_137 = vector.broadcast %div3A_136 : f32 to vector<16xf32>
    %div3A_138 = arith.divf %div3A_137, %mul3A_135 : vector<16xf32>
    %swap3A_139 = arith.constant 144 : index
    %swap3A_140 = tpu.vector_load %arg6[%swap3A_139] {strides = array<i32>} : memref<224xf32, #tpu.memory_space<vmem>>, vector<16xf32>,
    %swap3A_141 = vector.shape_cast %swap3A_140 : vector<16xf32> to vector<16xf32>
    %swap3A_142 = vector.shape_cast %div3A_138 : vector<16xf32> to vector<16xf32>
    tpu.vector_store %arg6[%swap3A_139], %swap3A_142 {strides = array<i32>} : memref<224xf32, #tpu.memory_space<vmem>>, vector<16xf32>,
    %get3A_143 = arith.constant 160 : index
    %get3A_144 = tpu.vector_load %arg5[%get3A_143] {strides = array<i32>} : memref<224xf32, #tpu.memory_space<vmem>>, vector<16xf32>,
    %get3A_145 = vector.shape_cast %get3A_144 : vector<16xf32> to vector<16xf32>
    %mul3A_146 = arith.mulf %get3A_145, %get3A_145 : vector<16xf32>
    %div3A_147 = arith.constant 1.000000e-01 : f32
    %div3A_148 = vector.broadcast %div3A_147 : f32 to vector<16xf32>
    %div3A_149 = arith.divf %div3A_148, %mul3A_146 : vector<16xf32>
    %swap3A_150 = arith.constant 160 : index
    %swap3A_151 = tpu.vector_load %arg6[%swap3A_150] {strides = array<i32>} : memref<224xf32, #tpu.memory_space<vmem>>, vector<16xf32>,
    %swap3A_152 = vector.shape_cast %swap3A_151 : vector<16xf32> to vector<16xf32>
    %swap3A_153 = vector.shape_cast %div3A_149 : vector<16xf32> to vector<16xf32>
    tpu.vector_store %arg6[%swap3A_150], %swap3A_153 {strides = array<i32>} : memref<224xf32, #tpu.memory_space<vmem>>, vector<16xf32>,
    %get3A_154 = arith.constant 176 : index
    %get3A_155 = tpu.vector_load %arg5[%get3A_154] {strides = array<i32>} : memref<224xf32, #tpu.memory_space<vmem>>, vector<16xf32>,
    %get3A_156 = vector.shape_cast %get3A_155 : vector<16xf32> to vector<16xf32>
    %mul3A_157 = arith.mulf %get3A_156, %get3A_156 : vector<16xf32>
    %div3A_158 = arith.constant 1.000000e-01 : f32
    %div3A_159 = vector.broadcast %div3A_158 : f32 to vector<16xf32>
    %div3A_160 = arith.divf %div3A_159, %mul3A_157 : vector<16xf32>
    %swap3A_161 = arith.constant 176 : index
    %swap3A_162 = tpu.vector_load %arg6[%swap3A_161] {strides = array<i32>} : memref<224xf32, #tpu.memory_space<vmem>>, vector<16xf32>,
    %swap3A_163 = vector.shape_cast %swap3A_162 : vector<16xf32> to vector<16xf32>
    %swap3A_164 = vector.shape_cast %div3A_160 : vector<16xf32> to vector<16xf32>
    tpu.vector_store %arg6[%swap3A_161], %swap3A_164 {strides = array<i32>} : memref<224xf32, #tpu.memory_space<vmem>>, vector<16xf32>,
    %get3A_165 = arith.constant 192 : index
    %get3A_166 = tpu.vector_load %arg5[%get3A_165] {strides = array<i32>} : memref<224xf32, #tpu.memory_space<vmem>>, vector<16xf32>,
    %get3A_167 = vector.shape_cast %get3A_166 : vector<16xf32> to vector<16xf32>
    %mul3A_168 = arith.mulf %get3A_167, %get3A_167 : vector<16xf32>
    %div3A_169 = arith.constant 1.000000e-01 : f32
    %div3A_170 = vector.broadcast %div3A_169 : f32 to vector<16xf32>
    %div3A_171 = arith.divf %div3A_170, %mul3A_168 : vector<16xf32>
    %swap3A_172 = arith.constant 192 : index
    %swap3A_173 = tpu.vector_load %arg6[%swap3A_172] {strides = array<i32>} : memref<224xf32, #tpu.memory_space<vmem>>, vector<16xf32>,
    %swap3A_174 = vector.shape_cast %swap3A_173 : vector<16xf32> to vector<16xf32>
    %swap3A_175 = vector.shape_cast %div3A_171 : vector<16xf32> to vector<16xf32>
    tpu.vector_store %arg6[%swap3A_172], %swap3A_175 {strides = array<i32>} : memref<224xf32, #tpu.memory_space<vmem>>, vector<16xf32>,
    %dma_wait3A_176 = arith.constant 0 : i32
    %dma_wait3A_177 = tpu.memref_slice %arg3[%dma_wait3A_176] : memref<16384xf32, #tpu.memory_space<hbm>> -> memref<12800xf32, #tpu.memory_space<hbm>>
    %dma_wait3A_178 = arith.constant 0 : i32
    %dma_wait3A_179 = tpu.memref_slice %arg3[%dma_wait3A_178] : memref<16384xf32, #tpu.memory_space<hbm>> -> memref<12800xf32, #tpu.memory_space<hbm>>
    tpu.wait_dma2 semaphore(%arg12 : memref<!tpu.dma_semaphore, #tpu.memory_space<semaphore_mem>>) src(%dma_wait3A_179 : memref<12800xf32, #tpu.memory_space<hbm>>) dst(%arg7 : memref<12800xf32, #tpu.memory_space<vmem>>)
    %dma_wait3A_180 = tpu.memref_slice %arg3[%multiple_of3A_17] : memref<16384xf32, #tpu.memory_space<hbm>> -> memref<64xf32, #tpu.memory_space<hbm>>
    %dma_wait3A_181 = tpu.memref_slice %arg3[%multiple_of3A_17] : memref<16384xf32, #tpu.memory_space<hbm>> -> memref<64xf32, #tpu.memory_space<hbm>>
    tpu.wait_dma2 semaphore(%arg12 : memref<!tpu.dma_semaphore, #tpu.memory_space<semaphore_mem>>) src(%dma_wait3A_181 : memref<64xf32, #tpu.memory_space<hbm>>) dst(%arg9 : memref<64xf32, #tpu.memory_space<vmem>>)
    %dma_wait3A_182 = tpu.memref_slice %arg3[%multiple_of3A_22] : memref<16384xf32, #tpu.memory_space<hbm>> -> memref<64xf32, #tpu.memory_space<hbm>>
    %dma_wait3A_183 = tpu.memref_slice %arg3[%multiple_of3A_22] : memref<16384xf32, #tpu.memory_space<hbm>> -> memref<64xf32, #tpu.memory_space<hbm>>
    tpu.wait_dma2 semaphore(%arg12 : memref<!tpu.dma_semaphore, #tpu.memory_space<semaphore_mem>>) src(%dma_wait3A_183 : memref<64xf32, #tpu.memory_space<hbm>>) dst(%arg8 : memref<64xf32, #tpu.memory_space<vmem>>)
    %dma_wait3A_184 = arith.constant 15488 : i32
    %dma_wait3A_185 = tpu.memref_slice %arg3[%dma_wait3A_184] : memref<16384xf32, #tpu.memory_space<hbm>> -> memref<64xf32, #tpu.memory_space<hbm>>
    %dma_wait3A_186 = arith.constant 15488 : i32
    %dma_wait3A_187 = tpu.memref_slice %arg3[%dma_wait3A_186] : memref<16384xf32, #tpu.memory_space<hbm>> -> memref<64xf32, #tpu.memory_space<hbm>>
    tpu.wait_dma2 semaphore(%arg12 : memref<!tpu.dma_semaphore, #tpu.memory_space<semaphore_mem>>) src(%dma_wait3A_187 : memref<64xf32, #tpu.memory_space<hbm>>) dst(%arg10 : memref<64xf32, #tpu.memory_space<vmem>>)
    %broadcast_in_dim3A = arith.constant 0.000000e+00 : f32
    %broadcast_in_dim3A_188 = vector.broadcast %broadcast_in_dim3A : f32 to vector<16xf32>
    %broadcast_in_dim3A_189 = arith.constant 0.000000e+00 : f32
    %broadcast_in_dim3A_190 = vector.broadcast %broadcast_in_dim3A_189 : f32 to vector<16xf32>
    %broadcast_in_dim3A_191 = arith.constant 0.000000e+00 : f32
    %broadcast_in_dim3A_192 = vector.broadcast %broadcast_in_dim3A_191 : f32 to vector<16xf32>
    %broadcast_in_dim3A_193 = arith.constant 0.000000e+00 : f32
    %broadcast_in_dim3A_194 = vector.broadcast %broadcast_in_dim3A_193 : f32 to vector<16xf32>
    %scan3A = arith.constant 0 : i32
    %scan3A_195 = arith.constant 200 : i32
    %scan3A_196 = arith.addi %scan3A, %scan3A_195 : i32
    %scan3A_197 = arith.constant 1 : i32
    %scan3A_198:4 = scf.for %scan3A_279 = %scan3A to %scan3A_196 step %scan3A_197 iter_args(%scan3A_280 = %broadcast_in_dim3A_188, %scan3A_281 = %broadcast_in_dim3A_190, %scan3A_282 = %broadcast_in_dim3A_192, %scan3A_283 = %broadcast_in_dim3A_194) -> (vector<16xf32>, vector<16xf32>, vector<16xf32>, vector<16xf32>)  : i32 {
      %get3A_284 = arith.index_cast %scan3A_279 : i32 to index
      %get3A_285 = tpu.vector_load %arg6[%get3A_284] {strides = array<i32>} : memref<224xf32, #tpu.memory_space<vmem>>, vector<16xf32>,
      %get3A_286 = vector.shape_cast %get3A_285 : vector<16xf32> to vector<16xf32>
      %slice3A = vector.extract_strided_slice %get3A_286 {offsets = [0], sizes = [1], strides = [1]} : vector<16xf32> to vector<1xf32>
      %squeeze3A = vector.extract %slice3A[0] : f32 from vector<1xf32>
      %mul3A_287 = arith.constant 64 : i32
      %mul3A_288 = arith.muli %scan3A_279, %mul3A_287 : i32
      %add3A_289 = arith.constant 0 : i32
      %add3A_290 = arith.addi %mul3A_288, %add3A_289 : i32
      %get3A_291 = arith.index_cast %add3A_290 : i32 to index
      %get3A_292 = tpu.vector_load %arg7[%get3A_291] {strides = array<i32>} : memref<12800xf32, #tpu.memory_space<vmem>>, vector<16xf32>,
      %get3A_293 = vector.shape_cast %get3A_292 : vector<16xf32> to vector<16xf32>
      %mul3A_294 = vector.broadcast %squeeze3A : f32 to vector<16xf32>
      %mul3A_295 = arith.mulf %mul3A_294, %get3A_293 : vector<16xf32>
      %add3A_296 = arith.addf %scan3A_280, %mul3A_295 : vector<16xf32>
      %add3A_297 = arith.constant 16 : i32
      %add3A_298 = arith.addi %mul3A_288, %add3A_297 : i32
      %get3A_299 = arith.index_cast %add3A_298 : i32 to index
      %get3A_300 = tpu.vector_load %arg7[%get3A_299] {strides = array<i32>} : memref<12800xf32, #tpu.memory_space<vmem>>, vector<16xf32>,
      %get3A_301 = vector.shape_cast %get3A_300 : vector<16xf32> to vector<16xf32>
      %mul3A_302 = vector.broadcast %squeeze3A : f32 to vector<16xf32>
      %mul3A_303 = arith.mulf %mul3A_302, %get3A_301 : vector<16xf32>
      %add3A_304 = arith.addf %scan3A_281, %mul3A_303 : vector<16xf32>
      %add3A_305 = arith.constant 32 : i32
      %add3A_306 = arith.addi %mul3A_288, %add3A_305 : i32
      %get3A_307 = arith.index_cast %add3A_306 : i32 to index
      %get3A_308 = tpu.vector_load %arg7[%get3A_307] {strides = array<i32>} : memref<12800xf32, #tpu.memory_space<vmem>>, vector<16xf32>,
      %get3A_309 = vector.shape_cast %get3A_308 : vector<16xf32> to vector<16xf32>
      %mul3A_310 = vector.broadcast %squeeze3A : f32 to vector<16xf32>
      %mul3A_311 = arith.mulf %mul3A_310, %get3A_309 : vector<16xf32>
      %add3A_312 = arith.addf %scan3A_282, %mul3A_311 : vector<16xf32>
      %add3A_313 = arith.constant 48 : i32
      %add3A_314 = arith.addi %mul3A_288, %add3A_313 : i32
      %get3A_315 = arith.index_cast %add3A_314 : i32 to index
      %get3A_316 = tpu.vector_load %arg7[%get3A_315] {strides = array<i32>} : memref<12800xf32, #tpu.memory_space<vmem>>, vector<16xf32>,
      %get3A_317 = vector.shape_cast %get3A_316 : vector<16xf32> to vector<16xf32>
      %mul3A_318 = vector.broadcast %squeeze3A : f32 to vector<16xf32>
      %mul3A_319 = arith.mulf %mul3A_318, %get3A_317 : vector<16xf32>
      %add3A_320 = arith.addf %scan3A_283, %mul3A_319 : vector<16xf32>
      scf.yield %add3A_296, %add3A_304, %add3A_312, %add3A_320 : vector<16xf32>, vector<16xf32>, vector<16xf32>, vector<16xf32>
    }
    %scan3A_199 = arith.constant 200 : i32
    %get3A_200 = arith.constant 0 : index
    %get3A_201 = tpu.vector_load %arg8[%get3A_200] {strides = array<i32>} : memref<64xf32, #tpu.memory_space<vmem>>, vector<16xf32>,
    %get3A_202 = vector.shape_cast %get3A_201 : vector<16xf32> to vector<16xf32>
    %mul3A_203 = arith.mulf %get3A_202, %scan3A_198#0 : vector<16xf32>
    %mul3A_204 = arith.constant 5.000000e-03 : f32
    %mul3A_205 = vector.broadcast %mul3A_204 : f32 to vector<16xf32>
    %mul3A_206 = arith.mulf %mul3A_203, %mul3A_205 : vector<16xf32>
    %get3A_207 = arith.constant 0 : index
    %get3A_208 = tpu.vector_load %arg10[%get3A_207] {strides = array<i32>} : memref<64xf32, #tpu.memory_space<vmem>>, vector<16xf32>,
    %get3A_209 = vector.shape_cast %get3A_208 : vector<16xf32> to vector<16xf32>
    %get3A_210 = arith.constant 0 : index
    %get3A_211 = tpu.vector_load %arg9[%get3A_210] {strides = array<i32>} : memref<64xf32, #tpu.memory_space<vmem>>, vector<16xf32>,
    %get3A_212 = vector.shape_cast %get3A_211 : vector<16xf32> to vector<16xf32>
    %mul3A_213 = arith.mulf %get3A_209, %get3A_212 : vector<16xf32>
    %add3A_214 = arith.addf %mul3A_206, %mul3A_213 : vector<16xf32>
    %swap3A_215 = arith.constant 0 : index
    %swap3A_216 = tpu.vector_load %arg11[%swap3A_215] {strides = array<i32>} : memref<64xf32, #tpu.memory_space<vmem>>, vector<16xf32>,
    %swap3A_217 = vector.shape_cast %swap3A_216 : vector<16xf32> to vector<16xf32>
    %swap3A_218 = vector.shape_cast %add3A_214 : vector<16xf32> to vector<16xf32>
    tpu.vector_store %arg11[%swap3A_215], %swap3A_218 {strides = array<i32>} : memref<64xf32, #tpu.memory_space<vmem>>, vector<16xf32>,
    %get3A_219 = arith.constant 16 : index
    %get3A_220 = tpu.vector_load %arg8[%get3A_219] {strides = array<i32>} : memref<64xf32, #tpu.memory_space<vmem>>, vector<16xf32>,
    %get3A_221 = vector.shape_cast %get3A_220 : vector<16xf32> to vector<16xf32>
    %mul3A_222 = arith.mulf %get3A_221, %scan3A_198#1 : vector<16xf32>
    %mul3A_223 = arith.constant 5.000000e-03 : f32
    %mul3A_224 = vector.broadcast %mul3A_223 : f32 to vector<16xf32>
    %mul3A_225 = arith.mulf %mul3A_222, %mul3A_224 : vector<16xf32>
    %get3A_226 = arith.constant 16 : index
    %get3A_227 = tpu.vector_load %arg10[%get3A_226] {strides = array<i32>} : memref<64xf32, #tpu.memory_space<vmem>>, vector<16xf32>,
    %get3A_228 = vector.shape_cast %get3A_227 : vector<16xf32> to vector<16xf32>
    %get3A_229 = arith.constant 16 : index
    %get3A_230 = tpu.vector_load %arg9[%get3A_229] {strides = array<i32>} : memref<64xf32, #tpu.memory_space<vmem>>, vector<16xf32>,
    %get3A_231 = vector.shape_cast %get3A_230 : vector<16xf32> to vector<16xf32>
    %mul3A_232 = arith.mulf %get3A_228, %get3A_231 : vector<16xf32>
    %add3A_233 = arith.addf %mul3A_225, %mul3A_232 : vector<16xf32>
    %swap3A_234 = arith.constant 16 : index
    %swap3A_235 = tpu.vector_load %arg11[%swap3A_234] {strides = array<i32>} : memref<64xf32, #tpu.memory_space<vmem>>, vector<16xf32>,
    %swap3A_236 = vector.shape_cast %swap3A_235 : vector<16xf32> to vector<16xf32>
    %swap3A_237 = vector.shape_cast %add3A_233 : vector<16xf32> to vector<16xf32>
    tpu.vector_store %arg11[%swap3A_234], %swap3A_237 {strides = array<i32>} : memref<64xf32, #tpu.memory_space<vmem>>, vector<16xf32>,
    %get3A_238 = arith.constant 32 : index
    %get3A_239 = tpu.vector_load %arg8[%get3A_238] {strides = array<i32>} : memref<64xf32, #tpu.memory_space<vmem>>, vector<16xf32>,
    %get3A_240 = vector.shape_cast %get3A_239 : vector<16xf32> to vector<16xf32>
    %mul3A_241 = arith.mulf %get3A_240, %scan3A_198#2 : vector<16xf32>
    %mul3A_242 = arith.constant 5.000000e-03 : f32
    %mul3A_243 = vector.broadcast %mul3A_242 : f32 to vector<16xf32>
    %mul3A_244 = arith.mulf %mul3A_241, %mul3A_243 : vector<16xf32>
    %get3A_245 = arith.constant 32 : index
    %get3A_246 = tpu.vector_load %arg10[%get3A_245] {strides = array<i32>} : memref<64xf32, #tpu.memory_space<vmem>>, vector<16xf32>,
    %get3A_247 = vector.shape_cast %get3A_246 : vector<16xf32> to vector<16xf32>
    %get3A_248 = arith.constant 32 : index
    %get3A_249 = tpu.vector_load %arg9[%get3A_248] {strides = array<i32>} : memref<64xf32, #tpu.memory_space<vmem>>, vector<16xf32>,
    %get3A_250 = vector.shape_cast %get3A_249 : vector<16xf32> to vector<16xf32>
    %mul3A_251 = arith.mulf %get3A_247, %get3A_250 : vector<16xf32>
    %add3A_252 = arith.addf %mul3A_244, %mul3A_251 : vector<16xf32>
    %swap3A_253 = arith.constant 32 : index
    %swap3A_254 = tpu.vector_load %arg11[%swap3A_253] {strides = array<i32>} : memref<64xf32, #tpu.memory_space<vmem>>, vector<16xf32>,
    %swap3A_255 = vector.shape_cast %swap3A_254 : vector<16xf32> to vector<16xf32>
    %swap3A_256 = vector.shape_cast %add3A_252 : vector<16xf32> to vector<16xf32>
    tpu.vector_store %arg11[%swap3A_253], %swap3A_256 {strides = array<i32>} : memref<64xf32, #tpu.memory_space<vmem>>, vector<16xf32>,
    %get3A_257 = arith.constant 48 : index
    %get3A_258 = tpu.vector_load %arg8[%get3A_257] {strides = array<i32>} : memref<64xf32, #tpu.memory_space<vmem>>, vector<16xf32>,
    %get3A_259 = vector.shape_cast %get3A_258 : vector<16xf32> to vector<16xf32>
    %mul3A_260 = arith.mulf %get3A_259, %scan3A_198#3 : vector<16xf32>
    %mul3A_261 = arith.constant 5.000000e-03 : f32
    %mul3A_262 = vector.broadcast %mul3A_261 : f32 to vector<16xf32>
    %mul3A_263 = arith.mulf %mul3A_260, %mul3A_262 : vector<16xf32>
    %get3A_264 = arith.constant 48 : index
    %get3A_265 = tpu.vector_load %arg10[%get3A_264] {strides = array<i32>} : memref<64xf32, #tpu.memory_space<vmem>>, vector<16xf32>,
    %get3A_266 = vector.shape_cast %get3A_265 : vector<16xf32> to vector<16xf32>
    %get3A_267 = arith.constant 48 : index
    %get3A_268 = tpu.vector_load %arg9[%get3A_267] {strides = array<i32>} : memref<64xf32, #tpu.memory_space<vmem>>, vector<16xf32>,
    %get3A_269 = vector.shape_cast %get3A_268 : vector<16xf32> to vector<16xf32>
    %mul3A_270 = arith.mulf %get3A_266, %get3A_269 : vector<16xf32>
    %add3A_271 = arith.addf %mul3A_263, %mul3A_270 : vector<16xf32>
    %swap3A_272 = arith.constant 48 : index
    %swap3A_273 = tpu.vector_load %arg11[%swap3A_272] {strides = array<i32>} : memref<64xf32, #tpu.memory_space<vmem>>, vector<16xf32>,
    %swap3A_274 = vector.shape_cast %swap3A_273 : vector<16xf32> to vector<16xf32>
    %swap3A_275 = vector.shape_cast %add3A_271 : vector<16xf32> to vector<16xf32>
    tpu.vector_store %arg11[%swap3A_272], %swap3A_275 {strides = array<i32>} : memref<64xf32, #tpu.memory_space<vmem>>, vector<16xf32>,
    %mul3A_276 = arith.constant 64 : i32
    %mul3A_277 = arith.muli %add3A, %mul3A_276 : i32
    %multiple_of3A_278 = tpu.assume_multiple %mul3A_277, 8 : i32
    "tpu.region"() ({
      %run_scoped3A = tpu.sem_alloc : memref<!tpu.dma_semaphore, #tpu.memory_space<semaphore_mem>>
      %dma_start3A_279 = tpu.memref_slice %arg4[%multiple_of3A_278] : memref<2048xf32, #tpu.memory_space<hbm>> -> memref<64xf32, #tpu.memory_space<hbm>>
      %dma_start3A_280 = tpu.memref_slice %arg4[%multiple_of3A_278] : memref<2048xf32, #tpu.memory_space<hbm>> -> memref<64xf32, #tpu.memory_space<hbm>>
      tpu.enqueue_dma source(%arg11 : memref<64xf32, #tpu.memory_space<vmem>>) target(%dma_start3A_280 : memref<64xf32, #tpu.memory_space<hbm>>) target_semaphore(%run_scoped3A : memref<!tpu.dma_semaphore, #tpu.memory_space<semaphore_mem>>)
      %dma_wait3A_281 = tpu.memref_slice %arg4[%multiple_of3A_278] : memref<2048xf32, #tpu.memory_space<hbm>> -> memref<64xf32, #tpu.memory_space<hbm>>
      %dma_wait3A_282 = tpu.memref_slice %arg4[%multiple_of3A_278] : memref<2048xf32, #tpu.memory_space<hbm>> -> memref<64xf32, #tpu.memory_space<hbm>>
      tpu.wait_dma2 semaphore(%run_scoped3A : memref<!tpu.dma_semaphore, #tpu.memory_space<semaphore_mem>>) src(%arg11 : memref<64xf32, #tpu.memory_space<vmem>>) dst(%dma_wait3A_282 : memref<64xf32, #tpu.memory_space<hbm>>)
      tpu.yield
    }) : () -> ()
    return
  }
}

module attributes {stable_mosaic.version = 14 : i64} {
  func.func @_tc_gather(%arg0: memref<256xi32, #tpu.memory_space<smem>>, %arg1: memref<100000x64xf32, #tpu.memory_space<any>>, %arg2: memref<100000x64xf32, #tpu.memory_space<any>>, %arg3: memref<100000x64xf32, #tpu.memory_space<any>>, %arg4: memref<100000x64xf32, #tpu.memory_space<any>>, %arg5: memref<256x64xf32, #tpu.memory_space<any>>, %arg6: memref<256x64xf32, #tpu.memory_space<vmem>>, %arg7: memref<!tpu.dma_semaphore, #tpu.memory_space<semaphore_mem>>, %arg8: memref<!tpu.dma_semaphore, #tpu.memory_space<semaphore_mem>>) attributes {dimension_semantics = [], scalar_prefetch = 0 : i64, scratch_operands = 3 : i64, tpu.core_type = #tpu.core_type<tc>} {
    %get3A = arith.constant 0 : index
    %get3A_0 = memref.load %arg0[%get3A] : memref<256xi32, #tpu.memory_space<smem>>
    %get3A_1 = arith.constant 1 : index
    %get3A_2 = memref.load %arg0[%get3A_1] : memref<256xi32, #tpu.memory_space<smem>>
    %get3A_3 = arith.constant 2 : index
    %get3A_4 = memref.load %arg0[%get3A_3] : memref<256xi32, #tpu.memory_space<smem>>
    %get3A_5 = arith.constant 3 : index
    %get3A_6 = memref.load %arg0[%get3A_5] : memref<256xi32, #tpu.memory_space<smem>>
    %get3A_7 = arith.constant 4 : index
    %get3A_8 = memref.load %arg0[%get3A_7] : memref<256xi32, #tpu.memory_space<smem>>
    %get3A_9 = arith.constant 5 : index
    %get3A_10 = memref.load %arg0[%get3A_9] : memref<256xi32, #tpu.memory_space<smem>>
    %get3A_11 = arith.constant 6 : index
    %get3A_12 = memref.load %arg0[%get3A_11] : memref<256xi32, #tpu.memory_space<smem>>
    %get3A_13 = arith.constant 7 : index
    %get3A_14 = memref.load %arg0[%get3A_13] : memref<256xi32, #tpu.memory_space<smem>>
    %get3A_15 = arith.constant 8 : index
    %get3A_16 = memref.load %arg0[%get3A_15] : memref<256xi32, #tpu.memory_space<smem>>
    %get3A_17 = arith.constant 9 : index
    %get3A_18 = memref.load %arg0[%get3A_17] : memref<256xi32, #tpu.memory_space<smem>>
    %get3A_19 = arith.constant 10 : index
    %get3A_20 = memref.load %arg0[%get3A_19] : memref<256xi32, #tpu.memory_space<smem>>
    %get3A_21 = arith.constant 11 : index
    %get3A_22 = memref.load %arg0[%get3A_21] : memref<256xi32, #tpu.memory_space<smem>>
    %get3A_23 = arith.constant 12 : index
    %get3A_24 = memref.load %arg0[%get3A_23] : memref<256xi32, #tpu.memory_space<smem>>
    %get3A_25 = arith.constant 13 : index
    %get3A_26 = memref.load %arg0[%get3A_25] : memref<256xi32, #tpu.memory_space<smem>>
    %get3A_27 = arith.constant 14 : index
    %get3A_28 = memref.load %arg0[%get3A_27] : memref<256xi32, #tpu.memory_space<smem>>
    %get3A_29 = arith.constant 15 : index
    %get3A_30 = memref.load %arg0[%get3A_29] : memref<256xi32, #tpu.memory_space<smem>>
    %get3A_31 = arith.constant 16 : index
    %get3A_32 = memref.load %arg0[%get3A_31] : memref<256xi32, #tpu.memory_space<smem>>
    %get3A_33 = arith.constant 17 : index
    %get3A_34 = memref.load %arg0[%get3A_33] : memref<256xi32, #tpu.memory_space<smem>>
    %get3A_35 = arith.constant 18 : index
    %get3A_36 = memref.load %arg0[%get3A_35] : memref<256xi32, #tpu.memory_space<smem>>
    %get3A_37 = arith.constant 19 : index
    %get3A_38 = memref.load %arg0[%get3A_37] : memref<256xi32, #tpu.memory_space<smem>>
    %get3A_39 = arith.constant 20 : index
    %get3A_40 = memref.load %arg0[%get3A_39] : memref<256xi32, #tpu.memory_space<smem>>
    %get3A_41 = arith.constant 21 : index
    %get3A_42 = memref.load %arg0[%get3A_41] : memref<256xi32, #tpu.memory_space<smem>>
    %get3A_43 = arith.constant 22 : index
    %get3A_44 = memref.load %arg0[%get3A_43] : memref<256xi32, #tpu.memory_space<smem>>
    %get3A_45 = arith.constant 23 : index
    %get3A_46 = memref.load %arg0[%get3A_45] : memref<256xi32, #tpu.memory_space<smem>>
    %get3A_47 = arith.constant 24 : index
    %get3A_48 = memref.load %arg0[%get3A_47] : memref<256xi32, #tpu.memory_space<smem>>
    %get3A_49 = arith.constant 25 : index
    %get3A_50 = memref.load %arg0[%get3A_49] : memref<256xi32, #tpu.memory_space<smem>>
    %get3A_51 = arith.constant 26 : index
    %get3A_52 = memref.load %arg0[%get3A_51] : memref<256xi32, #tpu.memory_space<smem>>
    %get3A_53 = arith.constant 27 : index
    %get3A_54 = memref.load %arg0[%get3A_53] : memref<256xi32, #tpu.memory_space<smem>>
    %get3A_55 = arith.constant 28 : index
    %get3A_56 = memref.load %arg0[%get3A_55] : memref<256xi32, #tpu.memory_space<smem>>
    %get3A_57 = arith.constant 29 : index
    %get3A_58 = memref.load %arg0[%get3A_57] : memref<256xi32, #tpu.memory_space<smem>>
    %get3A_59 = arith.constant 30 : index
    %get3A_60 = memref.load %arg0[%get3A_59] : memref<256xi32, #tpu.memory_space<smem>>
    %get3A_61 = arith.constant 31 : index
    %get3A_62 = memref.load %arg0[%get3A_61] : memref<256xi32, #tpu.memory_space<smem>>
    %get3A_63 = arith.constant 32 : index
    %get3A_64 = memref.load %arg0[%get3A_63] : memref<256xi32, #tpu.memory_space<smem>>
    %get3A_65 = arith.constant 33 : index
    %get3A_66 = memref.load %arg0[%get3A_65] : memref<256xi32, #tpu.memory_space<smem>>
    %get3A_67 = arith.constant 34 : index
    %get3A_68 = memref.load %arg0[%get3A_67] : memref<256xi32, #tpu.memory_space<smem>>
    %get3A_69 = arith.constant 35 : index
    %get3A_70 = memref.load %arg0[%get3A_69] : memref<256xi32, #tpu.memory_space<smem>>
    %get3A_71 = arith.constant 36 : index
    %get3A_72 = memref.load %arg0[%get3A_71] : memref<256xi32, #tpu.memory_space<smem>>
    %get3A_73 = arith.constant 37 : index
    %get3A_74 = memref.load %arg0[%get3A_73] : memref<256xi32, #tpu.memory_space<smem>>
    %get3A_75 = arith.constant 38 : index
    %get3A_76 = memref.load %arg0[%get3A_75] : memref<256xi32, #tpu.memory_space<smem>>
    %get3A_77 = arith.constant 39 : index
    %get3A_78 = memref.load %arg0[%get3A_77] : memref<256xi32, #tpu.memory_space<smem>>
    %get3A_79 = arith.constant 40 : index
    %get3A_80 = memref.load %arg0[%get3A_79] : memref<256xi32, #tpu.memory_space<smem>>
    %get3A_81 = arith.constant 41 : index
    %get3A_82 = memref.load %arg0[%get3A_81] : memref<256xi32, #tpu.memory_space<smem>>
    %get3A_83 = arith.constant 42 : index
    %get3A_84 = memref.load %arg0[%get3A_83] : memref<256xi32, #tpu.memory_space<smem>>
    %get3A_85 = arith.constant 43 : index
    %get3A_86 = memref.load %arg0[%get3A_85] : memref<256xi32, #tpu.memory_space<smem>>
    %get3A_87 = arith.constant 44 : index
    %get3A_88 = memref.load %arg0[%get3A_87] : memref<256xi32, #tpu.memory_space<smem>>
    %get3A_89 = arith.constant 45 : index
    %get3A_90 = memref.load %arg0[%get3A_89] : memref<256xi32, #tpu.memory_space<smem>>
    %get3A_91 = arith.constant 46 : index
    %get3A_92 = memref.load %arg0[%get3A_91] : memref<256xi32, #tpu.memory_space<smem>>
    %get3A_93 = arith.constant 47 : index
    %get3A_94 = memref.load %arg0[%get3A_93] : memref<256xi32, #tpu.memory_space<smem>>
    %get3A_95 = arith.constant 48 : index
    %get3A_96 = memref.load %arg0[%get3A_95] : memref<256xi32, #tpu.memory_space<smem>>
    %get3A_97 = arith.constant 49 : index
    %get3A_98 = memref.load %arg0[%get3A_97] : memref<256xi32, #tpu.memory_space<smem>>
    %get3A_99 = arith.constant 50 : index
    %get3A_100 = memref.load %arg0[%get3A_99] : memref<256xi32, #tpu.memory_space<smem>>
    %get3A_101 = arith.constant 51 : index
    %get3A_102 = memref.load %arg0[%get3A_101] : memref<256xi32, #tpu.memory_space<smem>>
    %get3A_103 = arith.constant 52 : index
    %get3A_104 = memref.load %arg0[%get3A_103] : memref<256xi32, #tpu.memory_space<smem>>
    %get3A_105 = arith.constant 53 : index
    %get3A_106 = memref.load %arg0[%get3A_105] : memref<256xi32, #tpu.memory_space<smem>>
    %get3A_107 = arith.constant 54 : index
    %get3A_108 = memref.load %arg0[%get3A_107] : memref<256xi32, #tpu.memory_space<smem>>
    %get3A_109 = arith.constant 55 : index
    %get3A_110 = memref.load %arg0[%get3A_109] : memref<256xi32, #tpu.memory_space<smem>>
    %get3A_111 = arith.constant 56 : index
    %get3A_112 = memref.load %arg0[%get3A_111] : memref<256xi32, #tpu.memory_space<smem>>
    %get3A_113 = arith.constant 57 : index
    %get3A_114 = memref.load %arg0[%get3A_113] : memref<256xi32, #tpu.memory_space<smem>>
    %get3A_115 = arith.constant 58 : index
    %get3A_116 = memref.load %arg0[%get3A_115] : memref<256xi32, #tpu.memory_space<smem>>
    %get3A_117 = arith.constant 59 : index
    %get3A_118 = memref.load %arg0[%get3A_117] : memref<256xi32, #tpu.memory_space<smem>>
    %get3A_119 = arith.constant 60 : index
    %get3A_120 = memref.load %arg0[%get3A_119] : memref<256xi32, #tpu.memory_space<smem>>
    %get3A_121 = arith.constant 61 : index
    %get3A_122 = memref.load %arg0[%get3A_121] : memref<256xi32, #tpu.memory_space<smem>>
    %get3A_123 = arith.constant 62 : index
    %get3A_124 = memref.load %arg0[%get3A_123] : memref<256xi32, #tpu.memory_space<smem>>
    %get3A_125 = arith.constant 63 : index
    %get3A_126 = memref.load %arg0[%get3A_125] : memref<256xi32, #tpu.memory_space<smem>>
    %get3A_127 = arith.constant 64 : index
    %get3A_128 = memref.load %arg0[%get3A_127] : memref<256xi32, #tpu.memory_space<smem>>
    %get3A_129 = arith.constant 65 : index
    %get3A_130 = memref.load %arg0[%get3A_129] : memref<256xi32, #tpu.memory_space<smem>>
    %get3A_131 = arith.constant 66 : index
    %get3A_132 = memref.load %arg0[%get3A_131] : memref<256xi32, #tpu.memory_space<smem>>
    %get3A_133 = arith.constant 67 : index
    %get3A_134 = memref.load %arg0[%get3A_133] : memref<256xi32, #tpu.memory_space<smem>>
    %get3A_135 = arith.constant 68 : index
    %get3A_136 = memref.load %arg0[%get3A_135] : memref<256xi32, #tpu.memory_space<smem>>
    %get3A_137 = arith.constant 69 : index
    %get3A_138 = memref.load %arg0[%get3A_137] : memref<256xi32, #tpu.memory_space<smem>>
    %get3A_139 = arith.constant 70 : index
    %get3A_140 = memref.load %arg0[%get3A_139] : memref<256xi32, #tpu.memory_space<smem>>
    %get3A_141 = arith.constant 71 : index
    %get3A_142 = memref.load %arg0[%get3A_141] : memref<256xi32, #tpu.memory_space<smem>>
    %get3A_143 = arith.constant 72 : index
    %get3A_144 = memref.load %arg0[%get3A_143] : memref<256xi32, #tpu.memory_space<smem>>
    %get3A_145 = arith.constant 73 : index
    %get3A_146 = memref.load %arg0[%get3A_145] : memref<256xi32, #tpu.memory_space<smem>>
    %get3A_147 = arith.constant 74 : index
    %get3A_148 = memref.load %arg0[%get3A_147] : memref<256xi32, #tpu.memory_space<smem>>
    %get3A_149 = arith.constant 75 : index
    %get3A_150 = memref.load %arg0[%get3A_149] : memref<256xi32, #tpu.memory_space<smem>>
    %get3A_151 = arith.constant 76 : index
    %get3A_152 = memref.load %arg0[%get3A_151] : memref<256xi32, #tpu.memory_space<smem>>
    %get3A_153 = arith.constant 77 : index
    %get3A_154 = memref.load %arg0[%get3A_153] : memref<256xi32, #tpu.memory_space<smem>>
    %get3A_155 = arith.constant 78 : index
    %get3A_156 = memref.load %arg0[%get3A_155] : memref<256xi32, #tpu.memory_space<smem>>
    %get3A_157 = arith.constant 79 : index
    %get3A_158 = memref.load %arg0[%get3A_157] : memref<256xi32, #tpu.memory_space<smem>>
    %get3A_159 = arith.constant 80 : index
    %get3A_160 = memref.load %arg0[%get3A_159] : memref<256xi32, #tpu.memory_space<smem>>
    %get3A_161 = arith.constant 81 : index
    %get3A_162 = memref.load %arg0[%get3A_161] : memref<256xi32, #tpu.memory_space<smem>>
    %get3A_163 = arith.constant 82 : index
    %get3A_164 = memref.load %arg0[%get3A_163] : memref<256xi32, #tpu.memory_space<smem>>
    %get3A_165 = arith.constant 83 : index
    %get3A_166 = memref.load %arg0[%get3A_165] : memref<256xi32, #tpu.memory_space<smem>>
    %get3A_167 = arith.constant 84 : index
    %get3A_168 = memref.load %arg0[%get3A_167] : memref<256xi32, #tpu.memory_space<smem>>
    %get3A_169 = arith.constant 85 : index
    %get3A_170 = memref.load %arg0[%get3A_169] : memref<256xi32, #tpu.memory_space<smem>>
    %get3A_171 = arith.constant 86 : index
    %get3A_172 = memref.load %arg0[%get3A_171] : memref<256xi32, #tpu.memory_space<smem>>
    %get3A_173 = arith.constant 87 : index
    %get3A_174 = memref.load %arg0[%get3A_173] : memref<256xi32, #tpu.memory_space<smem>>
    %get3A_175 = arith.constant 88 : index
    %get3A_176 = memref.load %arg0[%get3A_175] : memref<256xi32, #tpu.memory_space<smem>>
    %get3A_177 = arith.constant 89 : index
    %get3A_178 = memref.load %arg0[%get3A_177] : memref<256xi32, #tpu.memory_space<smem>>
    %get3A_179 = arith.constant 90 : index
    %get3A_180 = memref.load %arg0[%get3A_179] : memref<256xi32, #tpu.memory_space<smem>>
    %get3A_181 = arith.constant 91 : index
    %get3A_182 = memref.load %arg0[%get3A_181] : memref<256xi32, #tpu.memory_space<smem>>
    %get3A_183 = arith.constant 92 : index
    %get3A_184 = memref.load %arg0[%get3A_183] : memref<256xi32, #tpu.memory_space<smem>>
    %get3A_185 = arith.constant 93 : index
    %get3A_186 = memref.load %arg0[%get3A_185] : memref<256xi32, #tpu.memory_space<smem>>
    %get3A_187 = arith.constant 94 : index
    %get3A_188 = memref.load %arg0[%get3A_187] : memref<256xi32, #tpu.memory_space<smem>>
    %get3A_189 = arith.constant 95 : index
    %get3A_190 = memref.load %arg0[%get3A_189] : memref<256xi32, #tpu.memory_space<smem>>
    %get3A_191 = arith.constant 96 : index
    %get3A_192 = memref.load %arg0[%get3A_191] : memref<256xi32, #tpu.memory_space<smem>>
    %get3A_193 = arith.constant 97 : index
    %get3A_194 = memref.load %arg0[%get3A_193] : memref<256xi32, #tpu.memory_space<smem>>
    %get3A_195 = arith.constant 98 : index
    %get3A_196 = memref.load %arg0[%get3A_195] : memref<256xi32, #tpu.memory_space<smem>>
    %get3A_197 = arith.constant 99 : index
    %get3A_198 = memref.load %arg0[%get3A_197] : memref<256xi32, #tpu.memory_space<smem>>
    %get3A_199 = arith.constant 100 : index
    %get3A_200 = memref.load %arg0[%get3A_199] : memref<256xi32, #tpu.memory_space<smem>>
    %get3A_201 = arith.constant 101 : index
    %get3A_202 = memref.load %arg0[%get3A_201] : memref<256xi32, #tpu.memory_space<smem>>
    %get3A_203 = arith.constant 102 : index
    %get3A_204 = memref.load %arg0[%get3A_203] : memref<256xi32, #tpu.memory_space<smem>>
    %get3A_205 = arith.constant 103 : index
    %get3A_206 = memref.load %arg0[%get3A_205] : memref<256xi32, #tpu.memory_space<smem>>
    %get3A_207 = arith.constant 104 : index
    %get3A_208 = memref.load %arg0[%get3A_207] : memref<256xi32, #tpu.memory_space<smem>>
    %get3A_209 = arith.constant 105 : index
    %get3A_210 = memref.load %arg0[%get3A_209] : memref<256xi32, #tpu.memory_space<smem>>
    %get3A_211 = arith.constant 106 : index
    %get3A_212 = memref.load %arg0[%get3A_211] : memref<256xi32, #tpu.memory_space<smem>>
    %get3A_213 = arith.constant 107 : index
    %get3A_214 = memref.load %arg0[%get3A_213] : memref<256xi32, #tpu.memory_space<smem>>
    %get3A_215 = arith.constant 108 : index
    %get3A_216 = memref.load %arg0[%get3A_215] : memref<256xi32, #tpu.memory_space<smem>>
    %get3A_217 = arith.constant 109 : index
    %get3A_218 = memref.load %arg0[%get3A_217] : memref<256xi32, #tpu.memory_space<smem>>
    %get3A_219 = arith.constant 110 : index
    %get3A_220 = memref.load %arg0[%get3A_219] : memref<256xi32, #tpu.memory_space<smem>>
    %get3A_221 = arith.constant 111 : index
    %get3A_222 = memref.load %arg0[%get3A_221] : memref<256xi32, #tpu.memory_space<smem>>
    %get3A_223 = arith.constant 112 : index
    %get3A_224 = memref.load %arg0[%get3A_223] : memref<256xi32, #tpu.memory_space<smem>>
    %get3A_225 = arith.constant 113 : index
    %get3A_226 = memref.load %arg0[%get3A_225] : memref<256xi32, #tpu.memory_space<smem>>
    %get3A_227 = arith.constant 114 : index
    %get3A_228 = memref.load %arg0[%get3A_227] : memref<256xi32, #tpu.memory_space<smem>>
    %get3A_229 = arith.constant 115 : index
    %get3A_230 = memref.load %arg0[%get3A_229] : memref<256xi32, #tpu.memory_space<smem>>
    %get3A_231 = arith.constant 116 : index
    %get3A_232 = memref.load %arg0[%get3A_231] : memref<256xi32, #tpu.memory_space<smem>>
    %get3A_233 = arith.constant 117 : index
    %get3A_234 = memref.load %arg0[%get3A_233] : memref<256xi32, #tpu.memory_space<smem>>
    %get3A_235 = arith.constant 118 : index
    %get3A_236 = memref.load %arg0[%get3A_235] : memref<256xi32, #tpu.memory_space<smem>>
    %get3A_237 = arith.constant 119 : index
    %get3A_238 = memref.load %arg0[%get3A_237] : memref<256xi32, #tpu.memory_space<smem>>
    %get3A_239 = arith.constant 120 : index
    %get3A_240 = memref.load %arg0[%get3A_239] : memref<256xi32, #tpu.memory_space<smem>>
    %get3A_241 = arith.constant 121 : index
    %get3A_242 = memref.load %arg0[%get3A_241] : memref<256xi32, #tpu.memory_space<smem>>
    %get3A_243 = arith.constant 122 : index
    %get3A_244 = memref.load %arg0[%get3A_243] : memref<256xi32, #tpu.memory_space<smem>>
    %get3A_245 = arith.constant 123 : index
    %get3A_246 = memref.load %arg0[%get3A_245] : memref<256xi32, #tpu.memory_space<smem>>
    %get3A_247 = arith.constant 124 : index
    %get3A_248 = memref.load %arg0[%get3A_247] : memref<256xi32, #tpu.memory_space<smem>>
    %get3A_249 = arith.constant 125 : index
    %get3A_250 = memref.load %arg0[%get3A_249] : memref<256xi32, #tpu.memory_space<smem>>
    %get3A_251 = arith.constant 126 : index
    %get3A_252 = memref.load %arg0[%get3A_251] : memref<256xi32, #tpu.memory_space<smem>>
    %get3A_253 = arith.constant 127 : index
    %get3A_254 = memref.load %arg0[%get3A_253] : memref<256xi32, #tpu.memory_space<smem>>
    %get3A_255 = arith.constant 128 : index
    %get3A_256 = memref.load %arg0[%get3A_255] : memref<256xi32, #tpu.memory_space<smem>>
    %get3A_257 = arith.constant 129 : index
    %get3A_258 = memref.load %arg0[%get3A_257] : memref<256xi32, #tpu.memory_space<smem>>
    %get3A_259 = arith.constant 130 : index
    %get3A_260 = memref.load %arg0[%get3A_259] : memref<256xi32, #tpu.memory_space<smem>>
    %get3A_261 = arith.constant 131 : index
    %get3A_262 = memref.load %arg0[%get3A_261] : memref<256xi32, #tpu.memory_space<smem>>
    %get3A_263 = arith.constant 132 : index
    %get3A_264 = memref.load %arg0[%get3A_263] : memref<256xi32, #tpu.memory_space<smem>>
    %get3A_265 = arith.constant 133 : index
    %get3A_266 = memref.load %arg0[%get3A_265] : memref<256xi32, #tpu.memory_space<smem>>
    %get3A_267 = arith.constant 134 : index
    %get3A_268 = memref.load %arg0[%get3A_267] : memref<256xi32, #tpu.memory_space<smem>>
    %get3A_269 = arith.constant 135 : index
    %get3A_270 = memref.load %arg0[%get3A_269] : memref<256xi32, #tpu.memory_space<smem>>
    %get3A_271 = arith.constant 136 : index
    %get3A_272 = memref.load %arg0[%get3A_271] : memref<256xi32, #tpu.memory_space<smem>>
    %get3A_273 = arith.constant 137 : index
    %get3A_274 = memref.load %arg0[%get3A_273] : memref<256xi32, #tpu.memory_space<smem>>
    %get3A_275 = arith.constant 138 : index
    %get3A_276 = memref.load %arg0[%get3A_275] : memref<256xi32, #tpu.memory_space<smem>>
    %get3A_277 = arith.constant 139 : index
    %get3A_278 = memref.load %arg0[%get3A_277] : memref<256xi32, #tpu.memory_space<smem>>
    %get3A_279 = arith.constant 140 : index
    %get3A_280 = memref.load %arg0[%get3A_279] : memref<256xi32, #tpu.memory_space<smem>>
    %get3A_281 = arith.constant 141 : index
    %get3A_282 = memref.load %arg0[%get3A_281] : memref<256xi32, #tpu.memory_space<smem>>
    %get3A_283 = arith.constant 142 : index
    %get3A_284 = memref.load %arg0[%get3A_283] : memref<256xi32, #tpu.memory_space<smem>>
    %get3A_285 = arith.constant 143 : index
    %get3A_286 = memref.load %arg0[%get3A_285] : memref<256xi32, #tpu.memory_space<smem>>
    %get3A_287 = arith.constant 144 : index
    %get3A_288 = memref.load %arg0[%get3A_287] : memref<256xi32, #tpu.memory_space<smem>>
    %get3A_289 = arith.constant 145 : index
    %get3A_290 = memref.load %arg0[%get3A_289] : memref<256xi32, #tpu.memory_space<smem>>
    %get3A_291 = arith.constant 146 : index
    %get3A_292 = memref.load %arg0[%get3A_291] : memref<256xi32, #tpu.memory_space<smem>>
    %get3A_293 = arith.constant 147 : index
    %get3A_294 = memref.load %arg0[%get3A_293] : memref<256xi32, #tpu.memory_space<smem>>
    %get3A_295 = arith.constant 148 : index
    %get3A_296 = memref.load %arg0[%get3A_295] : memref<256xi32, #tpu.memory_space<smem>>
    %get3A_297 = arith.constant 149 : index
    %get3A_298 = memref.load %arg0[%get3A_297] : memref<256xi32, #tpu.memory_space<smem>>
    %get3A_299 = arith.constant 150 : index
    %get3A_300 = memref.load %arg0[%get3A_299] : memref<256xi32, #tpu.memory_space<smem>>
    %get3A_301 = arith.constant 151 : index
    %get3A_302 = memref.load %arg0[%get3A_301] : memref<256xi32, #tpu.memory_space<smem>>
    %get3A_303 = arith.constant 152 : index
    %get3A_304 = memref.load %arg0[%get3A_303] : memref<256xi32, #tpu.memory_space<smem>>
    %get3A_305 = arith.constant 153 : index
    %get3A_306 = memref.load %arg0[%get3A_305] : memref<256xi32, #tpu.memory_space<smem>>
    %get3A_307 = arith.constant 154 : index
    %get3A_308 = memref.load %arg0[%get3A_307] : memref<256xi32, #tpu.memory_space<smem>>
    %get3A_309 = arith.constant 155 : index
    %get3A_310 = memref.load %arg0[%get3A_309] : memref<256xi32, #tpu.memory_space<smem>>
    %get3A_311 = arith.constant 156 : index
    %get3A_312 = memref.load %arg0[%get3A_311] : memref<256xi32, #tpu.memory_space<smem>>
    %get3A_313 = arith.constant 157 : index
    %get3A_314 = memref.load %arg0[%get3A_313] : memref<256xi32, #tpu.memory_space<smem>>
    %get3A_315 = arith.constant 158 : index
    %get3A_316 = memref.load %arg0[%get3A_315] : memref<256xi32, #tpu.memory_space<smem>>
    %get3A_317 = arith.constant 159 : index
    %get3A_318 = memref.load %arg0[%get3A_317] : memref<256xi32, #tpu.memory_space<smem>>
    %get3A_319 = arith.constant 160 : index
    %get3A_320 = memref.load %arg0[%get3A_319] : memref<256xi32, #tpu.memory_space<smem>>
    %get3A_321 = arith.constant 161 : index
    %get3A_322 = memref.load %arg0[%get3A_321] : memref<256xi32, #tpu.memory_space<smem>>
    %get3A_323 = arith.constant 162 : index
    %get3A_324 = memref.load %arg0[%get3A_323] : memref<256xi32, #tpu.memory_space<smem>>
    %get3A_325 = arith.constant 163 : index
    %get3A_326 = memref.load %arg0[%get3A_325] : memref<256xi32, #tpu.memory_space<smem>>
    %get3A_327 = arith.constant 164 : index
    %get3A_328 = memref.load %arg0[%get3A_327] : memref<256xi32, #tpu.memory_space<smem>>
    %get3A_329 = arith.constant 165 : index
    %get3A_330 = memref.load %arg0[%get3A_329] : memref<256xi32, #tpu.memory_space<smem>>
    %get3A_331 = arith.constant 166 : index
    %get3A_332 = memref.load %arg0[%get3A_331] : memref<256xi32, #tpu.memory_space<smem>>
    %get3A_333 = arith.constant 167 : index
    %get3A_334 = memref.load %arg0[%get3A_333] : memref<256xi32, #tpu.memory_space<smem>>
    %get3A_335 = arith.constant 168 : index
    %get3A_336 = memref.load %arg0[%get3A_335] : memref<256xi32, #tpu.memory_space<smem>>
    %get3A_337 = arith.constant 169 : index
    %get3A_338 = memref.load %arg0[%get3A_337] : memref<256xi32, #tpu.memory_space<smem>>
    %get3A_339 = arith.constant 170 : index
    %get3A_340 = memref.load %arg0[%get3A_339] : memref<256xi32, #tpu.memory_space<smem>>
    %get3A_341 = arith.constant 171 : index
    %get3A_342 = memref.load %arg0[%get3A_341] : memref<256xi32, #tpu.memory_space<smem>>
    %get3A_343 = arith.constant 172 : index
    %get3A_344 = memref.load %arg0[%get3A_343] : memref<256xi32, #tpu.memory_space<smem>>
    %get3A_345 = arith.constant 173 : index
    %get3A_346 = memref.load %arg0[%get3A_345] : memref<256xi32, #tpu.memory_space<smem>>
    %get3A_347 = arith.constant 174 : index
    %get3A_348 = memref.load %arg0[%get3A_347] : memref<256xi32, #tpu.memory_space<smem>>
    %get3A_349 = arith.constant 175 : index
    %get3A_350 = memref.load %arg0[%get3A_349] : memref<256xi32, #tpu.memory_space<smem>>
    %get3A_351 = arith.constant 176 : index
    %get3A_352 = memref.load %arg0[%get3A_351] : memref<256xi32, #tpu.memory_space<smem>>
    %get3A_353 = arith.constant 177 : index
    %get3A_354 = memref.load %arg0[%get3A_353] : memref<256xi32, #tpu.memory_space<smem>>
    %get3A_355 = arith.constant 178 : index
    %get3A_356 = memref.load %arg0[%get3A_355] : memref<256xi32, #tpu.memory_space<smem>>
    %get3A_357 = arith.constant 179 : index
    %get3A_358 = memref.load %arg0[%get3A_357] : memref<256xi32, #tpu.memory_space<smem>>
    %get3A_359 = arith.constant 180 : index
    %get3A_360 = memref.load %arg0[%get3A_359] : memref<256xi32, #tpu.memory_space<smem>>
    %get3A_361 = arith.constant 181 : index
    %get3A_362 = memref.load %arg0[%get3A_361] : memref<256xi32, #tpu.memory_space<smem>>
    %get3A_363 = arith.constant 182 : index
    %get3A_364 = memref.load %arg0[%get3A_363] : memref<256xi32, #tpu.memory_space<smem>>
    %get3A_365 = arith.constant 183 : index
    %get3A_366 = memref.load %arg0[%get3A_365] : memref<256xi32, #tpu.memory_space<smem>>
    %get3A_367 = arith.constant 184 : index
    %get3A_368 = memref.load %arg0[%get3A_367] : memref<256xi32, #tpu.memory_space<smem>>
    %get3A_369 = arith.constant 185 : index
    %get3A_370 = memref.load %arg0[%get3A_369] : memref<256xi32, #tpu.memory_space<smem>>
    %get3A_371 = arith.constant 186 : index
    %get3A_372 = memref.load %arg0[%get3A_371] : memref<256xi32, #tpu.memory_space<smem>>
    %get3A_373 = arith.constant 187 : index
    %get3A_374 = memref.load %arg0[%get3A_373] : memref<256xi32, #tpu.memory_space<smem>>
    %get3A_375 = arith.constant 188 : index
    %get3A_376 = memref.load %arg0[%get3A_375] : memref<256xi32, #tpu.memory_space<smem>>
    %get3A_377 = arith.constant 189 : index
    %get3A_378 = memref.load %arg0[%get3A_377] : memref<256xi32, #tpu.memory_space<smem>>
    %get3A_379 = arith.constant 190 : index
    %get3A_380 = memref.load %arg0[%get3A_379] : memref<256xi32, #tpu.memory_space<smem>>
    %get3A_381 = arith.constant 191 : index
    %get3A_382 = memref.load %arg0[%get3A_381] : memref<256xi32, #tpu.memory_space<smem>>
    %get3A_383 = arith.constant 192 : index
    %get3A_384 = memref.load %arg0[%get3A_383] : memref<256xi32, #tpu.memory_space<smem>>
    %get3A_385 = arith.constant 193 : index
    %get3A_386 = memref.load %arg0[%get3A_385] : memref<256xi32, #tpu.memory_space<smem>>
    %get3A_387 = arith.constant 194 : index
    %get3A_388 = memref.load %arg0[%get3A_387] : memref<256xi32, #tpu.memory_space<smem>>
    %get3A_389 = arith.constant 195 : index
    %get3A_390 = memref.load %arg0[%get3A_389] : memref<256xi32, #tpu.memory_space<smem>>
    %get3A_391 = arith.constant 196 : index
    %get3A_392 = memref.load %arg0[%get3A_391] : memref<256xi32, #tpu.memory_space<smem>>
    %get3A_393 = arith.constant 197 : index
    %get3A_394 = memref.load %arg0[%get3A_393] : memref<256xi32, #tpu.memory_space<smem>>
    %get3A_395 = arith.constant 198 : index
    %get3A_396 = memref.load %arg0[%get3A_395] : memref<256xi32, #tpu.memory_space<smem>>
    %get3A_397 = arith.constant 199 : index
    %get3A_398 = memref.load %arg0[%get3A_397] : memref<256xi32, #tpu.memory_space<smem>>
    %get3A_399 = arith.constant 200 : index
    %get3A_400 = memref.load %arg0[%get3A_399] : memref<256xi32, #tpu.memory_space<smem>>
    %get3A_401 = arith.constant 221 : index
    %get3A_402 = memref.load %arg0[%get3A_401] : memref<256xi32, #tpu.memory_space<smem>>
    %get3A_403 = arith.constant 201 : index
    %get3A_404 = memref.load %arg0[%get3A_403] : memref<256xi32, #tpu.memory_space<smem>>
    %get3A_405 = arith.constant 222 : index
    %get3A_406 = memref.load %arg0[%get3A_405] : memref<256xi32, #tpu.memory_space<smem>>
    %get3A_407 = arith.constant 202 : index
    %get3A_408 = memref.load %arg0[%get3A_407] : memref<256xi32, #tpu.memory_space<smem>>
    %get3A_409 = arith.constant 223 : index
    %get3A_410 = memref.load %arg0[%get3A_409] : memref<256xi32, #tpu.memory_space<smem>>
    %get3A_411 = arith.constant 203 : index
    %get3A_412 = memref.load %arg0[%get3A_411] : memref<256xi32, #tpu.memory_space<smem>>
    %get3A_413 = arith.constant 224 : index
    %get3A_414 = memref.load %arg0[%get3A_413] : memref<256xi32, #tpu.memory_space<smem>>
    %get3A_415 = arith.constant 204 : index
    %get3A_416 = memref.load %arg0[%get3A_415] : memref<256xi32, #tpu.memory_space<smem>>
    %get3A_417 = arith.constant 225 : index
    %get3A_418 = memref.load %arg0[%get3A_417] : memref<256xi32, #tpu.memory_space<smem>>
    %get3A_419 = arith.constant 205 : index
    %get3A_420 = memref.load %arg0[%get3A_419] : memref<256xi32, #tpu.memory_space<smem>>
    %get3A_421 = arith.constant 226 : index
    %get3A_422 = memref.load %arg0[%get3A_421] : memref<256xi32, #tpu.memory_space<smem>>
    %get3A_423 = arith.constant 206 : index
    %get3A_424 = memref.load %arg0[%get3A_423] : memref<256xi32, #tpu.memory_space<smem>>
    %get3A_425 = arith.constant 227 : index
    %get3A_426 = memref.load %arg0[%get3A_425] : memref<256xi32, #tpu.memory_space<smem>>
    %get3A_427 = arith.constant 207 : index
    %get3A_428 = memref.load %arg0[%get3A_427] : memref<256xi32, #tpu.memory_space<smem>>
    %get3A_429 = arith.constant 228 : index
    %get3A_430 = memref.load %arg0[%get3A_429] : memref<256xi32, #tpu.memory_space<smem>>
    %get3A_431 = arith.constant 208 : index
    %get3A_432 = memref.load %arg0[%get3A_431] : memref<256xi32, #tpu.memory_space<smem>>
    %get3A_433 = arith.constant 229 : index
    %get3A_434 = memref.load %arg0[%get3A_433] : memref<256xi32, #tpu.memory_space<smem>>
    %get3A_435 = arith.constant 209 : index
    %get3A_436 = memref.load %arg0[%get3A_435] : memref<256xi32, #tpu.memory_space<smem>>
    %get3A_437 = arith.constant 230 : index
    %get3A_438 = memref.load %arg0[%get3A_437] : memref<256xi32, #tpu.memory_space<smem>>
    %get3A_439 = arith.constant 210 : index
    %get3A_440 = memref.load %arg0[%get3A_439] : memref<256xi32, #tpu.memory_space<smem>>
    %get3A_441 = arith.constant 231 : index
    %get3A_442 = memref.load %arg0[%get3A_441] : memref<256xi32, #tpu.memory_space<smem>>
    %get3A_443 = arith.constant 211 : index
    %get3A_444 = memref.load %arg0[%get3A_443] : memref<256xi32, #tpu.memory_space<smem>>
    %get3A_445 = arith.constant 232 : index
    %get3A_446 = memref.load %arg0[%get3A_445] : memref<256xi32, #tpu.memory_space<smem>>
    %get3A_447 = arith.constant 212 : index
    %get3A_448 = memref.load %arg0[%get3A_447] : memref<256xi32, #tpu.memory_space<smem>>
    %get3A_449 = arith.constant 233 : index
    %get3A_450 = memref.load %arg0[%get3A_449] : memref<256xi32, #tpu.memory_space<smem>>
    %get3A_451 = arith.constant 213 : index
    %get3A_452 = memref.load %arg0[%get3A_451] : memref<256xi32, #tpu.memory_space<smem>>
    %get3A_453 = arith.constant 234 : index
    %get3A_454 = memref.load %arg0[%get3A_453] : memref<256xi32, #tpu.memory_space<smem>>
    %get3A_455 = arith.constant 214 : index
    %get3A_456 = memref.load %arg0[%get3A_455] : memref<256xi32, #tpu.memory_space<smem>>
    %get3A_457 = arith.constant 235 : index
    %get3A_458 = memref.load %arg0[%get3A_457] : memref<256xi32, #tpu.memory_space<smem>>
    %get3A_459 = arith.constant 215 : index
    %get3A_460 = memref.load %arg0[%get3A_459] : memref<256xi32, #tpu.memory_space<smem>>
    %get3A_461 = arith.constant 236 : index
    %get3A_462 = memref.load %arg0[%get3A_461] : memref<256xi32, #tpu.memory_space<smem>>
    %get3A_463 = arith.constant 216 : index
    %get3A_464 = memref.load %arg0[%get3A_463] : memref<256xi32, #tpu.memory_space<smem>>
    %get3A_465 = arith.constant 237 : index
    %get3A_466 = memref.load %arg0[%get3A_465] : memref<256xi32, #tpu.memory_space<smem>>
    %get3A_467 = arith.constant 217 : index
    %get3A_468 = memref.load %arg0[%get3A_467] : memref<256xi32, #tpu.memory_space<smem>>
    %get3A_469 = arith.constant 238 : index
    %get3A_470 = memref.load %arg0[%get3A_469] : memref<256xi32, #tpu.memory_space<smem>>
    %get3A_471 = arith.constant 218 : index
    %get3A_472 = memref.load %arg0[%get3A_471] : memref<256xi32, #tpu.memory_space<smem>>
    %get3A_473 = arith.constant 239 : index
    %get3A_474 = memref.load %arg0[%get3A_473] : memref<256xi32, #tpu.memory_space<smem>>
    %get3A_475 = arith.constant 219 : index
    %get3A_476 = memref.load %arg0[%get3A_475] : memref<256xi32, #tpu.memory_space<smem>>
    %get3A_477 = arith.constant 240 : index
    %get3A_478 = memref.load %arg0[%get3A_477] : memref<256xi32, #tpu.memory_space<smem>>
    %get3A_479 = arith.constant 220 : index
    %get3A_480 = memref.load %arg0[%get3A_479] : memref<256xi32, #tpu.memory_space<smem>>
    %get3A_481 = arith.constant 241 : index
    %get3A_482 = memref.load %arg0[%get3A_481] : memref<256xi32, #tpu.memory_space<smem>>
    %get3A_483 = arith.constant 242 : index
    %get3A_484 = memref.load %arg0[%get3A_483] : memref<256xi32, #tpu.memory_space<smem>>
    %dma_start3A = arith.constant 0 : i32
    %dma_start3A_485 = arith.constant 0 : i32
    %dma_start3A_486 = tpu.memref_slice %arg6[%dma_start3A, %dma_start3A_485] : memref<256x64xf32, #tpu.memory_space<vmem>> -> memref<1x64xf32, #tpu.memory_space<vmem>>
    %dma_start3A_487 = arith.constant 0 : i32
    %dma_start3A_488 = tpu.memref_slice %arg1[%get3A_0, %dma_start3A_487] : memref<100000x64xf32, #tpu.memory_space<any>> -> memref<1x64xf32, #tpu.memory_space<any>>
    tpu.enqueue_dma source(%dma_start3A_488 : memref<1x64xf32, #tpu.memory_space<any>>) target(%dma_start3A_486 : memref<1x64xf32, #tpu.memory_space<vmem>>) target_semaphore(%arg7 : memref<!tpu.dma_semaphore, #tpu.memory_space<semaphore_mem>>)
    %dma_start3A_489 = arith.constant 1 : i32
    %dma_start3A_490 = arith.constant 0 : i32
    %dma_start3A_491 = tpu.memref_slice %arg6[%dma_start3A_489, %dma_start3A_490] : memref<256x64xf32, #tpu.memory_space<vmem>> -> memref<1x64xf32, #tpu.memory_space<vmem>>
    %dma_start3A_492 = arith.constant 0 : i32
    %dma_start3A_493 = tpu.memref_slice %arg1[%get3A_2, %dma_start3A_492] : memref<100000x64xf32, #tpu.memory_space<any>> -> memref<1x64xf32, #tpu.memory_space<any>>
    tpu.enqueue_dma source(%dma_start3A_493 : memref<1x64xf32, #tpu.memory_space<any>>) target(%dma_start3A_491 : memref<1x64xf32, #tpu.memory_space<vmem>>) target_semaphore(%arg7 : memref<!tpu.dma_semaphore, #tpu.memory_space<semaphore_mem>>)
    %dma_start3A_494 = arith.constant 2 : i32
    %dma_start3A_495 = arith.constant 0 : i32
    %dma_start3A_496 = tpu.memref_slice %arg6[%dma_start3A_494, %dma_start3A_495] : memref<256x64xf32, #tpu.memory_space<vmem>> -> memref<1x64xf32, #tpu.memory_space<vmem>>
    %dma_start3A_497 = arith.constant 0 : i32
    %dma_start3A_498 = tpu.memref_slice %arg1[%get3A_4, %dma_start3A_497] : memref<100000x64xf32, #tpu.memory_space<any>> -> memref<1x64xf32, #tpu.memory_space<any>>
    tpu.enqueue_dma source(%dma_start3A_498 : memref<1x64xf32, #tpu.memory_space<any>>) target(%dma_start3A_496 : memref<1x64xf32, #tpu.memory_space<vmem>>) target_semaphore(%arg7 : memref<!tpu.dma_semaphore, #tpu.memory_space<semaphore_mem>>)
    %dma_start3A_499 = arith.constant 3 : i32
    %dma_start3A_500 = arith.constant 0 : i32
    %dma_start3A_501 = tpu.memref_slice %arg6[%dma_start3A_499, %dma_start3A_500] : memref<256x64xf32, #tpu.memory_space<vmem>> -> memref<1x64xf32, #tpu.memory_space<vmem>>
    %dma_start3A_502 = arith.constant 0 : i32
    %dma_start3A_503 = tpu.memref_slice %arg1[%get3A_6, %dma_start3A_502] : memref<100000x64xf32, #tpu.memory_space<any>> -> memref<1x64xf32, #tpu.memory_space<any>>
    tpu.enqueue_dma source(%dma_start3A_503 : memref<1x64xf32, #tpu.memory_space<any>>) target(%dma_start3A_501 : memref<1x64xf32, #tpu.memory_space<vmem>>) target_semaphore(%arg7 : memref<!tpu.dma_semaphore, #tpu.memory_space<semaphore_mem>>)
    %dma_start3A_504 = arith.constant 4 : i32
    %dma_start3A_505 = arith.constant 0 : i32
    %dma_start3A_506 = tpu.memref_slice %arg6[%dma_start3A_504, %dma_start3A_505] : memref<256x64xf32, #tpu.memory_space<vmem>> -> memref<1x64xf32, #tpu.memory_space<vmem>>
    %dma_start3A_507 = arith.constant 0 : i32
    %dma_start3A_508 = tpu.memref_slice %arg1[%get3A_8, %dma_start3A_507] : memref<100000x64xf32, #tpu.memory_space<any>> -> memref<1x64xf32, #tpu.memory_space<any>>
    tpu.enqueue_dma source(%dma_start3A_508 : memref<1x64xf32, #tpu.memory_space<any>>) target(%dma_start3A_506 : memref<1x64xf32, #tpu.memory_space<vmem>>) target_semaphore(%arg7 : memref<!tpu.dma_semaphore, #tpu.memory_space<semaphore_mem>>)
    %dma_start3A_509 = arith.constant 5 : i32
    %dma_start3A_510 = arith.constant 0 : i32
    %dma_start3A_511 = tpu.memref_slice %arg6[%dma_start3A_509, %dma_start3A_510] : memref<256x64xf32, #tpu.memory_space<vmem>> -> memref<1x64xf32, #tpu.memory_space<vmem>>
    %dma_start3A_512 = arith.constant 0 : i32
    %dma_start3A_513 = tpu.memref_slice %arg1[%get3A_10, %dma_start3A_512] : memref<100000x64xf32, #tpu.memory_space<any>> -> memref<1x64xf32, #tpu.memory_space<any>>
    tpu.enqueue_dma source(%dma_start3A_513 : memref<1x64xf32, #tpu.memory_space<any>>) target(%dma_start3A_511 : memref<1x64xf32, #tpu.memory_space<vmem>>) target_semaphore(%arg7 : memref<!tpu.dma_semaphore, #tpu.memory_space<semaphore_mem>>)
    %dma_start3A_514 = arith.constant 6 : i32
    %dma_start3A_515 = arith.constant 0 : i32
    %dma_start3A_516 = tpu.memref_slice %arg6[%dma_start3A_514, %dma_start3A_515] : memref<256x64xf32, #tpu.memory_space<vmem>> -> memref<1x64xf32, #tpu.memory_space<vmem>>
    %dma_start3A_517 = arith.constant 0 : i32
    %dma_start3A_518 = tpu.memref_slice %arg1[%get3A_12, %dma_start3A_517] : memref<100000x64xf32, #tpu.memory_space<any>> -> memref<1x64xf32, #tpu.memory_space<any>>
    tpu.enqueue_dma source(%dma_start3A_518 : memref<1x64xf32, #tpu.memory_space<any>>) target(%dma_start3A_516 : memref<1x64xf32, #tpu.memory_space<vmem>>) target_semaphore(%arg7 : memref<!tpu.dma_semaphore, #tpu.memory_space<semaphore_mem>>)
    %dma_start3A_519 = arith.constant 7 : i32
    %dma_start3A_520 = arith.constant 0 : i32
    %dma_start3A_521 = tpu.memref_slice %arg6[%dma_start3A_519, %dma_start3A_520] : memref<256x64xf32, #tpu.memory_space<vmem>> -> memref<1x64xf32, #tpu.memory_space<vmem>>
    %dma_start3A_522 = arith.constant 0 : i32
    %dma_start3A_523 = tpu.memref_slice %arg1[%get3A_14, %dma_start3A_522] : memref<100000x64xf32, #tpu.memory_space<any>> -> memref<1x64xf32, #tpu.memory_space<any>>
    tpu.enqueue_dma source(%dma_start3A_523 : memref<1x64xf32, #tpu.memory_space<any>>) target(%dma_start3A_521 : memref<1x64xf32, #tpu.memory_space<vmem>>) target_semaphore(%arg7 : memref<!tpu.dma_semaphore, #tpu.memory_space<semaphore_mem>>)
    %dma_start3A_524 = arith.constant 8 : i32
    %dma_start3A_525 = arith.constant 0 : i32
    %dma_start3A_526 = tpu.memref_slice %arg6[%dma_start3A_524, %dma_start3A_525] : memref<256x64xf32, #tpu.memory_space<vmem>> -> memref<1x64xf32, #tpu.memory_space<vmem>>
    %dma_start3A_527 = arith.constant 0 : i32
    %dma_start3A_528 = tpu.memref_slice %arg1[%get3A_16, %dma_start3A_527] : memref<100000x64xf32, #tpu.memory_space<any>> -> memref<1x64xf32, #tpu.memory_space<any>>
    tpu.enqueue_dma source(%dma_start3A_528 : memref<1x64xf32, #tpu.memory_space<any>>) target(%dma_start3A_526 : memref<1x64xf32, #tpu.memory_space<vmem>>) target_semaphore(%arg7 : memref<!tpu.dma_semaphore, #tpu.memory_space<semaphore_mem>>)
    %dma_start3A_529 = arith.constant 9 : i32
    %dma_start3A_530 = arith.constant 0 : i32
    %dma_start3A_531 = tpu.memref_slice %arg6[%dma_start3A_529, %dma_start3A_530] : memref<256x64xf32, #tpu.memory_space<vmem>> -> memref<1x64xf32, #tpu.memory_space<vmem>>
    %dma_start3A_532 = arith.constant 0 : i32
    %dma_start3A_533 = tpu.memref_slice %arg1[%get3A_18, %dma_start3A_532] : memref<100000x64xf32, #tpu.memory_space<any>> -> memref<1x64xf32, #tpu.memory_space<any>>
    tpu.enqueue_dma source(%dma_start3A_533 : memref<1x64xf32, #tpu.memory_space<any>>) target(%dma_start3A_531 : memref<1x64xf32, #tpu.memory_space<vmem>>) target_semaphore(%arg7 : memref<!tpu.dma_semaphore, #tpu.memory_space<semaphore_mem>>)
    %dma_start3A_534 = arith.constant 10 : i32
    %dma_start3A_535 = arith.constant 0 : i32
    %dma_start3A_536 = tpu.memref_slice %arg6[%dma_start3A_534, %dma_start3A_535] : memref<256x64xf32, #tpu.memory_space<vmem>> -> memref<1x64xf32, #tpu.memory_space<vmem>>
    %dma_start3A_537 = arith.constant 0 : i32
    %dma_start3A_538 = tpu.memref_slice %arg1[%get3A_20, %dma_start3A_537] : memref<100000x64xf32, #tpu.memory_space<any>> -> memref<1x64xf32, #tpu.memory_space<any>>
    tpu.enqueue_dma source(%dma_start3A_538 : memref<1x64xf32, #tpu.memory_space<any>>) target(%dma_start3A_536 : memref<1x64xf32, #tpu.memory_space<vmem>>) target_semaphore(%arg7 : memref<!tpu.dma_semaphore, #tpu.memory_space<semaphore_mem>>)
    %dma_start3A_539 = arith.constant 11 : i32
    %dma_start3A_540 = arith.constant 0 : i32
    %dma_start3A_541 = tpu.memref_slice %arg6[%dma_start3A_539, %dma_start3A_540] : memref<256x64xf32, #tpu.memory_space<vmem>> -> memref<1x64xf32, #tpu.memory_space<vmem>>
    %dma_start3A_542 = arith.constant 0 : i32
    %dma_start3A_543 = tpu.memref_slice %arg1[%get3A_22, %dma_start3A_542] : memref<100000x64xf32, #tpu.memory_space<any>> -> memref<1x64xf32, #tpu.memory_space<any>>
    tpu.enqueue_dma source(%dma_start3A_543 : memref<1x64xf32, #tpu.memory_space<any>>) target(%dma_start3A_541 : memref<1x64xf32, #tpu.memory_space<vmem>>) target_semaphore(%arg7 : memref<!tpu.dma_semaphore, #tpu.memory_space<semaphore_mem>>)
    %dma_start3A_544 = arith.constant 12 : i32
    %dma_start3A_545 = arith.constant 0 : i32
    %dma_start3A_546 = tpu.memref_slice %arg6[%dma_start3A_544, %dma_start3A_545] : memref<256x64xf32, #tpu.memory_space<vmem>> -> memref<1x64xf32, #tpu.memory_space<vmem>>
    %dma_start3A_547 = arith.constant 0 : i32
    %dma_start3A_548 = tpu.memref_slice %arg1[%get3A_24, %dma_start3A_547] : memref<100000x64xf32, #tpu.memory_space<any>> -> memref<1x64xf32, #tpu.memory_space<any>>
    tpu.enqueue_dma source(%dma_start3A_548 : memref<1x64xf32, #tpu.memory_space<any>>) target(%dma_start3A_546 : memref<1x64xf32, #tpu.memory_space<vmem>>) target_semaphore(%arg7 : memref<!tpu.dma_semaphore, #tpu.memory_space<semaphore_mem>>)
    %dma_start3A_549 = arith.constant 13 : i32
    %dma_start3A_550 = arith.constant 0 : i32
    %dma_start3A_551 = tpu.memref_slice %arg6[%dma_start3A_549, %dma_start3A_550] : memref<256x64xf32, #tpu.memory_space<vmem>> -> memref<1x64xf32, #tpu.memory_space<vmem>>
    %dma_start3A_552 = arith.constant 0 : i32
    %dma_start3A_553 = tpu.memref_slice %arg1[%get3A_26, %dma_start3A_552] : memref<100000x64xf32, #tpu.memory_space<any>> -> memref<1x64xf32, #tpu.memory_space<any>>
    tpu.enqueue_dma source(%dma_start3A_553 : memref<1x64xf32, #tpu.memory_space<any>>) target(%dma_start3A_551 : memref<1x64xf32, #tpu.memory_space<vmem>>) target_semaphore(%arg7 : memref<!tpu.dma_semaphore, #tpu.memory_space<semaphore_mem>>)
    %dma_start3A_554 = arith.constant 14 : i32
    %dma_start3A_555 = arith.constant 0 : i32
    %dma_start3A_556 = tpu.memref_slice %arg6[%dma_start3A_554, %dma_start3A_555] : memref<256x64xf32, #tpu.memory_space<vmem>> -> memref<1x64xf32, #tpu.memory_space<vmem>>
    %dma_start3A_557 = arith.constant 0 : i32
    %dma_start3A_558 = tpu.memref_slice %arg1[%get3A_28, %dma_start3A_557] : memref<100000x64xf32, #tpu.memory_space<any>> -> memref<1x64xf32, #tpu.memory_space<any>>
    tpu.enqueue_dma source(%dma_start3A_558 : memref<1x64xf32, #tpu.memory_space<any>>) target(%dma_start3A_556 : memref<1x64xf32, #tpu.memory_space<vmem>>) target_semaphore(%arg7 : memref<!tpu.dma_semaphore, #tpu.memory_space<semaphore_mem>>)
    %dma_start3A_559 = arith.constant 15 : i32
    %dma_start3A_560 = arith.constant 0 : i32
    %dma_start3A_561 = tpu.memref_slice %arg6[%dma_start3A_559, %dma_start3A_560] : memref<256x64xf32, #tpu.memory_space<vmem>> -> memref<1x64xf32, #tpu.memory_space<vmem>>
    %dma_start3A_562 = arith.constant 0 : i32
    %dma_start3A_563 = tpu.memref_slice %arg1[%get3A_30, %dma_start3A_562] : memref<100000x64xf32, #tpu.memory_space<any>> -> memref<1x64xf32, #tpu.memory_space<any>>
    tpu.enqueue_dma source(%dma_start3A_563 : memref<1x64xf32, #tpu.memory_space<any>>) target(%dma_start3A_561 : memref<1x64xf32, #tpu.memory_space<vmem>>) target_semaphore(%arg7 : memref<!tpu.dma_semaphore, #tpu.memory_space<semaphore_mem>>)
    %dma_start3A_564 = arith.constant 16 : i32
    %dma_start3A_565 = arith.constant 0 : i32
    %dma_start3A_566 = tpu.memref_slice %arg6[%dma_start3A_564, %dma_start3A_565] : memref<256x64xf32, #tpu.memory_space<vmem>> -> memref<1x64xf32, #tpu.memory_space<vmem>>
    %dma_start3A_567 = arith.constant 0 : i32
    %dma_start3A_568 = tpu.memref_slice %arg1[%get3A_32, %dma_start3A_567] : memref<100000x64xf32, #tpu.memory_space<any>> -> memref<1x64xf32, #tpu.memory_space<any>>
    tpu.enqueue_dma source(%dma_start3A_568 : memref<1x64xf32, #tpu.memory_space<any>>) target(%dma_start3A_566 : memref<1x64xf32, #tpu.memory_space<vmem>>) target_semaphore(%arg7 : memref<!tpu.dma_semaphore, #tpu.memory_space<semaphore_mem>>)
    %dma_start3A_569 = arith.constant 17 : i32
    %dma_start3A_570 = arith.constant 0 : i32
    %dma_start3A_571 = tpu.memref_slice %arg6[%dma_start3A_569, %dma_start3A_570] : memref<256x64xf32, #tpu.memory_space<vmem>> -> memref<1x64xf32, #tpu.memory_space<vmem>>
    %dma_start3A_572 = arith.constant 0 : i32
    %dma_start3A_573 = tpu.memref_slice %arg1[%get3A_34, %dma_start3A_572] : memref<100000x64xf32, #tpu.memory_space<any>> -> memref<1x64xf32, #tpu.memory_space<any>>
    tpu.enqueue_dma source(%dma_start3A_573 : memref<1x64xf32, #tpu.memory_space<any>>) target(%dma_start3A_571 : memref<1x64xf32, #tpu.memory_space<vmem>>) target_semaphore(%arg7 : memref<!tpu.dma_semaphore, #tpu.memory_space<semaphore_mem>>)
    %dma_start3A_574 = arith.constant 18 : i32
    %dma_start3A_575 = arith.constant 0 : i32
    %dma_start3A_576 = tpu.memref_slice %arg6[%dma_start3A_574, %dma_start3A_575] : memref<256x64xf32, #tpu.memory_space<vmem>> -> memref<1x64xf32, #tpu.memory_space<vmem>>
    %dma_start3A_577 = arith.constant 0 : i32
    %dma_start3A_578 = tpu.memref_slice %arg1[%get3A_36, %dma_start3A_577] : memref<100000x64xf32, #tpu.memory_space<any>> -> memref<1x64xf32, #tpu.memory_space<any>>
    tpu.enqueue_dma source(%dma_start3A_578 : memref<1x64xf32, #tpu.memory_space<any>>) target(%dma_start3A_576 : memref<1x64xf32, #tpu.memory_space<vmem>>) target_semaphore(%arg7 : memref<!tpu.dma_semaphore, #tpu.memory_space<semaphore_mem>>)
    %dma_start3A_579 = arith.constant 19 : i32
    %dma_start3A_580 = arith.constant 0 : i32
    %dma_start3A_581 = tpu.memref_slice %arg6[%dma_start3A_579, %dma_start3A_580] : memref<256x64xf32, #tpu.memory_space<vmem>> -> memref<1x64xf32, #tpu.memory_space<vmem>>
    %dma_start3A_582 = arith.constant 0 : i32
    %dma_start3A_583 = tpu.memref_slice %arg1[%get3A_38, %dma_start3A_582] : memref<100000x64xf32, #tpu.memory_space<any>> -> memref<1x64xf32, #tpu.memory_space<any>>
    tpu.enqueue_dma source(%dma_start3A_583 : memref<1x64xf32, #tpu.memory_space<any>>) target(%dma_start3A_581 : memref<1x64xf32, #tpu.memory_space<vmem>>) target_semaphore(%arg7 : memref<!tpu.dma_semaphore, #tpu.memory_space<semaphore_mem>>)
    %dma_start3A_584 = arith.constant 20 : i32
    %dma_start3A_585 = arith.constant 0 : i32
    %dma_start3A_586 = tpu.memref_slice %arg6[%dma_start3A_584, %dma_start3A_585] : memref<256x64xf32, #tpu.memory_space<vmem>> -> memref<1x64xf32, #tpu.memory_space<vmem>>
    %dma_start3A_587 = arith.constant 0 : i32
    %dma_start3A_588 = tpu.memref_slice %arg1[%get3A_40, %dma_start3A_587] : memref<100000x64xf32, #tpu.memory_space<any>> -> memref<1x64xf32, #tpu.memory_space<any>>
    tpu.enqueue_dma source(%dma_start3A_588 : memref<1x64xf32, #tpu.memory_space<any>>) target(%dma_start3A_586 : memref<1x64xf32, #tpu.memory_space<vmem>>) target_semaphore(%arg7 : memref<!tpu.dma_semaphore, #tpu.memory_space<semaphore_mem>>)
    %dma_start3A_589 = arith.constant 21 : i32
    %dma_start3A_590 = arith.constant 0 : i32
    %dma_start3A_591 = tpu.memref_slice %arg6[%dma_start3A_589, %dma_start3A_590] : memref<256x64xf32, #tpu.memory_space<vmem>> -> memref<1x64xf32, #tpu.memory_space<vmem>>
    %dma_start3A_592 = arith.constant 0 : i32
    %dma_start3A_593 = tpu.memref_slice %arg1[%get3A_42, %dma_start3A_592] : memref<100000x64xf32, #tpu.memory_space<any>> -> memref<1x64xf32, #tpu.memory_space<any>>
    tpu.enqueue_dma source(%dma_start3A_593 : memref<1x64xf32, #tpu.memory_space<any>>) target(%dma_start3A_591 : memref<1x64xf32, #tpu.memory_space<vmem>>) target_semaphore(%arg7 : memref<!tpu.dma_semaphore, #tpu.memory_space<semaphore_mem>>)
    %dma_start3A_594 = arith.constant 22 : i32
    %dma_start3A_595 = arith.constant 0 : i32
    %dma_start3A_596 = tpu.memref_slice %arg6[%dma_start3A_594, %dma_start3A_595] : memref<256x64xf32, #tpu.memory_space<vmem>> -> memref<1x64xf32, #tpu.memory_space<vmem>>
    %dma_start3A_597 = arith.constant 0 : i32
    %dma_start3A_598 = tpu.memref_slice %arg1[%get3A_44, %dma_start3A_597] : memref<100000x64xf32, #tpu.memory_space<any>> -> memref<1x64xf32, #tpu.memory_space<any>>
    tpu.enqueue_dma source(%dma_start3A_598 : memref<1x64xf32, #tpu.memory_space<any>>) target(%dma_start3A_596 : memref<1x64xf32, #tpu.memory_space<vmem>>) target_semaphore(%arg7 : memref<!tpu.dma_semaphore, #tpu.memory_space<semaphore_mem>>)
    %dma_start3A_599 = arith.constant 23 : i32
    %dma_start3A_600 = arith.constant 0 : i32
    %dma_start3A_601 = tpu.memref_slice %arg6[%dma_start3A_599, %dma_start3A_600] : memref<256x64xf32, #tpu.memory_space<vmem>> -> memref<1x64xf32, #tpu.memory_space<vmem>>
    %dma_start3A_602 = arith.constant 0 : i32
    %dma_start3A_603 = tpu.memref_slice %arg1[%get3A_46, %dma_start3A_602] : memref<100000x64xf32, #tpu.memory_space<any>> -> memref<1x64xf32, #tpu.memory_space<any>>
    tpu.enqueue_dma source(%dma_start3A_603 : memref<1x64xf32, #tpu.memory_space<any>>) target(%dma_start3A_601 : memref<1x64xf32, #tpu.memory_space<vmem>>) target_semaphore(%arg7 : memref<!tpu.dma_semaphore, #tpu.memory_space<semaphore_mem>>)
    %dma_start3A_604 = arith.constant 24 : i32
    %dma_start3A_605 = arith.constant 0 : i32
    %dma_start3A_606 = tpu.memref_slice %arg6[%dma_start3A_604, %dma_start3A_605] : memref<256x64xf32, #tpu.memory_space<vmem>> -> memref<1x64xf32, #tpu.memory_space<vmem>>
    %dma_start3A_607 = arith.constant 0 : i32
    %dma_start3A_608 = tpu.memref_slice %arg1[%get3A_48, %dma_start3A_607] : memref<100000x64xf32, #tpu.memory_space<any>> -> memref<1x64xf32, #tpu.memory_space<any>>
    tpu.enqueue_dma source(%dma_start3A_608 : memref<1x64xf32, #tpu.memory_space<any>>) target(%dma_start3A_606 : memref<1x64xf32, #tpu.memory_space<vmem>>) target_semaphore(%arg7 : memref<!tpu.dma_semaphore, #tpu.memory_space<semaphore_mem>>)
    %dma_start3A_609 = arith.constant 25 : i32
    %dma_start3A_610 = arith.constant 0 : i32
    %dma_start3A_611 = tpu.memref_slice %arg6[%dma_start3A_609, %dma_start3A_610] : memref<256x64xf32, #tpu.memory_space<vmem>> -> memref<1x64xf32, #tpu.memory_space<vmem>>
    %dma_start3A_612 = arith.constant 0 : i32
    %dma_start3A_613 = tpu.memref_slice %arg1[%get3A_50, %dma_start3A_612] : memref<100000x64xf32, #tpu.memory_space<any>> -> memref<1x64xf32, #tpu.memory_space<any>>
    tpu.enqueue_dma source(%dma_start3A_613 : memref<1x64xf32, #tpu.memory_space<any>>) target(%dma_start3A_611 : memref<1x64xf32, #tpu.memory_space<vmem>>) target_semaphore(%arg7 : memref<!tpu.dma_semaphore, #tpu.memory_space<semaphore_mem>>)
    %dma_start3A_614 = arith.constant 26 : i32
    %dma_start3A_615 = arith.constant 0 : i32
    %dma_start3A_616 = tpu.memref_slice %arg6[%dma_start3A_614, %dma_start3A_615] : memref<256x64xf32, #tpu.memory_space<vmem>> -> memref<1x64xf32, #tpu.memory_space<vmem>>
    %dma_start3A_617 = arith.constant 0 : i32
    %dma_start3A_618 = tpu.memref_slice %arg1[%get3A_52, %dma_start3A_617] : memref<100000x64xf32, #tpu.memory_space<any>> -> memref<1x64xf32, #tpu.memory_space<any>>
    tpu.enqueue_dma source(%dma_start3A_618 : memref<1x64xf32, #tpu.memory_space<any>>) target(%dma_start3A_616 : memref<1x64xf32, #tpu.memory_space<vmem>>) target_semaphore(%arg7 : memref<!tpu.dma_semaphore, #tpu.memory_space<semaphore_mem>>)
    %dma_start3A_619 = arith.constant 27 : i32
    %dma_start3A_620 = arith.constant 0 : i32
    %dma_start3A_621 = tpu.memref_slice %arg6[%dma_start3A_619, %dma_start3A_620] : memref<256x64xf32, #tpu.memory_space<vmem>> -> memref<1x64xf32, #tpu.memory_space<vmem>>
    %dma_start3A_622 = arith.constant 0 : i32
    %dma_start3A_623 = tpu.memref_slice %arg1[%get3A_54, %dma_start3A_622] : memref<100000x64xf32, #tpu.memory_space<any>> -> memref<1x64xf32, #tpu.memory_space<any>>
    tpu.enqueue_dma source(%dma_start3A_623 : memref<1x64xf32, #tpu.memory_space<any>>) target(%dma_start3A_621 : memref<1x64xf32, #tpu.memory_space<vmem>>) target_semaphore(%arg7 : memref<!tpu.dma_semaphore, #tpu.memory_space<semaphore_mem>>)
    %dma_start3A_624 = arith.constant 28 : i32
    %dma_start3A_625 = arith.constant 0 : i32
    %dma_start3A_626 = tpu.memref_slice %arg6[%dma_start3A_624, %dma_start3A_625] : memref<256x64xf32, #tpu.memory_space<vmem>> -> memref<1x64xf32, #tpu.memory_space<vmem>>
    %dma_start3A_627 = arith.constant 0 : i32
    %dma_start3A_628 = tpu.memref_slice %arg1[%get3A_56, %dma_start3A_627] : memref<100000x64xf32, #tpu.memory_space<any>> -> memref<1x64xf32, #tpu.memory_space<any>>
    tpu.enqueue_dma source(%dma_start3A_628 : memref<1x64xf32, #tpu.memory_space<any>>) target(%dma_start3A_626 : memref<1x64xf32, #tpu.memory_space<vmem>>) target_semaphore(%arg7 : memref<!tpu.dma_semaphore, #tpu.memory_space<semaphore_mem>>)
    %dma_start3A_629 = arith.constant 29 : i32
    %dma_start3A_630 = arith.constant 0 : i32
    %dma_start3A_631 = tpu.memref_slice %arg6[%dma_start3A_629, %dma_start3A_630] : memref<256x64xf32, #tpu.memory_space<vmem>> -> memref<1x64xf32, #tpu.memory_space<vmem>>
    %dma_start3A_632 = arith.constant 0 : i32
    %dma_start3A_633 = tpu.memref_slice %arg1[%get3A_58, %dma_start3A_632] : memref<100000x64xf32, #tpu.memory_space<any>> -> memref<1x64xf32, #tpu.memory_space<any>>
    tpu.enqueue_dma source(%dma_start3A_633 : memref<1x64xf32, #tpu.memory_space<any>>) target(%dma_start3A_631 : memref<1x64xf32, #tpu.memory_space<vmem>>) target_semaphore(%arg7 : memref<!tpu.dma_semaphore, #tpu.memory_space<semaphore_mem>>)
    %dma_start3A_634 = arith.constant 30 : i32
    %dma_start3A_635 = arith.constant 0 : i32
    %dma_start3A_636 = tpu.memref_slice %arg6[%dma_start3A_634, %dma_start3A_635] : memref<256x64xf32, #tpu.memory_space<vmem>> -> memref<1x64xf32, #tpu.memory_space<vmem>>
    %dma_start3A_637 = arith.constant 0 : i32
    %dma_start3A_638 = tpu.memref_slice %arg1[%get3A_60, %dma_start3A_637] : memref<100000x64xf32, #tpu.memory_space<any>> -> memref<1x64xf32, #tpu.memory_space<any>>
    tpu.enqueue_dma source(%dma_start3A_638 : memref<1x64xf32, #tpu.memory_space<any>>) target(%dma_start3A_636 : memref<1x64xf32, #tpu.memory_space<vmem>>) target_semaphore(%arg7 : memref<!tpu.dma_semaphore, #tpu.memory_space<semaphore_mem>>)
    %dma_start3A_639 = arith.constant 31 : i32
    %dma_start3A_640 = arith.constant 0 : i32
    %dma_start3A_641 = tpu.memref_slice %arg6[%dma_start3A_639, %dma_start3A_640] : memref<256x64xf32, #tpu.memory_space<vmem>> -> memref<1x64xf32, #tpu.memory_space<vmem>>
    %dma_start3A_642 = arith.constant 0 : i32
    %dma_start3A_643 = tpu.memref_slice %arg1[%get3A_62, %dma_start3A_642] : memref<100000x64xf32, #tpu.memory_space<any>> -> memref<1x64xf32, #tpu.memory_space<any>>
    tpu.enqueue_dma source(%dma_start3A_643 : memref<1x64xf32, #tpu.memory_space<any>>) target(%dma_start3A_641 : memref<1x64xf32, #tpu.memory_space<vmem>>) target_semaphore(%arg7 : memref<!tpu.dma_semaphore, #tpu.memory_space<semaphore_mem>>)
    %dma_start3A_644 = arith.constant 32 : i32
    %dma_start3A_645 = arith.constant 0 : i32
    %dma_start3A_646 = tpu.memref_slice %arg6[%dma_start3A_644, %dma_start3A_645] : memref<256x64xf32, #tpu.memory_space<vmem>> -> memref<1x64xf32, #tpu.memory_space<vmem>>
    %dma_start3A_647 = arith.constant 0 : i32
    %dma_start3A_648 = tpu.memref_slice %arg1[%get3A_64, %dma_start3A_647] : memref<100000x64xf32, #tpu.memory_space<any>> -> memref<1x64xf32, #tpu.memory_space<any>>
    tpu.enqueue_dma source(%dma_start3A_648 : memref<1x64xf32, #tpu.memory_space<any>>) target(%dma_start3A_646 : memref<1x64xf32, #tpu.memory_space<vmem>>) target_semaphore(%arg7 : memref<!tpu.dma_semaphore, #tpu.memory_space<semaphore_mem>>)
    %dma_start3A_649 = arith.constant 33 : i32
    %dma_start3A_650 = arith.constant 0 : i32
    %dma_start3A_651 = tpu.memref_slice %arg6[%dma_start3A_649, %dma_start3A_650] : memref<256x64xf32, #tpu.memory_space<vmem>> -> memref<1x64xf32, #tpu.memory_space<vmem>>
    %dma_start3A_652 = arith.constant 0 : i32
    %dma_start3A_653 = tpu.memref_slice %arg1[%get3A_66, %dma_start3A_652] : memref<100000x64xf32, #tpu.memory_space<any>> -> memref<1x64xf32, #tpu.memory_space<any>>
    tpu.enqueue_dma source(%dma_start3A_653 : memref<1x64xf32, #tpu.memory_space<any>>) target(%dma_start3A_651 : memref<1x64xf32, #tpu.memory_space<vmem>>) target_semaphore(%arg7 : memref<!tpu.dma_semaphore, #tpu.memory_space<semaphore_mem>>)
    %dma_start3A_654 = arith.constant 34 : i32
    %dma_start3A_655 = arith.constant 0 : i32
    %dma_start3A_656 = tpu.memref_slice %arg6[%dma_start3A_654, %dma_start3A_655] : memref<256x64xf32, #tpu.memory_space<vmem>> -> memref<1x64xf32, #tpu.memory_space<vmem>>
    %dma_start3A_657 = arith.constant 0 : i32
    %dma_start3A_658 = tpu.memref_slice %arg1[%get3A_68, %dma_start3A_657] : memref<100000x64xf32, #tpu.memory_space<any>> -> memref<1x64xf32, #tpu.memory_space<any>>
    tpu.enqueue_dma source(%dma_start3A_658 : memref<1x64xf32, #tpu.memory_space<any>>) target(%dma_start3A_656 : memref<1x64xf32, #tpu.memory_space<vmem>>) target_semaphore(%arg7 : memref<!tpu.dma_semaphore, #tpu.memory_space<semaphore_mem>>)
    %dma_start3A_659 = arith.constant 35 : i32
    %dma_start3A_660 = arith.constant 0 : i32
    %dma_start3A_661 = tpu.memref_slice %arg6[%dma_start3A_659, %dma_start3A_660] : memref<256x64xf32, #tpu.memory_space<vmem>> -> memref<1x64xf32, #tpu.memory_space<vmem>>
    %dma_start3A_662 = arith.constant 0 : i32
    %dma_start3A_663 = tpu.memref_slice %arg1[%get3A_70, %dma_start3A_662] : memref<100000x64xf32, #tpu.memory_space<any>> -> memref<1x64xf32, #tpu.memory_space<any>>
    tpu.enqueue_dma source(%dma_start3A_663 : memref<1x64xf32, #tpu.memory_space<any>>) target(%dma_start3A_661 : memref<1x64xf32, #tpu.memory_space<vmem>>) target_semaphore(%arg7 : memref<!tpu.dma_semaphore, #tpu.memory_space<semaphore_mem>>)
    %dma_start3A_664 = arith.constant 36 : i32
    %dma_start3A_665 = arith.constant 0 : i32
    %dma_start3A_666 = tpu.memref_slice %arg6[%dma_start3A_664, %dma_start3A_665] : memref<256x64xf32, #tpu.memory_space<vmem>> -> memref<1x64xf32, #tpu.memory_space<vmem>>
    %dma_start3A_667 = arith.constant 0 : i32
    %dma_start3A_668 = tpu.memref_slice %arg1[%get3A_72, %dma_start3A_667] : memref<100000x64xf32, #tpu.memory_space<any>> -> memref<1x64xf32, #tpu.memory_space<any>>
    tpu.enqueue_dma source(%dma_start3A_668 : memref<1x64xf32, #tpu.memory_space<any>>) target(%dma_start3A_666 : memref<1x64xf32, #tpu.memory_space<vmem>>) target_semaphore(%arg7 : memref<!tpu.dma_semaphore, #tpu.memory_space<semaphore_mem>>)
    %dma_start3A_669 = arith.constant 37 : i32
    %dma_start3A_670 = arith.constant 0 : i32
    %dma_start3A_671 = tpu.memref_slice %arg6[%dma_start3A_669, %dma_start3A_670] : memref<256x64xf32, #tpu.memory_space<vmem>> -> memref<1x64xf32, #tpu.memory_space<vmem>>
    %dma_start3A_672 = arith.constant 0 : i32
    %dma_start3A_673 = tpu.memref_slice %arg1[%get3A_74, %dma_start3A_672] : memref<100000x64xf32, #tpu.memory_space<any>> -> memref<1x64xf32, #tpu.memory_space<any>>
    tpu.enqueue_dma source(%dma_start3A_673 : memref<1x64xf32, #tpu.memory_space<any>>) target(%dma_start3A_671 : memref<1x64xf32, #tpu.memory_space<vmem>>) target_semaphore(%arg7 : memref<!tpu.dma_semaphore, #tpu.memory_space<semaphore_mem>>)
    %dma_start3A_674 = arith.constant 38 : i32
    %dma_start3A_675 = arith.constant 0 : i32
    %dma_start3A_676 = tpu.memref_slice %arg6[%dma_start3A_674, %dma_start3A_675] : memref<256x64xf32, #tpu.memory_space<vmem>> -> memref<1x64xf32, #tpu.memory_space<vmem>>
    %dma_start3A_677 = arith.constant 0 : i32
    %dma_start3A_678 = tpu.memref_slice %arg1[%get3A_76, %dma_start3A_677] : memref<100000x64xf32, #tpu.memory_space<any>> -> memref<1x64xf32, #tpu.memory_space<any>>
    tpu.enqueue_dma source(%dma_start3A_678 : memref<1x64xf32, #tpu.memory_space<any>>) target(%dma_start3A_676 : memref<1x64xf32, #tpu.memory_space<vmem>>) target_semaphore(%arg7 : memref<!tpu.dma_semaphore, #tpu.memory_space<semaphore_mem>>)
    %dma_start3A_679 = arith.constant 39 : i32
    %dma_start3A_680 = arith.constant 0 : i32
    %dma_start3A_681 = tpu.memref_slice %arg6[%dma_start3A_679, %dma_start3A_680] : memref<256x64xf32, #tpu.memory_space<vmem>> -> memref<1x64xf32, #tpu.memory_space<vmem>>
    %dma_start3A_682 = arith.constant 0 : i32
    %dma_start3A_683 = tpu.memref_slice %arg1[%get3A_78, %dma_start3A_682] : memref<100000x64xf32, #tpu.memory_space<any>> -> memref<1x64xf32, #tpu.memory_space<any>>
    tpu.enqueue_dma source(%dma_start3A_683 : memref<1x64xf32, #tpu.memory_space<any>>) target(%dma_start3A_681 : memref<1x64xf32, #tpu.memory_space<vmem>>) target_semaphore(%arg7 : memref<!tpu.dma_semaphore, #tpu.memory_space<semaphore_mem>>)
    %dma_start3A_684 = arith.constant 40 : i32
    %dma_start3A_685 = arith.constant 0 : i32
    %dma_start3A_686 = tpu.memref_slice %arg6[%dma_start3A_684, %dma_start3A_685] : memref<256x64xf32, #tpu.memory_space<vmem>> -> memref<1x64xf32, #tpu.memory_space<vmem>>
    %dma_start3A_687 = arith.constant 0 : i32
    %dma_start3A_688 = tpu.memref_slice %arg1[%get3A_80, %dma_start3A_687] : memref<100000x64xf32, #tpu.memory_space<any>> -> memref<1x64xf32, #tpu.memory_space<any>>
    tpu.enqueue_dma source(%dma_start3A_688 : memref<1x64xf32, #tpu.memory_space<any>>) target(%dma_start3A_686 : memref<1x64xf32, #tpu.memory_space<vmem>>) target_semaphore(%arg7 : memref<!tpu.dma_semaphore, #tpu.memory_space<semaphore_mem>>)
    %dma_start3A_689 = arith.constant 41 : i32
    %dma_start3A_690 = arith.constant 0 : i32
    %dma_start3A_691 = tpu.memref_slice %arg6[%dma_start3A_689, %dma_start3A_690] : memref<256x64xf32, #tpu.memory_space<vmem>> -> memref<1x64xf32, #tpu.memory_space<vmem>>
    %dma_start3A_692 = arith.constant 0 : i32
    %dma_start3A_693 = tpu.memref_slice %arg1[%get3A_82, %dma_start3A_692] : memref<100000x64xf32, #tpu.memory_space<any>> -> memref<1x64xf32, #tpu.memory_space<any>>
    tpu.enqueue_dma source(%dma_start3A_693 : memref<1x64xf32, #tpu.memory_space<any>>) target(%dma_start3A_691 : memref<1x64xf32, #tpu.memory_space<vmem>>) target_semaphore(%arg7 : memref<!tpu.dma_semaphore, #tpu.memory_space<semaphore_mem>>)
    %dma_start3A_694 = arith.constant 42 : i32
    %dma_start3A_695 = arith.constant 0 : i32
    %dma_start3A_696 = tpu.memref_slice %arg6[%dma_start3A_694, %dma_start3A_695] : memref<256x64xf32, #tpu.memory_space<vmem>> -> memref<1x64xf32, #tpu.memory_space<vmem>>
    %dma_start3A_697 = arith.constant 0 : i32
    %dma_start3A_698 = tpu.memref_slice %arg1[%get3A_84, %dma_start3A_697] : memref<100000x64xf32, #tpu.memory_space<any>> -> memref<1x64xf32, #tpu.memory_space<any>>
    tpu.enqueue_dma source(%dma_start3A_698 : memref<1x64xf32, #tpu.memory_space<any>>) target(%dma_start3A_696 : memref<1x64xf32, #tpu.memory_space<vmem>>) target_semaphore(%arg7 : memref<!tpu.dma_semaphore, #tpu.memory_space<semaphore_mem>>)
    %dma_start3A_699 = arith.constant 43 : i32
    %dma_start3A_700 = arith.constant 0 : i32
    %dma_start3A_701 = tpu.memref_slice %arg6[%dma_start3A_699, %dma_start3A_700] : memref<256x64xf32, #tpu.memory_space<vmem>> -> memref<1x64xf32, #tpu.memory_space<vmem>>
    %dma_start3A_702 = arith.constant 0 : i32
    %dma_start3A_703 = tpu.memref_slice %arg1[%get3A_86, %dma_start3A_702] : memref<100000x64xf32, #tpu.memory_space<any>> -> memref<1x64xf32, #tpu.memory_space<any>>
    tpu.enqueue_dma source(%dma_start3A_703 : memref<1x64xf32, #tpu.memory_space<any>>) target(%dma_start3A_701 : memref<1x64xf32, #tpu.memory_space<vmem>>) target_semaphore(%arg7 : memref<!tpu.dma_semaphore, #tpu.memory_space<semaphore_mem>>)
    %dma_start3A_704 = arith.constant 44 : i32
    %dma_start3A_705 = arith.constant 0 : i32
    %dma_start3A_706 = tpu.memref_slice %arg6[%dma_start3A_704, %dma_start3A_705] : memref<256x64xf32, #tpu.memory_space<vmem>> -> memref<1x64xf32, #tpu.memory_space<vmem>>
    %dma_start3A_707 = arith.constant 0 : i32
    %dma_start3A_708 = tpu.memref_slice %arg1[%get3A_88, %dma_start3A_707] : memref<100000x64xf32, #tpu.memory_space<any>> -> memref<1x64xf32, #tpu.memory_space<any>>
    tpu.enqueue_dma source(%dma_start3A_708 : memref<1x64xf32, #tpu.memory_space<any>>) target(%dma_start3A_706 : memref<1x64xf32, #tpu.memory_space<vmem>>) target_semaphore(%arg7 : memref<!tpu.dma_semaphore, #tpu.memory_space<semaphore_mem>>)
    %dma_start3A_709 = arith.constant 45 : i32
    %dma_start3A_710 = arith.constant 0 : i32
    %dma_start3A_711 = tpu.memref_slice %arg6[%dma_start3A_709, %dma_start3A_710] : memref<256x64xf32, #tpu.memory_space<vmem>> -> memref<1x64xf32, #tpu.memory_space<vmem>>
    %dma_start3A_712 = arith.constant 0 : i32
    %dma_start3A_713 = tpu.memref_slice %arg1[%get3A_90, %dma_start3A_712] : memref<100000x64xf32, #tpu.memory_space<any>> -> memref<1x64xf32, #tpu.memory_space<any>>
    tpu.enqueue_dma source(%dma_start3A_713 : memref<1x64xf32, #tpu.memory_space<any>>) target(%dma_start3A_711 : memref<1x64xf32, #tpu.memory_space<vmem>>) target_semaphore(%arg7 : memref<!tpu.dma_semaphore, #tpu.memory_space<semaphore_mem>>)
    %dma_start3A_714 = arith.constant 46 : i32
    %dma_start3A_715 = arith.constant 0 : i32
    %dma_start3A_716 = tpu.memref_slice %arg6[%dma_start3A_714, %dma_start3A_715] : memref<256x64xf32, #tpu.memory_space<vmem>> -> memref<1x64xf32, #tpu.memory_space<vmem>>
    %dma_start3A_717 = arith.constant 0 : i32
    %dma_start3A_718 = tpu.memref_slice %arg1[%get3A_92, %dma_start3A_717] : memref<100000x64xf32, #tpu.memory_space<any>> -> memref<1x64xf32, #tpu.memory_space<any>>
    tpu.enqueue_dma source(%dma_start3A_718 : memref<1x64xf32, #tpu.memory_space<any>>) target(%dma_start3A_716 : memref<1x64xf32, #tpu.memory_space<vmem>>) target_semaphore(%arg7 : memref<!tpu.dma_semaphore, #tpu.memory_space<semaphore_mem>>)
    %dma_start3A_719 = arith.constant 47 : i32
    %dma_start3A_720 = arith.constant 0 : i32
    %dma_start3A_721 = tpu.memref_slice %arg6[%dma_start3A_719, %dma_start3A_720] : memref<256x64xf32, #tpu.memory_space<vmem>> -> memref<1x64xf32, #tpu.memory_space<vmem>>
    %dma_start3A_722 = arith.constant 0 : i32
    %dma_start3A_723 = tpu.memref_slice %arg1[%get3A_94, %dma_start3A_722] : memref<100000x64xf32, #tpu.memory_space<any>> -> memref<1x64xf32, #tpu.memory_space<any>>
    tpu.enqueue_dma source(%dma_start3A_723 : memref<1x64xf32, #tpu.memory_space<any>>) target(%dma_start3A_721 : memref<1x64xf32, #tpu.memory_space<vmem>>) target_semaphore(%arg7 : memref<!tpu.dma_semaphore, #tpu.memory_space<semaphore_mem>>)
    %dma_start3A_724 = arith.constant 48 : i32
    %dma_start3A_725 = arith.constant 0 : i32
    %dma_start3A_726 = tpu.memref_slice %arg6[%dma_start3A_724, %dma_start3A_725] : memref<256x64xf32, #tpu.memory_space<vmem>> -> memref<1x64xf32, #tpu.memory_space<vmem>>
    %dma_start3A_727 = arith.constant 0 : i32
    %dma_start3A_728 = tpu.memref_slice %arg1[%get3A_96, %dma_start3A_727] : memref<100000x64xf32, #tpu.memory_space<any>> -> memref<1x64xf32, #tpu.memory_space<any>>
    tpu.enqueue_dma source(%dma_start3A_728 : memref<1x64xf32, #tpu.memory_space<any>>) target(%dma_start3A_726 : memref<1x64xf32, #tpu.memory_space<vmem>>) target_semaphore(%arg7 : memref<!tpu.dma_semaphore, #tpu.memory_space<semaphore_mem>>)
    %dma_start3A_729 = arith.constant 49 : i32
    %dma_start3A_730 = arith.constant 0 : i32
    %dma_start3A_731 = tpu.memref_slice %arg6[%dma_start3A_729, %dma_start3A_730] : memref<256x64xf32, #tpu.memory_space<vmem>> -> memref<1x64xf32, #tpu.memory_space<vmem>>
    %dma_start3A_732 = arith.constant 0 : i32
    %dma_start3A_733 = tpu.memref_slice %arg1[%get3A_98, %dma_start3A_732] : memref<100000x64xf32, #tpu.memory_space<any>> -> memref<1x64xf32, #tpu.memory_space<any>>
    tpu.enqueue_dma source(%dma_start3A_733 : memref<1x64xf32, #tpu.memory_space<any>>) target(%dma_start3A_731 : memref<1x64xf32, #tpu.memory_space<vmem>>) target_semaphore(%arg7 : memref<!tpu.dma_semaphore, #tpu.memory_space<semaphore_mem>>)
    %dma_start3A_734 = arith.constant 50 : i32
    %dma_start3A_735 = arith.constant 0 : i32
    %dma_start3A_736 = tpu.memref_slice %arg6[%dma_start3A_734, %dma_start3A_735] : memref<256x64xf32, #tpu.memory_space<vmem>> -> memref<1x64xf32, #tpu.memory_space<vmem>>
    %dma_start3A_737 = arith.constant 0 : i32
    %dma_start3A_738 = tpu.memref_slice %arg1[%get3A_100, %dma_start3A_737] : memref<100000x64xf32, #tpu.memory_space<any>> -> memref<1x64xf32, #tpu.memory_space<any>>
    tpu.enqueue_dma source(%dma_start3A_738 : memref<1x64xf32, #tpu.memory_space<any>>) target(%dma_start3A_736 : memref<1x64xf32, #tpu.memory_space<vmem>>) target_semaphore(%arg7 : memref<!tpu.dma_semaphore, #tpu.memory_space<semaphore_mem>>)
    %dma_start3A_739 = arith.constant 51 : i32
    %dma_start3A_740 = arith.constant 0 : i32
    %dma_start3A_741 = tpu.memref_slice %arg6[%dma_start3A_739, %dma_start3A_740] : memref<256x64xf32, #tpu.memory_space<vmem>> -> memref<1x64xf32, #tpu.memory_space<vmem>>
    %dma_start3A_742 = arith.constant 0 : i32
    %dma_start3A_743 = tpu.memref_slice %arg1[%get3A_102, %dma_start3A_742] : memref<100000x64xf32, #tpu.memory_space<any>> -> memref<1x64xf32, #tpu.memory_space<any>>
    tpu.enqueue_dma source(%dma_start3A_743 : memref<1x64xf32, #tpu.memory_space<any>>) target(%dma_start3A_741 : memref<1x64xf32, #tpu.memory_space<vmem>>) target_semaphore(%arg7 : memref<!tpu.dma_semaphore, #tpu.memory_space<semaphore_mem>>)
    %dma_start3A_744 = arith.constant 52 : i32
    %dma_start3A_745 = arith.constant 0 : i32
    %dma_start3A_746 = tpu.memref_slice %arg6[%dma_start3A_744, %dma_start3A_745] : memref<256x64xf32, #tpu.memory_space<vmem>> -> memref<1x64xf32, #tpu.memory_space<vmem>>
    %dma_start3A_747 = arith.constant 0 : i32
    %dma_start3A_748 = tpu.memref_slice %arg1[%get3A_104, %dma_start3A_747] : memref<100000x64xf32, #tpu.memory_space<any>> -> memref<1x64xf32, #tpu.memory_space<any>>
    tpu.enqueue_dma source(%dma_start3A_748 : memref<1x64xf32, #tpu.memory_space<any>>) target(%dma_start3A_746 : memref<1x64xf32, #tpu.memory_space<vmem>>) target_semaphore(%arg7 : memref<!tpu.dma_semaphore, #tpu.memory_space<semaphore_mem>>)
    %dma_start3A_749 = arith.constant 53 : i32
    %dma_start3A_750 = arith.constant 0 : i32
    %dma_start3A_751 = tpu.memref_slice %arg6[%dma_start3A_749, %dma_start3A_750] : memref<256x64xf32, #tpu.memory_space<vmem>> -> memref<1x64xf32, #tpu.memory_space<vmem>>
    %dma_start3A_752 = arith.constant 0 : i32
    %dma_start3A_753 = tpu.memref_slice %arg1[%get3A_106, %dma_start3A_752] : memref<100000x64xf32, #tpu.memory_space<any>> -> memref<1x64xf32, #tpu.memory_space<any>>
    tpu.enqueue_dma source(%dma_start3A_753 : memref<1x64xf32, #tpu.memory_space<any>>) target(%dma_start3A_751 : memref<1x64xf32, #tpu.memory_space<vmem>>) target_semaphore(%arg7 : memref<!tpu.dma_semaphore, #tpu.memory_space<semaphore_mem>>)
    %dma_start3A_754 = arith.constant 54 : i32
    %dma_start3A_755 = arith.constant 0 : i32
    %dma_start3A_756 = tpu.memref_slice %arg6[%dma_start3A_754, %dma_start3A_755] : memref<256x64xf32, #tpu.memory_space<vmem>> -> memref<1x64xf32, #tpu.memory_space<vmem>>
    %dma_start3A_757 = arith.constant 0 : i32
    %dma_start3A_758 = tpu.memref_slice %arg1[%get3A_108, %dma_start3A_757] : memref<100000x64xf32, #tpu.memory_space<any>> -> memref<1x64xf32, #tpu.memory_space<any>>
    tpu.enqueue_dma source(%dma_start3A_758 : memref<1x64xf32, #tpu.memory_space<any>>) target(%dma_start3A_756 : memref<1x64xf32, #tpu.memory_space<vmem>>) target_semaphore(%arg7 : memref<!tpu.dma_semaphore, #tpu.memory_space<semaphore_mem>>)
    %dma_start3A_759 = arith.constant 55 : i32
    %dma_start3A_760 = arith.constant 0 : i32
    %dma_start3A_761 = tpu.memref_slice %arg6[%dma_start3A_759, %dma_start3A_760] : memref<256x64xf32, #tpu.memory_space<vmem>> -> memref<1x64xf32, #tpu.memory_space<vmem>>
    %dma_start3A_762 = arith.constant 0 : i32
    %dma_start3A_763 = tpu.memref_slice %arg1[%get3A_110, %dma_start3A_762] : memref<100000x64xf32, #tpu.memory_space<any>> -> memref<1x64xf32, #tpu.memory_space<any>>
    tpu.enqueue_dma source(%dma_start3A_763 : memref<1x64xf32, #tpu.memory_space<any>>) target(%dma_start3A_761 : memref<1x64xf32, #tpu.memory_space<vmem>>) target_semaphore(%arg7 : memref<!tpu.dma_semaphore, #tpu.memory_space<semaphore_mem>>)
    %dma_start3A_764 = arith.constant 56 : i32
    %dma_start3A_765 = arith.constant 0 : i32
    %dma_start3A_766 = tpu.memref_slice %arg6[%dma_start3A_764, %dma_start3A_765] : memref<256x64xf32, #tpu.memory_space<vmem>> -> memref<1x64xf32, #tpu.memory_space<vmem>>
    %dma_start3A_767 = arith.constant 0 : i32
    %dma_start3A_768 = tpu.memref_slice %arg1[%get3A_112, %dma_start3A_767] : memref<100000x64xf32, #tpu.memory_space<any>> -> memref<1x64xf32, #tpu.memory_space<any>>
    tpu.enqueue_dma source(%dma_start3A_768 : memref<1x64xf32, #tpu.memory_space<any>>) target(%dma_start3A_766 : memref<1x64xf32, #tpu.memory_space<vmem>>) target_semaphore(%arg7 : memref<!tpu.dma_semaphore, #tpu.memory_space<semaphore_mem>>)
    %dma_start3A_769 = arith.constant 57 : i32
    %dma_start3A_770 = arith.constant 0 : i32
    %dma_start3A_771 = tpu.memref_slice %arg6[%dma_start3A_769, %dma_start3A_770] : memref<256x64xf32, #tpu.memory_space<vmem>> -> memref<1x64xf32, #tpu.memory_space<vmem>>
    %dma_start3A_772 = arith.constant 0 : i32
    %dma_start3A_773 = tpu.memref_slice %arg1[%get3A_114, %dma_start3A_772] : memref<100000x64xf32, #tpu.memory_space<any>> -> memref<1x64xf32, #tpu.memory_space<any>>
    tpu.enqueue_dma source(%dma_start3A_773 : memref<1x64xf32, #tpu.memory_space<any>>) target(%dma_start3A_771 : memref<1x64xf32, #tpu.memory_space<vmem>>) target_semaphore(%arg7 : memref<!tpu.dma_semaphore, #tpu.memory_space<semaphore_mem>>)
    %dma_start3A_774 = arith.constant 58 : i32
    %dma_start3A_775 = arith.constant 0 : i32
    %dma_start3A_776 = tpu.memref_slice %arg6[%dma_start3A_774, %dma_start3A_775] : memref<256x64xf32, #tpu.memory_space<vmem>> -> memref<1x64xf32, #tpu.memory_space<vmem>>
    %dma_start3A_777 = arith.constant 0 : i32
    %dma_start3A_778 = tpu.memref_slice %arg1[%get3A_116, %dma_start3A_777] : memref<100000x64xf32, #tpu.memory_space<any>> -> memref<1x64xf32, #tpu.memory_space<any>>
    tpu.enqueue_dma source(%dma_start3A_778 : memref<1x64xf32, #tpu.memory_space<any>>) target(%dma_start3A_776 : memref<1x64xf32, #tpu.memory_space<vmem>>) target_semaphore(%arg7 : memref<!tpu.dma_semaphore, #tpu.memory_space<semaphore_mem>>)
    %dma_start3A_779 = arith.constant 59 : i32
    %dma_start3A_780 = arith.constant 0 : i32
    %dma_start3A_781 = tpu.memref_slice %arg6[%dma_start3A_779, %dma_start3A_780] : memref<256x64xf32, #tpu.memory_space<vmem>> -> memref<1x64xf32, #tpu.memory_space<vmem>>
    %dma_start3A_782 = arith.constant 0 : i32
    %dma_start3A_783 = tpu.memref_slice %arg1[%get3A_118, %dma_start3A_782] : memref<100000x64xf32, #tpu.memory_space<any>> -> memref<1x64xf32, #tpu.memory_space<any>>
    tpu.enqueue_dma source(%dma_start3A_783 : memref<1x64xf32, #tpu.memory_space<any>>) target(%dma_start3A_781 : memref<1x64xf32, #tpu.memory_space<vmem>>) target_semaphore(%arg7 : memref<!tpu.dma_semaphore, #tpu.memory_space<semaphore_mem>>)
    %dma_start3A_784 = arith.constant 60 : i32
    %dma_start3A_785 = arith.constant 0 : i32
    %dma_start3A_786 = tpu.memref_slice %arg6[%dma_start3A_784, %dma_start3A_785] : memref<256x64xf32, #tpu.memory_space<vmem>> -> memref<1x64xf32, #tpu.memory_space<vmem>>
    %dma_start3A_787 = arith.constant 0 : i32
    %dma_start3A_788 = tpu.memref_slice %arg1[%get3A_120, %dma_start3A_787] : memref<100000x64xf32, #tpu.memory_space<any>> -> memref<1x64xf32, #tpu.memory_space<any>>
    tpu.enqueue_dma source(%dma_start3A_788 : memref<1x64xf32, #tpu.memory_space<any>>) target(%dma_start3A_786 : memref<1x64xf32, #tpu.memory_space<vmem>>) target_semaphore(%arg7 : memref<!tpu.dma_semaphore, #tpu.memory_space<semaphore_mem>>)
    %dma_start3A_789 = arith.constant 61 : i32
    %dma_start3A_790 = arith.constant 0 : i32
    %dma_start3A_791 = tpu.memref_slice %arg6[%dma_start3A_789, %dma_start3A_790] : memref<256x64xf32, #tpu.memory_space<vmem>> -> memref<1x64xf32, #tpu.memory_space<vmem>>
    %dma_start3A_792 = arith.constant 0 : i32
    %dma_start3A_793 = tpu.memref_slice %arg1[%get3A_122, %dma_start3A_792] : memref<100000x64xf32, #tpu.memory_space<any>> -> memref<1x64xf32, #tpu.memory_space<any>>
    tpu.enqueue_dma source(%dma_start3A_793 : memref<1x64xf32, #tpu.memory_space<any>>) target(%dma_start3A_791 : memref<1x64xf32, #tpu.memory_space<vmem>>) target_semaphore(%arg7 : memref<!tpu.dma_semaphore, #tpu.memory_space<semaphore_mem>>)
    %dma_start3A_794 = arith.constant 62 : i32
    %dma_start3A_795 = arith.constant 0 : i32
    %dma_start3A_796 = tpu.memref_slice %arg6[%dma_start3A_794, %dma_start3A_795] : memref<256x64xf32, #tpu.memory_space<vmem>> -> memref<1x64xf32, #tpu.memory_space<vmem>>
    %dma_start3A_797 = arith.constant 0 : i32
    %dma_start3A_798 = tpu.memref_slice %arg1[%get3A_124, %dma_start3A_797] : memref<100000x64xf32, #tpu.memory_space<any>> -> memref<1x64xf32, #tpu.memory_space<any>>
    tpu.enqueue_dma source(%dma_start3A_798 : memref<1x64xf32, #tpu.memory_space<any>>) target(%dma_start3A_796 : memref<1x64xf32, #tpu.memory_space<vmem>>) target_semaphore(%arg7 : memref<!tpu.dma_semaphore, #tpu.memory_space<semaphore_mem>>)
    %dma_start3A_799 = arith.constant 63 : i32
    %dma_start3A_800 = arith.constant 0 : i32
    %dma_start3A_801 = tpu.memref_slice %arg6[%dma_start3A_799, %dma_start3A_800] : memref<256x64xf32, #tpu.memory_space<vmem>> -> memref<1x64xf32, #tpu.memory_space<vmem>>
    %dma_start3A_802 = arith.constant 0 : i32
    %dma_start3A_803 = tpu.memref_slice %arg1[%get3A_126, %dma_start3A_802] : memref<100000x64xf32, #tpu.memory_space<any>> -> memref<1x64xf32, #tpu.memory_space<any>>
    tpu.enqueue_dma source(%dma_start3A_803 : memref<1x64xf32, #tpu.memory_space<any>>) target(%dma_start3A_801 : memref<1x64xf32, #tpu.memory_space<vmem>>) target_semaphore(%arg7 : memref<!tpu.dma_semaphore, #tpu.memory_space<semaphore_mem>>)
    %dma_start3A_804 = arith.constant 64 : i32
    %dma_start3A_805 = arith.constant 0 : i32
    %dma_start3A_806 = tpu.memref_slice %arg6[%dma_start3A_804, %dma_start3A_805] : memref<256x64xf32, #tpu.memory_space<vmem>> -> memref<1x64xf32, #tpu.memory_space<vmem>>
    %dma_start3A_807 = arith.constant 0 : i32
    %dma_start3A_808 = tpu.memref_slice %arg1[%get3A_128, %dma_start3A_807] : memref<100000x64xf32, #tpu.memory_space<any>> -> memref<1x64xf32, #tpu.memory_space<any>>
    tpu.enqueue_dma source(%dma_start3A_808 : memref<1x64xf32, #tpu.memory_space<any>>) target(%dma_start3A_806 : memref<1x64xf32, #tpu.memory_space<vmem>>) target_semaphore(%arg7 : memref<!tpu.dma_semaphore, #tpu.memory_space<semaphore_mem>>)
    %dma_start3A_809 = arith.constant 65 : i32
    %dma_start3A_810 = arith.constant 0 : i32
    %dma_start3A_811 = tpu.memref_slice %arg6[%dma_start3A_809, %dma_start3A_810] : memref<256x64xf32, #tpu.memory_space<vmem>> -> memref<1x64xf32, #tpu.memory_space<vmem>>
    %dma_start3A_812 = arith.constant 0 : i32
    %dma_start3A_813 = tpu.memref_slice %arg1[%get3A_130, %dma_start3A_812] : memref<100000x64xf32, #tpu.memory_space<any>> -> memref<1x64xf32, #tpu.memory_space<any>>
    tpu.enqueue_dma source(%dma_start3A_813 : memref<1x64xf32, #tpu.memory_space<any>>) target(%dma_start3A_811 : memref<1x64xf32, #tpu.memory_space<vmem>>) target_semaphore(%arg7 : memref<!tpu.dma_semaphore, #tpu.memory_space<semaphore_mem>>)
    %dma_start3A_814 = arith.constant 66 : i32
    %dma_start3A_815 = arith.constant 0 : i32
    %dma_start3A_816 = tpu.memref_slice %arg6[%dma_start3A_814, %dma_start3A_815] : memref<256x64xf32, #tpu.memory_space<vmem>> -> memref<1x64xf32, #tpu.memory_space<vmem>>
    %dma_start3A_817 = arith.constant 0 : i32
    %dma_start3A_818 = tpu.memref_slice %arg1[%get3A_132, %dma_start3A_817] : memref<100000x64xf32, #tpu.memory_space<any>> -> memref<1x64xf32, #tpu.memory_space<any>>
    tpu.enqueue_dma source(%dma_start3A_818 : memref<1x64xf32, #tpu.memory_space<any>>) target(%dma_start3A_816 : memref<1x64xf32, #tpu.memory_space<vmem>>) target_semaphore(%arg7 : memref<!tpu.dma_semaphore, #tpu.memory_space<semaphore_mem>>)
    %dma_start3A_819 = arith.constant 67 : i32
    %dma_start3A_820 = arith.constant 0 : i32
    %dma_start3A_821 = tpu.memref_slice %arg6[%dma_start3A_819, %dma_start3A_820] : memref<256x64xf32, #tpu.memory_space<vmem>> -> memref<1x64xf32, #tpu.memory_space<vmem>>
    %dma_start3A_822 = arith.constant 0 : i32
    %dma_start3A_823 = tpu.memref_slice %arg1[%get3A_134, %dma_start3A_822] : memref<100000x64xf32, #tpu.memory_space<any>> -> memref<1x64xf32, #tpu.memory_space<any>>
    tpu.enqueue_dma source(%dma_start3A_823 : memref<1x64xf32, #tpu.memory_space<any>>) target(%dma_start3A_821 : memref<1x64xf32, #tpu.memory_space<vmem>>) target_semaphore(%arg7 : memref<!tpu.dma_semaphore, #tpu.memory_space<semaphore_mem>>)
    %dma_start3A_824 = arith.constant 68 : i32
    %dma_start3A_825 = arith.constant 0 : i32
    %dma_start3A_826 = tpu.memref_slice %arg6[%dma_start3A_824, %dma_start3A_825] : memref<256x64xf32, #tpu.memory_space<vmem>> -> memref<1x64xf32, #tpu.memory_space<vmem>>
    %dma_start3A_827 = arith.constant 0 : i32
    %dma_start3A_828 = tpu.memref_slice %arg1[%get3A_136, %dma_start3A_827] : memref<100000x64xf32, #tpu.memory_space<any>> -> memref<1x64xf32, #tpu.memory_space<any>>
    tpu.enqueue_dma source(%dma_start3A_828 : memref<1x64xf32, #tpu.memory_space<any>>) target(%dma_start3A_826 : memref<1x64xf32, #tpu.memory_space<vmem>>) target_semaphore(%arg7 : memref<!tpu.dma_semaphore, #tpu.memory_space<semaphore_mem>>)
    %dma_start3A_829 = arith.constant 69 : i32
    %dma_start3A_830 = arith.constant 0 : i32
    %dma_start3A_831 = tpu.memref_slice %arg6[%dma_start3A_829, %dma_start3A_830] : memref<256x64xf32, #tpu.memory_space<vmem>> -> memref<1x64xf32, #tpu.memory_space<vmem>>
    %dma_start3A_832 = arith.constant 0 : i32
    %dma_start3A_833 = tpu.memref_slice %arg1[%get3A_138, %dma_start3A_832] : memref<100000x64xf32, #tpu.memory_space<any>> -> memref<1x64xf32, #tpu.memory_space<any>>
    tpu.enqueue_dma source(%dma_start3A_833 : memref<1x64xf32, #tpu.memory_space<any>>) target(%dma_start3A_831 : memref<1x64xf32, #tpu.memory_space<vmem>>) target_semaphore(%arg7 : memref<!tpu.dma_semaphore, #tpu.memory_space<semaphore_mem>>)
    %dma_start3A_834 = arith.constant 70 : i32
    %dma_start3A_835 = arith.constant 0 : i32
    %dma_start3A_836 = tpu.memref_slice %arg6[%dma_start3A_834, %dma_start3A_835] : memref<256x64xf32, #tpu.memory_space<vmem>> -> memref<1x64xf32, #tpu.memory_space<vmem>>
    %dma_start3A_837 = arith.constant 0 : i32
    %dma_start3A_838 = tpu.memref_slice %arg1[%get3A_140, %dma_start3A_837] : memref<100000x64xf32, #tpu.memory_space<any>> -> memref<1x64xf32, #tpu.memory_space<any>>
    tpu.enqueue_dma source(%dma_start3A_838 : memref<1x64xf32, #tpu.memory_space<any>>) target(%dma_start3A_836 : memref<1x64xf32, #tpu.memory_space<vmem>>) target_semaphore(%arg7 : memref<!tpu.dma_semaphore, #tpu.memory_space<semaphore_mem>>)
    %dma_start3A_839 = arith.constant 71 : i32
    %dma_start3A_840 = arith.constant 0 : i32
    %dma_start3A_841 = tpu.memref_slice %arg6[%dma_start3A_839, %dma_start3A_840] : memref<256x64xf32, #tpu.memory_space<vmem>> -> memref<1x64xf32, #tpu.memory_space<vmem>>
    %dma_start3A_842 = arith.constant 0 : i32
    %dma_start3A_843 = tpu.memref_slice %arg1[%get3A_142, %dma_start3A_842] : memref<100000x64xf32, #tpu.memory_space<any>> -> memref<1x64xf32, #tpu.memory_space<any>>
    tpu.enqueue_dma source(%dma_start3A_843 : memref<1x64xf32, #tpu.memory_space<any>>) target(%dma_start3A_841 : memref<1x64xf32, #tpu.memory_space<vmem>>) target_semaphore(%arg7 : memref<!tpu.dma_semaphore, #tpu.memory_space<semaphore_mem>>)
    %dma_start3A_844 = arith.constant 72 : i32
    %dma_start3A_845 = arith.constant 0 : i32
    %dma_start3A_846 = tpu.memref_slice %arg6[%dma_start3A_844, %dma_start3A_845] : memref<256x64xf32, #tpu.memory_space<vmem>> -> memref<1x64xf32, #tpu.memory_space<vmem>>
    %dma_start3A_847 = arith.constant 0 : i32
    %dma_start3A_848 = tpu.memref_slice %arg1[%get3A_144, %dma_start3A_847] : memref<100000x64xf32, #tpu.memory_space<any>> -> memref<1x64xf32, #tpu.memory_space<any>>
    tpu.enqueue_dma source(%dma_start3A_848 : memref<1x64xf32, #tpu.memory_space<any>>) target(%dma_start3A_846 : memref<1x64xf32, #tpu.memory_space<vmem>>) target_semaphore(%arg7 : memref<!tpu.dma_semaphore, #tpu.memory_space<semaphore_mem>>)
    %dma_start3A_849 = arith.constant 73 : i32
    %dma_start3A_850 = arith.constant 0 : i32
    %dma_start3A_851 = tpu.memref_slice %arg6[%dma_start3A_849, %dma_start3A_850] : memref<256x64xf32, #tpu.memory_space<vmem>> -> memref<1x64xf32, #tpu.memory_space<vmem>>
    %dma_start3A_852 = arith.constant 0 : i32
    %dma_start3A_853 = tpu.memref_slice %arg1[%get3A_146, %dma_start3A_852] : memref<100000x64xf32, #tpu.memory_space<any>> -> memref<1x64xf32, #tpu.memory_space<any>>
    tpu.enqueue_dma source(%dma_start3A_853 : memref<1x64xf32, #tpu.memory_space<any>>) target(%dma_start3A_851 : memref<1x64xf32, #tpu.memory_space<vmem>>) target_semaphore(%arg7 : memref<!tpu.dma_semaphore, #tpu.memory_space<semaphore_mem>>)
    %dma_start3A_854 = arith.constant 74 : i32
    %dma_start3A_855 = arith.constant 0 : i32
    %dma_start3A_856 = tpu.memref_slice %arg6[%dma_start3A_854, %dma_start3A_855] : memref<256x64xf32, #tpu.memory_space<vmem>> -> memref<1x64xf32, #tpu.memory_space<vmem>>
    %dma_start3A_857 = arith.constant 0 : i32
    %dma_start3A_858 = tpu.memref_slice %arg1[%get3A_148, %dma_start3A_857] : memref<100000x64xf32, #tpu.memory_space<any>> -> memref<1x64xf32, #tpu.memory_space<any>>
    tpu.enqueue_dma source(%dma_start3A_858 : memref<1x64xf32, #tpu.memory_space<any>>) target(%dma_start3A_856 : memref<1x64xf32, #tpu.memory_space<vmem>>) target_semaphore(%arg7 : memref<!tpu.dma_semaphore, #tpu.memory_space<semaphore_mem>>)
    %dma_start3A_859 = arith.constant 75 : i32
    %dma_start3A_860 = arith.constant 0 : i32
    %dma_start3A_861 = tpu.memref_slice %arg6[%dma_start3A_859, %dma_start3A_860] : memref<256x64xf32, #tpu.memory_space<vmem>> -> memref<1x64xf32, #tpu.memory_space<vmem>>
    %dma_start3A_862 = arith.constant 0 : i32
    %dma_start3A_863 = tpu.memref_slice %arg1[%get3A_150, %dma_start3A_862] : memref<100000x64xf32, #tpu.memory_space<any>> -> memref<1x64xf32, #tpu.memory_space<any>>
    tpu.enqueue_dma source(%dma_start3A_863 : memref<1x64xf32, #tpu.memory_space<any>>) target(%dma_start3A_861 : memref<1x64xf32, #tpu.memory_space<vmem>>) target_semaphore(%arg7 : memref<!tpu.dma_semaphore, #tpu.memory_space<semaphore_mem>>)
    %dma_start3A_864 = arith.constant 76 : i32
    %dma_start3A_865 = arith.constant 0 : i32
    %dma_start3A_866 = tpu.memref_slice %arg6[%dma_start3A_864, %dma_start3A_865] : memref<256x64xf32, #tpu.memory_space<vmem>> -> memref<1x64xf32, #tpu.memory_space<vmem>>
    %dma_start3A_867 = arith.constant 0 : i32
    %dma_start3A_868 = tpu.memref_slice %arg1[%get3A_152, %dma_start3A_867] : memref<100000x64xf32, #tpu.memory_space<any>> -> memref<1x64xf32, #tpu.memory_space<any>>
    tpu.enqueue_dma source(%dma_start3A_868 : memref<1x64xf32, #tpu.memory_space<any>>) target(%dma_start3A_866 : memref<1x64xf32, #tpu.memory_space<vmem>>) target_semaphore(%arg7 : memref<!tpu.dma_semaphore, #tpu.memory_space<semaphore_mem>>)
    %dma_start3A_869 = arith.constant 77 : i32
    %dma_start3A_870 = arith.constant 0 : i32
    %dma_start3A_871 = tpu.memref_slice %arg6[%dma_start3A_869, %dma_start3A_870] : memref<256x64xf32, #tpu.memory_space<vmem>> -> memref<1x64xf32, #tpu.memory_space<vmem>>
    %dma_start3A_872 = arith.constant 0 : i32
    %dma_start3A_873 = tpu.memref_slice %arg1[%get3A_154, %dma_start3A_872] : memref<100000x64xf32, #tpu.memory_space<any>> -> memref<1x64xf32, #tpu.memory_space<any>>
    tpu.enqueue_dma source(%dma_start3A_873 : memref<1x64xf32, #tpu.memory_space<any>>) target(%dma_start3A_871 : memref<1x64xf32, #tpu.memory_space<vmem>>) target_semaphore(%arg7 : memref<!tpu.dma_semaphore, #tpu.memory_space<semaphore_mem>>)
    %dma_start3A_874 = arith.constant 78 : i32
    %dma_start3A_875 = arith.constant 0 : i32
    %dma_start3A_876 = tpu.memref_slice %arg6[%dma_start3A_874, %dma_start3A_875] : memref<256x64xf32, #tpu.memory_space<vmem>> -> memref<1x64xf32, #tpu.memory_space<vmem>>
    %dma_start3A_877 = arith.constant 0 : i32
    %dma_start3A_878 = tpu.memref_slice %arg1[%get3A_156, %dma_start3A_877] : memref<100000x64xf32, #tpu.memory_space<any>> -> memref<1x64xf32, #tpu.memory_space<any>>
    tpu.enqueue_dma source(%dma_start3A_878 : memref<1x64xf32, #tpu.memory_space<any>>) target(%dma_start3A_876 : memref<1x64xf32, #tpu.memory_space<vmem>>) target_semaphore(%arg7 : memref<!tpu.dma_semaphore, #tpu.memory_space<semaphore_mem>>)
    %dma_start3A_879 = arith.constant 79 : i32
    %dma_start3A_880 = arith.constant 0 : i32
    %dma_start3A_881 = tpu.memref_slice %arg6[%dma_start3A_879, %dma_start3A_880] : memref<256x64xf32, #tpu.memory_space<vmem>> -> memref<1x64xf32, #tpu.memory_space<vmem>>
    %dma_start3A_882 = arith.constant 0 : i32
    %dma_start3A_883 = tpu.memref_slice %arg1[%get3A_158, %dma_start3A_882] : memref<100000x64xf32, #tpu.memory_space<any>> -> memref<1x64xf32, #tpu.memory_space<any>>
    tpu.enqueue_dma source(%dma_start3A_883 : memref<1x64xf32, #tpu.memory_space<any>>) target(%dma_start3A_881 : memref<1x64xf32, #tpu.memory_space<vmem>>) target_semaphore(%arg7 : memref<!tpu.dma_semaphore, #tpu.memory_space<semaphore_mem>>)
    %dma_start3A_884 = arith.constant 80 : i32
    %dma_start3A_885 = arith.constant 0 : i32
    %dma_start3A_886 = tpu.memref_slice %arg6[%dma_start3A_884, %dma_start3A_885] : memref<256x64xf32, #tpu.memory_space<vmem>> -> memref<1x64xf32, #tpu.memory_space<vmem>>
    %dma_start3A_887 = arith.constant 0 : i32
    %dma_start3A_888 = tpu.memref_slice %arg1[%get3A_160, %dma_start3A_887] : memref<100000x64xf32, #tpu.memory_space<any>> -> memref<1x64xf32, #tpu.memory_space<any>>
    tpu.enqueue_dma source(%dma_start3A_888 : memref<1x64xf32, #tpu.memory_space<any>>) target(%dma_start3A_886 : memref<1x64xf32, #tpu.memory_space<vmem>>) target_semaphore(%arg7 : memref<!tpu.dma_semaphore, #tpu.memory_space<semaphore_mem>>)
    %dma_start3A_889 = arith.constant 81 : i32
    %dma_start3A_890 = arith.constant 0 : i32
    %dma_start3A_891 = tpu.memref_slice %arg6[%dma_start3A_889, %dma_start3A_890] : memref<256x64xf32, #tpu.memory_space<vmem>> -> memref<1x64xf32, #tpu.memory_space<vmem>>
    %dma_start3A_892 = arith.constant 0 : i32
    %dma_start3A_893 = tpu.memref_slice %arg1[%get3A_162, %dma_start3A_892] : memref<100000x64xf32, #tpu.memory_space<any>> -> memref<1x64xf32, #tpu.memory_space<any>>
    tpu.enqueue_dma source(%dma_start3A_893 : memref<1x64xf32, #tpu.memory_space<any>>) target(%dma_start3A_891 : memref<1x64xf32, #tpu.memory_space<vmem>>) target_semaphore(%arg7 : memref<!tpu.dma_semaphore, #tpu.memory_space<semaphore_mem>>)
    %dma_start3A_894 = arith.constant 82 : i32
    %dma_start3A_895 = arith.constant 0 : i32
    %dma_start3A_896 = tpu.memref_slice %arg6[%dma_start3A_894, %dma_start3A_895] : memref<256x64xf32, #tpu.memory_space<vmem>> -> memref<1x64xf32, #tpu.memory_space<vmem>>
    %dma_start3A_897 = arith.constant 0 : i32
    %dma_start3A_898 = tpu.memref_slice %arg1[%get3A_164, %dma_start3A_897] : memref<100000x64xf32, #tpu.memory_space<any>> -> memref<1x64xf32, #tpu.memory_space<any>>
    tpu.enqueue_dma source(%dma_start3A_898 : memref<1x64xf32, #tpu.memory_space<any>>) target(%dma_start3A_896 : memref<1x64xf32, #tpu.memory_space<vmem>>) target_semaphore(%arg7 : memref<!tpu.dma_semaphore, #tpu.memory_space<semaphore_mem>>)
    %dma_start3A_899 = arith.constant 83 : i32
    %dma_start3A_900 = arith.constant 0 : i32
    %dma_start3A_901 = tpu.memref_slice %arg6[%dma_start3A_899, %dma_start3A_900] : memref<256x64xf32, #tpu.memory_space<vmem>> -> memref<1x64xf32, #tpu.memory_space<vmem>>
    %dma_start3A_902 = arith.constant 0 : i32
    %dma_start3A_903 = tpu.memref_slice %arg1[%get3A_166, %dma_start3A_902] : memref<100000x64xf32, #tpu.memory_space<any>> -> memref<1x64xf32, #tpu.memory_space<any>>
    tpu.enqueue_dma source(%dma_start3A_903 : memref<1x64xf32, #tpu.memory_space<any>>) target(%dma_start3A_901 : memref<1x64xf32, #tpu.memory_space<vmem>>) target_semaphore(%arg7 : memref<!tpu.dma_semaphore, #tpu.memory_space<semaphore_mem>>)
    %dma_start3A_904 = arith.constant 84 : i32
    %dma_start3A_905 = arith.constant 0 : i32
    %dma_start3A_906 = tpu.memref_slice %arg6[%dma_start3A_904, %dma_start3A_905] : memref<256x64xf32, #tpu.memory_space<vmem>> -> memref<1x64xf32, #tpu.memory_space<vmem>>
    %dma_start3A_907 = arith.constant 0 : i32
    %dma_start3A_908 = tpu.memref_slice %arg1[%get3A_168, %dma_start3A_907] : memref<100000x64xf32, #tpu.memory_space<any>> -> memref<1x64xf32, #tpu.memory_space<any>>
    tpu.enqueue_dma source(%dma_start3A_908 : memref<1x64xf32, #tpu.memory_space<any>>) target(%dma_start3A_906 : memref<1x64xf32, #tpu.memory_space<vmem>>) target_semaphore(%arg7 : memref<!tpu.dma_semaphore, #tpu.memory_space<semaphore_mem>>)
    %dma_start3A_909 = arith.constant 85 : i32
    %dma_start3A_910 = arith.constant 0 : i32
    %dma_start3A_911 = tpu.memref_slice %arg6[%dma_start3A_909, %dma_start3A_910] : memref<256x64xf32, #tpu.memory_space<vmem>> -> memref<1x64xf32, #tpu.memory_space<vmem>>
    %dma_start3A_912 = arith.constant 0 : i32
    %dma_start3A_913 = tpu.memref_slice %arg1[%get3A_170, %dma_start3A_912] : memref<100000x64xf32, #tpu.memory_space<any>> -> memref<1x64xf32, #tpu.memory_space<any>>
    tpu.enqueue_dma source(%dma_start3A_913 : memref<1x64xf32, #tpu.memory_space<any>>) target(%dma_start3A_911 : memref<1x64xf32, #tpu.memory_space<vmem>>) target_semaphore(%arg7 : memref<!tpu.dma_semaphore, #tpu.memory_space<semaphore_mem>>)
    %dma_start3A_914 = arith.constant 86 : i32
    %dma_start3A_915 = arith.constant 0 : i32
    %dma_start3A_916 = tpu.memref_slice %arg6[%dma_start3A_914, %dma_start3A_915] : memref<256x64xf32, #tpu.memory_space<vmem>> -> memref<1x64xf32, #tpu.memory_space<vmem>>
    %dma_start3A_917 = arith.constant 0 : i32
    %dma_start3A_918 = tpu.memref_slice %arg1[%get3A_172, %dma_start3A_917] : memref<100000x64xf32, #tpu.memory_space<any>> -> memref<1x64xf32, #tpu.memory_space<any>>
    tpu.enqueue_dma source(%dma_start3A_918 : memref<1x64xf32, #tpu.memory_space<any>>) target(%dma_start3A_916 : memref<1x64xf32, #tpu.memory_space<vmem>>) target_semaphore(%arg7 : memref<!tpu.dma_semaphore, #tpu.memory_space<semaphore_mem>>)
    %dma_start3A_919 = arith.constant 87 : i32
    %dma_start3A_920 = arith.constant 0 : i32
    %dma_start3A_921 = tpu.memref_slice %arg6[%dma_start3A_919, %dma_start3A_920] : memref<256x64xf32, #tpu.memory_space<vmem>> -> memref<1x64xf32, #tpu.memory_space<vmem>>
    %dma_start3A_922 = arith.constant 0 : i32
    %dma_start3A_923 = tpu.memref_slice %arg1[%get3A_174, %dma_start3A_922] : memref<100000x64xf32, #tpu.memory_space<any>> -> memref<1x64xf32, #tpu.memory_space<any>>
    tpu.enqueue_dma source(%dma_start3A_923 : memref<1x64xf32, #tpu.memory_space<any>>) target(%dma_start3A_921 : memref<1x64xf32, #tpu.memory_space<vmem>>) target_semaphore(%arg7 : memref<!tpu.dma_semaphore, #tpu.memory_space<semaphore_mem>>)
    %dma_start3A_924 = arith.constant 88 : i32
    %dma_start3A_925 = arith.constant 0 : i32
    %dma_start3A_926 = tpu.memref_slice %arg6[%dma_start3A_924, %dma_start3A_925] : memref<256x64xf32, #tpu.memory_space<vmem>> -> memref<1x64xf32, #tpu.memory_space<vmem>>
    %dma_start3A_927 = arith.constant 0 : i32
    %dma_start3A_928 = tpu.memref_slice %arg1[%get3A_176, %dma_start3A_927] : memref<100000x64xf32, #tpu.memory_space<any>> -> memref<1x64xf32, #tpu.memory_space<any>>
    tpu.enqueue_dma source(%dma_start3A_928 : memref<1x64xf32, #tpu.memory_space<any>>) target(%dma_start3A_926 : memref<1x64xf32, #tpu.memory_space<vmem>>) target_semaphore(%arg7 : memref<!tpu.dma_semaphore, #tpu.memory_space<semaphore_mem>>)
    %dma_start3A_929 = arith.constant 89 : i32
    %dma_start3A_930 = arith.constant 0 : i32
    %dma_start3A_931 = tpu.memref_slice %arg6[%dma_start3A_929, %dma_start3A_930] : memref<256x64xf32, #tpu.memory_space<vmem>> -> memref<1x64xf32, #tpu.memory_space<vmem>>
    %dma_start3A_932 = arith.constant 0 : i32
    %dma_start3A_933 = tpu.memref_slice %arg1[%get3A_178, %dma_start3A_932] : memref<100000x64xf32, #tpu.memory_space<any>> -> memref<1x64xf32, #tpu.memory_space<any>>
    tpu.enqueue_dma source(%dma_start3A_933 : memref<1x64xf32, #tpu.memory_space<any>>) target(%dma_start3A_931 : memref<1x64xf32, #tpu.memory_space<vmem>>) target_semaphore(%arg7 : memref<!tpu.dma_semaphore, #tpu.memory_space<semaphore_mem>>)
    %dma_start3A_934 = arith.constant 90 : i32
    %dma_start3A_935 = arith.constant 0 : i32
    %dma_start3A_936 = tpu.memref_slice %arg6[%dma_start3A_934, %dma_start3A_935] : memref<256x64xf32, #tpu.memory_space<vmem>> -> memref<1x64xf32, #tpu.memory_space<vmem>>
    %dma_start3A_937 = arith.constant 0 : i32
    %dma_start3A_938 = tpu.memref_slice %arg1[%get3A_180, %dma_start3A_937] : memref<100000x64xf32, #tpu.memory_space<any>> -> memref<1x64xf32, #tpu.memory_space<any>>
    tpu.enqueue_dma source(%dma_start3A_938 : memref<1x64xf32, #tpu.memory_space<any>>) target(%dma_start3A_936 : memref<1x64xf32, #tpu.memory_space<vmem>>) target_semaphore(%arg7 : memref<!tpu.dma_semaphore, #tpu.memory_space<semaphore_mem>>)
    %dma_start3A_939 = arith.constant 91 : i32
    %dma_start3A_940 = arith.constant 0 : i32
    %dma_start3A_941 = tpu.memref_slice %arg6[%dma_start3A_939, %dma_start3A_940] : memref<256x64xf32, #tpu.memory_space<vmem>> -> memref<1x64xf32, #tpu.memory_space<vmem>>
    %dma_start3A_942 = arith.constant 0 : i32
    %dma_start3A_943 = tpu.memref_slice %arg1[%get3A_182, %dma_start3A_942] : memref<100000x64xf32, #tpu.memory_space<any>> -> memref<1x64xf32, #tpu.memory_space<any>>
    tpu.enqueue_dma source(%dma_start3A_943 : memref<1x64xf32, #tpu.memory_space<any>>) target(%dma_start3A_941 : memref<1x64xf32, #tpu.memory_space<vmem>>) target_semaphore(%arg7 : memref<!tpu.dma_semaphore, #tpu.memory_space<semaphore_mem>>)
    %dma_start3A_944 = arith.constant 92 : i32
    %dma_start3A_945 = arith.constant 0 : i32
    %dma_start3A_946 = tpu.memref_slice %arg6[%dma_start3A_944, %dma_start3A_945] : memref<256x64xf32, #tpu.memory_space<vmem>> -> memref<1x64xf32, #tpu.memory_space<vmem>>
    %dma_start3A_947 = arith.constant 0 : i32
    %dma_start3A_948 = tpu.memref_slice %arg1[%get3A_184, %dma_start3A_947] : memref<100000x64xf32, #tpu.memory_space<any>> -> memref<1x64xf32, #tpu.memory_space<any>>
    tpu.enqueue_dma source(%dma_start3A_948 : memref<1x64xf32, #tpu.memory_space<any>>) target(%dma_start3A_946 : memref<1x64xf32, #tpu.memory_space<vmem>>) target_semaphore(%arg7 : memref<!tpu.dma_semaphore, #tpu.memory_space<semaphore_mem>>)
    %dma_start3A_949 = arith.constant 93 : i32
    %dma_start3A_950 = arith.constant 0 : i32
    %dma_start3A_951 = tpu.memref_slice %arg6[%dma_start3A_949, %dma_start3A_950] : memref<256x64xf32, #tpu.memory_space<vmem>> -> memref<1x64xf32, #tpu.memory_space<vmem>>
    %dma_start3A_952 = arith.constant 0 : i32
    %dma_start3A_953 = tpu.memref_slice %arg1[%get3A_186, %dma_start3A_952] : memref<100000x64xf32, #tpu.memory_space<any>> -> memref<1x64xf32, #tpu.memory_space<any>>
    tpu.enqueue_dma source(%dma_start3A_953 : memref<1x64xf32, #tpu.memory_space<any>>) target(%dma_start3A_951 : memref<1x64xf32, #tpu.memory_space<vmem>>) target_semaphore(%arg7 : memref<!tpu.dma_semaphore, #tpu.memory_space<semaphore_mem>>)
    %dma_start3A_954 = arith.constant 94 : i32
    %dma_start3A_955 = arith.constant 0 : i32
    %dma_start3A_956 = tpu.memref_slice %arg6[%dma_start3A_954, %dma_start3A_955] : memref<256x64xf32, #tpu.memory_space<vmem>> -> memref<1x64xf32, #tpu.memory_space<vmem>>
    %dma_start3A_957 = arith.constant 0 : i32
    %dma_start3A_958 = tpu.memref_slice %arg1[%get3A_188, %dma_start3A_957] : memref<100000x64xf32, #tpu.memory_space<any>> -> memref<1x64xf32, #tpu.memory_space<any>>
    tpu.enqueue_dma source(%dma_start3A_958 : memref<1x64xf32, #tpu.memory_space<any>>) target(%dma_start3A_956 : memref<1x64xf32, #tpu.memory_space<vmem>>) target_semaphore(%arg7 : memref<!tpu.dma_semaphore, #tpu.memory_space<semaphore_mem>>)
    %dma_start3A_959 = arith.constant 95 : i32
    %dma_start3A_960 = arith.constant 0 : i32
    %dma_start3A_961 = tpu.memref_slice %arg6[%dma_start3A_959, %dma_start3A_960] : memref<256x64xf32, #tpu.memory_space<vmem>> -> memref<1x64xf32, #tpu.memory_space<vmem>>
    %dma_start3A_962 = arith.constant 0 : i32
    %dma_start3A_963 = tpu.memref_slice %arg1[%get3A_190, %dma_start3A_962] : memref<100000x64xf32, #tpu.memory_space<any>> -> memref<1x64xf32, #tpu.memory_space<any>>
    tpu.enqueue_dma source(%dma_start3A_963 : memref<1x64xf32, #tpu.memory_space<any>>) target(%dma_start3A_961 : memref<1x64xf32, #tpu.memory_space<vmem>>) target_semaphore(%arg7 : memref<!tpu.dma_semaphore, #tpu.memory_space<semaphore_mem>>)
    %dma_start3A_964 = arith.constant 96 : i32
    %dma_start3A_965 = arith.constant 0 : i32
    %dma_start3A_966 = tpu.memref_slice %arg6[%dma_start3A_964, %dma_start3A_965] : memref<256x64xf32, #tpu.memory_space<vmem>> -> memref<1x64xf32, #tpu.memory_space<vmem>>
    %dma_start3A_967 = arith.constant 0 : i32
    %dma_start3A_968 = tpu.memref_slice %arg1[%get3A_192, %dma_start3A_967] : memref<100000x64xf32, #tpu.memory_space<any>> -> memref<1x64xf32, #tpu.memory_space<any>>
    tpu.enqueue_dma source(%dma_start3A_968 : memref<1x64xf32, #tpu.memory_space<any>>) target(%dma_start3A_966 : memref<1x64xf32, #tpu.memory_space<vmem>>) target_semaphore(%arg7 : memref<!tpu.dma_semaphore, #tpu.memory_space<semaphore_mem>>)
    %dma_start3A_969 = arith.constant 97 : i32
    %dma_start3A_970 = arith.constant 0 : i32
    %dma_start3A_971 = tpu.memref_slice %arg6[%dma_start3A_969, %dma_start3A_970] : memref<256x64xf32, #tpu.memory_space<vmem>> -> memref<1x64xf32, #tpu.memory_space<vmem>>
    %dma_start3A_972 = arith.constant 0 : i32
    %dma_start3A_973 = tpu.memref_slice %arg1[%get3A_194, %dma_start3A_972] : memref<100000x64xf32, #tpu.memory_space<any>> -> memref<1x64xf32, #tpu.memory_space<any>>
    tpu.enqueue_dma source(%dma_start3A_973 : memref<1x64xf32, #tpu.memory_space<any>>) target(%dma_start3A_971 : memref<1x64xf32, #tpu.memory_space<vmem>>) target_semaphore(%arg7 : memref<!tpu.dma_semaphore, #tpu.memory_space<semaphore_mem>>)
    %dma_start3A_974 = arith.constant 98 : i32
    %dma_start3A_975 = arith.constant 0 : i32
    %dma_start3A_976 = tpu.memref_slice %arg6[%dma_start3A_974, %dma_start3A_975] : memref<256x64xf32, #tpu.memory_space<vmem>> -> memref<1x64xf32, #tpu.memory_space<vmem>>
    %dma_start3A_977 = arith.constant 0 : i32
    %dma_start3A_978 = tpu.memref_slice %arg1[%get3A_196, %dma_start3A_977] : memref<100000x64xf32, #tpu.memory_space<any>> -> memref<1x64xf32, #tpu.memory_space<any>>
    tpu.enqueue_dma source(%dma_start3A_978 : memref<1x64xf32, #tpu.memory_space<any>>) target(%dma_start3A_976 : memref<1x64xf32, #tpu.memory_space<vmem>>) target_semaphore(%arg7 : memref<!tpu.dma_semaphore, #tpu.memory_space<semaphore_mem>>)
    %dma_start3A_979 = arith.constant 99 : i32
    %dma_start3A_980 = arith.constant 0 : i32
    %dma_start3A_981 = tpu.memref_slice %arg6[%dma_start3A_979, %dma_start3A_980] : memref<256x64xf32, #tpu.memory_space<vmem>> -> memref<1x64xf32, #tpu.memory_space<vmem>>
    %dma_start3A_982 = arith.constant 0 : i32
    %dma_start3A_983 = tpu.memref_slice %arg1[%get3A_198, %dma_start3A_982] : memref<100000x64xf32, #tpu.memory_space<any>> -> memref<1x64xf32, #tpu.memory_space<any>>
    tpu.enqueue_dma source(%dma_start3A_983 : memref<1x64xf32, #tpu.memory_space<any>>) target(%dma_start3A_981 : memref<1x64xf32, #tpu.memory_space<vmem>>) target_semaphore(%arg7 : memref<!tpu.dma_semaphore, #tpu.memory_space<semaphore_mem>>)
    %dma_start3A_984 = arith.constant 100 : i32
    %dma_start3A_985 = arith.constant 0 : i32
    %dma_start3A_986 = tpu.memref_slice %arg6[%dma_start3A_984, %dma_start3A_985] : memref<256x64xf32, #tpu.memory_space<vmem>> -> memref<1x64xf32, #tpu.memory_space<vmem>>
    %dma_start3A_987 = arith.constant 0 : i32
    %dma_start3A_988 = tpu.memref_slice %arg1[%get3A_200, %dma_start3A_987] : memref<100000x64xf32, #tpu.memory_space<any>> -> memref<1x64xf32, #tpu.memory_space<any>>
    tpu.enqueue_dma source(%dma_start3A_988 : memref<1x64xf32, #tpu.memory_space<any>>) target(%dma_start3A_986 : memref<1x64xf32, #tpu.memory_space<vmem>>) target_semaphore(%arg7 : memref<!tpu.dma_semaphore, #tpu.memory_space<semaphore_mem>>)
    %dma_start3A_989 = arith.constant 101 : i32
    %dma_start3A_990 = arith.constant 0 : i32
    %dma_start3A_991 = tpu.memref_slice %arg6[%dma_start3A_989, %dma_start3A_990] : memref<256x64xf32, #tpu.memory_space<vmem>> -> memref<1x64xf32, #tpu.memory_space<vmem>>
    %dma_start3A_992 = arith.constant 0 : i32
    %dma_start3A_993 = tpu.memref_slice %arg1[%get3A_202, %dma_start3A_992] : memref<100000x64xf32, #tpu.memory_space<any>> -> memref<1x64xf32, #tpu.memory_space<any>>
    tpu.enqueue_dma source(%dma_start3A_993 : memref<1x64xf32, #tpu.memory_space<any>>) target(%dma_start3A_991 : memref<1x64xf32, #tpu.memory_space<vmem>>) target_semaphore(%arg7 : memref<!tpu.dma_semaphore, #tpu.memory_space<semaphore_mem>>)
    %dma_start3A_994 = arith.constant 102 : i32
    %dma_start3A_995 = arith.constant 0 : i32
    %dma_start3A_996 = tpu.memref_slice %arg6[%dma_start3A_994, %dma_start3A_995] : memref<256x64xf32, #tpu.memory_space<vmem>> -> memref<1x64xf32, #tpu.memory_space<vmem>>
    %dma_start3A_997 = arith.constant 0 : i32
    %dma_start3A_998 = tpu.memref_slice %arg1[%get3A_204, %dma_start3A_997] : memref<100000x64xf32, #tpu.memory_space<any>> -> memref<1x64xf32, #tpu.memory_space<any>>
    tpu.enqueue_dma source(%dma_start3A_998 : memref<1x64xf32, #tpu.memory_space<any>>) target(%dma_start3A_996 : memref<1x64xf32, #tpu.memory_space<vmem>>) target_semaphore(%arg7 : memref<!tpu.dma_semaphore, #tpu.memory_space<semaphore_mem>>)
    %dma_start3A_999 = arith.constant 103 : i32
    %dma_start3A_1000 = arith.constant 0 : i32
    %dma_start3A_1001 = tpu.memref_slice %arg6[%dma_start3A_999, %dma_start3A_1000] : memref<256x64xf32, #tpu.memory_space<vmem>> -> memref<1x64xf32, #tpu.memory_space<vmem>>
    %dma_start3A_1002 = arith.constant 0 : i32
    %dma_start3A_1003 = tpu.memref_slice %arg1[%get3A_206, %dma_start3A_1002] : memref<100000x64xf32, #tpu.memory_space<any>> -> memref<1x64xf32, #tpu.memory_space<any>>
    tpu.enqueue_dma source(%dma_start3A_1003 : memref<1x64xf32, #tpu.memory_space<any>>) target(%dma_start3A_1001 : memref<1x64xf32, #tpu.memory_space<vmem>>) target_semaphore(%arg7 : memref<!tpu.dma_semaphore, #tpu.memory_space<semaphore_mem>>)
    %dma_start3A_1004 = arith.constant 104 : i32
    %dma_start3A_1005 = arith.constant 0 : i32
    %dma_start3A_1006 = tpu.memref_slice %arg6[%dma_start3A_1004, %dma_start3A_1005] : memref<256x64xf32, #tpu.memory_space<vmem>> -> memref<1x64xf32, #tpu.memory_space<vmem>>
    %dma_start3A_1007 = arith.constant 0 : i32
    %dma_start3A_1008 = tpu.memref_slice %arg1[%get3A_208, %dma_start3A_1007] : memref<100000x64xf32, #tpu.memory_space<any>> -> memref<1x64xf32, #tpu.memory_space<any>>
    tpu.enqueue_dma source(%dma_start3A_1008 : memref<1x64xf32, #tpu.memory_space<any>>) target(%dma_start3A_1006 : memref<1x64xf32, #tpu.memory_space<vmem>>) target_semaphore(%arg7 : memref<!tpu.dma_semaphore, #tpu.memory_space<semaphore_mem>>)
    %dma_start3A_1009 = arith.constant 105 : i32
    %dma_start3A_1010 = arith.constant 0 : i32
    %dma_start3A_1011 = tpu.memref_slice %arg6[%dma_start3A_1009, %dma_start3A_1010] : memref<256x64xf32, #tpu.memory_space<vmem>> -> memref<1x64xf32, #tpu.memory_space<vmem>>
    %dma_start3A_1012 = arith.constant 0 : i32
    %dma_start3A_1013 = tpu.memref_slice %arg1[%get3A_210, %dma_start3A_1012] : memref<100000x64xf32, #tpu.memory_space<any>> -> memref<1x64xf32, #tpu.memory_space<any>>
    tpu.enqueue_dma source(%dma_start3A_1013 : memref<1x64xf32, #tpu.memory_space<any>>) target(%dma_start3A_1011 : memref<1x64xf32, #tpu.memory_space<vmem>>) target_semaphore(%arg7 : memref<!tpu.dma_semaphore, #tpu.memory_space<semaphore_mem>>)
    %dma_start3A_1014 = arith.constant 106 : i32
    %dma_start3A_1015 = arith.constant 0 : i32
    %dma_start3A_1016 = tpu.memref_slice %arg6[%dma_start3A_1014, %dma_start3A_1015] : memref<256x64xf32, #tpu.memory_space<vmem>> -> memref<1x64xf32, #tpu.memory_space<vmem>>
    %dma_start3A_1017 = arith.constant 0 : i32
    %dma_start3A_1018 = tpu.memref_slice %arg1[%get3A_212, %dma_start3A_1017] : memref<100000x64xf32, #tpu.memory_space<any>> -> memref<1x64xf32, #tpu.memory_space<any>>
    tpu.enqueue_dma source(%dma_start3A_1018 : memref<1x64xf32, #tpu.memory_space<any>>) target(%dma_start3A_1016 : memref<1x64xf32, #tpu.memory_space<vmem>>) target_semaphore(%arg7 : memref<!tpu.dma_semaphore, #tpu.memory_space<semaphore_mem>>)
    %dma_start3A_1019 = arith.constant 107 : i32
    %dma_start3A_1020 = arith.constant 0 : i32
    %dma_start3A_1021 = tpu.memref_slice %arg6[%dma_start3A_1019, %dma_start3A_1020] : memref<256x64xf32, #tpu.memory_space<vmem>> -> memref<1x64xf32, #tpu.memory_space<vmem>>
    %dma_start3A_1022 = arith.constant 0 : i32
    %dma_start3A_1023 = tpu.memref_slice %arg1[%get3A_214, %dma_start3A_1022] : memref<100000x64xf32, #tpu.memory_space<any>> -> memref<1x64xf32, #tpu.memory_space<any>>
    tpu.enqueue_dma source(%dma_start3A_1023 : memref<1x64xf32, #tpu.memory_space<any>>) target(%dma_start3A_1021 : memref<1x64xf32, #tpu.memory_space<vmem>>) target_semaphore(%arg7 : memref<!tpu.dma_semaphore, #tpu.memory_space<semaphore_mem>>)
    %dma_start3A_1024 = arith.constant 108 : i32
    %dma_start3A_1025 = arith.constant 0 : i32
    %dma_start3A_1026 = tpu.memref_slice %arg6[%dma_start3A_1024, %dma_start3A_1025] : memref<256x64xf32, #tpu.memory_space<vmem>> -> memref<1x64xf32, #tpu.memory_space<vmem>>
    %dma_start3A_1027 = arith.constant 0 : i32
    %dma_start3A_1028 = tpu.memref_slice %arg1[%get3A_216, %dma_start3A_1027] : memref<100000x64xf32, #tpu.memory_space<any>> -> memref<1x64xf32, #tpu.memory_space<any>>
    tpu.enqueue_dma source(%dma_start3A_1028 : memref<1x64xf32, #tpu.memory_space<any>>) target(%dma_start3A_1026 : memref<1x64xf32, #tpu.memory_space<vmem>>) target_semaphore(%arg7 : memref<!tpu.dma_semaphore, #tpu.memory_space<semaphore_mem>>)
    %dma_start3A_1029 = arith.constant 109 : i32
    %dma_start3A_1030 = arith.constant 0 : i32
    %dma_start3A_1031 = tpu.memref_slice %arg6[%dma_start3A_1029, %dma_start3A_1030] : memref<256x64xf32, #tpu.memory_space<vmem>> -> memref<1x64xf32, #tpu.memory_space<vmem>>
    %dma_start3A_1032 = arith.constant 0 : i32
    %dma_start3A_1033 = tpu.memref_slice %arg1[%get3A_218, %dma_start3A_1032] : memref<100000x64xf32, #tpu.memory_space<any>> -> memref<1x64xf32, #tpu.memory_space<any>>
    tpu.enqueue_dma source(%dma_start3A_1033 : memref<1x64xf32, #tpu.memory_space<any>>) target(%dma_start3A_1031 : memref<1x64xf32, #tpu.memory_space<vmem>>) target_semaphore(%arg7 : memref<!tpu.dma_semaphore, #tpu.memory_space<semaphore_mem>>)
    %dma_start3A_1034 = arith.constant 110 : i32
    %dma_start3A_1035 = arith.constant 0 : i32
    %dma_start3A_1036 = tpu.memref_slice %arg6[%dma_start3A_1034, %dma_start3A_1035] : memref<256x64xf32, #tpu.memory_space<vmem>> -> memref<1x64xf32, #tpu.memory_space<vmem>>
    %dma_start3A_1037 = arith.constant 0 : i32
    %dma_start3A_1038 = tpu.memref_slice %arg1[%get3A_220, %dma_start3A_1037] : memref<100000x64xf32, #tpu.memory_space<any>> -> memref<1x64xf32, #tpu.memory_space<any>>
    tpu.enqueue_dma source(%dma_start3A_1038 : memref<1x64xf32, #tpu.memory_space<any>>) target(%dma_start3A_1036 : memref<1x64xf32, #tpu.memory_space<vmem>>) target_semaphore(%arg7 : memref<!tpu.dma_semaphore, #tpu.memory_space<semaphore_mem>>)
    %dma_start3A_1039 = arith.constant 111 : i32
    %dma_start3A_1040 = arith.constant 0 : i32
    %dma_start3A_1041 = tpu.memref_slice %arg6[%dma_start3A_1039, %dma_start3A_1040] : memref<256x64xf32, #tpu.memory_space<vmem>> -> memref<1x64xf32, #tpu.memory_space<vmem>>
    %dma_start3A_1042 = arith.constant 0 : i32
    %dma_start3A_1043 = tpu.memref_slice %arg1[%get3A_222, %dma_start3A_1042] : memref<100000x64xf32, #tpu.memory_space<any>> -> memref<1x64xf32, #tpu.memory_space<any>>
    tpu.enqueue_dma source(%dma_start3A_1043 : memref<1x64xf32, #tpu.memory_space<any>>) target(%dma_start3A_1041 : memref<1x64xf32, #tpu.memory_space<vmem>>) target_semaphore(%arg7 : memref<!tpu.dma_semaphore, #tpu.memory_space<semaphore_mem>>)
    %dma_start3A_1044 = arith.constant 112 : i32
    %dma_start3A_1045 = arith.constant 0 : i32
    %dma_start3A_1046 = tpu.memref_slice %arg6[%dma_start3A_1044, %dma_start3A_1045] : memref<256x64xf32, #tpu.memory_space<vmem>> -> memref<1x64xf32, #tpu.memory_space<vmem>>
    %dma_start3A_1047 = arith.constant 0 : i32
    %dma_start3A_1048 = tpu.memref_slice %arg1[%get3A_224, %dma_start3A_1047] : memref<100000x64xf32, #tpu.memory_space<any>> -> memref<1x64xf32, #tpu.memory_space<any>>
    tpu.enqueue_dma source(%dma_start3A_1048 : memref<1x64xf32, #tpu.memory_space<any>>) target(%dma_start3A_1046 : memref<1x64xf32, #tpu.memory_space<vmem>>) target_semaphore(%arg7 : memref<!tpu.dma_semaphore, #tpu.memory_space<semaphore_mem>>)
    %dma_start3A_1049 = arith.constant 113 : i32
    %dma_start3A_1050 = arith.constant 0 : i32
    %dma_start3A_1051 = tpu.memref_slice %arg6[%dma_start3A_1049, %dma_start3A_1050] : memref<256x64xf32, #tpu.memory_space<vmem>> -> memref<1x64xf32, #tpu.memory_space<vmem>>
    %dma_start3A_1052 = arith.constant 0 : i32
    %dma_start3A_1053 = tpu.memref_slice %arg1[%get3A_226, %dma_start3A_1052] : memref<100000x64xf32, #tpu.memory_space<any>> -> memref<1x64xf32, #tpu.memory_space<any>>
    tpu.enqueue_dma source(%dma_start3A_1053 : memref<1x64xf32, #tpu.memory_space<any>>) target(%dma_start3A_1051 : memref<1x64xf32, #tpu.memory_space<vmem>>) target_semaphore(%arg7 : memref<!tpu.dma_semaphore, #tpu.memory_space<semaphore_mem>>)
    %dma_start3A_1054 = arith.constant 114 : i32
    %dma_start3A_1055 = arith.constant 0 : i32
    %dma_start3A_1056 = tpu.memref_slice %arg6[%dma_start3A_1054, %dma_start3A_1055] : memref<256x64xf32, #tpu.memory_space<vmem>> -> memref<1x64xf32, #tpu.memory_space<vmem>>
    %dma_start3A_1057 = arith.constant 0 : i32
    %dma_start3A_1058 = tpu.memref_slice %arg1[%get3A_228, %dma_start3A_1057] : memref<100000x64xf32, #tpu.memory_space<any>> -> memref<1x64xf32, #tpu.memory_space<any>>
    tpu.enqueue_dma source(%dma_start3A_1058 : memref<1x64xf32, #tpu.memory_space<any>>) target(%dma_start3A_1056 : memref<1x64xf32, #tpu.memory_space<vmem>>) target_semaphore(%arg7 : memref<!tpu.dma_semaphore, #tpu.memory_space<semaphore_mem>>)
    %dma_start3A_1059 = arith.constant 115 : i32
    %dma_start3A_1060 = arith.constant 0 : i32
    %dma_start3A_1061 = tpu.memref_slice %arg6[%dma_start3A_1059, %dma_start3A_1060] : memref<256x64xf32, #tpu.memory_space<vmem>> -> memref<1x64xf32, #tpu.memory_space<vmem>>
    %dma_start3A_1062 = arith.constant 0 : i32
    %dma_start3A_1063 = tpu.memref_slice %arg1[%get3A_230, %dma_start3A_1062] : memref<100000x64xf32, #tpu.memory_space<any>> -> memref<1x64xf32, #tpu.memory_space<any>>
    tpu.enqueue_dma source(%dma_start3A_1063 : memref<1x64xf32, #tpu.memory_space<any>>) target(%dma_start3A_1061 : memref<1x64xf32, #tpu.memory_space<vmem>>) target_semaphore(%arg7 : memref<!tpu.dma_semaphore, #tpu.memory_space<semaphore_mem>>)
    %dma_start3A_1064 = arith.constant 116 : i32
    %dma_start3A_1065 = arith.constant 0 : i32
    %dma_start3A_1066 = tpu.memref_slice %arg6[%dma_start3A_1064, %dma_start3A_1065] : memref<256x64xf32, #tpu.memory_space<vmem>> -> memref<1x64xf32, #tpu.memory_space<vmem>>
    %dma_start3A_1067 = arith.constant 0 : i32
    %dma_start3A_1068 = tpu.memref_slice %arg1[%get3A_232, %dma_start3A_1067] : memref<100000x64xf32, #tpu.memory_space<any>> -> memref<1x64xf32, #tpu.memory_space<any>>
    tpu.enqueue_dma source(%dma_start3A_1068 : memref<1x64xf32, #tpu.memory_space<any>>) target(%dma_start3A_1066 : memref<1x64xf32, #tpu.memory_space<vmem>>) target_semaphore(%arg7 : memref<!tpu.dma_semaphore, #tpu.memory_space<semaphore_mem>>)
    %dma_start3A_1069 = arith.constant 117 : i32
    %dma_start3A_1070 = arith.constant 0 : i32
    %dma_start3A_1071 = tpu.memref_slice %arg6[%dma_start3A_1069, %dma_start3A_1070] : memref<256x64xf32, #tpu.memory_space<vmem>> -> memref<1x64xf32, #tpu.memory_space<vmem>>
    %dma_start3A_1072 = arith.constant 0 : i32
    %dma_start3A_1073 = tpu.memref_slice %arg1[%get3A_234, %dma_start3A_1072] : memref<100000x64xf32, #tpu.memory_space<any>> -> memref<1x64xf32, #tpu.memory_space<any>>
    tpu.enqueue_dma source(%dma_start3A_1073 : memref<1x64xf32, #tpu.memory_space<any>>) target(%dma_start3A_1071 : memref<1x64xf32, #tpu.memory_space<vmem>>) target_semaphore(%arg7 : memref<!tpu.dma_semaphore, #tpu.memory_space<semaphore_mem>>)
    %dma_start3A_1074 = arith.constant 118 : i32
    %dma_start3A_1075 = arith.constant 0 : i32
    %dma_start3A_1076 = tpu.memref_slice %arg6[%dma_start3A_1074, %dma_start3A_1075] : memref<256x64xf32, #tpu.memory_space<vmem>> -> memref<1x64xf32, #tpu.memory_space<vmem>>
    %dma_start3A_1077 = arith.constant 0 : i32
    %dma_start3A_1078 = tpu.memref_slice %arg1[%get3A_236, %dma_start3A_1077] : memref<100000x64xf32, #tpu.memory_space<any>> -> memref<1x64xf32, #tpu.memory_space<any>>
    tpu.enqueue_dma source(%dma_start3A_1078 : memref<1x64xf32, #tpu.memory_space<any>>) target(%dma_start3A_1076 : memref<1x64xf32, #tpu.memory_space<vmem>>) target_semaphore(%arg7 : memref<!tpu.dma_semaphore, #tpu.memory_space<semaphore_mem>>)
    %dma_start3A_1079 = arith.constant 119 : i32
    %dma_start3A_1080 = arith.constant 0 : i32
    %dma_start3A_1081 = tpu.memref_slice %arg6[%dma_start3A_1079, %dma_start3A_1080] : memref<256x64xf32, #tpu.memory_space<vmem>> -> memref<1x64xf32, #tpu.memory_space<vmem>>
    %dma_start3A_1082 = arith.constant 0 : i32
    %dma_start3A_1083 = tpu.memref_slice %arg1[%get3A_238, %dma_start3A_1082] : memref<100000x64xf32, #tpu.memory_space<any>> -> memref<1x64xf32, #tpu.memory_space<any>>
    tpu.enqueue_dma source(%dma_start3A_1083 : memref<1x64xf32, #tpu.memory_space<any>>) target(%dma_start3A_1081 : memref<1x64xf32, #tpu.memory_space<vmem>>) target_semaphore(%arg7 : memref<!tpu.dma_semaphore, #tpu.memory_space<semaphore_mem>>)
    %dma_start3A_1084 = arith.constant 120 : i32
    %dma_start3A_1085 = arith.constant 0 : i32
    %dma_start3A_1086 = tpu.memref_slice %arg6[%dma_start3A_1084, %dma_start3A_1085] : memref<256x64xf32, #tpu.memory_space<vmem>> -> memref<1x64xf32, #tpu.memory_space<vmem>>
    %dma_start3A_1087 = arith.constant 0 : i32
    %dma_start3A_1088 = tpu.memref_slice %arg1[%get3A_240, %dma_start3A_1087] : memref<100000x64xf32, #tpu.memory_space<any>> -> memref<1x64xf32, #tpu.memory_space<any>>
    tpu.enqueue_dma source(%dma_start3A_1088 : memref<1x64xf32, #tpu.memory_space<any>>) target(%dma_start3A_1086 : memref<1x64xf32, #tpu.memory_space<vmem>>) target_semaphore(%arg7 : memref<!tpu.dma_semaphore, #tpu.memory_space<semaphore_mem>>)
    %dma_start3A_1089 = arith.constant 121 : i32
    %dma_start3A_1090 = arith.constant 0 : i32
    %dma_start3A_1091 = tpu.memref_slice %arg6[%dma_start3A_1089, %dma_start3A_1090] : memref<256x64xf32, #tpu.memory_space<vmem>> -> memref<1x64xf32, #tpu.memory_space<vmem>>
    %dma_start3A_1092 = arith.constant 0 : i32
    %dma_start3A_1093 = tpu.memref_slice %arg1[%get3A_242, %dma_start3A_1092] : memref<100000x64xf32, #tpu.memory_space<any>> -> memref<1x64xf32, #tpu.memory_space<any>>
    tpu.enqueue_dma source(%dma_start3A_1093 : memref<1x64xf32, #tpu.memory_space<any>>) target(%dma_start3A_1091 : memref<1x64xf32, #tpu.memory_space<vmem>>) target_semaphore(%arg7 : memref<!tpu.dma_semaphore, #tpu.memory_space<semaphore_mem>>)
    %dma_start3A_1094 = arith.constant 122 : i32
    %dma_start3A_1095 = arith.constant 0 : i32
    %dma_start3A_1096 = tpu.memref_slice %arg6[%dma_start3A_1094, %dma_start3A_1095] : memref<256x64xf32, #tpu.memory_space<vmem>> -> memref<1x64xf32, #tpu.memory_space<vmem>>
    %dma_start3A_1097 = arith.constant 0 : i32
    %dma_start3A_1098 = tpu.memref_slice %arg1[%get3A_244, %dma_start3A_1097] : memref<100000x64xf32, #tpu.memory_space<any>> -> memref<1x64xf32, #tpu.memory_space<any>>
    tpu.enqueue_dma source(%dma_start3A_1098 : memref<1x64xf32, #tpu.memory_space<any>>) target(%dma_start3A_1096 : memref<1x64xf32, #tpu.memory_space<vmem>>) target_semaphore(%arg7 : memref<!tpu.dma_semaphore, #tpu.memory_space<semaphore_mem>>)
    %dma_start3A_1099 = arith.constant 123 : i32
    %dma_start3A_1100 = arith.constant 0 : i32
    %dma_start3A_1101 = tpu.memref_slice %arg6[%dma_start3A_1099, %dma_start3A_1100] : memref<256x64xf32, #tpu.memory_space<vmem>> -> memref<1x64xf32, #tpu.memory_space<vmem>>
    %dma_start3A_1102 = arith.constant 0 : i32
    %dma_start3A_1103 = tpu.memref_slice %arg1[%get3A_246, %dma_start3A_1102] : memref<100000x64xf32, #tpu.memory_space<any>> -> memref<1x64xf32, #tpu.memory_space<any>>
    tpu.enqueue_dma source(%dma_start3A_1103 : memref<1x64xf32, #tpu.memory_space<any>>) target(%dma_start3A_1101 : memref<1x64xf32, #tpu.memory_space<vmem>>) target_semaphore(%arg7 : memref<!tpu.dma_semaphore, #tpu.memory_space<semaphore_mem>>)
    %dma_start3A_1104 = arith.constant 124 : i32
    %dma_start3A_1105 = arith.constant 0 : i32
    %dma_start3A_1106 = tpu.memref_slice %arg6[%dma_start3A_1104, %dma_start3A_1105] : memref<256x64xf32, #tpu.memory_space<vmem>> -> memref<1x64xf32, #tpu.memory_space<vmem>>
    %dma_start3A_1107 = arith.constant 0 : i32
    %dma_start3A_1108 = tpu.memref_slice %arg1[%get3A_248, %dma_start3A_1107] : memref<100000x64xf32, #tpu.memory_space<any>> -> memref<1x64xf32, #tpu.memory_space<any>>
    tpu.enqueue_dma source(%dma_start3A_1108 : memref<1x64xf32, #tpu.memory_space<any>>) target(%dma_start3A_1106 : memref<1x64xf32, #tpu.memory_space<vmem>>) target_semaphore(%arg7 : memref<!tpu.dma_semaphore, #tpu.memory_space<semaphore_mem>>)
    %dma_start3A_1109 = arith.constant 125 : i32
    %dma_start3A_1110 = arith.constant 0 : i32
    %dma_start3A_1111 = tpu.memref_slice %arg6[%dma_start3A_1109, %dma_start3A_1110] : memref<256x64xf32, #tpu.memory_space<vmem>> -> memref<1x64xf32, #tpu.memory_space<vmem>>
    %dma_start3A_1112 = arith.constant 0 : i32
    %dma_start3A_1113 = tpu.memref_slice %arg1[%get3A_250, %dma_start3A_1112] : memref<100000x64xf32, #tpu.memory_space<any>> -> memref<1x64xf32, #tpu.memory_space<any>>
    tpu.enqueue_dma source(%dma_start3A_1113 : memref<1x64xf32, #tpu.memory_space<any>>) target(%dma_start3A_1111 : memref<1x64xf32, #tpu.memory_space<vmem>>) target_semaphore(%arg7 : memref<!tpu.dma_semaphore, #tpu.memory_space<semaphore_mem>>)
    %dma_start3A_1114 = arith.constant 126 : i32
    %dma_start3A_1115 = arith.constant 0 : i32
    %dma_start3A_1116 = tpu.memref_slice %arg6[%dma_start3A_1114, %dma_start3A_1115] : memref<256x64xf32, #tpu.memory_space<vmem>> -> memref<1x64xf32, #tpu.memory_space<vmem>>
    %dma_start3A_1117 = arith.constant 0 : i32
    %dma_start3A_1118 = tpu.memref_slice %arg1[%get3A_252, %dma_start3A_1117] : memref<100000x64xf32, #tpu.memory_space<any>> -> memref<1x64xf32, #tpu.memory_space<any>>
    tpu.enqueue_dma source(%dma_start3A_1118 : memref<1x64xf32, #tpu.memory_space<any>>) target(%dma_start3A_1116 : memref<1x64xf32, #tpu.memory_space<vmem>>) target_semaphore(%arg7 : memref<!tpu.dma_semaphore, #tpu.memory_space<semaphore_mem>>)
    %dma_start3A_1119 = arith.constant 127 : i32
    %dma_start3A_1120 = arith.constant 0 : i32
    %dma_start3A_1121 = tpu.memref_slice %arg6[%dma_start3A_1119, %dma_start3A_1120] : memref<256x64xf32, #tpu.memory_space<vmem>> -> memref<1x64xf32, #tpu.memory_space<vmem>>
    %dma_start3A_1122 = arith.constant 0 : i32
    %dma_start3A_1123 = tpu.memref_slice %arg1[%get3A_254, %dma_start3A_1122] : memref<100000x64xf32, #tpu.memory_space<any>> -> memref<1x64xf32, #tpu.memory_space<any>>
    tpu.enqueue_dma source(%dma_start3A_1123 : memref<1x64xf32, #tpu.memory_space<any>>) target(%dma_start3A_1121 : memref<1x64xf32, #tpu.memory_space<vmem>>) target_semaphore(%arg7 : memref<!tpu.dma_semaphore, #tpu.memory_space<semaphore_mem>>)
    %dma_start3A_1124 = arith.constant 128 : i32
    %dma_start3A_1125 = arith.constant 0 : i32
    %dma_start3A_1126 = tpu.memref_slice %arg6[%dma_start3A_1124, %dma_start3A_1125] : memref<256x64xf32, #tpu.memory_space<vmem>> -> memref<1x64xf32, #tpu.memory_space<vmem>>
    %dma_start3A_1127 = arith.constant 0 : i32
    %dma_start3A_1128 = tpu.memref_slice %arg1[%get3A_256, %dma_start3A_1127] : memref<100000x64xf32, #tpu.memory_space<any>> -> memref<1x64xf32, #tpu.memory_space<any>>
    tpu.enqueue_dma source(%dma_start3A_1128 : memref<1x64xf32, #tpu.memory_space<any>>) target(%dma_start3A_1126 : memref<1x64xf32, #tpu.memory_space<vmem>>) target_semaphore(%arg7 : memref<!tpu.dma_semaphore, #tpu.memory_space<semaphore_mem>>)
    %dma_start3A_1129 = arith.constant 129 : i32
    %dma_start3A_1130 = arith.constant 0 : i32
    %dma_start3A_1131 = tpu.memref_slice %arg6[%dma_start3A_1129, %dma_start3A_1130] : memref<256x64xf32, #tpu.memory_space<vmem>> -> memref<1x64xf32, #tpu.memory_space<vmem>>
    %dma_start3A_1132 = arith.constant 0 : i32
    %dma_start3A_1133 = tpu.memref_slice %arg1[%get3A_258, %dma_start3A_1132] : memref<100000x64xf32, #tpu.memory_space<any>> -> memref<1x64xf32, #tpu.memory_space<any>>
    tpu.enqueue_dma source(%dma_start3A_1133 : memref<1x64xf32, #tpu.memory_space<any>>) target(%dma_start3A_1131 : memref<1x64xf32, #tpu.memory_space<vmem>>) target_semaphore(%arg7 : memref<!tpu.dma_semaphore, #tpu.memory_space<semaphore_mem>>)
    %dma_start3A_1134 = arith.constant 130 : i32
    %dma_start3A_1135 = arith.constant 0 : i32
    %dma_start3A_1136 = tpu.memref_slice %arg6[%dma_start3A_1134, %dma_start3A_1135] : memref<256x64xf32, #tpu.memory_space<vmem>> -> memref<1x64xf32, #tpu.memory_space<vmem>>
    %dma_start3A_1137 = arith.constant 0 : i32
    %dma_start3A_1138 = tpu.memref_slice %arg1[%get3A_260, %dma_start3A_1137] : memref<100000x64xf32, #tpu.memory_space<any>> -> memref<1x64xf32, #tpu.memory_space<any>>
    tpu.enqueue_dma source(%dma_start3A_1138 : memref<1x64xf32, #tpu.memory_space<any>>) target(%dma_start3A_1136 : memref<1x64xf32, #tpu.memory_space<vmem>>) target_semaphore(%arg7 : memref<!tpu.dma_semaphore, #tpu.memory_space<semaphore_mem>>)
    %dma_start3A_1139 = arith.constant 131 : i32
    %dma_start3A_1140 = arith.constant 0 : i32
    %dma_start3A_1141 = tpu.memref_slice %arg6[%dma_start3A_1139, %dma_start3A_1140] : memref<256x64xf32, #tpu.memory_space<vmem>> -> memref<1x64xf32, #tpu.memory_space<vmem>>
    %dma_start3A_1142 = arith.constant 0 : i32
    %dma_start3A_1143 = tpu.memref_slice %arg1[%get3A_262, %dma_start3A_1142] : memref<100000x64xf32, #tpu.memory_space<any>> -> memref<1x64xf32, #tpu.memory_space<any>>
    tpu.enqueue_dma source(%dma_start3A_1143 : memref<1x64xf32, #tpu.memory_space<any>>) target(%dma_start3A_1141 : memref<1x64xf32, #tpu.memory_space<vmem>>) target_semaphore(%arg7 : memref<!tpu.dma_semaphore, #tpu.memory_space<semaphore_mem>>)
    %dma_start3A_1144 = arith.constant 132 : i32
    %dma_start3A_1145 = arith.constant 0 : i32
    %dma_start3A_1146 = tpu.memref_slice %arg6[%dma_start3A_1144, %dma_start3A_1145] : memref<256x64xf32, #tpu.memory_space<vmem>> -> memref<1x64xf32, #tpu.memory_space<vmem>>
    %dma_start3A_1147 = arith.constant 0 : i32
    %dma_start3A_1148 = tpu.memref_slice %arg1[%get3A_264, %dma_start3A_1147] : memref<100000x64xf32, #tpu.memory_space<any>> -> memref<1x64xf32, #tpu.memory_space<any>>
    tpu.enqueue_dma source(%dma_start3A_1148 : memref<1x64xf32, #tpu.memory_space<any>>) target(%dma_start3A_1146 : memref<1x64xf32, #tpu.memory_space<vmem>>) target_semaphore(%arg7 : memref<!tpu.dma_semaphore, #tpu.memory_space<semaphore_mem>>)
    %dma_start3A_1149 = arith.constant 133 : i32
    %dma_start3A_1150 = arith.constant 0 : i32
    %dma_start3A_1151 = tpu.memref_slice %arg6[%dma_start3A_1149, %dma_start3A_1150] : memref<256x64xf32, #tpu.memory_space<vmem>> -> memref<1x64xf32, #tpu.memory_space<vmem>>
    %dma_start3A_1152 = arith.constant 0 : i32
    %dma_start3A_1153 = tpu.memref_slice %arg1[%get3A_266, %dma_start3A_1152] : memref<100000x64xf32, #tpu.memory_space<any>> -> memref<1x64xf32, #tpu.memory_space<any>>
    tpu.enqueue_dma source(%dma_start3A_1153 : memref<1x64xf32, #tpu.memory_space<any>>) target(%dma_start3A_1151 : memref<1x64xf32, #tpu.memory_space<vmem>>) target_semaphore(%arg7 : memref<!tpu.dma_semaphore, #tpu.memory_space<semaphore_mem>>)
    %dma_start3A_1154 = arith.constant 134 : i32
    %dma_start3A_1155 = arith.constant 0 : i32
    %dma_start3A_1156 = tpu.memref_slice %arg6[%dma_start3A_1154, %dma_start3A_1155] : memref<256x64xf32, #tpu.memory_space<vmem>> -> memref<1x64xf32, #tpu.memory_space<vmem>>
    %dma_start3A_1157 = arith.constant 0 : i32
    %dma_start3A_1158 = tpu.memref_slice %arg1[%get3A_268, %dma_start3A_1157] : memref<100000x64xf32, #tpu.memory_space<any>> -> memref<1x64xf32, #tpu.memory_space<any>>
    tpu.enqueue_dma source(%dma_start3A_1158 : memref<1x64xf32, #tpu.memory_space<any>>) target(%dma_start3A_1156 : memref<1x64xf32, #tpu.memory_space<vmem>>) target_semaphore(%arg7 : memref<!tpu.dma_semaphore, #tpu.memory_space<semaphore_mem>>)
    %dma_start3A_1159 = arith.constant 135 : i32
    %dma_start3A_1160 = arith.constant 0 : i32
    %dma_start3A_1161 = tpu.memref_slice %arg6[%dma_start3A_1159, %dma_start3A_1160] : memref<256x64xf32, #tpu.memory_space<vmem>> -> memref<1x64xf32, #tpu.memory_space<vmem>>
    %dma_start3A_1162 = arith.constant 0 : i32
    %dma_start3A_1163 = tpu.memref_slice %arg1[%get3A_270, %dma_start3A_1162] : memref<100000x64xf32, #tpu.memory_space<any>> -> memref<1x64xf32, #tpu.memory_space<any>>
    tpu.enqueue_dma source(%dma_start3A_1163 : memref<1x64xf32, #tpu.memory_space<any>>) target(%dma_start3A_1161 : memref<1x64xf32, #tpu.memory_space<vmem>>) target_semaphore(%arg7 : memref<!tpu.dma_semaphore, #tpu.memory_space<semaphore_mem>>)
    %dma_start3A_1164 = arith.constant 136 : i32
    %dma_start3A_1165 = arith.constant 0 : i32
    %dma_start3A_1166 = tpu.memref_slice %arg6[%dma_start3A_1164, %dma_start3A_1165] : memref<256x64xf32, #tpu.memory_space<vmem>> -> memref<1x64xf32, #tpu.memory_space<vmem>>
    %dma_start3A_1167 = arith.constant 0 : i32
    %dma_start3A_1168 = tpu.memref_slice %arg1[%get3A_272, %dma_start3A_1167] : memref<100000x64xf32, #tpu.memory_space<any>> -> memref<1x64xf32, #tpu.memory_space<any>>
    tpu.enqueue_dma source(%dma_start3A_1168 : memref<1x64xf32, #tpu.memory_space<any>>) target(%dma_start3A_1166 : memref<1x64xf32, #tpu.memory_space<vmem>>) target_semaphore(%arg7 : memref<!tpu.dma_semaphore, #tpu.memory_space<semaphore_mem>>)
    %dma_start3A_1169 = arith.constant 137 : i32
    %dma_start3A_1170 = arith.constant 0 : i32
    %dma_start3A_1171 = tpu.memref_slice %arg6[%dma_start3A_1169, %dma_start3A_1170] : memref<256x64xf32, #tpu.memory_space<vmem>> -> memref<1x64xf32, #tpu.memory_space<vmem>>
    %dma_start3A_1172 = arith.constant 0 : i32
    %dma_start3A_1173 = tpu.memref_slice %arg1[%get3A_274, %dma_start3A_1172] : memref<100000x64xf32, #tpu.memory_space<any>> -> memref<1x64xf32, #tpu.memory_space<any>>
    tpu.enqueue_dma source(%dma_start3A_1173 : memref<1x64xf32, #tpu.memory_space<any>>) target(%dma_start3A_1171 : memref<1x64xf32, #tpu.memory_space<vmem>>) target_semaphore(%arg7 : memref<!tpu.dma_semaphore, #tpu.memory_space<semaphore_mem>>)
    %dma_start3A_1174 = arith.constant 138 : i32
    %dma_start3A_1175 = arith.constant 0 : i32
    %dma_start3A_1176 = tpu.memref_slice %arg6[%dma_start3A_1174, %dma_start3A_1175] : memref<256x64xf32, #tpu.memory_space<vmem>> -> memref<1x64xf32, #tpu.memory_space<vmem>>
    %dma_start3A_1177 = arith.constant 0 : i32
    %dma_start3A_1178 = tpu.memref_slice %arg1[%get3A_276, %dma_start3A_1177] : memref<100000x64xf32, #tpu.memory_space<any>> -> memref<1x64xf32, #tpu.memory_space<any>>
    tpu.enqueue_dma source(%dma_start3A_1178 : memref<1x64xf32, #tpu.memory_space<any>>) target(%dma_start3A_1176 : memref<1x64xf32, #tpu.memory_space<vmem>>) target_semaphore(%arg7 : memref<!tpu.dma_semaphore, #tpu.memory_space<semaphore_mem>>)
    %dma_start3A_1179 = arith.constant 139 : i32
    %dma_start3A_1180 = arith.constant 0 : i32
    %dma_start3A_1181 = tpu.memref_slice %arg6[%dma_start3A_1179, %dma_start3A_1180] : memref<256x64xf32, #tpu.memory_space<vmem>> -> memref<1x64xf32, #tpu.memory_space<vmem>>
    %dma_start3A_1182 = arith.constant 0 : i32
    %dma_start3A_1183 = tpu.memref_slice %arg1[%get3A_278, %dma_start3A_1182] : memref<100000x64xf32, #tpu.memory_space<any>> -> memref<1x64xf32, #tpu.memory_space<any>>
    tpu.enqueue_dma source(%dma_start3A_1183 : memref<1x64xf32, #tpu.memory_space<any>>) target(%dma_start3A_1181 : memref<1x64xf32, #tpu.memory_space<vmem>>) target_semaphore(%arg7 : memref<!tpu.dma_semaphore, #tpu.memory_space<semaphore_mem>>)
    %dma_start3A_1184 = arith.constant 140 : i32
    %dma_start3A_1185 = arith.constant 0 : i32
    %dma_start3A_1186 = tpu.memref_slice %arg6[%dma_start3A_1184, %dma_start3A_1185] : memref<256x64xf32, #tpu.memory_space<vmem>> -> memref<1x64xf32, #tpu.memory_space<vmem>>
    %dma_start3A_1187 = arith.constant 0 : i32
    %dma_start3A_1188 = tpu.memref_slice %arg1[%get3A_280, %dma_start3A_1187] : memref<100000x64xf32, #tpu.memory_space<any>> -> memref<1x64xf32, #tpu.memory_space<any>>
    tpu.enqueue_dma source(%dma_start3A_1188 : memref<1x64xf32, #tpu.memory_space<any>>) target(%dma_start3A_1186 : memref<1x64xf32, #tpu.memory_space<vmem>>) target_semaphore(%arg7 : memref<!tpu.dma_semaphore, #tpu.memory_space<semaphore_mem>>)
    %dma_start3A_1189 = arith.constant 141 : i32
    %dma_start3A_1190 = arith.constant 0 : i32
    %dma_start3A_1191 = tpu.memref_slice %arg6[%dma_start3A_1189, %dma_start3A_1190] : memref<256x64xf32, #tpu.memory_space<vmem>> -> memref<1x64xf32, #tpu.memory_space<vmem>>
    %dma_start3A_1192 = arith.constant 0 : i32
    %dma_start3A_1193 = tpu.memref_slice %arg1[%get3A_282, %dma_start3A_1192] : memref<100000x64xf32, #tpu.memory_space<any>> -> memref<1x64xf32, #tpu.memory_space<any>>
    tpu.enqueue_dma source(%dma_start3A_1193 : memref<1x64xf32, #tpu.memory_space<any>>) target(%dma_start3A_1191 : memref<1x64xf32, #tpu.memory_space<vmem>>) target_semaphore(%arg7 : memref<!tpu.dma_semaphore, #tpu.memory_space<semaphore_mem>>)
    %dma_start3A_1194 = arith.constant 142 : i32
    %dma_start3A_1195 = arith.constant 0 : i32
    %dma_start3A_1196 = tpu.memref_slice %arg6[%dma_start3A_1194, %dma_start3A_1195] : memref<256x64xf32, #tpu.memory_space<vmem>> -> memref<1x64xf32, #tpu.memory_space<vmem>>
    %dma_start3A_1197 = arith.constant 0 : i32
    %dma_start3A_1198 = tpu.memref_slice %arg1[%get3A_284, %dma_start3A_1197] : memref<100000x64xf32, #tpu.memory_space<any>> -> memref<1x64xf32, #tpu.memory_space<any>>
    tpu.enqueue_dma source(%dma_start3A_1198 : memref<1x64xf32, #tpu.memory_space<any>>) target(%dma_start3A_1196 : memref<1x64xf32, #tpu.memory_space<vmem>>) target_semaphore(%arg7 : memref<!tpu.dma_semaphore, #tpu.memory_space<semaphore_mem>>)
    %dma_start3A_1199 = arith.constant 143 : i32
    %dma_start3A_1200 = arith.constant 0 : i32
    %dma_start3A_1201 = tpu.memref_slice %arg6[%dma_start3A_1199, %dma_start3A_1200] : memref<256x64xf32, #tpu.memory_space<vmem>> -> memref<1x64xf32, #tpu.memory_space<vmem>>
    %dma_start3A_1202 = arith.constant 0 : i32
    %dma_start3A_1203 = tpu.memref_slice %arg1[%get3A_286, %dma_start3A_1202] : memref<100000x64xf32, #tpu.memory_space<any>> -> memref<1x64xf32, #tpu.memory_space<any>>
    tpu.enqueue_dma source(%dma_start3A_1203 : memref<1x64xf32, #tpu.memory_space<any>>) target(%dma_start3A_1201 : memref<1x64xf32, #tpu.memory_space<vmem>>) target_semaphore(%arg7 : memref<!tpu.dma_semaphore, #tpu.memory_space<semaphore_mem>>)
    %dma_start3A_1204 = arith.constant 144 : i32
    %dma_start3A_1205 = arith.constant 0 : i32
    %dma_start3A_1206 = tpu.memref_slice %arg6[%dma_start3A_1204, %dma_start3A_1205] : memref<256x64xf32, #tpu.memory_space<vmem>> -> memref<1x64xf32, #tpu.memory_space<vmem>>
    %dma_start3A_1207 = arith.constant 0 : i32
    %dma_start3A_1208 = tpu.memref_slice %arg1[%get3A_288, %dma_start3A_1207] : memref<100000x64xf32, #tpu.memory_space<any>> -> memref<1x64xf32, #tpu.memory_space<any>>
    tpu.enqueue_dma source(%dma_start3A_1208 : memref<1x64xf32, #tpu.memory_space<any>>) target(%dma_start3A_1206 : memref<1x64xf32, #tpu.memory_space<vmem>>) target_semaphore(%arg7 : memref<!tpu.dma_semaphore, #tpu.memory_space<semaphore_mem>>)
    %dma_start3A_1209 = arith.constant 145 : i32
    %dma_start3A_1210 = arith.constant 0 : i32
    %dma_start3A_1211 = tpu.memref_slice %arg6[%dma_start3A_1209, %dma_start3A_1210] : memref<256x64xf32, #tpu.memory_space<vmem>> -> memref<1x64xf32, #tpu.memory_space<vmem>>
    %dma_start3A_1212 = arith.constant 0 : i32
    %dma_start3A_1213 = tpu.memref_slice %arg1[%get3A_290, %dma_start3A_1212] : memref<100000x64xf32, #tpu.memory_space<any>> -> memref<1x64xf32, #tpu.memory_space<any>>
    tpu.enqueue_dma source(%dma_start3A_1213 : memref<1x64xf32, #tpu.memory_space<any>>) target(%dma_start3A_1211 : memref<1x64xf32, #tpu.memory_space<vmem>>) target_semaphore(%arg7 : memref<!tpu.dma_semaphore, #tpu.memory_space<semaphore_mem>>)
    %dma_start3A_1214 = arith.constant 146 : i32
    %dma_start3A_1215 = arith.constant 0 : i32
    %dma_start3A_1216 = tpu.memref_slice %arg6[%dma_start3A_1214, %dma_start3A_1215] : memref<256x64xf32, #tpu.memory_space<vmem>> -> memref<1x64xf32, #tpu.memory_space<vmem>>
    %dma_start3A_1217 = arith.constant 0 : i32
    %dma_start3A_1218 = tpu.memref_slice %arg1[%get3A_292, %dma_start3A_1217] : memref<100000x64xf32, #tpu.memory_space<any>> -> memref<1x64xf32, #tpu.memory_space<any>>
    tpu.enqueue_dma source(%dma_start3A_1218 : memref<1x64xf32, #tpu.memory_space<any>>) target(%dma_start3A_1216 : memref<1x64xf32, #tpu.memory_space<vmem>>) target_semaphore(%arg7 : memref<!tpu.dma_semaphore, #tpu.memory_space<semaphore_mem>>)
    %dma_start3A_1219 = arith.constant 147 : i32
    %dma_start3A_1220 = arith.constant 0 : i32
    %dma_start3A_1221 = tpu.memref_slice %arg6[%dma_start3A_1219, %dma_start3A_1220] : memref<256x64xf32, #tpu.memory_space<vmem>> -> memref<1x64xf32, #tpu.memory_space<vmem>>
    %dma_start3A_1222 = arith.constant 0 : i32
    %dma_start3A_1223 = tpu.memref_slice %arg1[%get3A_294, %dma_start3A_1222] : memref<100000x64xf32, #tpu.memory_space<any>> -> memref<1x64xf32, #tpu.memory_space<any>>
    tpu.enqueue_dma source(%dma_start3A_1223 : memref<1x64xf32, #tpu.memory_space<any>>) target(%dma_start3A_1221 : memref<1x64xf32, #tpu.memory_space<vmem>>) target_semaphore(%arg7 : memref<!tpu.dma_semaphore, #tpu.memory_space<semaphore_mem>>)
    %dma_start3A_1224 = arith.constant 148 : i32
    %dma_start3A_1225 = arith.constant 0 : i32
    %dma_start3A_1226 = tpu.memref_slice %arg6[%dma_start3A_1224, %dma_start3A_1225] : memref<256x64xf32, #tpu.memory_space<vmem>> -> memref<1x64xf32, #tpu.memory_space<vmem>>
    %dma_start3A_1227 = arith.constant 0 : i32
    %dma_start3A_1228 = tpu.memref_slice %arg1[%get3A_296, %dma_start3A_1227] : memref<100000x64xf32, #tpu.memory_space<any>> -> memref<1x64xf32, #tpu.memory_space<any>>
    tpu.enqueue_dma source(%dma_start3A_1228 : memref<1x64xf32, #tpu.memory_space<any>>) target(%dma_start3A_1226 : memref<1x64xf32, #tpu.memory_space<vmem>>) target_semaphore(%arg7 : memref<!tpu.dma_semaphore, #tpu.memory_space<semaphore_mem>>)
    %dma_start3A_1229 = arith.constant 149 : i32
    %dma_start3A_1230 = arith.constant 0 : i32
    %dma_start3A_1231 = tpu.memref_slice %arg6[%dma_start3A_1229, %dma_start3A_1230] : memref<256x64xf32, #tpu.memory_space<vmem>> -> memref<1x64xf32, #tpu.memory_space<vmem>>
    %dma_start3A_1232 = arith.constant 0 : i32
    %dma_start3A_1233 = tpu.memref_slice %arg1[%get3A_298, %dma_start3A_1232] : memref<100000x64xf32, #tpu.memory_space<any>> -> memref<1x64xf32, #tpu.memory_space<any>>
    tpu.enqueue_dma source(%dma_start3A_1233 : memref<1x64xf32, #tpu.memory_space<any>>) target(%dma_start3A_1231 : memref<1x64xf32, #tpu.memory_space<vmem>>) target_semaphore(%arg7 : memref<!tpu.dma_semaphore, #tpu.memory_space<semaphore_mem>>)
    %dma_start3A_1234 = arith.constant 150 : i32
    %dma_start3A_1235 = arith.constant 0 : i32
    %dma_start3A_1236 = tpu.memref_slice %arg6[%dma_start3A_1234, %dma_start3A_1235] : memref<256x64xf32, #tpu.memory_space<vmem>> -> memref<1x64xf32, #tpu.memory_space<vmem>>
    %dma_start3A_1237 = arith.constant 0 : i32
    %dma_start3A_1238 = tpu.memref_slice %arg1[%get3A_300, %dma_start3A_1237] : memref<100000x64xf32, #tpu.memory_space<any>> -> memref<1x64xf32, #tpu.memory_space<any>>
    tpu.enqueue_dma source(%dma_start3A_1238 : memref<1x64xf32, #tpu.memory_space<any>>) target(%dma_start3A_1236 : memref<1x64xf32, #tpu.memory_space<vmem>>) target_semaphore(%arg7 : memref<!tpu.dma_semaphore, #tpu.memory_space<semaphore_mem>>)
    %dma_start3A_1239 = arith.constant 151 : i32
    %dma_start3A_1240 = arith.constant 0 : i32
    %dma_start3A_1241 = tpu.memref_slice %arg6[%dma_start3A_1239, %dma_start3A_1240] : memref<256x64xf32, #tpu.memory_space<vmem>> -> memref<1x64xf32, #tpu.memory_space<vmem>>
    %dma_start3A_1242 = arith.constant 0 : i32
    %dma_start3A_1243 = tpu.memref_slice %arg1[%get3A_302, %dma_start3A_1242] : memref<100000x64xf32, #tpu.memory_space<any>> -> memref<1x64xf32, #tpu.memory_space<any>>
    tpu.enqueue_dma source(%dma_start3A_1243 : memref<1x64xf32, #tpu.memory_space<any>>) target(%dma_start3A_1241 : memref<1x64xf32, #tpu.memory_space<vmem>>) target_semaphore(%arg7 : memref<!tpu.dma_semaphore, #tpu.memory_space<semaphore_mem>>)
    %dma_start3A_1244 = arith.constant 152 : i32
    %dma_start3A_1245 = arith.constant 0 : i32
    %dma_start3A_1246 = tpu.memref_slice %arg6[%dma_start3A_1244, %dma_start3A_1245] : memref<256x64xf32, #tpu.memory_space<vmem>> -> memref<1x64xf32, #tpu.memory_space<vmem>>
    %dma_start3A_1247 = arith.constant 0 : i32
    %dma_start3A_1248 = tpu.memref_slice %arg1[%get3A_304, %dma_start3A_1247] : memref<100000x64xf32, #tpu.memory_space<any>> -> memref<1x64xf32, #tpu.memory_space<any>>
    tpu.enqueue_dma source(%dma_start3A_1248 : memref<1x64xf32, #tpu.memory_space<any>>) target(%dma_start3A_1246 : memref<1x64xf32, #tpu.memory_space<vmem>>) target_semaphore(%arg7 : memref<!tpu.dma_semaphore, #tpu.memory_space<semaphore_mem>>)
    %dma_start3A_1249 = arith.constant 153 : i32
    %dma_start3A_1250 = arith.constant 0 : i32
    %dma_start3A_1251 = tpu.memref_slice %arg6[%dma_start3A_1249, %dma_start3A_1250] : memref<256x64xf32, #tpu.memory_space<vmem>> -> memref<1x64xf32, #tpu.memory_space<vmem>>
    %dma_start3A_1252 = arith.constant 0 : i32
    %dma_start3A_1253 = tpu.memref_slice %arg1[%get3A_306, %dma_start3A_1252] : memref<100000x64xf32, #tpu.memory_space<any>> -> memref<1x64xf32, #tpu.memory_space<any>>
    tpu.enqueue_dma source(%dma_start3A_1253 : memref<1x64xf32, #tpu.memory_space<any>>) target(%dma_start3A_1251 : memref<1x64xf32, #tpu.memory_space<vmem>>) target_semaphore(%arg7 : memref<!tpu.dma_semaphore, #tpu.memory_space<semaphore_mem>>)
    %dma_start3A_1254 = arith.constant 154 : i32
    %dma_start3A_1255 = arith.constant 0 : i32
    %dma_start3A_1256 = tpu.memref_slice %arg6[%dma_start3A_1254, %dma_start3A_1255] : memref<256x64xf32, #tpu.memory_space<vmem>> -> memref<1x64xf32, #tpu.memory_space<vmem>>
    %dma_start3A_1257 = arith.constant 0 : i32
    %dma_start3A_1258 = tpu.memref_slice %arg1[%get3A_308, %dma_start3A_1257] : memref<100000x64xf32, #tpu.memory_space<any>> -> memref<1x64xf32, #tpu.memory_space<any>>
    tpu.enqueue_dma source(%dma_start3A_1258 : memref<1x64xf32, #tpu.memory_space<any>>) target(%dma_start3A_1256 : memref<1x64xf32, #tpu.memory_space<vmem>>) target_semaphore(%arg7 : memref<!tpu.dma_semaphore, #tpu.memory_space<semaphore_mem>>)
    %dma_start3A_1259 = arith.constant 155 : i32
    %dma_start3A_1260 = arith.constant 0 : i32
    %dma_start3A_1261 = tpu.memref_slice %arg6[%dma_start3A_1259, %dma_start3A_1260] : memref<256x64xf32, #tpu.memory_space<vmem>> -> memref<1x64xf32, #tpu.memory_space<vmem>>
    %dma_start3A_1262 = arith.constant 0 : i32
    %dma_start3A_1263 = tpu.memref_slice %arg1[%get3A_310, %dma_start3A_1262] : memref<100000x64xf32, #tpu.memory_space<any>> -> memref<1x64xf32, #tpu.memory_space<any>>
    tpu.enqueue_dma source(%dma_start3A_1263 : memref<1x64xf32, #tpu.memory_space<any>>) target(%dma_start3A_1261 : memref<1x64xf32, #tpu.memory_space<vmem>>) target_semaphore(%arg7 : memref<!tpu.dma_semaphore, #tpu.memory_space<semaphore_mem>>)
    %dma_start3A_1264 = arith.constant 156 : i32
    %dma_start3A_1265 = arith.constant 0 : i32
    %dma_start3A_1266 = tpu.memref_slice %arg6[%dma_start3A_1264, %dma_start3A_1265] : memref<256x64xf32, #tpu.memory_space<vmem>> -> memref<1x64xf32, #tpu.memory_space<vmem>>
    %dma_start3A_1267 = arith.constant 0 : i32
    %dma_start3A_1268 = tpu.memref_slice %arg1[%get3A_312, %dma_start3A_1267] : memref<100000x64xf32, #tpu.memory_space<any>> -> memref<1x64xf32, #tpu.memory_space<any>>
    tpu.enqueue_dma source(%dma_start3A_1268 : memref<1x64xf32, #tpu.memory_space<any>>) target(%dma_start3A_1266 : memref<1x64xf32, #tpu.memory_space<vmem>>) target_semaphore(%arg7 : memref<!tpu.dma_semaphore, #tpu.memory_space<semaphore_mem>>)
    %dma_start3A_1269 = arith.constant 157 : i32
    %dma_start3A_1270 = arith.constant 0 : i32
    %dma_start3A_1271 = tpu.memref_slice %arg6[%dma_start3A_1269, %dma_start3A_1270] : memref<256x64xf32, #tpu.memory_space<vmem>> -> memref<1x64xf32, #tpu.memory_space<vmem>>
    %dma_start3A_1272 = arith.constant 0 : i32
    %dma_start3A_1273 = tpu.memref_slice %arg1[%get3A_314, %dma_start3A_1272] : memref<100000x64xf32, #tpu.memory_space<any>> -> memref<1x64xf32, #tpu.memory_space<any>>
    tpu.enqueue_dma source(%dma_start3A_1273 : memref<1x64xf32, #tpu.memory_space<any>>) target(%dma_start3A_1271 : memref<1x64xf32, #tpu.memory_space<vmem>>) target_semaphore(%arg7 : memref<!tpu.dma_semaphore, #tpu.memory_space<semaphore_mem>>)
    %dma_start3A_1274 = arith.constant 158 : i32
    %dma_start3A_1275 = arith.constant 0 : i32
    %dma_start3A_1276 = tpu.memref_slice %arg6[%dma_start3A_1274, %dma_start3A_1275] : memref<256x64xf32, #tpu.memory_space<vmem>> -> memref<1x64xf32, #tpu.memory_space<vmem>>
    %dma_start3A_1277 = arith.constant 0 : i32
    %dma_start3A_1278 = tpu.memref_slice %arg1[%get3A_316, %dma_start3A_1277] : memref<100000x64xf32, #tpu.memory_space<any>> -> memref<1x64xf32, #tpu.memory_space<any>>
    tpu.enqueue_dma source(%dma_start3A_1278 : memref<1x64xf32, #tpu.memory_space<any>>) target(%dma_start3A_1276 : memref<1x64xf32, #tpu.memory_space<vmem>>) target_semaphore(%arg7 : memref<!tpu.dma_semaphore, #tpu.memory_space<semaphore_mem>>)
    %dma_start3A_1279 = arith.constant 159 : i32
    %dma_start3A_1280 = arith.constant 0 : i32
    %dma_start3A_1281 = tpu.memref_slice %arg6[%dma_start3A_1279, %dma_start3A_1280] : memref<256x64xf32, #tpu.memory_space<vmem>> -> memref<1x64xf32, #tpu.memory_space<vmem>>
    %dma_start3A_1282 = arith.constant 0 : i32
    %dma_start3A_1283 = tpu.memref_slice %arg1[%get3A_318, %dma_start3A_1282] : memref<100000x64xf32, #tpu.memory_space<any>> -> memref<1x64xf32, #tpu.memory_space<any>>
    tpu.enqueue_dma source(%dma_start3A_1283 : memref<1x64xf32, #tpu.memory_space<any>>) target(%dma_start3A_1281 : memref<1x64xf32, #tpu.memory_space<vmem>>) target_semaphore(%arg7 : memref<!tpu.dma_semaphore, #tpu.memory_space<semaphore_mem>>)
    %dma_start3A_1284 = arith.constant 160 : i32
    %dma_start3A_1285 = arith.constant 0 : i32
    %dma_start3A_1286 = tpu.memref_slice %arg6[%dma_start3A_1284, %dma_start3A_1285] : memref<256x64xf32, #tpu.memory_space<vmem>> -> memref<1x64xf32, #tpu.memory_space<vmem>>
    %dma_start3A_1287 = arith.constant 0 : i32
    %dma_start3A_1288 = tpu.memref_slice %arg1[%get3A_320, %dma_start3A_1287] : memref<100000x64xf32, #tpu.memory_space<any>> -> memref<1x64xf32, #tpu.memory_space<any>>
    tpu.enqueue_dma source(%dma_start3A_1288 : memref<1x64xf32, #tpu.memory_space<any>>) target(%dma_start3A_1286 : memref<1x64xf32, #tpu.memory_space<vmem>>) target_semaphore(%arg7 : memref<!tpu.dma_semaphore, #tpu.memory_space<semaphore_mem>>)
    %dma_start3A_1289 = arith.constant 161 : i32
    %dma_start3A_1290 = arith.constant 0 : i32
    %dma_start3A_1291 = tpu.memref_slice %arg6[%dma_start3A_1289, %dma_start3A_1290] : memref<256x64xf32, #tpu.memory_space<vmem>> -> memref<1x64xf32, #tpu.memory_space<vmem>>
    %dma_start3A_1292 = arith.constant 0 : i32
    %dma_start3A_1293 = tpu.memref_slice %arg1[%get3A_322, %dma_start3A_1292] : memref<100000x64xf32, #tpu.memory_space<any>> -> memref<1x64xf32, #tpu.memory_space<any>>
    tpu.enqueue_dma source(%dma_start3A_1293 : memref<1x64xf32, #tpu.memory_space<any>>) target(%dma_start3A_1291 : memref<1x64xf32, #tpu.memory_space<vmem>>) target_semaphore(%arg7 : memref<!tpu.dma_semaphore, #tpu.memory_space<semaphore_mem>>)
    %dma_start3A_1294 = arith.constant 162 : i32
    %dma_start3A_1295 = arith.constant 0 : i32
    %dma_start3A_1296 = tpu.memref_slice %arg6[%dma_start3A_1294, %dma_start3A_1295] : memref<256x64xf32, #tpu.memory_space<vmem>> -> memref<1x64xf32, #tpu.memory_space<vmem>>
    %dma_start3A_1297 = arith.constant 0 : i32
    %dma_start3A_1298 = tpu.memref_slice %arg1[%get3A_324, %dma_start3A_1297] : memref<100000x64xf32, #tpu.memory_space<any>> -> memref<1x64xf32, #tpu.memory_space<any>>
    tpu.enqueue_dma source(%dma_start3A_1298 : memref<1x64xf32, #tpu.memory_space<any>>) target(%dma_start3A_1296 : memref<1x64xf32, #tpu.memory_space<vmem>>) target_semaphore(%arg7 : memref<!tpu.dma_semaphore, #tpu.memory_space<semaphore_mem>>)
    %dma_start3A_1299 = arith.constant 163 : i32
    %dma_start3A_1300 = arith.constant 0 : i32
    %dma_start3A_1301 = tpu.memref_slice %arg6[%dma_start3A_1299, %dma_start3A_1300] : memref<256x64xf32, #tpu.memory_space<vmem>> -> memref<1x64xf32, #tpu.memory_space<vmem>>
    %dma_start3A_1302 = arith.constant 0 : i32
    %dma_start3A_1303 = tpu.memref_slice %arg1[%get3A_326, %dma_start3A_1302] : memref<100000x64xf32, #tpu.memory_space<any>> -> memref<1x64xf32, #tpu.memory_space<any>>
    tpu.enqueue_dma source(%dma_start3A_1303 : memref<1x64xf32, #tpu.memory_space<any>>) target(%dma_start3A_1301 : memref<1x64xf32, #tpu.memory_space<vmem>>) target_semaphore(%arg7 : memref<!tpu.dma_semaphore, #tpu.memory_space<semaphore_mem>>)
    %dma_start3A_1304 = arith.constant 164 : i32
    %dma_start3A_1305 = arith.constant 0 : i32
    %dma_start3A_1306 = tpu.memref_slice %arg6[%dma_start3A_1304, %dma_start3A_1305] : memref<256x64xf32, #tpu.memory_space<vmem>> -> memref<1x64xf32, #tpu.memory_space<vmem>>
    %dma_start3A_1307 = arith.constant 0 : i32
    %dma_start3A_1308 = tpu.memref_slice %arg1[%get3A_328, %dma_start3A_1307] : memref<100000x64xf32, #tpu.memory_space<any>> -> memref<1x64xf32, #tpu.memory_space<any>>
    tpu.enqueue_dma source(%dma_start3A_1308 : memref<1x64xf32, #tpu.memory_space<any>>) target(%dma_start3A_1306 : memref<1x64xf32, #tpu.memory_space<vmem>>) target_semaphore(%arg7 : memref<!tpu.dma_semaphore, #tpu.memory_space<semaphore_mem>>)
    %dma_start3A_1309 = arith.constant 165 : i32
    %dma_start3A_1310 = arith.constant 0 : i32
    %dma_start3A_1311 = tpu.memref_slice %arg6[%dma_start3A_1309, %dma_start3A_1310] : memref<256x64xf32, #tpu.memory_space<vmem>> -> memref<1x64xf32, #tpu.memory_space<vmem>>
    %dma_start3A_1312 = arith.constant 0 : i32
    %dma_start3A_1313 = tpu.memref_slice %arg1[%get3A_330, %dma_start3A_1312] : memref<100000x64xf32, #tpu.memory_space<any>> -> memref<1x64xf32, #tpu.memory_space<any>>
    tpu.enqueue_dma source(%dma_start3A_1313 : memref<1x64xf32, #tpu.memory_space<any>>) target(%dma_start3A_1311 : memref<1x64xf32, #tpu.memory_space<vmem>>) target_semaphore(%arg7 : memref<!tpu.dma_semaphore, #tpu.memory_space<semaphore_mem>>)
    %dma_start3A_1314 = arith.constant 166 : i32
    %dma_start3A_1315 = arith.constant 0 : i32
    %dma_start3A_1316 = tpu.memref_slice %arg6[%dma_start3A_1314, %dma_start3A_1315] : memref<256x64xf32, #tpu.memory_space<vmem>> -> memref<1x64xf32, #tpu.memory_space<vmem>>
    %dma_start3A_1317 = arith.constant 0 : i32
    %dma_start3A_1318 = tpu.memref_slice %arg1[%get3A_332, %dma_start3A_1317] : memref<100000x64xf32, #tpu.memory_space<any>> -> memref<1x64xf32, #tpu.memory_space<any>>
    tpu.enqueue_dma source(%dma_start3A_1318 : memref<1x64xf32, #tpu.memory_space<any>>) target(%dma_start3A_1316 : memref<1x64xf32, #tpu.memory_space<vmem>>) target_semaphore(%arg7 : memref<!tpu.dma_semaphore, #tpu.memory_space<semaphore_mem>>)
    %dma_start3A_1319 = arith.constant 167 : i32
    %dma_start3A_1320 = arith.constant 0 : i32
    %dma_start3A_1321 = tpu.memref_slice %arg6[%dma_start3A_1319, %dma_start3A_1320] : memref<256x64xf32, #tpu.memory_space<vmem>> -> memref<1x64xf32, #tpu.memory_space<vmem>>
    %dma_start3A_1322 = arith.constant 0 : i32
    %dma_start3A_1323 = tpu.memref_slice %arg1[%get3A_334, %dma_start3A_1322] : memref<100000x64xf32, #tpu.memory_space<any>> -> memref<1x64xf32, #tpu.memory_space<any>>
    tpu.enqueue_dma source(%dma_start3A_1323 : memref<1x64xf32, #tpu.memory_space<any>>) target(%dma_start3A_1321 : memref<1x64xf32, #tpu.memory_space<vmem>>) target_semaphore(%arg7 : memref<!tpu.dma_semaphore, #tpu.memory_space<semaphore_mem>>)
    %dma_start3A_1324 = arith.constant 168 : i32
    %dma_start3A_1325 = arith.constant 0 : i32
    %dma_start3A_1326 = tpu.memref_slice %arg6[%dma_start3A_1324, %dma_start3A_1325] : memref<256x64xf32, #tpu.memory_space<vmem>> -> memref<1x64xf32, #tpu.memory_space<vmem>>
    %dma_start3A_1327 = arith.constant 0 : i32
    %dma_start3A_1328 = tpu.memref_slice %arg1[%get3A_336, %dma_start3A_1327] : memref<100000x64xf32, #tpu.memory_space<any>> -> memref<1x64xf32, #tpu.memory_space<any>>
    tpu.enqueue_dma source(%dma_start3A_1328 : memref<1x64xf32, #tpu.memory_space<any>>) target(%dma_start3A_1326 : memref<1x64xf32, #tpu.memory_space<vmem>>) target_semaphore(%arg7 : memref<!tpu.dma_semaphore, #tpu.memory_space<semaphore_mem>>)
    %dma_start3A_1329 = arith.constant 169 : i32
    %dma_start3A_1330 = arith.constant 0 : i32
    %dma_start3A_1331 = tpu.memref_slice %arg6[%dma_start3A_1329, %dma_start3A_1330] : memref<256x64xf32, #tpu.memory_space<vmem>> -> memref<1x64xf32, #tpu.memory_space<vmem>>
    %dma_start3A_1332 = arith.constant 0 : i32
    %dma_start3A_1333 = tpu.memref_slice %arg1[%get3A_338, %dma_start3A_1332] : memref<100000x64xf32, #tpu.memory_space<any>> -> memref<1x64xf32, #tpu.memory_space<any>>
    tpu.enqueue_dma source(%dma_start3A_1333 : memref<1x64xf32, #tpu.memory_space<any>>) target(%dma_start3A_1331 : memref<1x64xf32, #tpu.memory_space<vmem>>) target_semaphore(%arg7 : memref<!tpu.dma_semaphore, #tpu.memory_space<semaphore_mem>>)
    %dma_start3A_1334 = arith.constant 170 : i32
    %dma_start3A_1335 = arith.constant 0 : i32
    %dma_start3A_1336 = tpu.memref_slice %arg6[%dma_start3A_1334, %dma_start3A_1335] : memref<256x64xf32, #tpu.memory_space<vmem>> -> memref<1x64xf32, #tpu.memory_space<vmem>>
    %dma_start3A_1337 = arith.constant 0 : i32
    %dma_start3A_1338 = tpu.memref_slice %arg1[%get3A_340, %dma_start3A_1337] : memref<100000x64xf32, #tpu.memory_space<any>> -> memref<1x64xf32, #tpu.memory_space<any>>
    tpu.enqueue_dma source(%dma_start3A_1338 : memref<1x64xf32, #tpu.memory_space<any>>) target(%dma_start3A_1336 : memref<1x64xf32, #tpu.memory_space<vmem>>) target_semaphore(%arg7 : memref<!tpu.dma_semaphore, #tpu.memory_space<semaphore_mem>>)
    %dma_start3A_1339 = arith.constant 171 : i32
    %dma_start3A_1340 = arith.constant 0 : i32
    %dma_start3A_1341 = tpu.memref_slice %arg6[%dma_start3A_1339, %dma_start3A_1340] : memref<256x64xf32, #tpu.memory_space<vmem>> -> memref<1x64xf32, #tpu.memory_space<vmem>>
    %dma_start3A_1342 = arith.constant 0 : i32
    %dma_start3A_1343 = tpu.memref_slice %arg1[%get3A_342, %dma_start3A_1342] : memref<100000x64xf32, #tpu.memory_space<any>> -> memref<1x64xf32, #tpu.memory_space<any>>
    tpu.enqueue_dma source(%dma_start3A_1343 : memref<1x64xf32, #tpu.memory_space<any>>) target(%dma_start3A_1341 : memref<1x64xf32, #tpu.memory_space<vmem>>) target_semaphore(%arg7 : memref<!tpu.dma_semaphore, #tpu.memory_space<semaphore_mem>>)
    %dma_start3A_1344 = arith.constant 172 : i32
    %dma_start3A_1345 = arith.constant 0 : i32
    %dma_start3A_1346 = tpu.memref_slice %arg6[%dma_start3A_1344, %dma_start3A_1345] : memref<256x64xf32, #tpu.memory_space<vmem>> -> memref<1x64xf32, #tpu.memory_space<vmem>>
    %dma_start3A_1347 = arith.constant 0 : i32
    %dma_start3A_1348 = tpu.memref_slice %arg1[%get3A_344, %dma_start3A_1347] : memref<100000x64xf32, #tpu.memory_space<any>> -> memref<1x64xf32, #tpu.memory_space<any>>
    tpu.enqueue_dma source(%dma_start3A_1348 : memref<1x64xf32, #tpu.memory_space<any>>) target(%dma_start3A_1346 : memref<1x64xf32, #tpu.memory_space<vmem>>) target_semaphore(%arg7 : memref<!tpu.dma_semaphore, #tpu.memory_space<semaphore_mem>>)
    %dma_start3A_1349 = arith.constant 173 : i32
    %dma_start3A_1350 = arith.constant 0 : i32
    %dma_start3A_1351 = tpu.memref_slice %arg6[%dma_start3A_1349, %dma_start3A_1350] : memref<256x64xf32, #tpu.memory_space<vmem>> -> memref<1x64xf32, #tpu.memory_space<vmem>>
    %dma_start3A_1352 = arith.constant 0 : i32
    %dma_start3A_1353 = tpu.memref_slice %arg1[%get3A_346, %dma_start3A_1352] : memref<100000x64xf32, #tpu.memory_space<any>> -> memref<1x64xf32, #tpu.memory_space<any>>
    tpu.enqueue_dma source(%dma_start3A_1353 : memref<1x64xf32, #tpu.memory_space<any>>) target(%dma_start3A_1351 : memref<1x64xf32, #tpu.memory_space<vmem>>) target_semaphore(%arg7 : memref<!tpu.dma_semaphore, #tpu.memory_space<semaphore_mem>>)
    %dma_start3A_1354 = arith.constant 174 : i32
    %dma_start3A_1355 = arith.constant 0 : i32
    %dma_start3A_1356 = tpu.memref_slice %arg6[%dma_start3A_1354, %dma_start3A_1355] : memref<256x64xf32, #tpu.memory_space<vmem>> -> memref<1x64xf32, #tpu.memory_space<vmem>>
    %dma_start3A_1357 = arith.constant 0 : i32
    %dma_start3A_1358 = tpu.memref_slice %arg1[%get3A_348, %dma_start3A_1357] : memref<100000x64xf32, #tpu.memory_space<any>> -> memref<1x64xf32, #tpu.memory_space<any>>
    tpu.enqueue_dma source(%dma_start3A_1358 : memref<1x64xf32, #tpu.memory_space<any>>) target(%dma_start3A_1356 : memref<1x64xf32, #tpu.memory_space<vmem>>) target_semaphore(%arg7 : memref<!tpu.dma_semaphore, #tpu.memory_space<semaphore_mem>>)
    %dma_start3A_1359 = arith.constant 175 : i32
    %dma_start3A_1360 = arith.constant 0 : i32
    %dma_start3A_1361 = tpu.memref_slice %arg6[%dma_start3A_1359, %dma_start3A_1360] : memref<256x64xf32, #tpu.memory_space<vmem>> -> memref<1x64xf32, #tpu.memory_space<vmem>>
    %dma_start3A_1362 = arith.constant 0 : i32
    %dma_start3A_1363 = tpu.memref_slice %arg1[%get3A_350, %dma_start3A_1362] : memref<100000x64xf32, #tpu.memory_space<any>> -> memref<1x64xf32, #tpu.memory_space<any>>
    tpu.enqueue_dma source(%dma_start3A_1363 : memref<1x64xf32, #tpu.memory_space<any>>) target(%dma_start3A_1361 : memref<1x64xf32, #tpu.memory_space<vmem>>) target_semaphore(%arg7 : memref<!tpu.dma_semaphore, #tpu.memory_space<semaphore_mem>>)
    %dma_start3A_1364 = arith.constant 176 : i32
    %dma_start3A_1365 = arith.constant 0 : i32
    %dma_start3A_1366 = tpu.memref_slice %arg6[%dma_start3A_1364, %dma_start3A_1365] : memref<256x64xf32, #tpu.memory_space<vmem>> -> memref<1x64xf32, #tpu.memory_space<vmem>>
    %dma_start3A_1367 = arith.constant 0 : i32
    %dma_start3A_1368 = tpu.memref_slice %arg1[%get3A_352, %dma_start3A_1367] : memref<100000x64xf32, #tpu.memory_space<any>> -> memref<1x64xf32, #tpu.memory_space<any>>
    tpu.enqueue_dma source(%dma_start3A_1368 : memref<1x64xf32, #tpu.memory_space<any>>) target(%dma_start3A_1366 : memref<1x64xf32, #tpu.memory_space<vmem>>) target_semaphore(%arg7 : memref<!tpu.dma_semaphore, #tpu.memory_space<semaphore_mem>>)
    %dma_start3A_1369 = arith.constant 177 : i32
    %dma_start3A_1370 = arith.constant 0 : i32
    %dma_start3A_1371 = tpu.memref_slice %arg6[%dma_start3A_1369, %dma_start3A_1370] : memref<256x64xf32, #tpu.memory_space<vmem>> -> memref<1x64xf32, #tpu.memory_space<vmem>>
    %dma_start3A_1372 = arith.constant 0 : i32
    %dma_start3A_1373 = tpu.memref_slice %arg1[%get3A_354, %dma_start3A_1372] : memref<100000x64xf32, #tpu.memory_space<any>> -> memref<1x64xf32, #tpu.memory_space<any>>
    tpu.enqueue_dma source(%dma_start3A_1373 : memref<1x64xf32, #tpu.memory_space<any>>) target(%dma_start3A_1371 : memref<1x64xf32, #tpu.memory_space<vmem>>) target_semaphore(%arg7 : memref<!tpu.dma_semaphore, #tpu.memory_space<semaphore_mem>>)
    %dma_start3A_1374 = arith.constant 178 : i32
    %dma_start3A_1375 = arith.constant 0 : i32
    %dma_start3A_1376 = tpu.memref_slice %arg6[%dma_start3A_1374, %dma_start3A_1375] : memref<256x64xf32, #tpu.memory_space<vmem>> -> memref<1x64xf32, #tpu.memory_space<vmem>>
    %dma_start3A_1377 = arith.constant 0 : i32
    %dma_start3A_1378 = tpu.memref_slice %arg1[%get3A_356, %dma_start3A_1377] : memref<100000x64xf32, #tpu.memory_space<any>> -> memref<1x64xf32, #tpu.memory_space<any>>
    tpu.enqueue_dma source(%dma_start3A_1378 : memref<1x64xf32, #tpu.memory_space<any>>) target(%dma_start3A_1376 : memref<1x64xf32, #tpu.memory_space<vmem>>) target_semaphore(%arg7 : memref<!tpu.dma_semaphore, #tpu.memory_space<semaphore_mem>>)
    %dma_start3A_1379 = arith.constant 179 : i32
    %dma_start3A_1380 = arith.constant 0 : i32
    %dma_start3A_1381 = tpu.memref_slice %arg6[%dma_start3A_1379, %dma_start3A_1380] : memref<256x64xf32, #tpu.memory_space<vmem>> -> memref<1x64xf32, #tpu.memory_space<vmem>>
    %dma_start3A_1382 = arith.constant 0 : i32
    %dma_start3A_1383 = tpu.memref_slice %arg1[%get3A_358, %dma_start3A_1382] : memref<100000x64xf32, #tpu.memory_space<any>> -> memref<1x64xf32, #tpu.memory_space<any>>
    tpu.enqueue_dma source(%dma_start3A_1383 : memref<1x64xf32, #tpu.memory_space<any>>) target(%dma_start3A_1381 : memref<1x64xf32, #tpu.memory_space<vmem>>) target_semaphore(%arg7 : memref<!tpu.dma_semaphore, #tpu.memory_space<semaphore_mem>>)
    %dma_start3A_1384 = arith.constant 180 : i32
    %dma_start3A_1385 = arith.constant 0 : i32
    %dma_start3A_1386 = tpu.memref_slice %arg6[%dma_start3A_1384, %dma_start3A_1385] : memref<256x64xf32, #tpu.memory_space<vmem>> -> memref<1x64xf32, #tpu.memory_space<vmem>>
    %dma_start3A_1387 = arith.constant 0 : i32
    %dma_start3A_1388 = tpu.memref_slice %arg1[%get3A_360, %dma_start3A_1387] : memref<100000x64xf32, #tpu.memory_space<any>> -> memref<1x64xf32, #tpu.memory_space<any>>
    tpu.enqueue_dma source(%dma_start3A_1388 : memref<1x64xf32, #tpu.memory_space<any>>) target(%dma_start3A_1386 : memref<1x64xf32, #tpu.memory_space<vmem>>) target_semaphore(%arg7 : memref<!tpu.dma_semaphore, #tpu.memory_space<semaphore_mem>>)
    %dma_start3A_1389 = arith.constant 181 : i32
    %dma_start3A_1390 = arith.constant 0 : i32
    %dma_start3A_1391 = tpu.memref_slice %arg6[%dma_start3A_1389, %dma_start3A_1390] : memref<256x64xf32, #tpu.memory_space<vmem>> -> memref<1x64xf32, #tpu.memory_space<vmem>>
    %dma_start3A_1392 = arith.constant 0 : i32
    %dma_start3A_1393 = tpu.memref_slice %arg1[%get3A_362, %dma_start3A_1392] : memref<100000x64xf32, #tpu.memory_space<any>> -> memref<1x64xf32, #tpu.memory_space<any>>
    tpu.enqueue_dma source(%dma_start3A_1393 : memref<1x64xf32, #tpu.memory_space<any>>) target(%dma_start3A_1391 : memref<1x64xf32, #tpu.memory_space<vmem>>) target_semaphore(%arg7 : memref<!tpu.dma_semaphore, #tpu.memory_space<semaphore_mem>>)
    %dma_start3A_1394 = arith.constant 182 : i32
    %dma_start3A_1395 = arith.constant 0 : i32
    %dma_start3A_1396 = tpu.memref_slice %arg6[%dma_start3A_1394, %dma_start3A_1395] : memref<256x64xf32, #tpu.memory_space<vmem>> -> memref<1x64xf32, #tpu.memory_space<vmem>>
    %dma_start3A_1397 = arith.constant 0 : i32
    %dma_start3A_1398 = tpu.memref_slice %arg1[%get3A_364, %dma_start3A_1397] : memref<100000x64xf32, #tpu.memory_space<any>> -> memref<1x64xf32, #tpu.memory_space<any>>
    tpu.enqueue_dma source(%dma_start3A_1398 : memref<1x64xf32, #tpu.memory_space<any>>) target(%dma_start3A_1396 : memref<1x64xf32, #tpu.memory_space<vmem>>) target_semaphore(%arg7 : memref<!tpu.dma_semaphore, #tpu.memory_space<semaphore_mem>>)
    %dma_start3A_1399 = arith.constant 183 : i32
    %dma_start3A_1400 = arith.constant 0 : i32
    %dma_start3A_1401 = tpu.memref_slice %arg6[%dma_start3A_1399, %dma_start3A_1400] : memref<256x64xf32, #tpu.memory_space<vmem>> -> memref<1x64xf32, #tpu.memory_space<vmem>>
    %dma_start3A_1402 = arith.constant 0 : i32
    %dma_start3A_1403 = tpu.memref_slice %arg1[%get3A_366, %dma_start3A_1402] : memref<100000x64xf32, #tpu.memory_space<any>> -> memref<1x64xf32, #tpu.memory_space<any>>
    tpu.enqueue_dma source(%dma_start3A_1403 : memref<1x64xf32, #tpu.memory_space<any>>) target(%dma_start3A_1401 : memref<1x64xf32, #tpu.memory_space<vmem>>) target_semaphore(%arg7 : memref<!tpu.dma_semaphore, #tpu.memory_space<semaphore_mem>>)
    %dma_start3A_1404 = arith.constant 184 : i32
    %dma_start3A_1405 = arith.constant 0 : i32
    %dma_start3A_1406 = tpu.memref_slice %arg6[%dma_start3A_1404, %dma_start3A_1405] : memref<256x64xf32, #tpu.memory_space<vmem>> -> memref<1x64xf32, #tpu.memory_space<vmem>>
    %dma_start3A_1407 = arith.constant 0 : i32
    %dma_start3A_1408 = tpu.memref_slice %arg1[%get3A_368, %dma_start3A_1407] : memref<100000x64xf32, #tpu.memory_space<any>> -> memref<1x64xf32, #tpu.memory_space<any>>
    tpu.enqueue_dma source(%dma_start3A_1408 : memref<1x64xf32, #tpu.memory_space<any>>) target(%dma_start3A_1406 : memref<1x64xf32, #tpu.memory_space<vmem>>) target_semaphore(%arg7 : memref<!tpu.dma_semaphore, #tpu.memory_space<semaphore_mem>>)
    %dma_start3A_1409 = arith.constant 185 : i32
    %dma_start3A_1410 = arith.constant 0 : i32
    %dma_start3A_1411 = tpu.memref_slice %arg6[%dma_start3A_1409, %dma_start3A_1410] : memref<256x64xf32, #tpu.memory_space<vmem>> -> memref<1x64xf32, #tpu.memory_space<vmem>>
    %dma_start3A_1412 = arith.constant 0 : i32
    %dma_start3A_1413 = tpu.memref_slice %arg1[%get3A_370, %dma_start3A_1412] : memref<100000x64xf32, #tpu.memory_space<any>> -> memref<1x64xf32, #tpu.memory_space<any>>
    tpu.enqueue_dma source(%dma_start3A_1413 : memref<1x64xf32, #tpu.memory_space<any>>) target(%dma_start3A_1411 : memref<1x64xf32, #tpu.memory_space<vmem>>) target_semaphore(%arg7 : memref<!tpu.dma_semaphore, #tpu.memory_space<semaphore_mem>>)
    %dma_start3A_1414 = arith.constant 186 : i32
    %dma_start3A_1415 = arith.constant 0 : i32
    %dma_start3A_1416 = tpu.memref_slice %arg6[%dma_start3A_1414, %dma_start3A_1415] : memref<256x64xf32, #tpu.memory_space<vmem>> -> memref<1x64xf32, #tpu.memory_space<vmem>>
    %dma_start3A_1417 = arith.constant 0 : i32
    %dma_start3A_1418 = tpu.memref_slice %arg1[%get3A_372, %dma_start3A_1417] : memref<100000x64xf32, #tpu.memory_space<any>> -> memref<1x64xf32, #tpu.memory_space<any>>
    tpu.enqueue_dma source(%dma_start3A_1418 : memref<1x64xf32, #tpu.memory_space<any>>) target(%dma_start3A_1416 : memref<1x64xf32, #tpu.memory_space<vmem>>) target_semaphore(%arg7 : memref<!tpu.dma_semaphore, #tpu.memory_space<semaphore_mem>>)
    %dma_start3A_1419 = arith.constant 187 : i32
    %dma_start3A_1420 = arith.constant 0 : i32
    %dma_start3A_1421 = tpu.memref_slice %arg6[%dma_start3A_1419, %dma_start3A_1420] : memref<256x64xf32, #tpu.memory_space<vmem>> -> memref<1x64xf32, #tpu.memory_space<vmem>>
    %dma_start3A_1422 = arith.constant 0 : i32
    %dma_start3A_1423 = tpu.memref_slice %arg1[%get3A_374, %dma_start3A_1422] : memref<100000x64xf32, #tpu.memory_space<any>> -> memref<1x64xf32, #tpu.memory_space<any>>
    tpu.enqueue_dma source(%dma_start3A_1423 : memref<1x64xf32, #tpu.memory_space<any>>) target(%dma_start3A_1421 : memref<1x64xf32, #tpu.memory_space<vmem>>) target_semaphore(%arg7 : memref<!tpu.dma_semaphore, #tpu.memory_space<semaphore_mem>>)
    %dma_start3A_1424 = arith.constant 188 : i32
    %dma_start3A_1425 = arith.constant 0 : i32
    %dma_start3A_1426 = tpu.memref_slice %arg6[%dma_start3A_1424, %dma_start3A_1425] : memref<256x64xf32, #tpu.memory_space<vmem>> -> memref<1x64xf32, #tpu.memory_space<vmem>>
    %dma_start3A_1427 = arith.constant 0 : i32
    %dma_start3A_1428 = tpu.memref_slice %arg1[%get3A_376, %dma_start3A_1427] : memref<100000x64xf32, #tpu.memory_space<any>> -> memref<1x64xf32, #tpu.memory_space<any>>
    tpu.enqueue_dma source(%dma_start3A_1428 : memref<1x64xf32, #tpu.memory_space<any>>) target(%dma_start3A_1426 : memref<1x64xf32, #tpu.memory_space<vmem>>) target_semaphore(%arg7 : memref<!tpu.dma_semaphore, #tpu.memory_space<semaphore_mem>>)
    %dma_start3A_1429 = arith.constant 189 : i32
    %dma_start3A_1430 = arith.constant 0 : i32
    %dma_start3A_1431 = tpu.memref_slice %arg6[%dma_start3A_1429, %dma_start3A_1430] : memref<256x64xf32, #tpu.memory_space<vmem>> -> memref<1x64xf32, #tpu.memory_space<vmem>>
    %dma_start3A_1432 = arith.constant 0 : i32
    %dma_start3A_1433 = tpu.memref_slice %arg1[%get3A_378, %dma_start3A_1432] : memref<100000x64xf32, #tpu.memory_space<any>> -> memref<1x64xf32, #tpu.memory_space<any>>
    tpu.enqueue_dma source(%dma_start3A_1433 : memref<1x64xf32, #tpu.memory_space<any>>) target(%dma_start3A_1431 : memref<1x64xf32, #tpu.memory_space<vmem>>) target_semaphore(%arg7 : memref<!tpu.dma_semaphore, #tpu.memory_space<semaphore_mem>>)
    %dma_start3A_1434 = arith.constant 190 : i32
    %dma_start3A_1435 = arith.constant 0 : i32
    %dma_start3A_1436 = tpu.memref_slice %arg6[%dma_start3A_1434, %dma_start3A_1435] : memref<256x64xf32, #tpu.memory_space<vmem>> -> memref<1x64xf32, #tpu.memory_space<vmem>>
    %dma_start3A_1437 = arith.constant 0 : i32
    %dma_start3A_1438 = tpu.memref_slice %arg1[%get3A_380, %dma_start3A_1437] : memref<100000x64xf32, #tpu.memory_space<any>> -> memref<1x64xf32, #tpu.memory_space<any>>
    tpu.enqueue_dma source(%dma_start3A_1438 : memref<1x64xf32, #tpu.memory_space<any>>) target(%dma_start3A_1436 : memref<1x64xf32, #tpu.memory_space<vmem>>) target_semaphore(%arg7 : memref<!tpu.dma_semaphore, #tpu.memory_space<semaphore_mem>>)
    %dma_start3A_1439 = arith.constant 191 : i32
    %dma_start3A_1440 = arith.constant 0 : i32
    %dma_start3A_1441 = tpu.memref_slice %arg6[%dma_start3A_1439, %dma_start3A_1440] : memref<256x64xf32, #tpu.memory_space<vmem>> -> memref<1x64xf32, #tpu.memory_space<vmem>>
    %dma_start3A_1442 = arith.constant 0 : i32
    %dma_start3A_1443 = tpu.memref_slice %arg1[%get3A_382, %dma_start3A_1442] : memref<100000x64xf32, #tpu.memory_space<any>> -> memref<1x64xf32, #tpu.memory_space<any>>
    tpu.enqueue_dma source(%dma_start3A_1443 : memref<1x64xf32, #tpu.memory_space<any>>) target(%dma_start3A_1441 : memref<1x64xf32, #tpu.memory_space<vmem>>) target_semaphore(%arg7 : memref<!tpu.dma_semaphore, #tpu.memory_space<semaphore_mem>>)
    %dma_start3A_1444 = arith.constant 192 : i32
    %dma_start3A_1445 = arith.constant 0 : i32
    %dma_start3A_1446 = tpu.memref_slice %arg6[%dma_start3A_1444, %dma_start3A_1445] : memref<256x64xf32, #tpu.memory_space<vmem>> -> memref<1x64xf32, #tpu.memory_space<vmem>>
    %dma_start3A_1447 = arith.constant 0 : i32
    %dma_start3A_1448 = tpu.memref_slice %arg1[%get3A_384, %dma_start3A_1447] : memref<100000x64xf32, #tpu.memory_space<any>> -> memref<1x64xf32, #tpu.memory_space<any>>
    tpu.enqueue_dma source(%dma_start3A_1448 : memref<1x64xf32, #tpu.memory_space<any>>) target(%dma_start3A_1446 : memref<1x64xf32, #tpu.memory_space<vmem>>) target_semaphore(%arg7 : memref<!tpu.dma_semaphore, #tpu.memory_space<semaphore_mem>>)
    %dma_start3A_1449 = arith.constant 193 : i32
    %dma_start3A_1450 = arith.constant 0 : i32
    %dma_start3A_1451 = tpu.memref_slice %arg6[%dma_start3A_1449, %dma_start3A_1450] : memref<256x64xf32, #tpu.memory_space<vmem>> -> memref<1x64xf32, #tpu.memory_space<vmem>>
    %dma_start3A_1452 = arith.constant 0 : i32
    %dma_start3A_1453 = tpu.memref_slice %arg1[%get3A_386, %dma_start3A_1452] : memref<100000x64xf32, #tpu.memory_space<any>> -> memref<1x64xf32, #tpu.memory_space<any>>
    tpu.enqueue_dma source(%dma_start3A_1453 : memref<1x64xf32, #tpu.memory_space<any>>) target(%dma_start3A_1451 : memref<1x64xf32, #tpu.memory_space<vmem>>) target_semaphore(%arg7 : memref<!tpu.dma_semaphore, #tpu.memory_space<semaphore_mem>>)
    %dma_start3A_1454 = arith.constant 194 : i32
    %dma_start3A_1455 = arith.constant 0 : i32
    %dma_start3A_1456 = tpu.memref_slice %arg6[%dma_start3A_1454, %dma_start3A_1455] : memref<256x64xf32, #tpu.memory_space<vmem>> -> memref<1x64xf32, #tpu.memory_space<vmem>>
    %dma_start3A_1457 = arith.constant 0 : i32
    %dma_start3A_1458 = tpu.memref_slice %arg1[%get3A_388, %dma_start3A_1457] : memref<100000x64xf32, #tpu.memory_space<any>> -> memref<1x64xf32, #tpu.memory_space<any>>
    tpu.enqueue_dma source(%dma_start3A_1458 : memref<1x64xf32, #tpu.memory_space<any>>) target(%dma_start3A_1456 : memref<1x64xf32, #tpu.memory_space<vmem>>) target_semaphore(%arg7 : memref<!tpu.dma_semaphore, #tpu.memory_space<semaphore_mem>>)
    %dma_start3A_1459 = arith.constant 195 : i32
    %dma_start3A_1460 = arith.constant 0 : i32
    %dma_start3A_1461 = tpu.memref_slice %arg6[%dma_start3A_1459, %dma_start3A_1460] : memref<256x64xf32, #tpu.memory_space<vmem>> -> memref<1x64xf32, #tpu.memory_space<vmem>>
    %dma_start3A_1462 = arith.constant 0 : i32
    %dma_start3A_1463 = tpu.memref_slice %arg1[%get3A_390, %dma_start3A_1462] : memref<100000x64xf32, #tpu.memory_space<any>> -> memref<1x64xf32, #tpu.memory_space<any>>
    tpu.enqueue_dma source(%dma_start3A_1463 : memref<1x64xf32, #tpu.memory_space<any>>) target(%dma_start3A_1461 : memref<1x64xf32, #tpu.memory_space<vmem>>) target_semaphore(%arg7 : memref<!tpu.dma_semaphore, #tpu.memory_space<semaphore_mem>>)
    %dma_start3A_1464 = arith.constant 196 : i32
    %dma_start3A_1465 = arith.constant 0 : i32
    %dma_start3A_1466 = tpu.memref_slice %arg6[%dma_start3A_1464, %dma_start3A_1465] : memref<256x64xf32, #tpu.memory_space<vmem>> -> memref<1x64xf32, #tpu.memory_space<vmem>>
    %dma_start3A_1467 = arith.constant 0 : i32
    %dma_start3A_1468 = tpu.memref_slice %arg1[%get3A_392, %dma_start3A_1467] : memref<100000x64xf32, #tpu.memory_space<any>> -> memref<1x64xf32, #tpu.memory_space<any>>
    tpu.enqueue_dma source(%dma_start3A_1468 : memref<1x64xf32, #tpu.memory_space<any>>) target(%dma_start3A_1466 : memref<1x64xf32, #tpu.memory_space<vmem>>) target_semaphore(%arg7 : memref<!tpu.dma_semaphore, #tpu.memory_space<semaphore_mem>>)
    %dma_start3A_1469 = arith.constant 197 : i32
    %dma_start3A_1470 = arith.constant 0 : i32
    %dma_start3A_1471 = tpu.memref_slice %arg6[%dma_start3A_1469, %dma_start3A_1470] : memref<256x64xf32, #tpu.memory_space<vmem>> -> memref<1x64xf32, #tpu.memory_space<vmem>>
    %dma_start3A_1472 = arith.constant 0 : i32
    %dma_start3A_1473 = tpu.memref_slice %arg1[%get3A_394, %dma_start3A_1472] : memref<100000x64xf32, #tpu.memory_space<any>> -> memref<1x64xf32, #tpu.memory_space<any>>
    tpu.enqueue_dma source(%dma_start3A_1473 : memref<1x64xf32, #tpu.memory_space<any>>) target(%dma_start3A_1471 : memref<1x64xf32, #tpu.memory_space<vmem>>) target_semaphore(%arg7 : memref<!tpu.dma_semaphore, #tpu.memory_space<semaphore_mem>>)
    %dma_start3A_1474 = arith.constant 198 : i32
    %dma_start3A_1475 = arith.constant 0 : i32
    %dma_start3A_1476 = tpu.memref_slice %arg6[%dma_start3A_1474, %dma_start3A_1475] : memref<256x64xf32, #tpu.memory_space<vmem>> -> memref<1x64xf32, #tpu.memory_space<vmem>>
    %dma_start3A_1477 = arith.constant 0 : i32
    %dma_start3A_1478 = tpu.memref_slice %arg1[%get3A_396, %dma_start3A_1477] : memref<100000x64xf32, #tpu.memory_space<any>> -> memref<1x64xf32, #tpu.memory_space<any>>
    tpu.enqueue_dma source(%dma_start3A_1478 : memref<1x64xf32, #tpu.memory_space<any>>) target(%dma_start3A_1476 : memref<1x64xf32, #tpu.memory_space<vmem>>) target_semaphore(%arg7 : memref<!tpu.dma_semaphore, #tpu.memory_space<semaphore_mem>>)
    %dma_start3A_1479 = arith.constant 199 : i32
    %dma_start3A_1480 = arith.constant 0 : i32
    %dma_start3A_1481 = tpu.memref_slice %arg6[%dma_start3A_1479, %dma_start3A_1480] : memref<256x64xf32, #tpu.memory_space<vmem>> -> memref<1x64xf32, #tpu.memory_space<vmem>>
    %dma_start3A_1482 = arith.constant 0 : i32
    %dma_start3A_1483 = tpu.memref_slice %arg1[%get3A_398, %dma_start3A_1482] : memref<100000x64xf32, #tpu.memory_space<any>> -> memref<1x64xf32, #tpu.memory_space<any>>
    tpu.enqueue_dma source(%dma_start3A_1483 : memref<1x64xf32, #tpu.memory_space<any>>) target(%dma_start3A_1481 : memref<1x64xf32, #tpu.memory_space<vmem>>) target_semaphore(%arg7 : memref<!tpu.dma_semaphore, #tpu.memory_space<semaphore_mem>>)
    %dma_start3A_1484 = arith.constant 200 : i32
    %dma_start3A_1485 = arith.constant 0 : i32
    %dma_start3A_1486 = tpu.memref_slice %arg6[%dma_start3A_1484, %dma_start3A_1485] : memref<256x64xf32, #tpu.memory_space<vmem>> -> memref<1x64xf32, #tpu.memory_space<vmem>>
    %dma_start3A_1487 = arith.constant 0 : i32
    %dma_start3A_1488 = tpu.memref_slice %arg2[%get3A_400, %dma_start3A_1487] : memref<100000x64xf32, #tpu.memory_space<any>> -> memref<1x64xf32, #tpu.memory_space<any>>
    tpu.enqueue_dma source(%dma_start3A_1488 : memref<1x64xf32, #tpu.memory_space<any>>) target(%dma_start3A_1486 : memref<1x64xf32, #tpu.memory_space<vmem>>) target_semaphore(%arg7 : memref<!tpu.dma_semaphore, #tpu.memory_space<semaphore_mem>>)
    %dma_start3A_1489 = arith.constant 221 : i32
    %dma_start3A_1490 = arith.constant 0 : i32
    %dma_start3A_1491 = tpu.memref_slice %arg6[%dma_start3A_1489, %dma_start3A_1490] : memref<256x64xf32, #tpu.memory_space<vmem>> -> memref<1x64xf32, #tpu.memory_space<vmem>>
    %dma_start3A_1492 = arith.constant 0 : i32
    %dma_start3A_1493 = tpu.memref_slice %arg3[%get3A_402, %dma_start3A_1492] : memref<100000x64xf32, #tpu.memory_space<any>> -> memref<1x64xf32, #tpu.memory_space<any>>
    tpu.enqueue_dma source(%dma_start3A_1493 : memref<1x64xf32, #tpu.memory_space<any>>) target(%dma_start3A_1491 : memref<1x64xf32, #tpu.memory_space<vmem>>) target_semaphore(%arg7 : memref<!tpu.dma_semaphore, #tpu.memory_space<semaphore_mem>>)
    %dma_start3A_1494 = arith.constant 201 : i32
    %dma_start3A_1495 = arith.constant 0 : i32
    %dma_start3A_1496 = tpu.memref_slice %arg6[%dma_start3A_1494, %dma_start3A_1495] : memref<256x64xf32, #tpu.memory_space<vmem>> -> memref<1x64xf32, #tpu.memory_space<vmem>>
    %dma_start3A_1497 = arith.constant 0 : i32
    %dma_start3A_1498 = tpu.memref_slice %arg2[%get3A_404, %dma_start3A_1497] : memref<100000x64xf32, #tpu.memory_space<any>> -> memref<1x64xf32, #tpu.memory_space<any>>
    tpu.enqueue_dma source(%dma_start3A_1498 : memref<1x64xf32, #tpu.memory_space<any>>) target(%dma_start3A_1496 : memref<1x64xf32, #tpu.memory_space<vmem>>) target_semaphore(%arg7 : memref<!tpu.dma_semaphore, #tpu.memory_space<semaphore_mem>>)
    %dma_start3A_1499 = arith.constant 222 : i32
    %dma_start3A_1500 = arith.constant 0 : i32
    %dma_start3A_1501 = tpu.memref_slice %arg6[%dma_start3A_1499, %dma_start3A_1500] : memref<256x64xf32, #tpu.memory_space<vmem>> -> memref<1x64xf32, #tpu.memory_space<vmem>>
    %dma_start3A_1502 = arith.constant 0 : i32
    %dma_start3A_1503 = tpu.memref_slice %arg3[%get3A_406, %dma_start3A_1502] : memref<100000x64xf32, #tpu.memory_space<any>> -> memref<1x64xf32, #tpu.memory_space<any>>
    tpu.enqueue_dma source(%dma_start3A_1503 : memref<1x64xf32, #tpu.memory_space<any>>) target(%dma_start3A_1501 : memref<1x64xf32, #tpu.memory_space<vmem>>) target_semaphore(%arg7 : memref<!tpu.dma_semaphore, #tpu.memory_space<semaphore_mem>>)
    %dma_start3A_1504 = arith.constant 202 : i32
    %dma_start3A_1505 = arith.constant 0 : i32
    %dma_start3A_1506 = tpu.memref_slice %arg6[%dma_start3A_1504, %dma_start3A_1505] : memref<256x64xf32, #tpu.memory_space<vmem>> -> memref<1x64xf32, #tpu.memory_space<vmem>>
    %dma_start3A_1507 = arith.constant 0 : i32
    %dma_start3A_1508 = tpu.memref_slice %arg2[%get3A_408, %dma_start3A_1507] : memref<100000x64xf32, #tpu.memory_space<any>> -> memref<1x64xf32, #tpu.memory_space<any>>
    tpu.enqueue_dma source(%dma_start3A_1508 : memref<1x64xf32, #tpu.memory_space<any>>) target(%dma_start3A_1506 : memref<1x64xf32, #tpu.memory_space<vmem>>) target_semaphore(%arg7 : memref<!tpu.dma_semaphore, #tpu.memory_space<semaphore_mem>>)
    %dma_start3A_1509 = arith.constant 223 : i32
    %dma_start3A_1510 = arith.constant 0 : i32
    %dma_start3A_1511 = tpu.memref_slice %arg6[%dma_start3A_1509, %dma_start3A_1510] : memref<256x64xf32, #tpu.memory_space<vmem>> -> memref<1x64xf32, #tpu.memory_space<vmem>>
    %dma_start3A_1512 = arith.constant 0 : i32
    %dma_start3A_1513 = tpu.memref_slice %arg3[%get3A_410, %dma_start3A_1512] : memref<100000x64xf32, #tpu.memory_space<any>> -> memref<1x64xf32, #tpu.memory_space<any>>
    tpu.enqueue_dma source(%dma_start3A_1513 : memref<1x64xf32, #tpu.memory_space<any>>) target(%dma_start3A_1511 : memref<1x64xf32, #tpu.memory_space<vmem>>) target_semaphore(%arg7 : memref<!tpu.dma_semaphore, #tpu.memory_space<semaphore_mem>>)
    %dma_start3A_1514 = arith.constant 203 : i32
    %dma_start3A_1515 = arith.constant 0 : i32
    %dma_start3A_1516 = tpu.memref_slice %arg6[%dma_start3A_1514, %dma_start3A_1515] : memref<256x64xf32, #tpu.memory_space<vmem>> -> memref<1x64xf32, #tpu.memory_space<vmem>>
    %dma_start3A_1517 = arith.constant 0 : i32
    %dma_start3A_1518 = tpu.memref_slice %arg2[%get3A_412, %dma_start3A_1517] : memref<100000x64xf32, #tpu.memory_space<any>> -> memref<1x64xf32, #tpu.memory_space<any>>
    tpu.enqueue_dma source(%dma_start3A_1518 : memref<1x64xf32, #tpu.memory_space<any>>) target(%dma_start3A_1516 : memref<1x64xf32, #tpu.memory_space<vmem>>) target_semaphore(%arg7 : memref<!tpu.dma_semaphore, #tpu.memory_space<semaphore_mem>>)
    %dma_start3A_1519 = arith.constant 224 : i32
    %dma_start3A_1520 = arith.constant 0 : i32
    %dma_start3A_1521 = tpu.memref_slice %arg6[%dma_start3A_1519, %dma_start3A_1520] : memref<256x64xf32, #tpu.memory_space<vmem>> -> memref<1x64xf32, #tpu.memory_space<vmem>>
    %dma_start3A_1522 = arith.constant 0 : i32
    %dma_start3A_1523 = tpu.memref_slice %arg3[%get3A_414, %dma_start3A_1522] : memref<100000x64xf32, #tpu.memory_space<any>> -> memref<1x64xf32, #tpu.memory_space<any>>
    tpu.enqueue_dma source(%dma_start3A_1523 : memref<1x64xf32, #tpu.memory_space<any>>) target(%dma_start3A_1521 : memref<1x64xf32, #tpu.memory_space<vmem>>) target_semaphore(%arg7 : memref<!tpu.dma_semaphore, #tpu.memory_space<semaphore_mem>>)
    %dma_start3A_1524 = arith.constant 204 : i32
    %dma_start3A_1525 = arith.constant 0 : i32
    %dma_start3A_1526 = tpu.memref_slice %arg6[%dma_start3A_1524, %dma_start3A_1525] : memref<256x64xf32, #tpu.memory_space<vmem>> -> memref<1x64xf32, #tpu.memory_space<vmem>>
    %dma_start3A_1527 = arith.constant 0 : i32
    %dma_start3A_1528 = tpu.memref_slice %arg2[%get3A_416, %dma_start3A_1527] : memref<100000x64xf32, #tpu.memory_space<any>> -> memref<1x64xf32, #tpu.memory_space<any>>
    tpu.enqueue_dma source(%dma_start3A_1528 : memref<1x64xf32, #tpu.memory_space<any>>) target(%dma_start3A_1526 : memref<1x64xf32, #tpu.memory_space<vmem>>) target_semaphore(%arg7 : memref<!tpu.dma_semaphore, #tpu.memory_space<semaphore_mem>>)
    %dma_start3A_1529 = arith.constant 225 : i32
    %dma_start3A_1530 = arith.constant 0 : i32
    %dma_start3A_1531 = tpu.memref_slice %arg6[%dma_start3A_1529, %dma_start3A_1530] : memref<256x64xf32, #tpu.memory_space<vmem>> -> memref<1x64xf32, #tpu.memory_space<vmem>>
    %dma_start3A_1532 = arith.constant 0 : i32
    %dma_start3A_1533 = tpu.memref_slice %arg3[%get3A_418, %dma_start3A_1532] : memref<100000x64xf32, #tpu.memory_space<any>> -> memref<1x64xf32, #tpu.memory_space<any>>
    tpu.enqueue_dma source(%dma_start3A_1533 : memref<1x64xf32, #tpu.memory_space<any>>) target(%dma_start3A_1531 : memref<1x64xf32, #tpu.memory_space<vmem>>) target_semaphore(%arg7 : memref<!tpu.dma_semaphore, #tpu.memory_space<semaphore_mem>>)
    %dma_start3A_1534 = arith.constant 205 : i32
    %dma_start3A_1535 = arith.constant 0 : i32
    %dma_start3A_1536 = tpu.memref_slice %arg6[%dma_start3A_1534, %dma_start3A_1535] : memref<256x64xf32, #tpu.memory_space<vmem>> -> memref<1x64xf32, #tpu.memory_space<vmem>>
    %dma_start3A_1537 = arith.constant 0 : i32
    %dma_start3A_1538 = tpu.memref_slice %arg2[%get3A_420, %dma_start3A_1537] : memref<100000x64xf32, #tpu.memory_space<any>> -> memref<1x64xf32, #tpu.memory_space<any>>
    tpu.enqueue_dma source(%dma_start3A_1538 : memref<1x64xf32, #tpu.memory_space<any>>) target(%dma_start3A_1536 : memref<1x64xf32, #tpu.memory_space<vmem>>) target_semaphore(%arg7 : memref<!tpu.dma_semaphore, #tpu.memory_space<semaphore_mem>>)
    %dma_start3A_1539 = arith.constant 226 : i32
    %dma_start3A_1540 = arith.constant 0 : i32
    %dma_start3A_1541 = tpu.memref_slice %arg6[%dma_start3A_1539, %dma_start3A_1540] : memref<256x64xf32, #tpu.memory_space<vmem>> -> memref<1x64xf32, #tpu.memory_space<vmem>>
    %dma_start3A_1542 = arith.constant 0 : i32
    %dma_start3A_1543 = tpu.memref_slice %arg3[%get3A_422, %dma_start3A_1542] : memref<100000x64xf32, #tpu.memory_space<any>> -> memref<1x64xf32, #tpu.memory_space<any>>
    tpu.enqueue_dma source(%dma_start3A_1543 : memref<1x64xf32, #tpu.memory_space<any>>) target(%dma_start3A_1541 : memref<1x64xf32, #tpu.memory_space<vmem>>) target_semaphore(%arg7 : memref<!tpu.dma_semaphore, #tpu.memory_space<semaphore_mem>>)
    %dma_start3A_1544 = arith.constant 206 : i32
    %dma_start3A_1545 = arith.constant 0 : i32
    %dma_start3A_1546 = tpu.memref_slice %arg6[%dma_start3A_1544, %dma_start3A_1545] : memref<256x64xf32, #tpu.memory_space<vmem>> -> memref<1x64xf32, #tpu.memory_space<vmem>>
    %dma_start3A_1547 = arith.constant 0 : i32
    %dma_start3A_1548 = tpu.memref_slice %arg2[%get3A_424, %dma_start3A_1547] : memref<100000x64xf32, #tpu.memory_space<any>> -> memref<1x64xf32, #tpu.memory_space<any>>
    tpu.enqueue_dma source(%dma_start3A_1548 : memref<1x64xf32, #tpu.memory_space<any>>) target(%dma_start3A_1546 : memref<1x64xf32, #tpu.memory_space<vmem>>) target_semaphore(%arg7 : memref<!tpu.dma_semaphore, #tpu.memory_space<semaphore_mem>>)
    %dma_start3A_1549 = arith.constant 227 : i32
    %dma_start3A_1550 = arith.constant 0 : i32
    %dma_start3A_1551 = tpu.memref_slice %arg6[%dma_start3A_1549, %dma_start3A_1550] : memref<256x64xf32, #tpu.memory_space<vmem>> -> memref<1x64xf32, #tpu.memory_space<vmem>>
    %dma_start3A_1552 = arith.constant 0 : i32
    %dma_start3A_1553 = tpu.memref_slice %arg3[%get3A_426, %dma_start3A_1552] : memref<100000x64xf32, #tpu.memory_space<any>> -> memref<1x64xf32, #tpu.memory_space<any>>
    tpu.enqueue_dma source(%dma_start3A_1553 : memref<1x64xf32, #tpu.memory_space<any>>) target(%dma_start3A_1551 : memref<1x64xf32, #tpu.memory_space<vmem>>) target_semaphore(%arg7 : memref<!tpu.dma_semaphore, #tpu.memory_space<semaphore_mem>>)
    %dma_start3A_1554 = arith.constant 207 : i32
    %dma_start3A_1555 = arith.constant 0 : i32
    %dma_start3A_1556 = tpu.memref_slice %arg6[%dma_start3A_1554, %dma_start3A_1555] : memref<256x64xf32, #tpu.memory_space<vmem>> -> memref<1x64xf32, #tpu.memory_space<vmem>>
    %dma_start3A_1557 = arith.constant 0 : i32
    %dma_start3A_1558 = tpu.memref_slice %arg2[%get3A_428, %dma_start3A_1557] : memref<100000x64xf32, #tpu.memory_space<any>> -> memref<1x64xf32, #tpu.memory_space<any>>
    tpu.enqueue_dma source(%dma_start3A_1558 : memref<1x64xf32, #tpu.memory_space<any>>) target(%dma_start3A_1556 : memref<1x64xf32, #tpu.memory_space<vmem>>) target_semaphore(%arg7 : memref<!tpu.dma_semaphore, #tpu.memory_space<semaphore_mem>>)
    %dma_start3A_1559 = arith.constant 228 : i32
    %dma_start3A_1560 = arith.constant 0 : i32
    %dma_start3A_1561 = tpu.memref_slice %arg6[%dma_start3A_1559, %dma_start3A_1560] : memref<256x64xf32, #tpu.memory_space<vmem>> -> memref<1x64xf32, #tpu.memory_space<vmem>>
    %dma_start3A_1562 = arith.constant 0 : i32
    %dma_start3A_1563 = tpu.memref_slice %arg3[%get3A_430, %dma_start3A_1562] : memref<100000x64xf32, #tpu.memory_space<any>> -> memref<1x64xf32, #tpu.memory_space<any>>
    tpu.enqueue_dma source(%dma_start3A_1563 : memref<1x64xf32, #tpu.memory_space<any>>) target(%dma_start3A_1561 : memref<1x64xf32, #tpu.memory_space<vmem>>) target_semaphore(%arg7 : memref<!tpu.dma_semaphore, #tpu.memory_space<semaphore_mem>>)
    %dma_start3A_1564 = arith.constant 208 : i32
    %dma_start3A_1565 = arith.constant 0 : i32
    %dma_start3A_1566 = tpu.memref_slice %arg6[%dma_start3A_1564, %dma_start3A_1565] : memref<256x64xf32, #tpu.memory_space<vmem>> -> memref<1x64xf32, #tpu.memory_space<vmem>>
    %dma_start3A_1567 = arith.constant 0 : i32
    %dma_start3A_1568 = tpu.memref_slice %arg2[%get3A_432, %dma_start3A_1567] : memref<100000x64xf32, #tpu.memory_space<any>> -> memref<1x64xf32, #tpu.memory_space<any>>
    tpu.enqueue_dma source(%dma_start3A_1568 : memref<1x64xf32, #tpu.memory_space<any>>) target(%dma_start3A_1566 : memref<1x64xf32, #tpu.memory_space<vmem>>) target_semaphore(%arg7 : memref<!tpu.dma_semaphore, #tpu.memory_space<semaphore_mem>>)
    %dma_start3A_1569 = arith.constant 229 : i32
    %dma_start3A_1570 = arith.constant 0 : i32
    %dma_start3A_1571 = tpu.memref_slice %arg6[%dma_start3A_1569, %dma_start3A_1570] : memref<256x64xf32, #tpu.memory_space<vmem>> -> memref<1x64xf32, #tpu.memory_space<vmem>>
    %dma_start3A_1572 = arith.constant 0 : i32
    %dma_start3A_1573 = tpu.memref_slice %arg3[%get3A_434, %dma_start3A_1572] : memref<100000x64xf32, #tpu.memory_space<any>> -> memref<1x64xf32, #tpu.memory_space<any>>
    tpu.enqueue_dma source(%dma_start3A_1573 : memref<1x64xf32, #tpu.memory_space<any>>) target(%dma_start3A_1571 : memref<1x64xf32, #tpu.memory_space<vmem>>) target_semaphore(%arg7 : memref<!tpu.dma_semaphore, #tpu.memory_space<semaphore_mem>>)
    %dma_start3A_1574 = arith.constant 209 : i32
    %dma_start3A_1575 = arith.constant 0 : i32
    %dma_start3A_1576 = tpu.memref_slice %arg6[%dma_start3A_1574, %dma_start3A_1575] : memref<256x64xf32, #tpu.memory_space<vmem>> -> memref<1x64xf32, #tpu.memory_space<vmem>>
    %dma_start3A_1577 = arith.constant 0 : i32
    %dma_start3A_1578 = tpu.memref_slice %arg2[%get3A_436, %dma_start3A_1577] : memref<100000x64xf32, #tpu.memory_space<any>> -> memref<1x64xf32, #tpu.memory_space<any>>
    tpu.enqueue_dma source(%dma_start3A_1578 : memref<1x64xf32, #tpu.memory_space<any>>) target(%dma_start3A_1576 : memref<1x64xf32, #tpu.memory_space<vmem>>) target_semaphore(%arg7 : memref<!tpu.dma_semaphore, #tpu.memory_space<semaphore_mem>>)
    %dma_start3A_1579 = arith.constant 230 : i32
    %dma_start3A_1580 = arith.constant 0 : i32
    %dma_start3A_1581 = tpu.memref_slice %arg6[%dma_start3A_1579, %dma_start3A_1580] : memref<256x64xf32, #tpu.memory_space<vmem>> -> memref<1x64xf32, #tpu.memory_space<vmem>>
    %dma_start3A_1582 = arith.constant 0 : i32
    %dma_start3A_1583 = tpu.memref_slice %arg3[%get3A_438, %dma_start3A_1582] : memref<100000x64xf32, #tpu.memory_space<any>> -> memref<1x64xf32, #tpu.memory_space<any>>
    tpu.enqueue_dma source(%dma_start3A_1583 : memref<1x64xf32, #tpu.memory_space<any>>) target(%dma_start3A_1581 : memref<1x64xf32, #tpu.memory_space<vmem>>) target_semaphore(%arg7 : memref<!tpu.dma_semaphore, #tpu.memory_space<semaphore_mem>>)
    %dma_start3A_1584 = arith.constant 210 : i32
    %dma_start3A_1585 = arith.constant 0 : i32
    %dma_start3A_1586 = tpu.memref_slice %arg6[%dma_start3A_1584, %dma_start3A_1585] : memref<256x64xf32, #tpu.memory_space<vmem>> -> memref<1x64xf32, #tpu.memory_space<vmem>>
    %dma_start3A_1587 = arith.constant 0 : i32
    %dma_start3A_1588 = tpu.memref_slice %arg2[%get3A_440, %dma_start3A_1587] : memref<100000x64xf32, #tpu.memory_space<any>> -> memref<1x64xf32, #tpu.memory_space<any>>
    tpu.enqueue_dma source(%dma_start3A_1588 : memref<1x64xf32, #tpu.memory_space<any>>) target(%dma_start3A_1586 : memref<1x64xf32, #tpu.memory_space<vmem>>) target_semaphore(%arg7 : memref<!tpu.dma_semaphore, #tpu.memory_space<semaphore_mem>>)
    %dma_start3A_1589 = arith.constant 231 : i32
    %dma_start3A_1590 = arith.constant 0 : i32
    %dma_start3A_1591 = tpu.memref_slice %arg6[%dma_start3A_1589, %dma_start3A_1590] : memref<256x64xf32, #tpu.memory_space<vmem>> -> memref<1x64xf32, #tpu.memory_space<vmem>>
    %dma_start3A_1592 = arith.constant 0 : i32
    %dma_start3A_1593 = tpu.memref_slice %arg3[%get3A_442, %dma_start3A_1592] : memref<100000x64xf32, #tpu.memory_space<any>> -> memref<1x64xf32, #tpu.memory_space<any>>
    tpu.enqueue_dma source(%dma_start3A_1593 : memref<1x64xf32, #tpu.memory_space<any>>) target(%dma_start3A_1591 : memref<1x64xf32, #tpu.memory_space<vmem>>) target_semaphore(%arg7 : memref<!tpu.dma_semaphore, #tpu.memory_space<semaphore_mem>>)
    %dma_start3A_1594 = arith.constant 211 : i32
    %dma_start3A_1595 = arith.constant 0 : i32
    %dma_start3A_1596 = tpu.memref_slice %arg6[%dma_start3A_1594, %dma_start3A_1595] : memref<256x64xf32, #tpu.memory_space<vmem>> -> memref<1x64xf32, #tpu.memory_space<vmem>>
    %dma_start3A_1597 = arith.constant 0 : i32
    %dma_start3A_1598 = tpu.memref_slice %arg2[%get3A_444, %dma_start3A_1597] : memref<100000x64xf32, #tpu.memory_space<any>> -> memref<1x64xf32, #tpu.memory_space<any>>
    tpu.enqueue_dma source(%dma_start3A_1598 : memref<1x64xf32, #tpu.memory_space<any>>) target(%dma_start3A_1596 : memref<1x64xf32, #tpu.memory_space<vmem>>) target_semaphore(%arg7 : memref<!tpu.dma_semaphore, #tpu.memory_space<semaphore_mem>>)
    %dma_start3A_1599 = arith.constant 232 : i32
    %dma_start3A_1600 = arith.constant 0 : i32
    %dma_start3A_1601 = tpu.memref_slice %arg6[%dma_start3A_1599, %dma_start3A_1600] : memref<256x64xf32, #tpu.memory_space<vmem>> -> memref<1x64xf32, #tpu.memory_space<vmem>>
    %dma_start3A_1602 = arith.constant 0 : i32
    %dma_start3A_1603 = tpu.memref_slice %arg3[%get3A_446, %dma_start3A_1602] : memref<100000x64xf32, #tpu.memory_space<any>> -> memref<1x64xf32, #tpu.memory_space<any>>
    tpu.enqueue_dma source(%dma_start3A_1603 : memref<1x64xf32, #tpu.memory_space<any>>) target(%dma_start3A_1601 : memref<1x64xf32, #tpu.memory_space<vmem>>) target_semaphore(%arg7 : memref<!tpu.dma_semaphore, #tpu.memory_space<semaphore_mem>>)
    %dma_start3A_1604 = arith.constant 212 : i32
    %dma_start3A_1605 = arith.constant 0 : i32
    %dma_start3A_1606 = tpu.memref_slice %arg6[%dma_start3A_1604, %dma_start3A_1605] : memref<256x64xf32, #tpu.memory_space<vmem>> -> memref<1x64xf32, #tpu.memory_space<vmem>>
    %dma_start3A_1607 = arith.constant 0 : i32
    %dma_start3A_1608 = tpu.memref_slice %arg2[%get3A_448, %dma_start3A_1607] : memref<100000x64xf32, #tpu.memory_space<any>> -> memref<1x64xf32, #tpu.memory_space<any>>
    tpu.enqueue_dma source(%dma_start3A_1608 : memref<1x64xf32, #tpu.memory_space<any>>) target(%dma_start3A_1606 : memref<1x64xf32, #tpu.memory_space<vmem>>) target_semaphore(%arg7 : memref<!tpu.dma_semaphore, #tpu.memory_space<semaphore_mem>>)
    %dma_start3A_1609 = arith.constant 233 : i32
    %dma_start3A_1610 = arith.constant 0 : i32
    %dma_start3A_1611 = tpu.memref_slice %arg6[%dma_start3A_1609, %dma_start3A_1610] : memref<256x64xf32, #tpu.memory_space<vmem>> -> memref<1x64xf32, #tpu.memory_space<vmem>>
    %dma_start3A_1612 = arith.constant 0 : i32
    %dma_start3A_1613 = tpu.memref_slice %arg3[%get3A_450, %dma_start3A_1612] : memref<100000x64xf32, #tpu.memory_space<any>> -> memref<1x64xf32, #tpu.memory_space<any>>
    tpu.enqueue_dma source(%dma_start3A_1613 : memref<1x64xf32, #tpu.memory_space<any>>) target(%dma_start3A_1611 : memref<1x64xf32, #tpu.memory_space<vmem>>) target_semaphore(%arg7 : memref<!tpu.dma_semaphore, #tpu.memory_space<semaphore_mem>>)
    %dma_start3A_1614 = arith.constant 213 : i32
    %dma_start3A_1615 = arith.constant 0 : i32
    %dma_start3A_1616 = tpu.memref_slice %arg6[%dma_start3A_1614, %dma_start3A_1615] : memref<256x64xf32, #tpu.memory_space<vmem>> -> memref<1x64xf32, #tpu.memory_space<vmem>>
    %dma_start3A_1617 = arith.constant 0 : i32
    %dma_start3A_1618 = tpu.memref_slice %arg2[%get3A_452, %dma_start3A_1617] : memref<100000x64xf32, #tpu.memory_space<any>> -> memref<1x64xf32, #tpu.memory_space<any>>
    tpu.enqueue_dma source(%dma_start3A_1618 : memref<1x64xf32, #tpu.memory_space<any>>) target(%dma_start3A_1616 : memref<1x64xf32, #tpu.memory_space<vmem>>) target_semaphore(%arg7 : memref<!tpu.dma_semaphore, #tpu.memory_space<semaphore_mem>>)
    %dma_start3A_1619 = arith.constant 234 : i32
    %dma_start3A_1620 = arith.constant 0 : i32
    %dma_start3A_1621 = tpu.memref_slice %arg6[%dma_start3A_1619, %dma_start3A_1620] : memref<256x64xf32, #tpu.memory_space<vmem>> -> memref<1x64xf32, #tpu.memory_space<vmem>>
    %dma_start3A_1622 = arith.constant 0 : i32
    %dma_start3A_1623 = tpu.memref_slice %arg3[%get3A_454, %dma_start3A_1622] : memref<100000x64xf32, #tpu.memory_space<any>> -> memref<1x64xf32, #tpu.memory_space<any>>
    tpu.enqueue_dma source(%dma_start3A_1623 : memref<1x64xf32, #tpu.memory_space<any>>) target(%dma_start3A_1621 : memref<1x64xf32, #tpu.memory_space<vmem>>) target_semaphore(%arg7 : memref<!tpu.dma_semaphore, #tpu.memory_space<semaphore_mem>>)
    %dma_start3A_1624 = arith.constant 214 : i32
    %dma_start3A_1625 = arith.constant 0 : i32
    %dma_start3A_1626 = tpu.memref_slice %arg6[%dma_start3A_1624, %dma_start3A_1625] : memref<256x64xf32, #tpu.memory_space<vmem>> -> memref<1x64xf32, #tpu.memory_space<vmem>>
    %dma_start3A_1627 = arith.constant 0 : i32
    %dma_start3A_1628 = tpu.memref_slice %arg2[%get3A_456, %dma_start3A_1627] : memref<100000x64xf32, #tpu.memory_space<any>> -> memref<1x64xf32, #tpu.memory_space<any>>
    tpu.enqueue_dma source(%dma_start3A_1628 : memref<1x64xf32, #tpu.memory_space<any>>) target(%dma_start3A_1626 : memref<1x64xf32, #tpu.memory_space<vmem>>) target_semaphore(%arg7 : memref<!tpu.dma_semaphore, #tpu.memory_space<semaphore_mem>>)
    %dma_start3A_1629 = arith.constant 235 : i32
    %dma_start3A_1630 = arith.constant 0 : i32
    %dma_start3A_1631 = tpu.memref_slice %arg6[%dma_start3A_1629, %dma_start3A_1630] : memref<256x64xf32, #tpu.memory_space<vmem>> -> memref<1x64xf32, #tpu.memory_space<vmem>>
    %dma_start3A_1632 = arith.constant 0 : i32
    %dma_start3A_1633 = tpu.memref_slice %arg3[%get3A_458, %dma_start3A_1632] : memref<100000x64xf32, #tpu.memory_space<any>> -> memref<1x64xf32, #tpu.memory_space<any>>
    tpu.enqueue_dma source(%dma_start3A_1633 : memref<1x64xf32, #tpu.memory_space<any>>) target(%dma_start3A_1631 : memref<1x64xf32, #tpu.memory_space<vmem>>) target_semaphore(%arg7 : memref<!tpu.dma_semaphore, #tpu.memory_space<semaphore_mem>>)
    %dma_start3A_1634 = arith.constant 215 : i32
    %dma_start3A_1635 = arith.constant 0 : i32
    %dma_start3A_1636 = tpu.memref_slice %arg6[%dma_start3A_1634, %dma_start3A_1635] : memref<256x64xf32, #tpu.memory_space<vmem>> -> memref<1x64xf32, #tpu.memory_space<vmem>>
    %dma_start3A_1637 = arith.constant 0 : i32
    %dma_start3A_1638 = tpu.memref_slice %arg2[%get3A_460, %dma_start3A_1637] : memref<100000x64xf32, #tpu.memory_space<any>> -> memref<1x64xf32, #tpu.memory_space<any>>
    tpu.enqueue_dma source(%dma_start3A_1638 : memref<1x64xf32, #tpu.memory_space<any>>) target(%dma_start3A_1636 : memref<1x64xf32, #tpu.memory_space<vmem>>) target_semaphore(%arg7 : memref<!tpu.dma_semaphore, #tpu.memory_space<semaphore_mem>>)
    %dma_start3A_1639 = arith.constant 236 : i32
    %dma_start3A_1640 = arith.constant 0 : i32
    %dma_start3A_1641 = tpu.memref_slice %arg6[%dma_start3A_1639, %dma_start3A_1640] : memref<256x64xf32, #tpu.memory_space<vmem>> -> memref<1x64xf32, #tpu.memory_space<vmem>>
    %dma_start3A_1642 = arith.constant 0 : i32
    %dma_start3A_1643 = tpu.memref_slice %arg3[%get3A_462, %dma_start3A_1642] : memref<100000x64xf32, #tpu.memory_space<any>> -> memref<1x64xf32, #tpu.memory_space<any>>
    tpu.enqueue_dma source(%dma_start3A_1643 : memref<1x64xf32, #tpu.memory_space<any>>) target(%dma_start3A_1641 : memref<1x64xf32, #tpu.memory_space<vmem>>) target_semaphore(%arg7 : memref<!tpu.dma_semaphore, #tpu.memory_space<semaphore_mem>>)
    %dma_start3A_1644 = arith.constant 216 : i32
    %dma_start3A_1645 = arith.constant 0 : i32
    %dma_start3A_1646 = tpu.memref_slice %arg6[%dma_start3A_1644, %dma_start3A_1645] : memref<256x64xf32, #tpu.memory_space<vmem>> -> memref<1x64xf32, #tpu.memory_space<vmem>>
    %dma_start3A_1647 = arith.constant 0 : i32
    %dma_start3A_1648 = tpu.memref_slice %arg2[%get3A_464, %dma_start3A_1647] : memref<100000x64xf32, #tpu.memory_space<any>> -> memref<1x64xf32, #tpu.memory_space<any>>
    tpu.enqueue_dma source(%dma_start3A_1648 : memref<1x64xf32, #tpu.memory_space<any>>) target(%dma_start3A_1646 : memref<1x64xf32, #tpu.memory_space<vmem>>) target_semaphore(%arg7 : memref<!tpu.dma_semaphore, #tpu.memory_space<semaphore_mem>>)
    %dma_start3A_1649 = arith.constant 237 : i32
    %dma_start3A_1650 = arith.constant 0 : i32
    %dma_start3A_1651 = tpu.memref_slice %arg6[%dma_start3A_1649, %dma_start3A_1650] : memref<256x64xf32, #tpu.memory_space<vmem>> -> memref<1x64xf32, #tpu.memory_space<vmem>>
    %dma_start3A_1652 = arith.constant 0 : i32
    %dma_start3A_1653 = tpu.memref_slice %arg3[%get3A_466, %dma_start3A_1652] : memref<100000x64xf32, #tpu.memory_space<any>> -> memref<1x64xf32, #tpu.memory_space<any>>
    tpu.enqueue_dma source(%dma_start3A_1653 : memref<1x64xf32, #tpu.memory_space<any>>) target(%dma_start3A_1651 : memref<1x64xf32, #tpu.memory_space<vmem>>) target_semaphore(%arg7 : memref<!tpu.dma_semaphore, #tpu.memory_space<semaphore_mem>>)
    %dma_start3A_1654 = arith.constant 217 : i32
    %dma_start3A_1655 = arith.constant 0 : i32
    %dma_start3A_1656 = tpu.memref_slice %arg6[%dma_start3A_1654, %dma_start3A_1655] : memref<256x64xf32, #tpu.memory_space<vmem>> -> memref<1x64xf32, #tpu.memory_space<vmem>>
    %dma_start3A_1657 = arith.constant 0 : i32
    %dma_start3A_1658 = tpu.memref_slice %arg2[%get3A_468, %dma_start3A_1657] : memref<100000x64xf32, #tpu.memory_space<any>> -> memref<1x64xf32, #tpu.memory_space<any>>
    tpu.enqueue_dma source(%dma_start3A_1658 : memref<1x64xf32, #tpu.memory_space<any>>) target(%dma_start3A_1656 : memref<1x64xf32, #tpu.memory_space<vmem>>) target_semaphore(%arg7 : memref<!tpu.dma_semaphore, #tpu.memory_space<semaphore_mem>>)
    %dma_start3A_1659 = arith.constant 238 : i32
    %dma_start3A_1660 = arith.constant 0 : i32
    %dma_start3A_1661 = tpu.memref_slice %arg6[%dma_start3A_1659, %dma_start3A_1660] : memref<256x64xf32, #tpu.memory_space<vmem>> -> memref<1x64xf32, #tpu.memory_space<vmem>>
    %dma_start3A_1662 = arith.constant 0 : i32
    %dma_start3A_1663 = tpu.memref_slice %arg3[%get3A_470, %dma_start3A_1662] : memref<100000x64xf32, #tpu.memory_space<any>> -> memref<1x64xf32, #tpu.memory_space<any>>
    tpu.enqueue_dma source(%dma_start3A_1663 : memref<1x64xf32, #tpu.memory_space<any>>) target(%dma_start3A_1661 : memref<1x64xf32, #tpu.memory_space<vmem>>) target_semaphore(%arg7 : memref<!tpu.dma_semaphore, #tpu.memory_space<semaphore_mem>>)
    %dma_start3A_1664 = arith.constant 218 : i32
    %dma_start3A_1665 = arith.constant 0 : i32
    %dma_start3A_1666 = tpu.memref_slice %arg6[%dma_start3A_1664, %dma_start3A_1665] : memref<256x64xf32, #tpu.memory_space<vmem>> -> memref<1x64xf32, #tpu.memory_space<vmem>>
    %dma_start3A_1667 = arith.constant 0 : i32
    %dma_start3A_1668 = tpu.memref_slice %arg2[%get3A_472, %dma_start3A_1667] : memref<100000x64xf32, #tpu.memory_space<any>> -> memref<1x64xf32, #tpu.memory_space<any>>
    tpu.enqueue_dma source(%dma_start3A_1668 : memref<1x64xf32, #tpu.memory_space<any>>) target(%dma_start3A_1666 : memref<1x64xf32, #tpu.memory_space<vmem>>) target_semaphore(%arg7 : memref<!tpu.dma_semaphore, #tpu.memory_space<semaphore_mem>>)
    %dma_start3A_1669 = arith.constant 239 : i32
    %dma_start3A_1670 = arith.constant 0 : i32
    %dma_start3A_1671 = tpu.memref_slice %arg6[%dma_start3A_1669, %dma_start3A_1670] : memref<256x64xf32, #tpu.memory_space<vmem>> -> memref<1x64xf32, #tpu.memory_space<vmem>>
    %dma_start3A_1672 = arith.constant 0 : i32
    %dma_start3A_1673 = tpu.memref_slice %arg3[%get3A_474, %dma_start3A_1672] : memref<100000x64xf32, #tpu.memory_space<any>> -> memref<1x64xf32, #tpu.memory_space<any>>
    tpu.enqueue_dma source(%dma_start3A_1673 : memref<1x64xf32, #tpu.memory_space<any>>) target(%dma_start3A_1671 : memref<1x64xf32, #tpu.memory_space<vmem>>) target_semaphore(%arg7 : memref<!tpu.dma_semaphore, #tpu.memory_space<semaphore_mem>>)
    %dma_start3A_1674 = arith.constant 219 : i32
    %dma_start3A_1675 = arith.constant 0 : i32
    %dma_start3A_1676 = tpu.memref_slice %arg6[%dma_start3A_1674, %dma_start3A_1675] : memref<256x64xf32, #tpu.memory_space<vmem>> -> memref<1x64xf32, #tpu.memory_space<vmem>>
    %dma_start3A_1677 = arith.constant 0 : i32
    %dma_start3A_1678 = tpu.memref_slice %arg2[%get3A_476, %dma_start3A_1677] : memref<100000x64xf32, #tpu.memory_space<any>> -> memref<1x64xf32, #tpu.memory_space<any>>
    tpu.enqueue_dma source(%dma_start3A_1678 : memref<1x64xf32, #tpu.memory_space<any>>) target(%dma_start3A_1676 : memref<1x64xf32, #tpu.memory_space<vmem>>) target_semaphore(%arg7 : memref<!tpu.dma_semaphore, #tpu.memory_space<semaphore_mem>>)
    %dma_start3A_1679 = arith.constant 240 : i32
    %dma_start3A_1680 = arith.constant 0 : i32
    %dma_start3A_1681 = tpu.memref_slice %arg6[%dma_start3A_1679, %dma_start3A_1680] : memref<256x64xf32, #tpu.memory_space<vmem>> -> memref<1x64xf32, #tpu.memory_space<vmem>>
    %dma_start3A_1682 = arith.constant 0 : i32
    %dma_start3A_1683 = tpu.memref_slice %arg3[%get3A_478, %dma_start3A_1682] : memref<100000x64xf32, #tpu.memory_space<any>> -> memref<1x64xf32, #tpu.memory_space<any>>
    tpu.enqueue_dma source(%dma_start3A_1683 : memref<1x64xf32, #tpu.memory_space<any>>) target(%dma_start3A_1681 : memref<1x64xf32, #tpu.memory_space<vmem>>) target_semaphore(%arg7 : memref<!tpu.dma_semaphore, #tpu.memory_space<semaphore_mem>>)
    %dma_start3A_1684 = arith.constant 220 : i32
    %dma_start3A_1685 = arith.constant 0 : i32
    %dma_start3A_1686 = tpu.memref_slice %arg6[%dma_start3A_1684, %dma_start3A_1685] : memref<256x64xf32, #tpu.memory_space<vmem>> -> memref<1x64xf32, #tpu.memory_space<vmem>>
    %dma_start3A_1687 = arith.constant 0 : i32
    %dma_start3A_1688 = tpu.memref_slice %arg2[%get3A_480, %dma_start3A_1687] : memref<100000x64xf32, #tpu.memory_space<any>> -> memref<1x64xf32, #tpu.memory_space<any>>
    tpu.enqueue_dma source(%dma_start3A_1688 : memref<1x64xf32, #tpu.memory_space<any>>) target(%dma_start3A_1686 : memref<1x64xf32, #tpu.memory_space<vmem>>) target_semaphore(%arg7 : memref<!tpu.dma_semaphore, #tpu.memory_space<semaphore_mem>>)
    %dma_start3A_1689 = arith.constant 241 : i32
    %dma_start3A_1690 = arith.constant 0 : i32
    %dma_start3A_1691 = tpu.memref_slice %arg6[%dma_start3A_1689, %dma_start3A_1690] : memref<256x64xf32, #tpu.memory_space<vmem>> -> memref<1x64xf32, #tpu.memory_space<vmem>>
    %dma_start3A_1692 = arith.constant 0 : i32
    %dma_start3A_1693 = tpu.memref_slice %arg3[%get3A_482, %dma_start3A_1692] : memref<100000x64xf32, #tpu.memory_space<any>> -> memref<1x64xf32, #tpu.memory_space<any>>
    tpu.enqueue_dma source(%dma_start3A_1693 : memref<1x64xf32, #tpu.memory_space<any>>) target(%dma_start3A_1691 : memref<1x64xf32, #tpu.memory_space<vmem>>) target_semaphore(%arg7 : memref<!tpu.dma_semaphore, #tpu.memory_space<semaphore_mem>>)
    %dma_start3A_1694 = arith.constant 242 : i32
    %dma_start3A_1695 = arith.constant 0 : i32
    %dma_start3A_1696 = tpu.memref_slice %arg6[%dma_start3A_1694, %dma_start3A_1695] : memref<256x64xf32, #tpu.memory_space<vmem>> -> memref<1x64xf32, #tpu.memory_space<vmem>>
    %dma_start3A_1697 = arith.constant 0 : i32
    %dma_start3A_1698 = tpu.memref_slice %arg4[%get3A_484, %dma_start3A_1697] : memref<100000x64xf32, #tpu.memory_space<any>> -> memref<1x64xf32, #tpu.memory_space<any>>
    tpu.enqueue_dma source(%dma_start3A_1698 : memref<1x64xf32, #tpu.memory_space<any>>) target(%dma_start3A_1696 : memref<1x64xf32, #tpu.memory_space<vmem>>) target_semaphore(%arg7 : memref<!tpu.dma_semaphore, #tpu.memory_space<semaphore_mem>>)
    %dma_wait3A = arith.constant 0 : i32
    %dma_wait3A_1699 = arith.constant 0 : i32
    %dma_wait3A_1700 = tpu.memref_slice %arg6[%dma_wait3A, %dma_wait3A_1699] : memref<256x64xf32, #tpu.memory_space<vmem>> -> memref<1x64xf32, #tpu.memory_space<vmem>>
    %dma_wait3A_1701 = arith.constant 0 : i32
    %dma_wait3A_1702 = tpu.memref_slice %arg1[%get3A_0, %dma_wait3A_1701] : memref<100000x64xf32, #tpu.memory_space<any>> -> memref<1x64xf32, #tpu.memory_space<any>>
    tpu.wait_dma2 semaphore(%arg7 : memref<!tpu.dma_semaphore, #tpu.memory_space<semaphore_mem>>) src(%dma_wait3A_1702 : memref<1x64xf32, #tpu.memory_space<any>>) dst(%dma_wait3A_1700 : memref<1x64xf32, #tpu.memory_space<vmem>>)
    %dma_wait3A_1703 = arith.constant 1 : i32
    %dma_wait3A_1704 = arith.constant 0 : i32
    %dma_wait3A_1705 = tpu.memref_slice %arg6[%dma_wait3A_1703, %dma_wait3A_1704] : memref<256x64xf32, #tpu.memory_space<vmem>> -> memref<1x64xf32, #tpu.memory_space<vmem>>
    %dma_wait3A_1706 = arith.constant 0 : i32
    %dma_wait3A_1707 = tpu.memref_slice %arg1[%get3A_2, %dma_wait3A_1706] : memref<100000x64xf32, #tpu.memory_space<any>> -> memref<1x64xf32, #tpu.memory_space<any>>
    tpu.wait_dma2 semaphore(%arg7 : memref<!tpu.dma_semaphore, #tpu.memory_space<semaphore_mem>>) src(%dma_wait3A_1707 : memref<1x64xf32, #tpu.memory_space<any>>) dst(%dma_wait3A_1705 : memref<1x64xf32, #tpu.memory_space<vmem>>)
    %dma_wait3A_1708 = arith.constant 2 : i32
    %dma_wait3A_1709 = arith.constant 0 : i32
    %dma_wait3A_1710 = tpu.memref_slice %arg6[%dma_wait3A_1708, %dma_wait3A_1709] : memref<256x64xf32, #tpu.memory_space<vmem>> -> memref<1x64xf32, #tpu.memory_space<vmem>>
    %dma_wait3A_1711 = arith.constant 0 : i32
    %dma_wait3A_1712 = tpu.memref_slice %arg1[%get3A_4, %dma_wait3A_1711] : memref<100000x64xf32, #tpu.memory_space<any>> -> memref<1x64xf32, #tpu.memory_space<any>>
    tpu.wait_dma2 semaphore(%arg7 : memref<!tpu.dma_semaphore, #tpu.memory_space<semaphore_mem>>) src(%dma_wait3A_1712 : memref<1x64xf32, #tpu.memory_space<any>>) dst(%dma_wait3A_1710 : memref<1x64xf32, #tpu.memory_space<vmem>>)
    %dma_wait3A_1713 = arith.constant 3 : i32
    %dma_wait3A_1714 = arith.constant 0 : i32
    %dma_wait3A_1715 = tpu.memref_slice %arg6[%dma_wait3A_1713, %dma_wait3A_1714] : memref<256x64xf32, #tpu.memory_space<vmem>> -> memref<1x64xf32, #tpu.memory_space<vmem>>
    %dma_wait3A_1716 = arith.constant 0 : i32
    %dma_wait3A_1717 = tpu.memref_slice %arg1[%get3A_6, %dma_wait3A_1716] : memref<100000x64xf32, #tpu.memory_space<any>> -> memref<1x64xf32, #tpu.memory_space<any>>
    tpu.wait_dma2 semaphore(%arg7 : memref<!tpu.dma_semaphore, #tpu.memory_space<semaphore_mem>>) src(%dma_wait3A_1717 : memref<1x64xf32, #tpu.memory_space<any>>) dst(%dma_wait3A_1715 : memref<1x64xf32, #tpu.memory_space<vmem>>)
    %dma_wait3A_1718 = arith.constant 4 : i32
    %dma_wait3A_1719 = arith.constant 0 : i32
    %dma_wait3A_1720 = tpu.memref_slice %arg6[%dma_wait3A_1718, %dma_wait3A_1719] : memref<256x64xf32, #tpu.memory_space<vmem>> -> memref<1x64xf32, #tpu.memory_space<vmem>>
    %dma_wait3A_1721 = arith.constant 0 : i32
    %dma_wait3A_1722 = tpu.memref_slice %arg1[%get3A_8, %dma_wait3A_1721] : memref<100000x64xf32, #tpu.memory_space<any>> -> memref<1x64xf32, #tpu.memory_space<any>>
    tpu.wait_dma2 semaphore(%arg7 : memref<!tpu.dma_semaphore, #tpu.memory_space<semaphore_mem>>) src(%dma_wait3A_1722 : memref<1x64xf32, #tpu.memory_space<any>>) dst(%dma_wait3A_1720 : memref<1x64xf32, #tpu.memory_space<vmem>>)
    %dma_wait3A_1723 = arith.constant 5 : i32
    %dma_wait3A_1724 = arith.constant 0 : i32
    %dma_wait3A_1725 = tpu.memref_slice %arg6[%dma_wait3A_1723, %dma_wait3A_1724] : memref<256x64xf32, #tpu.memory_space<vmem>> -> memref<1x64xf32, #tpu.memory_space<vmem>>
    %dma_wait3A_1726 = arith.constant 0 : i32
    %dma_wait3A_1727 = tpu.memref_slice %arg1[%get3A_10, %dma_wait3A_1726] : memref<100000x64xf32, #tpu.memory_space<any>> -> memref<1x64xf32, #tpu.memory_space<any>>
    tpu.wait_dma2 semaphore(%arg7 : memref<!tpu.dma_semaphore, #tpu.memory_space<semaphore_mem>>) src(%dma_wait3A_1727 : memref<1x64xf32, #tpu.memory_space<any>>) dst(%dma_wait3A_1725 : memref<1x64xf32, #tpu.memory_space<vmem>>)
    %dma_wait3A_1728 = arith.constant 6 : i32
    %dma_wait3A_1729 = arith.constant 0 : i32
    %dma_wait3A_1730 = tpu.memref_slice %arg6[%dma_wait3A_1728, %dma_wait3A_1729] : memref<256x64xf32, #tpu.memory_space<vmem>> -> memref<1x64xf32, #tpu.memory_space<vmem>>
    %dma_wait3A_1731 = arith.constant 0 : i32
    %dma_wait3A_1732 = tpu.memref_slice %arg1[%get3A_12, %dma_wait3A_1731] : memref<100000x64xf32, #tpu.memory_space<any>> -> memref<1x64xf32, #tpu.memory_space<any>>
    tpu.wait_dma2 semaphore(%arg7 : memref<!tpu.dma_semaphore, #tpu.memory_space<semaphore_mem>>) src(%dma_wait3A_1732 : memref<1x64xf32, #tpu.memory_space<any>>) dst(%dma_wait3A_1730 : memref<1x64xf32, #tpu.memory_space<vmem>>)
    %dma_wait3A_1733 = arith.constant 7 : i32
    %dma_wait3A_1734 = arith.constant 0 : i32
    %dma_wait3A_1735 = tpu.memref_slice %arg6[%dma_wait3A_1733, %dma_wait3A_1734] : memref<256x64xf32, #tpu.memory_space<vmem>> -> memref<1x64xf32, #tpu.memory_space<vmem>>
    %dma_wait3A_1736 = arith.constant 0 : i32
    %dma_wait3A_1737 = tpu.memref_slice %arg1[%get3A_14, %dma_wait3A_1736] : memref<100000x64xf32, #tpu.memory_space<any>> -> memref<1x64xf32, #tpu.memory_space<any>>
    tpu.wait_dma2 semaphore(%arg7 : memref<!tpu.dma_semaphore, #tpu.memory_space<semaphore_mem>>) src(%dma_wait3A_1737 : memref<1x64xf32, #tpu.memory_space<any>>) dst(%dma_wait3A_1735 : memref<1x64xf32, #tpu.memory_space<vmem>>)
    %dma_wait3A_1738 = arith.constant 8 : i32
    %dma_wait3A_1739 = arith.constant 0 : i32
    %dma_wait3A_1740 = tpu.memref_slice %arg6[%dma_wait3A_1738, %dma_wait3A_1739] : memref<256x64xf32, #tpu.memory_space<vmem>> -> memref<1x64xf32, #tpu.memory_space<vmem>>
    %dma_wait3A_1741 = arith.constant 0 : i32
    %dma_wait3A_1742 = tpu.memref_slice %arg1[%get3A_16, %dma_wait3A_1741] : memref<100000x64xf32, #tpu.memory_space<any>> -> memref<1x64xf32, #tpu.memory_space<any>>
    tpu.wait_dma2 semaphore(%arg7 : memref<!tpu.dma_semaphore, #tpu.memory_space<semaphore_mem>>) src(%dma_wait3A_1742 : memref<1x64xf32, #tpu.memory_space<any>>) dst(%dma_wait3A_1740 : memref<1x64xf32, #tpu.memory_space<vmem>>)
    %dma_wait3A_1743 = arith.constant 9 : i32
    %dma_wait3A_1744 = arith.constant 0 : i32
    %dma_wait3A_1745 = tpu.memref_slice %arg6[%dma_wait3A_1743, %dma_wait3A_1744] : memref<256x64xf32, #tpu.memory_space<vmem>> -> memref<1x64xf32, #tpu.memory_space<vmem>>
    %dma_wait3A_1746 = arith.constant 0 : i32
    %dma_wait3A_1747 = tpu.memref_slice %arg1[%get3A_18, %dma_wait3A_1746] : memref<100000x64xf32, #tpu.memory_space<any>> -> memref<1x64xf32, #tpu.memory_space<any>>
    tpu.wait_dma2 semaphore(%arg7 : memref<!tpu.dma_semaphore, #tpu.memory_space<semaphore_mem>>) src(%dma_wait3A_1747 : memref<1x64xf32, #tpu.memory_space<any>>) dst(%dma_wait3A_1745 : memref<1x64xf32, #tpu.memory_space<vmem>>)
    %dma_wait3A_1748 = arith.constant 10 : i32
    %dma_wait3A_1749 = arith.constant 0 : i32
    %dma_wait3A_1750 = tpu.memref_slice %arg6[%dma_wait3A_1748, %dma_wait3A_1749] : memref<256x64xf32, #tpu.memory_space<vmem>> -> memref<1x64xf32, #tpu.memory_space<vmem>>
    %dma_wait3A_1751 = arith.constant 0 : i32
    %dma_wait3A_1752 = tpu.memref_slice %arg1[%get3A_20, %dma_wait3A_1751] : memref<100000x64xf32, #tpu.memory_space<any>> -> memref<1x64xf32, #tpu.memory_space<any>>
    tpu.wait_dma2 semaphore(%arg7 : memref<!tpu.dma_semaphore, #tpu.memory_space<semaphore_mem>>) src(%dma_wait3A_1752 : memref<1x64xf32, #tpu.memory_space<any>>) dst(%dma_wait3A_1750 : memref<1x64xf32, #tpu.memory_space<vmem>>)
    %dma_wait3A_1753 = arith.constant 11 : i32
    %dma_wait3A_1754 = arith.constant 0 : i32
    %dma_wait3A_1755 = tpu.memref_slice %arg6[%dma_wait3A_1753, %dma_wait3A_1754] : memref<256x64xf32, #tpu.memory_space<vmem>> -> memref<1x64xf32, #tpu.memory_space<vmem>>
    %dma_wait3A_1756 = arith.constant 0 : i32
    %dma_wait3A_1757 = tpu.memref_slice %arg1[%get3A_22, %dma_wait3A_1756] : memref<100000x64xf32, #tpu.memory_space<any>> -> memref<1x64xf32, #tpu.memory_space<any>>
    tpu.wait_dma2 semaphore(%arg7 : memref<!tpu.dma_semaphore, #tpu.memory_space<semaphore_mem>>) src(%dma_wait3A_1757 : memref<1x64xf32, #tpu.memory_space<any>>) dst(%dma_wait3A_1755 : memref<1x64xf32, #tpu.memory_space<vmem>>)
    %dma_wait3A_1758 = arith.constant 12 : i32
    %dma_wait3A_1759 = arith.constant 0 : i32
    %dma_wait3A_1760 = tpu.memref_slice %arg6[%dma_wait3A_1758, %dma_wait3A_1759] : memref<256x64xf32, #tpu.memory_space<vmem>> -> memref<1x64xf32, #tpu.memory_space<vmem>>
    %dma_wait3A_1761 = arith.constant 0 : i32
    %dma_wait3A_1762 = tpu.memref_slice %arg1[%get3A_24, %dma_wait3A_1761] : memref<100000x64xf32, #tpu.memory_space<any>> -> memref<1x64xf32, #tpu.memory_space<any>>
    tpu.wait_dma2 semaphore(%arg7 : memref<!tpu.dma_semaphore, #tpu.memory_space<semaphore_mem>>) src(%dma_wait3A_1762 : memref<1x64xf32, #tpu.memory_space<any>>) dst(%dma_wait3A_1760 : memref<1x64xf32, #tpu.memory_space<vmem>>)
    %dma_wait3A_1763 = arith.constant 13 : i32
    %dma_wait3A_1764 = arith.constant 0 : i32
    %dma_wait3A_1765 = tpu.memref_slice %arg6[%dma_wait3A_1763, %dma_wait3A_1764] : memref<256x64xf32, #tpu.memory_space<vmem>> -> memref<1x64xf32, #tpu.memory_space<vmem>>
    %dma_wait3A_1766 = arith.constant 0 : i32
    %dma_wait3A_1767 = tpu.memref_slice %arg1[%get3A_26, %dma_wait3A_1766] : memref<100000x64xf32, #tpu.memory_space<any>> -> memref<1x64xf32, #tpu.memory_space<any>>
    tpu.wait_dma2 semaphore(%arg7 : memref<!tpu.dma_semaphore, #tpu.memory_space<semaphore_mem>>) src(%dma_wait3A_1767 : memref<1x64xf32, #tpu.memory_space<any>>) dst(%dma_wait3A_1765 : memref<1x64xf32, #tpu.memory_space<vmem>>)
    %dma_wait3A_1768 = arith.constant 14 : i32
    %dma_wait3A_1769 = arith.constant 0 : i32
    %dma_wait3A_1770 = tpu.memref_slice %arg6[%dma_wait3A_1768, %dma_wait3A_1769] : memref<256x64xf32, #tpu.memory_space<vmem>> -> memref<1x64xf32, #tpu.memory_space<vmem>>
    %dma_wait3A_1771 = arith.constant 0 : i32
    %dma_wait3A_1772 = tpu.memref_slice %arg1[%get3A_28, %dma_wait3A_1771] : memref<100000x64xf32, #tpu.memory_space<any>> -> memref<1x64xf32, #tpu.memory_space<any>>
    tpu.wait_dma2 semaphore(%arg7 : memref<!tpu.dma_semaphore, #tpu.memory_space<semaphore_mem>>) src(%dma_wait3A_1772 : memref<1x64xf32, #tpu.memory_space<any>>) dst(%dma_wait3A_1770 : memref<1x64xf32, #tpu.memory_space<vmem>>)
    %dma_wait3A_1773 = arith.constant 15 : i32
    %dma_wait3A_1774 = arith.constant 0 : i32
    %dma_wait3A_1775 = tpu.memref_slice %arg6[%dma_wait3A_1773, %dma_wait3A_1774] : memref<256x64xf32, #tpu.memory_space<vmem>> -> memref<1x64xf32, #tpu.memory_space<vmem>>
    %dma_wait3A_1776 = arith.constant 0 : i32
    %dma_wait3A_1777 = tpu.memref_slice %arg1[%get3A_30, %dma_wait3A_1776] : memref<100000x64xf32, #tpu.memory_space<any>> -> memref<1x64xf32, #tpu.memory_space<any>>
    tpu.wait_dma2 semaphore(%arg7 : memref<!tpu.dma_semaphore, #tpu.memory_space<semaphore_mem>>) src(%dma_wait3A_1777 : memref<1x64xf32, #tpu.memory_space<any>>) dst(%dma_wait3A_1775 : memref<1x64xf32, #tpu.memory_space<vmem>>)
    %dma_wait3A_1778 = arith.constant 16 : i32
    %dma_wait3A_1779 = arith.constant 0 : i32
    %dma_wait3A_1780 = tpu.memref_slice %arg6[%dma_wait3A_1778, %dma_wait3A_1779] : memref<256x64xf32, #tpu.memory_space<vmem>> -> memref<1x64xf32, #tpu.memory_space<vmem>>
    %dma_wait3A_1781 = arith.constant 0 : i32
    %dma_wait3A_1782 = tpu.memref_slice %arg1[%get3A_32, %dma_wait3A_1781] : memref<100000x64xf32, #tpu.memory_space<any>> -> memref<1x64xf32, #tpu.memory_space<any>>
    tpu.wait_dma2 semaphore(%arg7 : memref<!tpu.dma_semaphore, #tpu.memory_space<semaphore_mem>>) src(%dma_wait3A_1782 : memref<1x64xf32, #tpu.memory_space<any>>) dst(%dma_wait3A_1780 : memref<1x64xf32, #tpu.memory_space<vmem>>)
    %dma_wait3A_1783 = arith.constant 17 : i32
    %dma_wait3A_1784 = arith.constant 0 : i32
    %dma_wait3A_1785 = tpu.memref_slice %arg6[%dma_wait3A_1783, %dma_wait3A_1784] : memref<256x64xf32, #tpu.memory_space<vmem>> -> memref<1x64xf32, #tpu.memory_space<vmem>>
    %dma_wait3A_1786 = arith.constant 0 : i32
    %dma_wait3A_1787 = tpu.memref_slice %arg1[%get3A_34, %dma_wait3A_1786] : memref<100000x64xf32, #tpu.memory_space<any>> -> memref<1x64xf32, #tpu.memory_space<any>>
    tpu.wait_dma2 semaphore(%arg7 : memref<!tpu.dma_semaphore, #tpu.memory_space<semaphore_mem>>) src(%dma_wait3A_1787 : memref<1x64xf32, #tpu.memory_space<any>>) dst(%dma_wait3A_1785 : memref<1x64xf32, #tpu.memory_space<vmem>>)
    %dma_wait3A_1788 = arith.constant 18 : i32
    %dma_wait3A_1789 = arith.constant 0 : i32
    %dma_wait3A_1790 = tpu.memref_slice %arg6[%dma_wait3A_1788, %dma_wait3A_1789] : memref<256x64xf32, #tpu.memory_space<vmem>> -> memref<1x64xf32, #tpu.memory_space<vmem>>
    %dma_wait3A_1791 = arith.constant 0 : i32
    %dma_wait3A_1792 = tpu.memref_slice %arg1[%get3A_36, %dma_wait3A_1791] : memref<100000x64xf32, #tpu.memory_space<any>> -> memref<1x64xf32, #tpu.memory_space<any>>
    tpu.wait_dma2 semaphore(%arg7 : memref<!tpu.dma_semaphore, #tpu.memory_space<semaphore_mem>>) src(%dma_wait3A_1792 : memref<1x64xf32, #tpu.memory_space<any>>) dst(%dma_wait3A_1790 : memref<1x64xf32, #tpu.memory_space<vmem>>)
    %dma_wait3A_1793 = arith.constant 19 : i32
    %dma_wait3A_1794 = arith.constant 0 : i32
    %dma_wait3A_1795 = tpu.memref_slice %arg6[%dma_wait3A_1793, %dma_wait3A_1794] : memref<256x64xf32, #tpu.memory_space<vmem>> -> memref<1x64xf32, #tpu.memory_space<vmem>>
    %dma_wait3A_1796 = arith.constant 0 : i32
    %dma_wait3A_1797 = tpu.memref_slice %arg1[%get3A_38, %dma_wait3A_1796] : memref<100000x64xf32, #tpu.memory_space<any>> -> memref<1x64xf32, #tpu.memory_space<any>>
    tpu.wait_dma2 semaphore(%arg7 : memref<!tpu.dma_semaphore, #tpu.memory_space<semaphore_mem>>) src(%dma_wait3A_1797 : memref<1x64xf32, #tpu.memory_space<any>>) dst(%dma_wait3A_1795 : memref<1x64xf32, #tpu.memory_space<vmem>>)
    %dma_wait3A_1798 = arith.constant 20 : i32
    %dma_wait3A_1799 = arith.constant 0 : i32
    %dma_wait3A_1800 = tpu.memref_slice %arg6[%dma_wait3A_1798, %dma_wait3A_1799] : memref<256x64xf32, #tpu.memory_space<vmem>> -> memref<1x64xf32, #tpu.memory_space<vmem>>
    %dma_wait3A_1801 = arith.constant 0 : i32
    %dma_wait3A_1802 = tpu.memref_slice %arg1[%get3A_40, %dma_wait3A_1801] : memref<100000x64xf32, #tpu.memory_space<any>> -> memref<1x64xf32, #tpu.memory_space<any>>
    tpu.wait_dma2 semaphore(%arg7 : memref<!tpu.dma_semaphore, #tpu.memory_space<semaphore_mem>>) src(%dma_wait3A_1802 : memref<1x64xf32, #tpu.memory_space<any>>) dst(%dma_wait3A_1800 : memref<1x64xf32, #tpu.memory_space<vmem>>)
    %dma_wait3A_1803 = arith.constant 21 : i32
    %dma_wait3A_1804 = arith.constant 0 : i32
    %dma_wait3A_1805 = tpu.memref_slice %arg6[%dma_wait3A_1803, %dma_wait3A_1804] : memref<256x64xf32, #tpu.memory_space<vmem>> -> memref<1x64xf32, #tpu.memory_space<vmem>>
    %dma_wait3A_1806 = arith.constant 0 : i32
    %dma_wait3A_1807 = tpu.memref_slice %arg1[%get3A_42, %dma_wait3A_1806] : memref<100000x64xf32, #tpu.memory_space<any>> -> memref<1x64xf32, #tpu.memory_space<any>>
    tpu.wait_dma2 semaphore(%arg7 : memref<!tpu.dma_semaphore, #tpu.memory_space<semaphore_mem>>) src(%dma_wait3A_1807 : memref<1x64xf32, #tpu.memory_space<any>>) dst(%dma_wait3A_1805 : memref<1x64xf32, #tpu.memory_space<vmem>>)
    %dma_wait3A_1808 = arith.constant 22 : i32
    %dma_wait3A_1809 = arith.constant 0 : i32
    %dma_wait3A_1810 = tpu.memref_slice %arg6[%dma_wait3A_1808, %dma_wait3A_1809] : memref<256x64xf32, #tpu.memory_space<vmem>> -> memref<1x64xf32, #tpu.memory_space<vmem>>
    %dma_wait3A_1811 = arith.constant 0 : i32
    %dma_wait3A_1812 = tpu.memref_slice %arg1[%get3A_44, %dma_wait3A_1811] : memref<100000x64xf32, #tpu.memory_space<any>> -> memref<1x64xf32, #tpu.memory_space<any>>
    tpu.wait_dma2 semaphore(%arg7 : memref<!tpu.dma_semaphore, #tpu.memory_space<semaphore_mem>>) src(%dma_wait3A_1812 : memref<1x64xf32, #tpu.memory_space<any>>) dst(%dma_wait3A_1810 : memref<1x64xf32, #tpu.memory_space<vmem>>)
    %dma_wait3A_1813 = arith.constant 23 : i32
    %dma_wait3A_1814 = arith.constant 0 : i32
    %dma_wait3A_1815 = tpu.memref_slice %arg6[%dma_wait3A_1813, %dma_wait3A_1814] : memref<256x64xf32, #tpu.memory_space<vmem>> -> memref<1x64xf32, #tpu.memory_space<vmem>>
    %dma_wait3A_1816 = arith.constant 0 : i32
    %dma_wait3A_1817 = tpu.memref_slice %arg1[%get3A_46, %dma_wait3A_1816] : memref<100000x64xf32, #tpu.memory_space<any>> -> memref<1x64xf32, #tpu.memory_space<any>>
    tpu.wait_dma2 semaphore(%arg7 : memref<!tpu.dma_semaphore, #tpu.memory_space<semaphore_mem>>) src(%dma_wait3A_1817 : memref<1x64xf32, #tpu.memory_space<any>>) dst(%dma_wait3A_1815 : memref<1x64xf32, #tpu.memory_space<vmem>>)
    %dma_wait3A_1818 = arith.constant 24 : i32
    %dma_wait3A_1819 = arith.constant 0 : i32
    %dma_wait3A_1820 = tpu.memref_slice %arg6[%dma_wait3A_1818, %dma_wait3A_1819] : memref<256x64xf32, #tpu.memory_space<vmem>> -> memref<1x64xf32, #tpu.memory_space<vmem>>
    %dma_wait3A_1821 = arith.constant 0 : i32
    %dma_wait3A_1822 = tpu.memref_slice %arg1[%get3A_48, %dma_wait3A_1821] : memref<100000x64xf32, #tpu.memory_space<any>> -> memref<1x64xf32, #tpu.memory_space<any>>
    tpu.wait_dma2 semaphore(%arg7 : memref<!tpu.dma_semaphore, #tpu.memory_space<semaphore_mem>>) src(%dma_wait3A_1822 : memref<1x64xf32, #tpu.memory_space<any>>) dst(%dma_wait3A_1820 : memref<1x64xf32, #tpu.memory_space<vmem>>)
    %dma_wait3A_1823 = arith.constant 25 : i32
    %dma_wait3A_1824 = arith.constant 0 : i32
    %dma_wait3A_1825 = tpu.memref_slice %arg6[%dma_wait3A_1823, %dma_wait3A_1824] : memref<256x64xf32, #tpu.memory_space<vmem>> -> memref<1x64xf32, #tpu.memory_space<vmem>>
    %dma_wait3A_1826 = arith.constant 0 : i32
    %dma_wait3A_1827 = tpu.memref_slice %arg1[%get3A_50, %dma_wait3A_1826] : memref<100000x64xf32, #tpu.memory_space<any>> -> memref<1x64xf32, #tpu.memory_space<any>>
    tpu.wait_dma2 semaphore(%arg7 : memref<!tpu.dma_semaphore, #tpu.memory_space<semaphore_mem>>) src(%dma_wait3A_1827 : memref<1x64xf32, #tpu.memory_space<any>>) dst(%dma_wait3A_1825 : memref<1x64xf32, #tpu.memory_space<vmem>>)
    %dma_wait3A_1828 = arith.constant 26 : i32
    %dma_wait3A_1829 = arith.constant 0 : i32
    %dma_wait3A_1830 = tpu.memref_slice %arg6[%dma_wait3A_1828, %dma_wait3A_1829] : memref<256x64xf32, #tpu.memory_space<vmem>> -> memref<1x64xf32, #tpu.memory_space<vmem>>
    %dma_wait3A_1831 = arith.constant 0 : i32
    %dma_wait3A_1832 = tpu.memref_slice %arg1[%get3A_52, %dma_wait3A_1831] : memref<100000x64xf32, #tpu.memory_space<any>> -> memref<1x64xf32, #tpu.memory_space<any>>
    tpu.wait_dma2 semaphore(%arg7 : memref<!tpu.dma_semaphore, #tpu.memory_space<semaphore_mem>>) src(%dma_wait3A_1832 : memref<1x64xf32, #tpu.memory_space<any>>) dst(%dma_wait3A_1830 : memref<1x64xf32, #tpu.memory_space<vmem>>)
    %dma_wait3A_1833 = arith.constant 27 : i32
    %dma_wait3A_1834 = arith.constant 0 : i32
    %dma_wait3A_1835 = tpu.memref_slice %arg6[%dma_wait3A_1833, %dma_wait3A_1834] : memref<256x64xf32, #tpu.memory_space<vmem>> -> memref<1x64xf32, #tpu.memory_space<vmem>>
    %dma_wait3A_1836 = arith.constant 0 : i32
    %dma_wait3A_1837 = tpu.memref_slice %arg1[%get3A_54, %dma_wait3A_1836] : memref<100000x64xf32, #tpu.memory_space<any>> -> memref<1x64xf32, #tpu.memory_space<any>>
    tpu.wait_dma2 semaphore(%arg7 : memref<!tpu.dma_semaphore, #tpu.memory_space<semaphore_mem>>) src(%dma_wait3A_1837 : memref<1x64xf32, #tpu.memory_space<any>>) dst(%dma_wait3A_1835 : memref<1x64xf32, #tpu.memory_space<vmem>>)
    %dma_wait3A_1838 = arith.constant 28 : i32
    %dma_wait3A_1839 = arith.constant 0 : i32
    %dma_wait3A_1840 = tpu.memref_slice %arg6[%dma_wait3A_1838, %dma_wait3A_1839] : memref<256x64xf32, #tpu.memory_space<vmem>> -> memref<1x64xf32, #tpu.memory_space<vmem>>
    %dma_wait3A_1841 = arith.constant 0 : i32
    %dma_wait3A_1842 = tpu.memref_slice %arg1[%get3A_56, %dma_wait3A_1841] : memref<100000x64xf32, #tpu.memory_space<any>> -> memref<1x64xf32, #tpu.memory_space<any>>
    tpu.wait_dma2 semaphore(%arg7 : memref<!tpu.dma_semaphore, #tpu.memory_space<semaphore_mem>>) src(%dma_wait3A_1842 : memref<1x64xf32, #tpu.memory_space<any>>) dst(%dma_wait3A_1840 : memref<1x64xf32, #tpu.memory_space<vmem>>)
    %dma_wait3A_1843 = arith.constant 29 : i32
    %dma_wait3A_1844 = arith.constant 0 : i32
    %dma_wait3A_1845 = tpu.memref_slice %arg6[%dma_wait3A_1843, %dma_wait3A_1844] : memref<256x64xf32, #tpu.memory_space<vmem>> -> memref<1x64xf32, #tpu.memory_space<vmem>>
    %dma_wait3A_1846 = arith.constant 0 : i32
    %dma_wait3A_1847 = tpu.memref_slice %arg1[%get3A_58, %dma_wait3A_1846] : memref<100000x64xf32, #tpu.memory_space<any>> -> memref<1x64xf32, #tpu.memory_space<any>>
    tpu.wait_dma2 semaphore(%arg7 : memref<!tpu.dma_semaphore, #tpu.memory_space<semaphore_mem>>) src(%dma_wait3A_1847 : memref<1x64xf32, #tpu.memory_space<any>>) dst(%dma_wait3A_1845 : memref<1x64xf32, #tpu.memory_space<vmem>>)
    %dma_wait3A_1848 = arith.constant 30 : i32
    %dma_wait3A_1849 = arith.constant 0 : i32
    %dma_wait3A_1850 = tpu.memref_slice %arg6[%dma_wait3A_1848, %dma_wait3A_1849] : memref<256x64xf32, #tpu.memory_space<vmem>> -> memref<1x64xf32, #tpu.memory_space<vmem>>
    %dma_wait3A_1851 = arith.constant 0 : i32
    %dma_wait3A_1852 = tpu.memref_slice %arg1[%get3A_60, %dma_wait3A_1851] : memref<100000x64xf32, #tpu.memory_space<any>> -> memref<1x64xf32, #tpu.memory_space<any>>
    tpu.wait_dma2 semaphore(%arg7 : memref<!tpu.dma_semaphore, #tpu.memory_space<semaphore_mem>>) src(%dma_wait3A_1852 : memref<1x64xf32, #tpu.memory_space<any>>) dst(%dma_wait3A_1850 : memref<1x64xf32, #tpu.memory_space<vmem>>)
    %dma_wait3A_1853 = arith.constant 31 : i32
    %dma_wait3A_1854 = arith.constant 0 : i32
    %dma_wait3A_1855 = tpu.memref_slice %arg6[%dma_wait3A_1853, %dma_wait3A_1854] : memref<256x64xf32, #tpu.memory_space<vmem>> -> memref<1x64xf32, #tpu.memory_space<vmem>>
    %dma_wait3A_1856 = arith.constant 0 : i32
    %dma_wait3A_1857 = tpu.memref_slice %arg1[%get3A_62, %dma_wait3A_1856] : memref<100000x64xf32, #tpu.memory_space<any>> -> memref<1x64xf32, #tpu.memory_space<any>>
    tpu.wait_dma2 semaphore(%arg7 : memref<!tpu.dma_semaphore, #tpu.memory_space<semaphore_mem>>) src(%dma_wait3A_1857 : memref<1x64xf32, #tpu.memory_space<any>>) dst(%dma_wait3A_1855 : memref<1x64xf32, #tpu.memory_space<vmem>>)
    %dma_wait3A_1858 = arith.constant 32 : i32
    %dma_wait3A_1859 = arith.constant 0 : i32
    %dma_wait3A_1860 = tpu.memref_slice %arg6[%dma_wait3A_1858, %dma_wait3A_1859] : memref<256x64xf32, #tpu.memory_space<vmem>> -> memref<1x64xf32, #tpu.memory_space<vmem>>
    %dma_wait3A_1861 = arith.constant 0 : i32
    %dma_wait3A_1862 = tpu.memref_slice %arg1[%get3A_64, %dma_wait3A_1861] : memref<100000x64xf32, #tpu.memory_space<any>> -> memref<1x64xf32, #tpu.memory_space<any>>
    tpu.wait_dma2 semaphore(%arg7 : memref<!tpu.dma_semaphore, #tpu.memory_space<semaphore_mem>>) src(%dma_wait3A_1862 : memref<1x64xf32, #tpu.memory_space<any>>) dst(%dma_wait3A_1860 : memref<1x64xf32, #tpu.memory_space<vmem>>)
    %dma_wait3A_1863 = arith.constant 33 : i32
    %dma_wait3A_1864 = arith.constant 0 : i32
    %dma_wait3A_1865 = tpu.memref_slice %arg6[%dma_wait3A_1863, %dma_wait3A_1864] : memref<256x64xf32, #tpu.memory_space<vmem>> -> memref<1x64xf32, #tpu.memory_space<vmem>>
    %dma_wait3A_1866 = arith.constant 0 : i32
    %dma_wait3A_1867 = tpu.memref_slice %arg1[%get3A_66, %dma_wait3A_1866] : memref<100000x64xf32, #tpu.memory_space<any>> -> memref<1x64xf32, #tpu.memory_space<any>>
    tpu.wait_dma2 semaphore(%arg7 : memref<!tpu.dma_semaphore, #tpu.memory_space<semaphore_mem>>) src(%dma_wait3A_1867 : memref<1x64xf32, #tpu.memory_space<any>>) dst(%dma_wait3A_1865 : memref<1x64xf32, #tpu.memory_space<vmem>>)
    %dma_wait3A_1868 = arith.constant 34 : i32
    %dma_wait3A_1869 = arith.constant 0 : i32
    %dma_wait3A_1870 = tpu.memref_slice %arg6[%dma_wait3A_1868, %dma_wait3A_1869] : memref<256x64xf32, #tpu.memory_space<vmem>> -> memref<1x64xf32, #tpu.memory_space<vmem>>
    %dma_wait3A_1871 = arith.constant 0 : i32
    %dma_wait3A_1872 = tpu.memref_slice %arg1[%get3A_68, %dma_wait3A_1871] : memref<100000x64xf32, #tpu.memory_space<any>> -> memref<1x64xf32, #tpu.memory_space<any>>
    tpu.wait_dma2 semaphore(%arg7 : memref<!tpu.dma_semaphore, #tpu.memory_space<semaphore_mem>>) src(%dma_wait3A_1872 : memref<1x64xf32, #tpu.memory_space<any>>) dst(%dma_wait3A_1870 : memref<1x64xf32, #tpu.memory_space<vmem>>)
    %dma_wait3A_1873 = arith.constant 35 : i32
    %dma_wait3A_1874 = arith.constant 0 : i32
    %dma_wait3A_1875 = tpu.memref_slice %arg6[%dma_wait3A_1873, %dma_wait3A_1874] : memref<256x64xf32, #tpu.memory_space<vmem>> -> memref<1x64xf32, #tpu.memory_space<vmem>>
    %dma_wait3A_1876 = arith.constant 0 : i32
    %dma_wait3A_1877 = tpu.memref_slice %arg1[%get3A_70, %dma_wait3A_1876] : memref<100000x64xf32, #tpu.memory_space<any>> -> memref<1x64xf32, #tpu.memory_space<any>>
    tpu.wait_dma2 semaphore(%arg7 : memref<!tpu.dma_semaphore, #tpu.memory_space<semaphore_mem>>) src(%dma_wait3A_1877 : memref<1x64xf32, #tpu.memory_space<any>>) dst(%dma_wait3A_1875 : memref<1x64xf32, #tpu.memory_space<vmem>>)
    %dma_wait3A_1878 = arith.constant 36 : i32
    %dma_wait3A_1879 = arith.constant 0 : i32
    %dma_wait3A_1880 = tpu.memref_slice %arg6[%dma_wait3A_1878, %dma_wait3A_1879] : memref<256x64xf32, #tpu.memory_space<vmem>> -> memref<1x64xf32, #tpu.memory_space<vmem>>
    %dma_wait3A_1881 = arith.constant 0 : i32
    %dma_wait3A_1882 = tpu.memref_slice %arg1[%get3A_72, %dma_wait3A_1881] : memref<100000x64xf32, #tpu.memory_space<any>> -> memref<1x64xf32, #tpu.memory_space<any>>
    tpu.wait_dma2 semaphore(%arg7 : memref<!tpu.dma_semaphore, #tpu.memory_space<semaphore_mem>>) src(%dma_wait3A_1882 : memref<1x64xf32, #tpu.memory_space<any>>) dst(%dma_wait3A_1880 : memref<1x64xf32, #tpu.memory_space<vmem>>)
    %dma_wait3A_1883 = arith.constant 37 : i32
    %dma_wait3A_1884 = arith.constant 0 : i32
    %dma_wait3A_1885 = tpu.memref_slice %arg6[%dma_wait3A_1883, %dma_wait3A_1884] : memref<256x64xf32, #tpu.memory_space<vmem>> -> memref<1x64xf32, #tpu.memory_space<vmem>>
    %dma_wait3A_1886 = arith.constant 0 : i32
    %dma_wait3A_1887 = tpu.memref_slice %arg1[%get3A_74, %dma_wait3A_1886] : memref<100000x64xf32, #tpu.memory_space<any>> -> memref<1x64xf32, #tpu.memory_space<any>>
    tpu.wait_dma2 semaphore(%arg7 : memref<!tpu.dma_semaphore, #tpu.memory_space<semaphore_mem>>) src(%dma_wait3A_1887 : memref<1x64xf32, #tpu.memory_space<any>>) dst(%dma_wait3A_1885 : memref<1x64xf32, #tpu.memory_space<vmem>>)
    %dma_wait3A_1888 = arith.constant 38 : i32
    %dma_wait3A_1889 = arith.constant 0 : i32
    %dma_wait3A_1890 = tpu.memref_slice %arg6[%dma_wait3A_1888, %dma_wait3A_1889] : memref<256x64xf32, #tpu.memory_space<vmem>> -> memref<1x64xf32, #tpu.memory_space<vmem>>
    %dma_wait3A_1891 = arith.constant 0 : i32
    %dma_wait3A_1892 = tpu.memref_slice %arg1[%get3A_76, %dma_wait3A_1891] : memref<100000x64xf32, #tpu.memory_space<any>> -> memref<1x64xf32, #tpu.memory_space<any>>
    tpu.wait_dma2 semaphore(%arg7 : memref<!tpu.dma_semaphore, #tpu.memory_space<semaphore_mem>>) src(%dma_wait3A_1892 : memref<1x64xf32, #tpu.memory_space<any>>) dst(%dma_wait3A_1890 : memref<1x64xf32, #tpu.memory_space<vmem>>)
    %dma_wait3A_1893 = arith.constant 39 : i32
    %dma_wait3A_1894 = arith.constant 0 : i32
    %dma_wait3A_1895 = tpu.memref_slice %arg6[%dma_wait3A_1893, %dma_wait3A_1894] : memref<256x64xf32, #tpu.memory_space<vmem>> -> memref<1x64xf32, #tpu.memory_space<vmem>>
    %dma_wait3A_1896 = arith.constant 0 : i32
    %dma_wait3A_1897 = tpu.memref_slice %arg1[%get3A_78, %dma_wait3A_1896] : memref<100000x64xf32, #tpu.memory_space<any>> -> memref<1x64xf32, #tpu.memory_space<any>>
    tpu.wait_dma2 semaphore(%arg7 : memref<!tpu.dma_semaphore, #tpu.memory_space<semaphore_mem>>) src(%dma_wait3A_1897 : memref<1x64xf32, #tpu.memory_space<any>>) dst(%dma_wait3A_1895 : memref<1x64xf32, #tpu.memory_space<vmem>>)
    %dma_wait3A_1898 = arith.constant 40 : i32
    %dma_wait3A_1899 = arith.constant 0 : i32
    %dma_wait3A_1900 = tpu.memref_slice %arg6[%dma_wait3A_1898, %dma_wait3A_1899] : memref<256x64xf32, #tpu.memory_space<vmem>> -> memref<1x64xf32, #tpu.memory_space<vmem>>
    %dma_wait3A_1901 = arith.constant 0 : i32
    %dma_wait3A_1902 = tpu.memref_slice %arg1[%get3A_80, %dma_wait3A_1901] : memref<100000x64xf32, #tpu.memory_space<any>> -> memref<1x64xf32, #tpu.memory_space<any>>
    tpu.wait_dma2 semaphore(%arg7 : memref<!tpu.dma_semaphore, #tpu.memory_space<semaphore_mem>>) src(%dma_wait3A_1902 : memref<1x64xf32, #tpu.memory_space<any>>) dst(%dma_wait3A_1900 : memref<1x64xf32, #tpu.memory_space<vmem>>)
    %dma_wait3A_1903 = arith.constant 41 : i32
    %dma_wait3A_1904 = arith.constant 0 : i32
    %dma_wait3A_1905 = tpu.memref_slice %arg6[%dma_wait3A_1903, %dma_wait3A_1904] : memref<256x64xf32, #tpu.memory_space<vmem>> -> memref<1x64xf32, #tpu.memory_space<vmem>>
    %dma_wait3A_1906 = arith.constant 0 : i32
    %dma_wait3A_1907 = tpu.memref_slice %arg1[%get3A_82, %dma_wait3A_1906] : memref<100000x64xf32, #tpu.memory_space<any>> -> memref<1x64xf32, #tpu.memory_space<any>>
    tpu.wait_dma2 semaphore(%arg7 : memref<!tpu.dma_semaphore, #tpu.memory_space<semaphore_mem>>) src(%dma_wait3A_1907 : memref<1x64xf32, #tpu.memory_space<any>>) dst(%dma_wait3A_1905 : memref<1x64xf32, #tpu.memory_space<vmem>>)
    %dma_wait3A_1908 = arith.constant 42 : i32
    %dma_wait3A_1909 = arith.constant 0 : i32
    %dma_wait3A_1910 = tpu.memref_slice %arg6[%dma_wait3A_1908, %dma_wait3A_1909] : memref<256x64xf32, #tpu.memory_space<vmem>> -> memref<1x64xf32, #tpu.memory_space<vmem>>
    %dma_wait3A_1911 = arith.constant 0 : i32
    %dma_wait3A_1912 = tpu.memref_slice %arg1[%get3A_84, %dma_wait3A_1911] : memref<100000x64xf32, #tpu.memory_space<any>> -> memref<1x64xf32, #tpu.memory_space<any>>
    tpu.wait_dma2 semaphore(%arg7 : memref<!tpu.dma_semaphore, #tpu.memory_space<semaphore_mem>>) src(%dma_wait3A_1912 : memref<1x64xf32, #tpu.memory_space<any>>) dst(%dma_wait3A_1910 : memref<1x64xf32, #tpu.memory_space<vmem>>)
    %dma_wait3A_1913 = arith.constant 43 : i32
    %dma_wait3A_1914 = arith.constant 0 : i32
    %dma_wait3A_1915 = tpu.memref_slice %arg6[%dma_wait3A_1913, %dma_wait3A_1914] : memref<256x64xf32, #tpu.memory_space<vmem>> -> memref<1x64xf32, #tpu.memory_space<vmem>>
    %dma_wait3A_1916 = arith.constant 0 : i32
    %dma_wait3A_1917 = tpu.memref_slice %arg1[%get3A_86, %dma_wait3A_1916] : memref<100000x64xf32, #tpu.memory_space<any>> -> memref<1x64xf32, #tpu.memory_space<any>>
    tpu.wait_dma2 semaphore(%arg7 : memref<!tpu.dma_semaphore, #tpu.memory_space<semaphore_mem>>) src(%dma_wait3A_1917 : memref<1x64xf32, #tpu.memory_space<any>>) dst(%dma_wait3A_1915 : memref<1x64xf32, #tpu.memory_space<vmem>>)
    %dma_wait3A_1918 = arith.constant 44 : i32
    %dma_wait3A_1919 = arith.constant 0 : i32
    %dma_wait3A_1920 = tpu.memref_slice %arg6[%dma_wait3A_1918, %dma_wait3A_1919] : memref<256x64xf32, #tpu.memory_space<vmem>> -> memref<1x64xf32, #tpu.memory_space<vmem>>
    %dma_wait3A_1921 = arith.constant 0 : i32
    %dma_wait3A_1922 = tpu.memref_slice %arg1[%get3A_88, %dma_wait3A_1921] : memref<100000x64xf32, #tpu.memory_space<any>> -> memref<1x64xf32, #tpu.memory_space<any>>
    tpu.wait_dma2 semaphore(%arg7 : memref<!tpu.dma_semaphore, #tpu.memory_space<semaphore_mem>>) src(%dma_wait3A_1922 : memref<1x64xf32, #tpu.memory_space<any>>) dst(%dma_wait3A_1920 : memref<1x64xf32, #tpu.memory_space<vmem>>)
    %dma_wait3A_1923 = arith.constant 45 : i32
    %dma_wait3A_1924 = arith.constant 0 : i32
    %dma_wait3A_1925 = tpu.memref_slice %arg6[%dma_wait3A_1923, %dma_wait3A_1924] : memref<256x64xf32, #tpu.memory_space<vmem>> -> memref<1x64xf32, #tpu.memory_space<vmem>>
    %dma_wait3A_1926 = arith.constant 0 : i32
    %dma_wait3A_1927 = tpu.memref_slice %arg1[%get3A_90, %dma_wait3A_1926] : memref<100000x64xf32, #tpu.memory_space<any>> -> memref<1x64xf32, #tpu.memory_space<any>>
    tpu.wait_dma2 semaphore(%arg7 : memref<!tpu.dma_semaphore, #tpu.memory_space<semaphore_mem>>) src(%dma_wait3A_1927 : memref<1x64xf32, #tpu.memory_space<any>>) dst(%dma_wait3A_1925 : memref<1x64xf32, #tpu.memory_space<vmem>>)
    %dma_wait3A_1928 = arith.constant 46 : i32
    %dma_wait3A_1929 = arith.constant 0 : i32
    %dma_wait3A_1930 = tpu.memref_slice %arg6[%dma_wait3A_1928, %dma_wait3A_1929] : memref<256x64xf32, #tpu.memory_space<vmem>> -> memref<1x64xf32, #tpu.memory_space<vmem>>
    %dma_wait3A_1931 = arith.constant 0 : i32
    %dma_wait3A_1932 = tpu.memref_slice %arg1[%get3A_92, %dma_wait3A_1931] : memref<100000x64xf32, #tpu.memory_space<any>> -> memref<1x64xf32, #tpu.memory_space<any>>
    tpu.wait_dma2 semaphore(%arg7 : memref<!tpu.dma_semaphore, #tpu.memory_space<semaphore_mem>>) src(%dma_wait3A_1932 : memref<1x64xf32, #tpu.memory_space<any>>) dst(%dma_wait3A_1930 : memref<1x64xf32, #tpu.memory_space<vmem>>)
    %dma_wait3A_1933 = arith.constant 47 : i32
    %dma_wait3A_1934 = arith.constant 0 : i32
    %dma_wait3A_1935 = tpu.memref_slice %arg6[%dma_wait3A_1933, %dma_wait3A_1934] : memref<256x64xf32, #tpu.memory_space<vmem>> -> memref<1x64xf32, #tpu.memory_space<vmem>>
    %dma_wait3A_1936 = arith.constant 0 : i32
    %dma_wait3A_1937 = tpu.memref_slice %arg1[%get3A_94, %dma_wait3A_1936] : memref<100000x64xf32, #tpu.memory_space<any>> -> memref<1x64xf32, #tpu.memory_space<any>>
    tpu.wait_dma2 semaphore(%arg7 : memref<!tpu.dma_semaphore, #tpu.memory_space<semaphore_mem>>) src(%dma_wait3A_1937 : memref<1x64xf32, #tpu.memory_space<any>>) dst(%dma_wait3A_1935 : memref<1x64xf32, #tpu.memory_space<vmem>>)
    %dma_wait3A_1938 = arith.constant 48 : i32
    %dma_wait3A_1939 = arith.constant 0 : i32
    %dma_wait3A_1940 = tpu.memref_slice %arg6[%dma_wait3A_1938, %dma_wait3A_1939] : memref<256x64xf32, #tpu.memory_space<vmem>> -> memref<1x64xf32, #tpu.memory_space<vmem>>
    %dma_wait3A_1941 = arith.constant 0 : i32
    %dma_wait3A_1942 = tpu.memref_slice %arg1[%get3A_96, %dma_wait3A_1941] : memref<100000x64xf32, #tpu.memory_space<any>> -> memref<1x64xf32, #tpu.memory_space<any>>
    tpu.wait_dma2 semaphore(%arg7 : memref<!tpu.dma_semaphore, #tpu.memory_space<semaphore_mem>>) src(%dma_wait3A_1942 : memref<1x64xf32, #tpu.memory_space<any>>) dst(%dma_wait3A_1940 : memref<1x64xf32, #tpu.memory_space<vmem>>)
    %dma_wait3A_1943 = arith.constant 49 : i32
    %dma_wait3A_1944 = arith.constant 0 : i32
    %dma_wait3A_1945 = tpu.memref_slice %arg6[%dma_wait3A_1943, %dma_wait3A_1944] : memref<256x64xf32, #tpu.memory_space<vmem>> -> memref<1x64xf32, #tpu.memory_space<vmem>>
    %dma_wait3A_1946 = arith.constant 0 : i32
    %dma_wait3A_1947 = tpu.memref_slice %arg1[%get3A_98, %dma_wait3A_1946] : memref<100000x64xf32, #tpu.memory_space<any>> -> memref<1x64xf32, #tpu.memory_space<any>>
    tpu.wait_dma2 semaphore(%arg7 : memref<!tpu.dma_semaphore, #tpu.memory_space<semaphore_mem>>) src(%dma_wait3A_1947 : memref<1x64xf32, #tpu.memory_space<any>>) dst(%dma_wait3A_1945 : memref<1x64xf32, #tpu.memory_space<vmem>>)
    %dma_wait3A_1948 = arith.constant 50 : i32
    %dma_wait3A_1949 = arith.constant 0 : i32
    %dma_wait3A_1950 = tpu.memref_slice %arg6[%dma_wait3A_1948, %dma_wait3A_1949] : memref<256x64xf32, #tpu.memory_space<vmem>> -> memref<1x64xf32, #tpu.memory_space<vmem>>
    %dma_wait3A_1951 = arith.constant 0 : i32
    %dma_wait3A_1952 = tpu.memref_slice %arg1[%get3A_100, %dma_wait3A_1951] : memref<100000x64xf32, #tpu.memory_space<any>> -> memref<1x64xf32, #tpu.memory_space<any>>
    tpu.wait_dma2 semaphore(%arg7 : memref<!tpu.dma_semaphore, #tpu.memory_space<semaphore_mem>>) src(%dma_wait3A_1952 : memref<1x64xf32, #tpu.memory_space<any>>) dst(%dma_wait3A_1950 : memref<1x64xf32, #tpu.memory_space<vmem>>)
    %dma_wait3A_1953 = arith.constant 51 : i32
    %dma_wait3A_1954 = arith.constant 0 : i32
    %dma_wait3A_1955 = tpu.memref_slice %arg6[%dma_wait3A_1953, %dma_wait3A_1954] : memref<256x64xf32, #tpu.memory_space<vmem>> -> memref<1x64xf32, #tpu.memory_space<vmem>>
    %dma_wait3A_1956 = arith.constant 0 : i32
    %dma_wait3A_1957 = tpu.memref_slice %arg1[%get3A_102, %dma_wait3A_1956] : memref<100000x64xf32, #tpu.memory_space<any>> -> memref<1x64xf32, #tpu.memory_space<any>>
    tpu.wait_dma2 semaphore(%arg7 : memref<!tpu.dma_semaphore, #tpu.memory_space<semaphore_mem>>) src(%dma_wait3A_1957 : memref<1x64xf32, #tpu.memory_space<any>>) dst(%dma_wait3A_1955 : memref<1x64xf32, #tpu.memory_space<vmem>>)
    %dma_wait3A_1958 = arith.constant 52 : i32
    %dma_wait3A_1959 = arith.constant 0 : i32
    %dma_wait3A_1960 = tpu.memref_slice %arg6[%dma_wait3A_1958, %dma_wait3A_1959] : memref<256x64xf32, #tpu.memory_space<vmem>> -> memref<1x64xf32, #tpu.memory_space<vmem>>
    %dma_wait3A_1961 = arith.constant 0 : i32
    %dma_wait3A_1962 = tpu.memref_slice %arg1[%get3A_104, %dma_wait3A_1961] : memref<100000x64xf32, #tpu.memory_space<any>> -> memref<1x64xf32, #tpu.memory_space<any>>
    tpu.wait_dma2 semaphore(%arg7 : memref<!tpu.dma_semaphore, #tpu.memory_space<semaphore_mem>>) src(%dma_wait3A_1962 : memref<1x64xf32, #tpu.memory_space<any>>) dst(%dma_wait3A_1960 : memref<1x64xf32, #tpu.memory_space<vmem>>)
    %dma_wait3A_1963 = arith.constant 53 : i32
    %dma_wait3A_1964 = arith.constant 0 : i32
    %dma_wait3A_1965 = tpu.memref_slice %arg6[%dma_wait3A_1963, %dma_wait3A_1964] : memref<256x64xf32, #tpu.memory_space<vmem>> -> memref<1x64xf32, #tpu.memory_space<vmem>>
    %dma_wait3A_1966 = arith.constant 0 : i32
    %dma_wait3A_1967 = tpu.memref_slice %arg1[%get3A_106, %dma_wait3A_1966] : memref<100000x64xf32, #tpu.memory_space<any>> -> memref<1x64xf32, #tpu.memory_space<any>>
    tpu.wait_dma2 semaphore(%arg7 : memref<!tpu.dma_semaphore, #tpu.memory_space<semaphore_mem>>) src(%dma_wait3A_1967 : memref<1x64xf32, #tpu.memory_space<any>>) dst(%dma_wait3A_1965 : memref<1x64xf32, #tpu.memory_space<vmem>>)
    %dma_wait3A_1968 = arith.constant 54 : i32
    %dma_wait3A_1969 = arith.constant 0 : i32
    %dma_wait3A_1970 = tpu.memref_slice %arg6[%dma_wait3A_1968, %dma_wait3A_1969] : memref<256x64xf32, #tpu.memory_space<vmem>> -> memref<1x64xf32, #tpu.memory_space<vmem>>
    %dma_wait3A_1971 = arith.constant 0 : i32
    %dma_wait3A_1972 = tpu.memref_slice %arg1[%get3A_108, %dma_wait3A_1971] : memref<100000x64xf32, #tpu.memory_space<any>> -> memref<1x64xf32, #tpu.memory_space<any>>
    tpu.wait_dma2 semaphore(%arg7 : memref<!tpu.dma_semaphore, #tpu.memory_space<semaphore_mem>>) src(%dma_wait3A_1972 : memref<1x64xf32, #tpu.memory_space<any>>) dst(%dma_wait3A_1970 : memref<1x64xf32, #tpu.memory_space<vmem>>)
    %dma_wait3A_1973 = arith.constant 55 : i32
    %dma_wait3A_1974 = arith.constant 0 : i32
    %dma_wait3A_1975 = tpu.memref_slice %arg6[%dma_wait3A_1973, %dma_wait3A_1974] : memref<256x64xf32, #tpu.memory_space<vmem>> -> memref<1x64xf32, #tpu.memory_space<vmem>>
    %dma_wait3A_1976 = arith.constant 0 : i32
    %dma_wait3A_1977 = tpu.memref_slice %arg1[%get3A_110, %dma_wait3A_1976] : memref<100000x64xf32, #tpu.memory_space<any>> -> memref<1x64xf32, #tpu.memory_space<any>>
    tpu.wait_dma2 semaphore(%arg7 : memref<!tpu.dma_semaphore, #tpu.memory_space<semaphore_mem>>) src(%dma_wait3A_1977 : memref<1x64xf32, #tpu.memory_space<any>>) dst(%dma_wait3A_1975 : memref<1x64xf32, #tpu.memory_space<vmem>>)
    %dma_wait3A_1978 = arith.constant 56 : i32
    %dma_wait3A_1979 = arith.constant 0 : i32
    %dma_wait3A_1980 = tpu.memref_slice %arg6[%dma_wait3A_1978, %dma_wait3A_1979] : memref<256x64xf32, #tpu.memory_space<vmem>> -> memref<1x64xf32, #tpu.memory_space<vmem>>
    %dma_wait3A_1981 = arith.constant 0 : i32
    %dma_wait3A_1982 = tpu.memref_slice %arg1[%get3A_112, %dma_wait3A_1981] : memref<100000x64xf32, #tpu.memory_space<any>> -> memref<1x64xf32, #tpu.memory_space<any>>
    tpu.wait_dma2 semaphore(%arg7 : memref<!tpu.dma_semaphore, #tpu.memory_space<semaphore_mem>>) src(%dma_wait3A_1982 : memref<1x64xf32, #tpu.memory_space<any>>) dst(%dma_wait3A_1980 : memref<1x64xf32, #tpu.memory_space<vmem>>)
    %dma_wait3A_1983 = arith.constant 57 : i32
    %dma_wait3A_1984 = arith.constant 0 : i32
    %dma_wait3A_1985 = tpu.memref_slice %arg6[%dma_wait3A_1983, %dma_wait3A_1984] : memref<256x64xf32, #tpu.memory_space<vmem>> -> memref<1x64xf32, #tpu.memory_space<vmem>>
    %dma_wait3A_1986 = arith.constant 0 : i32
    %dma_wait3A_1987 = tpu.memref_slice %arg1[%get3A_114, %dma_wait3A_1986] : memref<100000x64xf32, #tpu.memory_space<any>> -> memref<1x64xf32, #tpu.memory_space<any>>
    tpu.wait_dma2 semaphore(%arg7 : memref<!tpu.dma_semaphore, #tpu.memory_space<semaphore_mem>>) src(%dma_wait3A_1987 : memref<1x64xf32, #tpu.memory_space<any>>) dst(%dma_wait3A_1985 : memref<1x64xf32, #tpu.memory_space<vmem>>)
    %dma_wait3A_1988 = arith.constant 58 : i32
    %dma_wait3A_1989 = arith.constant 0 : i32
    %dma_wait3A_1990 = tpu.memref_slice %arg6[%dma_wait3A_1988, %dma_wait3A_1989] : memref<256x64xf32, #tpu.memory_space<vmem>> -> memref<1x64xf32, #tpu.memory_space<vmem>>
    %dma_wait3A_1991 = arith.constant 0 : i32
    %dma_wait3A_1992 = tpu.memref_slice %arg1[%get3A_116, %dma_wait3A_1991] : memref<100000x64xf32, #tpu.memory_space<any>> -> memref<1x64xf32, #tpu.memory_space<any>>
    tpu.wait_dma2 semaphore(%arg7 : memref<!tpu.dma_semaphore, #tpu.memory_space<semaphore_mem>>) src(%dma_wait3A_1992 : memref<1x64xf32, #tpu.memory_space<any>>) dst(%dma_wait3A_1990 : memref<1x64xf32, #tpu.memory_space<vmem>>)
    %dma_wait3A_1993 = arith.constant 59 : i32
    %dma_wait3A_1994 = arith.constant 0 : i32
    %dma_wait3A_1995 = tpu.memref_slice %arg6[%dma_wait3A_1993, %dma_wait3A_1994] : memref<256x64xf32, #tpu.memory_space<vmem>> -> memref<1x64xf32, #tpu.memory_space<vmem>>
    %dma_wait3A_1996 = arith.constant 0 : i32
    %dma_wait3A_1997 = tpu.memref_slice %arg1[%get3A_118, %dma_wait3A_1996] : memref<100000x64xf32, #tpu.memory_space<any>> -> memref<1x64xf32, #tpu.memory_space<any>>
    tpu.wait_dma2 semaphore(%arg7 : memref<!tpu.dma_semaphore, #tpu.memory_space<semaphore_mem>>) src(%dma_wait3A_1997 : memref<1x64xf32, #tpu.memory_space<any>>) dst(%dma_wait3A_1995 : memref<1x64xf32, #tpu.memory_space<vmem>>)
    %dma_wait3A_1998 = arith.constant 60 : i32
    %dma_wait3A_1999 = arith.constant 0 : i32
    %dma_wait3A_2000 = tpu.memref_slice %arg6[%dma_wait3A_1998, %dma_wait3A_1999] : memref<256x64xf32, #tpu.memory_space<vmem>> -> memref<1x64xf32, #tpu.memory_space<vmem>>
    %dma_wait3A_2001 = arith.constant 0 : i32
    %dma_wait3A_2002 = tpu.memref_slice %arg1[%get3A_120, %dma_wait3A_2001] : memref<100000x64xf32, #tpu.memory_space<any>> -> memref<1x64xf32, #tpu.memory_space<any>>
    tpu.wait_dma2 semaphore(%arg7 : memref<!tpu.dma_semaphore, #tpu.memory_space<semaphore_mem>>) src(%dma_wait3A_2002 : memref<1x64xf32, #tpu.memory_space<any>>) dst(%dma_wait3A_2000 : memref<1x64xf32, #tpu.memory_space<vmem>>)
    %dma_wait3A_2003 = arith.constant 61 : i32
    %dma_wait3A_2004 = arith.constant 0 : i32
    %dma_wait3A_2005 = tpu.memref_slice %arg6[%dma_wait3A_2003, %dma_wait3A_2004] : memref<256x64xf32, #tpu.memory_space<vmem>> -> memref<1x64xf32, #tpu.memory_space<vmem>>
    %dma_wait3A_2006 = arith.constant 0 : i32
    %dma_wait3A_2007 = tpu.memref_slice %arg1[%get3A_122, %dma_wait3A_2006] : memref<100000x64xf32, #tpu.memory_space<any>> -> memref<1x64xf32, #tpu.memory_space<any>>
    tpu.wait_dma2 semaphore(%arg7 : memref<!tpu.dma_semaphore, #tpu.memory_space<semaphore_mem>>) src(%dma_wait3A_2007 : memref<1x64xf32, #tpu.memory_space<any>>) dst(%dma_wait3A_2005 : memref<1x64xf32, #tpu.memory_space<vmem>>)
    %dma_wait3A_2008 = arith.constant 62 : i32
    %dma_wait3A_2009 = arith.constant 0 : i32
    %dma_wait3A_2010 = tpu.memref_slice %arg6[%dma_wait3A_2008, %dma_wait3A_2009] : memref<256x64xf32, #tpu.memory_space<vmem>> -> memref<1x64xf32, #tpu.memory_space<vmem>>
    %dma_wait3A_2011 = arith.constant 0 : i32
    %dma_wait3A_2012 = tpu.memref_slice %arg1[%get3A_124, %dma_wait3A_2011] : memref<100000x64xf32, #tpu.memory_space<any>> -> memref<1x64xf32, #tpu.memory_space<any>>
    tpu.wait_dma2 semaphore(%arg7 : memref<!tpu.dma_semaphore, #tpu.memory_space<semaphore_mem>>) src(%dma_wait3A_2012 : memref<1x64xf32, #tpu.memory_space<any>>) dst(%dma_wait3A_2010 : memref<1x64xf32, #tpu.memory_space<vmem>>)
    %dma_wait3A_2013 = arith.constant 63 : i32
    %dma_wait3A_2014 = arith.constant 0 : i32
    %dma_wait3A_2015 = tpu.memref_slice %arg6[%dma_wait3A_2013, %dma_wait3A_2014] : memref<256x64xf32, #tpu.memory_space<vmem>> -> memref<1x64xf32, #tpu.memory_space<vmem>>
    %dma_wait3A_2016 = arith.constant 0 : i32
    %dma_wait3A_2017 = tpu.memref_slice %arg1[%get3A_126, %dma_wait3A_2016] : memref<100000x64xf32, #tpu.memory_space<any>> -> memref<1x64xf32, #tpu.memory_space<any>>
    tpu.wait_dma2 semaphore(%arg7 : memref<!tpu.dma_semaphore, #tpu.memory_space<semaphore_mem>>) src(%dma_wait3A_2017 : memref<1x64xf32, #tpu.memory_space<any>>) dst(%dma_wait3A_2015 : memref<1x64xf32, #tpu.memory_space<vmem>>)
    %dma_wait3A_2018 = arith.constant 64 : i32
    %dma_wait3A_2019 = arith.constant 0 : i32
    %dma_wait3A_2020 = tpu.memref_slice %arg6[%dma_wait3A_2018, %dma_wait3A_2019] : memref<256x64xf32, #tpu.memory_space<vmem>> -> memref<1x64xf32, #tpu.memory_space<vmem>>
    %dma_wait3A_2021 = arith.constant 0 : i32
    %dma_wait3A_2022 = tpu.memref_slice %arg1[%get3A_128, %dma_wait3A_2021] : memref<100000x64xf32, #tpu.memory_space<any>> -> memref<1x64xf32, #tpu.memory_space<any>>
    tpu.wait_dma2 semaphore(%arg7 : memref<!tpu.dma_semaphore, #tpu.memory_space<semaphore_mem>>) src(%dma_wait3A_2022 : memref<1x64xf32, #tpu.memory_space<any>>) dst(%dma_wait3A_2020 : memref<1x64xf32, #tpu.memory_space<vmem>>)
    %dma_wait3A_2023 = arith.constant 65 : i32
    %dma_wait3A_2024 = arith.constant 0 : i32
    %dma_wait3A_2025 = tpu.memref_slice %arg6[%dma_wait3A_2023, %dma_wait3A_2024] : memref<256x64xf32, #tpu.memory_space<vmem>> -> memref<1x64xf32, #tpu.memory_space<vmem>>
    %dma_wait3A_2026 = arith.constant 0 : i32
    %dma_wait3A_2027 = tpu.memref_slice %arg1[%get3A_130, %dma_wait3A_2026] : memref<100000x64xf32, #tpu.memory_space<any>> -> memref<1x64xf32, #tpu.memory_space<any>>
    tpu.wait_dma2 semaphore(%arg7 : memref<!tpu.dma_semaphore, #tpu.memory_space<semaphore_mem>>) src(%dma_wait3A_2027 : memref<1x64xf32, #tpu.memory_space<any>>) dst(%dma_wait3A_2025 : memref<1x64xf32, #tpu.memory_space<vmem>>)
    %dma_wait3A_2028 = arith.constant 66 : i32
    %dma_wait3A_2029 = arith.constant 0 : i32
    %dma_wait3A_2030 = tpu.memref_slice %arg6[%dma_wait3A_2028, %dma_wait3A_2029] : memref<256x64xf32, #tpu.memory_space<vmem>> -> memref<1x64xf32, #tpu.memory_space<vmem>>
    %dma_wait3A_2031 = arith.constant 0 : i32
    %dma_wait3A_2032 = tpu.memref_slice %arg1[%get3A_132, %dma_wait3A_2031] : memref<100000x64xf32, #tpu.memory_space<any>> -> memref<1x64xf32, #tpu.memory_space<any>>
    tpu.wait_dma2 semaphore(%arg7 : memref<!tpu.dma_semaphore, #tpu.memory_space<semaphore_mem>>) src(%dma_wait3A_2032 : memref<1x64xf32, #tpu.memory_space<any>>) dst(%dma_wait3A_2030 : memref<1x64xf32, #tpu.memory_space<vmem>>)
    %dma_wait3A_2033 = arith.constant 67 : i32
    %dma_wait3A_2034 = arith.constant 0 : i32
    %dma_wait3A_2035 = tpu.memref_slice %arg6[%dma_wait3A_2033, %dma_wait3A_2034] : memref<256x64xf32, #tpu.memory_space<vmem>> -> memref<1x64xf32, #tpu.memory_space<vmem>>
    %dma_wait3A_2036 = arith.constant 0 : i32
    %dma_wait3A_2037 = tpu.memref_slice %arg1[%get3A_134, %dma_wait3A_2036] : memref<100000x64xf32, #tpu.memory_space<any>> -> memref<1x64xf32, #tpu.memory_space<any>>
    tpu.wait_dma2 semaphore(%arg7 : memref<!tpu.dma_semaphore, #tpu.memory_space<semaphore_mem>>) src(%dma_wait3A_2037 : memref<1x64xf32, #tpu.memory_space<any>>) dst(%dma_wait3A_2035 : memref<1x64xf32, #tpu.memory_space<vmem>>)
    %dma_wait3A_2038 = arith.constant 68 : i32
    %dma_wait3A_2039 = arith.constant 0 : i32
    %dma_wait3A_2040 = tpu.memref_slice %arg6[%dma_wait3A_2038, %dma_wait3A_2039] : memref<256x64xf32, #tpu.memory_space<vmem>> -> memref<1x64xf32, #tpu.memory_space<vmem>>
    %dma_wait3A_2041 = arith.constant 0 : i32
    %dma_wait3A_2042 = tpu.memref_slice %arg1[%get3A_136, %dma_wait3A_2041] : memref<100000x64xf32, #tpu.memory_space<any>> -> memref<1x64xf32, #tpu.memory_space<any>>
    tpu.wait_dma2 semaphore(%arg7 : memref<!tpu.dma_semaphore, #tpu.memory_space<semaphore_mem>>) src(%dma_wait3A_2042 : memref<1x64xf32, #tpu.memory_space<any>>) dst(%dma_wait3A_2040 : memref<1x64xf32, #tpu.memory_space<vmem>>)
    %dma_wait3A_2043 = arith.constant 69 : i32
    %dma_wait3A_2044 = arith.constant 0 : i32
    %dma_wait3A_2045 = tpu.memref_slice %arg6[%dma_wait3A_2043, %dma_wait3A_2044] : memref<256x64xf32, #tpu.memory_space<vmem>> -> memref<1x64xf32, #tpu.memory_space<vmem>>
    %dma_wait3A_2046 = arith.constant 0 : i32
    %dma_wait3A_2047 = tpu.memref_slice %arg1[%get3A_138, %dma_wait3A_2046] : memref<100000x64xf32, #tpu.memory_space<any>> -> memref<1x64xf32, #tpu.memory_space<any>>
    tpu.wait_dma2 semaphore(%arg7 : memref<!tpu.dma_semaphore, #tpu.memory_space<semaphore_mem>>) src(%dma_wait3A_2047 : memref<1x64xf32, #tpu.memory_space<any>>) dst(%dma_wait3A_2045 : memref<1x64xf32, #tpu.memory_space<vmem>>)
    %dma_wait3A_2048 = arith.constant 70 : i32
    %dma_wait3A_2049 = arith.constant 0 : i32
    %dma_wait3A_2050 = tpu.memref_slice %arg6[%dma_wait3A_2048, %dma_wait3A_2049] : memref<256x64xf32, #tpu.memory_space<vmem>> -> memref<1x64xf32, #tpu.memory_space<vmem>>
    %dma_wait3A_2051 = arith.constant 0 : i32
    %dma_wait3A_2052 = tpu.memref_slice %arg1[%get3A_140, %dma_wait3A_2051] : memref<100000x64xf32, #tpu.memory_space<any>> -> memref<1x64xf32, #tpu.memory_space<any>>
    tpu.wait_dma2 semaphore(%arg7 : memref<!tpu.dma_semaphore, #tpu.memory_space<semaphore_mem>>) src(%dma_wait3A_2052 : memref<1x64xf32, #tpu.memory_space<any>>) dst(%dma_wait3A_2050 : memref<1x64xf32, #tpu.memory_space<vmem>>)
    %dma_wait3A_2053 = arith.constant 71 : i32
    %dma_wait3A_2054 = arith.constant 0 : i32
    %dma_wait3A_2055 = tpu.memref_slice %arg6[%dma_wait3A_2053, %dma_wait3A_2054] : memref<256x64xf32, #tpu.memory_space<vmem>> -> memref<1x64xf32, #tpu.memory_space<vmem>>
    %dma_wait3A_2056 = arith.constant 0 : i32
    %dma_wait3A_2057 = tpu.memref_slice %arg1[%get3A_142, %dma_wait3A_2056] : memref<100000x64xf32, #tpu.memory_space<any>> -> memref<1x64xf32, #tpu.memory_space<any>>
    tpu.wait_dma2 semaphore(%arg7 : memref<!tpu.dma_semaphore, #tpu.memory_space<semaphore_mem>>) src(%dma_wait3A_2057 : memref<1x64xf32, #tpu.memory_space<any>>) dst(%dma_wait3A_2055 : memref<1x64xf32, #tpu.memory_space<vmem>>)
    %dma_wait3A_2058 = arith.constant 72 : i32
    %dma_wait3A_2059 = arith.constant 0 : i32
    %dma_wait3A_2060 = tpu.memref_slice %arg6[%dma_wait3A_2058, %dma_wait3A_2059] : memref<256x64xf32, #tpu.memory_space<vmem>> -> memref<1x64xf32, #tpu.memory_space<vmem>>
    %dma_wait3A_2061 = arith.constant 0 : i32
    %dma_wait3A_2062 = tpu.memref_slice %arg1[%get3A_144, %dma_wait3A_2061] : memref<100000x64xf32, #tpu.memory_space<any>> -> memref<1x64xf32, #tpu.memory_space<any>>
    tpu.wait_dma2 semaphore(%arg7 : memref<!tpu.dma_semaphore, #tpu.memory_space<semaphore_mem>>) src(%dma_wait3A_2062 : memref<1x64xf32, #tpu.memory_space<any>>) dst(%dma_wait3A_2060 : memref<1x64xf32, #tpu.memory_space<vmem>>)
    %dma_wait3A_2063 = arith.constant 73 : i32
    %dma_wait3A_2064 = arith.constant 0 : i32
    %dma_wait3A_2065 = tpu.memref_slice %arg6[%dma_wait3A_2063, %dma_wait3A_2064] : memref<256x64xf32, #tpu.memory_space<vmem>> -> memref<1x64xf32, #tpu.memory_space<vmem>>
    %dma_wait3A_2066 = arith.constant 0 : i32
    %dma_wait3A_2067 = tpu.memref_slice %arg1[%get3A_146, %dma_wait3A_2066] : memref<100000x64xf32, #tpu.memory_space<any>> -> memref<1x64xf32, #tpu.memory_space<any>>
    tpu.wait_dma2 semaphore(%arg7 : memref<!tpu.dma_semaphore, #tpu.memory_space<semaphore_mem>>) src(%dma_wait3A_2067 : memref<1x64xf32, #tpu.memory_space<any>>) dst(%dma_wait3A_2065 : memref<1x64xf32, #tpu.memory_space<vmem>>)
    %dma_wait3A_2068 = arith.constant 74 : i32
    %dma_wait3A_2069 = arith.constant 0 : i32
    %dma_wait3A_2070 = tpu.memref_slice %arg6[%dma_wait3A_2068, %dma_wait3A_2069] : memref<256x64xf32, #tpu.memory_space<vmem>> -> memref<1x64xf32, #tpu.memory_space<vmem>>
    %dma_wait3A_2071 = arith.constant 0 : i32
    %dma_wait3A_2072 = tpu.memref_slice %arg1[%get3A_148, %dma_wait3A_2071] : memref<100000x64xf32, #tpu.memory_space<any>> -> memref<1x64xf32, #tpu.memory_space<any>>
    tpu.wait_dma2 semaphore(%arg7 : memref<!tpu.dma_semaphore, #tpu.memory_space<semaphore_mem>>) src(%dma_wait3A_2072 : memref<1x64xf32, #tpu.memory_space<any>>) dst(%dma_wait3A_2070 : memref<1x64xf32, #tpu.memory_space<vmem>>)
    %dma_wait3A_2073 = arith.constant 75 : i32
    %dma_wait3A_2074 = arith.constant 0 : i32
    %dma_wait3A_2075 = tpu.memref_slice %arg6[%dma_wait3A_2073, %dma_wait3A_2074] : memref<256x64xf32, #tpu.memory_space<vmem>> -> memref<1x64xf32, #tpu.memory_space<vmem>>
    %dma_wait3A_2076 = arith.constant 0 : i32
    %dma_wait3A_2077 = tpu.memref_slice %arg1[%get3A_150, %dma_wait3A_2076] : memref<100000x64xf32, #tpu.memory_space<any>> -> memref<1x64xf32, #tpu.memory_space<any>>
    tpu.wait_dma2 semaphore(%arg7 : memref<!tpu.dma_semaphore, #tpu.memory_space<semaphore_mem>>) src(%dma_wait3A_2077 : memref<1x64xf32, #tpu.memory_space<any>>) dst(%dma_wait3A_2075 : memref<1x64xf32, #tpu.memory_space<vmem>>)
    %dma_wait3A_2078 = arith.constant 76 : i32
    %dma_wait3A_2079 = arith.constant 0 : i32
    %dma_wait3A_2080 = tpu.memref_slice %arg6[%dma_wait3A_2078, %dma_wait3A_2079] : memref<256x64xf32, #tpu.memory_space<vmem>> -> memref<1x64xf32, #tpu.memory_space<vmem>>
    %dma_wait3A_2081 = arith.constant 0 : i32
    %dma_wait3A_2082 = tpu.memref_slice %arg1[%get3A_152, %dma_wait3A_2081] : memref<100000x64xf32, #tpu.memory_space<any>> -> memref<1x64xf32, #tpu.memory_space<any>>
    tpu.wait_dma2 semaphore(%arg7 : memref<!tpu.dma_semaphore, #tpu.memory_space<semaphore_mem>>) src(%dma_wait3A_2082 : memref<1x64xf32, #tpu.memory_space<any>>) dst(%dma_wait3A_2080 : memref<1x64xf32, #tpu.memory_space<vmem>>)
    %dma_wait3A_2083 = arith.constant 77 : i32
    %dma_wait3A_2084 = arith.constant 0 : i32
    %dma_wait3A_2085 = tpu.memref_slice %arg6[%dma_wait3A_2083, %dma_wait3A_2084] : memref<256x64xf32, #tpu.memory_space<vmem>> -> memref<1x64xf32, #tpu.memory_space<vmem>>
    %dma_wait3A_2086 = arith.constant 0 : i32
    %dma_wait3A_2087 = tpu.memref_slice %arg1[%get3A_154, %dma_wait3A_2086] : memref<100000x64xf32, #tpu.memory_space<any>> -> memref<1x64xf32, #tpu.memory_space<any>>
    tpu.wait_dma2 semaphore(%arg7 : memref<!tpu.dma_semaphore, #tpu.memory_space<semaphore_mem>>) src(%dma_wait3A_2087 : memref<1x64xf32, #tpu.memory_space<any>>) dst(%dma_wait3A_2085 : memref<1x64xf32, #tpu.memory_space<vmem>>)
    %dma_wait3A_2088 = arith.constant 78 : i32
    %dma_wait3A_2089 = arith.constant 0 : i32
    %dma_wait3A_2090 = tpu.memref_slice %arg6[%dma_wait3A_2088, %dma_wait3A_2089] : memref<256x64xf32, #tpu.memory_space<vmem>> -> memref<1x64xf32, #tpu.memory_space<vmem>>
    %dma_wait3A_2091 = arith.constant 0 : i32
    %dma_wait3A_2092 = tpu.memref_slice %arg1[%get3A_156, %dma_wait3A_2091] : memref<100000x64xf32, #tpu.memory_space<any>> -> memref<1x64xf32, #tpu.memory_space<any>>
    tpu.wait_dma2 semaphore(%arg7 : memref<!tpu.dma_semaphore, #tpu.memory_space<semaphore_mem>>) src(%dma_wait3A_2092 : memref<1x64xf32, #tpu.memory_space<any>>) dst(%dma_wait3A_2090 : memref<1x64xf32, #tpu.memory_space<vmem>>)
    %dma_wait3A_2093 = arith.constant 79 : i32
    %dma_wait3A_2094 = arith.constant 0 : i32
    %dma_wait3A_2095 = tpu.memref_slice %arg6[%dma_wait3A_2093, %dma_wait3A_2094] : memref<256x64xf32, #tpu.memory_space<vmem>> -> memref<1x64xf32, #tpu.memory_space<vmem>>
    %dma_wait3A_2096 = arith.constant 0 : i32
    %dma_wait3A_2097 = tpu.memref_slice %arg1[%get3A_158, %dma_wait3A_2096] : memref<100000x64xf32, #tpu.memory_space<any>> -> memref<1x64xf32, #tpu.memory_space<any>>
    tpu.wait_dma2 semaphore(%arg7 : memref<!tpu.dma_semaphore, #tpu.memory_space<semaphore_mem>>) src(%dma_wait3A_2097 : memref<1x64xf32, #tpu.memory_space<any>>) dst(%dma_wait3A_2095 : memref<1x64xf32, #tpu.memory_space<vmem>>)
    %dma_wait3A_2098 = arith.constant 80 : i32
    %dma_wait3A_2099 = arith.constant 0 : i32
    %dma_wait3A_2100 = tpu.memref_slice %arg6[%dma_wait3A_2098, %dma_wait3A_2099] : memref<256x64xf32, #tpu.memory_space<vmem>> -> memref<1x64xf32, #tpu.memory_space<vmem>>
    %dma_wait3A_2101 = arith.constant 0 : i32
    %dma_wait3A_2102 = tpu.memref_slice %arg1[%get3A_160, %dma_wait3A_2101] : memref<100000x64xf32, #tpu.memory_space<any>> -> memref<1x64xf32, #tpu.memory_space<any>>
    tpu.wait_dma2 semaphore(%arg7 : memref<!tpu.dma_semaphore, #tpu.memory_space<semaphore_mem>>) src(%dma_wait3A_2102 : memref<1x64xf32, #tpu.memory_space<any>>) dst(%dma_wait3A_2100 : memref<1x64xf32, #tpu.memory_space<vmem>>)
    %dma_wait3A_2103 = arith.constant 81 : i32
    %dma_wait3A_2104 = arith.constant 0 : i32
    %dma_wait3A_2105 = tpu.memref_slice %arg6[%dma_wait3A_2103, %dma_wait3A_2104] : memref<256x64xf32, #tpu.memory_space<vmem>> -> memref<1x64xf32, #tpu.memory_space<vmem>>
    %dma_wait3A_2106 = arith.constant 0 : i32
    %dma_wait3A_2107 = tpu.memref_slice %arg1[%get3A_162, %dma_wait3A_2106] : memref<100000x64xf32, #tpu.memory_space<any>> -> memref<1x64xf32, #tpu.memory_space<any>>
    tpu.wait_dma2 semaphore(%arg7 : memref<!tpu.dma_semaphore, #tpu.memory_space<semaphore_mem>>) src(%dma_wait3A_2107 : memref<1x64xf32, #tpu.memory_space<any>>) dst(%dma_wait3A_2105 : memref<1x64xf32, #tpu.memory_space<vmem>>)
    %dma_wait3A_2108 = arith.constant 82 : i32
    %dma_wait3A_2109 = arith.constant 0 : i32
    %dma_wait3A_2110 = tpu.memref_slice %arg6[%dma_wait3A_2108, %dma_wait3A_2109] : memref<256x64xf32, #tpu.memory_space<vmem>> -> memref<1x64xf32, #tpu.memory_space<vmem>>
    %dma_wait3A_2111 = arith.constant 0 : i32
    %dma_wait3A_2112 = tpu.memref_slice %arg1[%get3A_164, %dma_wait3A_2111] : memref<100000x64xf32, #tpu.memory_space<any>> -> memref<1x64xf32, #tpu.memory_space<any>>
    tpu.wait_dma2 semaphore(%arg7 : memref<!tpu.dma_semaphore, #tpu.memory_space<semaphore_mem>>) src(%dma_wait3A_2112 : memref<1x64xf32, #tpu.memory_space<any>>) dst(%dma_wait3A_2110 : memref<1x64xf32, #tpu.memory_space<vmem>>)
    %dma_wait3A_2113 = arith.constant 83 : i32
    %dma_wait3A_2114 = arith.constant 0 : i32
    %dma_wait3A_2115 = tpu.memref_slice %arg6[%dma_wait3A_2113, %dma_wait3A_2114] : memref<256x64xf32, #tpu.memory_space<vmem>> -> memref<1x64xf32, #tpu.memory_space<vmem>>
    %dma_wait3A_2116 = arith.constant 0 : i32
    %dma_wait3A_2117 = tpu.memref_slice %arg1[%get3A_166, %dma_wait3A_2116] : memref<100000x64xf32, #tpu.memory_space<any>> -> memref<1x64xf32, #tpu.memory_space<any>>
    tpu.wait_dma2 semaphore(%arg7 : memref<!tpu.dma_semaphore, #tpu.memory_space<semaphore_mem>>) src(%dma_wait3A_2117 : memref<1x64xf32, #tpu.memory_space<any>>) dst(%dma_wait3A_2115 : memref<1x64xf32, #tpu.memory_space<vmem>>)
    %dma_wait3A_2118 = arith.constant 84 : i32
    %dma_wait3A_2119 = arith.constant 0 : i32
    %dma_wait3A_2120 = tpu.memref_slice %arg6[%dma_wait3A_2118, %dma_wait3A_2119] : memref<256x64xf32, #tpu.memory_space<vmem>> -> memref<1x64xf32, #tpu.memory_space<vmem>>
    %dma_wait3A_2121 = arith.constant 0 : i32
    %dma_wait3A_2122 = tpu.memref_slice %arg1[%get3A_168, %dma_wait3A_2121] : memref<100000x64xf32, #tpu.memory_space<any>> -> memref<1x64xf32, #tpu.memory_space<any>>
    tpu.wait_dma2 semaphore(%arg7 : memref<!tpu.dma_semaphore, #tpu.memory_space<semaphore_mem>>) src(%dma_wait3A_2122 : memref<1x64xf32, #tpu.memory_space<any>>) dst(%dma_wait3A_2120 : memref<1x64xf32, #tpu.memory_space<vmem>>)
    %dma_wait3A_2123 = arith.constant 85 : i32
    %dma_wait3A_2124 = arith.constant 0 : i32
    %dma_wait3A_2125 = tpu.memref_slice %arg6[%dma_wait3A_2123, %dma_wait3A_2124] : memref<256x64xf32, #tpu.memory_space<vmem>> -> memref<1x64xf32, #tpu.memory_space<vmem>>
    %dma_wait3A_2126 = arith.constant 0 : i32
    %dma_wait3A_2127 = tpu.memref_slice %arg1[%get3A_170, %dma_wait3A_2126] : memref<100000x64xf32, #tpu.memory_space<any>> -> memref<1x64xf32, #tpu.memory_space<any>>
    tpu.wait_dma2 semaphore(%arg7 : memref<!tpu.dma_semaphore, #tpu.memory_space<semaphore_mem>>) src(%dma_wait3A_2127 : memref<1x64xf32, #tpu.memory_space<any>>) dst(%dma_wait3A_2125 : memref<1x64xf32, #tpu.memory_space<vmem>>)
    %dma_wait3A_2128 = arith.constant 86 : i32
    %dma_wait3A_2129 = arith.constant 0 : i32
    %dma_wait3A_2130 = tpu.memref_slice %arg6[%dma_wait3A_2128, %dma_wait3A_2129] : memref<256x64xf32, #tpu.memory_space<vmem>> -> memref<1x64xf32, #tpu.memory_space<vmem>>
    %dma_wait3A_2131 = arith.constant 0 : i32
    %dma_wait3A_2132 = tpu.memref_slice %arg1[%get3A_172, %dma_wait3A_2131] : memref<100000x64xf32, #tpu.memory_space<any>> -> memref<1x64xf32, #tpu.memory_space<any>>
    tpu.wait_dma2 semaphore(%arg7 : memref<!tpu.dma_semaphore, #tpu.memory_space<semaphore_mem>>) src(%dma_wait3A_2132 : memref<1x64xf32, #tpu.memory_space<any>>) dst(%dma_wait3A_2130 : memref<1x64xf32, #tpu.memory_space<vmem>>)
    %dma_wait3A_2133 = arith.constant 87 : i32
    %dma_wait3A_2134 = arith.constant 0 : i32
    %dma_wait3A_2135 = tpu.memref_slice %arg6[%dma_wait3A_2133, %dma_wait3A_2134] : memref<256x64xf32, #tpu.memory_space<vmem>> -> memref<1x64xf32, #tpu.memory_space<vmem>>
    %dma_wait3A_2136 = arith.constant 0 : i32
    %dma_wait3A_2137 = tpu.memref_slice %arg1[%get3A_174, %dma_wait3A_2136] : memref<100000x64xf32, #tpu.memory_space<any>> -> memref<1x64xf32, #tpu.memory_space<any>>
    tpu.wait_dma2 semaphore(%arg7 : memref<!tpu.dma_semaphore, #tpu.memory_space<semaphore_mem>>) src(%dma_wait3A_2137 : memref<1x64xf32, #tpu.memory_space<any>>) dst(%dma_wait3A_2135 : memref<1x64xf32, #tpu.memory_space<vmem>>)
    %dma_wait3A_2138 = arith.constant 88 : i32
    %dma_wait3A_2139 = arith.constant 0 : i32
    %dma_wait3A_2140 = tpu.memref_slice %arg6[%dma_wait3A_2138, %dma_wait3A_2139] : memref<256x64xf32, #tpu.memory_space<vmem>> -> memref<1x64xf32, #tpu.memory_space<vmem>>
    %dma_wait3A_2141 = arith.constant 0 : i32
    %dma_wait3A_2142 = tpu.memref_slice %arg1[%get3A_176, %dma_wait3A_2141] : memref<100000x64xf32, #tpu.memory_space<any>> -> memref<1x64xf32, #tpu.memory_space<any>>
    tpu.wait_dma2 semaphore(%arg7 : memref<!tpu.dma_semaphore, #tpu.memory_space<semaphore_mem>>) src(%dma_wait3A_2142 : memref<1x64xf32, #tpu.memory_space<any>>) dst(%dma_wait3A_2140 : memref<1x64xf32, #tpu.memory_space<vmem>>)
    %dma_wait3A_2143 = arith.constant 89 : i32
    %dma_wait3A_2144 = arith.constant 0 : i32
    %dma_wait3A_2145 = tpu.memref_slice %arg6[%dma_wait3A_2143, %dma_wait3A_2144] : memref<256x64xf32, #tpu.memory_space<vmem>> -> memref<1x64xf32, #tpu.memory_space<vmem>>
    %dma_wait3A_2146 = arith.constant 0 : i32
    %dma_wait3A_2147 = tpu.memref_slice %arg1[%get3A_178, %dma_wait3A_2146] : memref<100000x64xf32, #tpu.memory_space<any>> -> memref<1x64xf32, #tpu.memory_space<any>>
    tpu.wait_dma2 semaphore(%arg7 : memref<!tpu.dma_semaphore, #tpu.memory_space<semaphore_mem>>) src(%dma_wait3A_2147 : memref<1x64xf32, #tpu.memory_space<any>>) dst(%dma_wait3A_2145 : memref<1x64xf32, #tpu.memory_space<vmem>>)
    %dma_wait3A_2148 = arith.constant 90 : i32
    %dma_wait3A_2149 = arith.constant 0 : i32
    %dma_wait3A_2150 = tpu.memref_slice %arg6[%dma_wait3A_2148, %dma_wait3A_2149] : memref<256x64xf32, #tpu.memory_space<vmem>> -> memref<1x64xf32, #tpu.memory_space<vmem>>
    %dma_wait3A_2151 = arith.constant 0 : i32
    %dma_wait3A_2152 = tpu.memref_slice %arg1[%get3A_180, %dma_wait3A_2151] : memref<100000x64xf32, #tpu.memory_space<any>> -> memref<1x64xf32, #tpu.memory_space<any>>
    tpu.wait_dma2 semaphore(%arg7 : memref<!tpu.dma_semaphore, #tpu.memory_space<semaphore_mem>>) src(%dma_wait3A_2152 : memref<1x64xf32, #tpu.memory_space<any>>) dst(%dma_wait3A_2150 : memref<1x64xf32, #tpu.memory_space<vmem>>)
    %dma_wait3A_2153 = arith.constant 91 : i32
    %dma_wait3A_2154 = arith.constant 0 : i32
    %dma_wait3A_2155 = tpu.memref_slice %arg6[%dma_wait3A_2153, %dma_wait3A_2154] : memref<256x64xf32, #tpu.memory_space<vmem>> -> memref<1x64xf32, #tpu.memory_space<vmem>>
    %dma_wait3A_2156 = arith.constant 0 : i32
    %dma_wait3A_2157 = tpu.memref_slice %arg1[%get3A_182, %dma_wait3A_2156] : memref<100000x64xf32, #tpu.memory_space<any>> -> memref<1x64xf32, #tpu.memory_space<any>>
    tpu.wait_dma2 semaphore(%arg7 : memref<!tpu.dma_semaphore, #tpu.memory_space<semaphore_mem>>) src(%dma_wait3A_2157 : memref<1x64xf32, #tpu.memory_space<any>>) dst(%dma_wait3A_2155 : memref<1x64xf32, #tpu.memory_space<vmem>>)
    %dma_wait3A_2158 = arith.constant 92 : i32
    %dma_wait3A_2159 = arith.constant 0 : i32
    %dma_wait3A_2160 = tpu.memref_slice %arg6[%dma_wait3A_2158, %dma_wait3A_2159] : memref<256x64xf32, #tpu.memory_space<vmem>> -> memref<1x64xf32, #tpu.memory_space<vmem>>
    %dma_wait3A_2161 = arith.constant 0 : i32
    %dma_wait3A_2162 = tpu.memref_slice %arg1[%get3A_184, %dma_wait3A_2161] : memref<100000x64xf32, #tpu.memory_space<any>> -> memref<1x64xf32, #tpu.memory_space<any>>
    tpu.wait_dma2 semaphore(%arg7 : memref<!tpu.dma_semaphore, #tpu.memory_space<semaphore_mem>>) src(%dma_wait3A_2162 : memref<1x64xf32, #tpu.memory_space<any>>) dst(%dma_wait3A_2160 : memref<1x64xf32, #tpu.memory_space<vmem>>)
    %dma_wait3A_2163 = arith.constant 93 : i32
    %dma_wait3A_2164 = arith.constant 0 : i32
    %dma_wait3A_2165 = tpu.memref_slice %arg6[%dma_wait3A_2163, %dma_wait3A_2164] : memref<256x64xf32, #tpu.memory_space<vmem>> -> memref<1x64xf32, #tpu.memory_space<vmem>>
    %dma_wait3A_2166 = arith.constant 0 : i32
    %dma_wait3A_2167 = tpu.memref_slice %arg1[%get3A_186, %dma_wait3A_2166] : memref<100000x64xf32, #tpu.memory_space<any>> -> memref<1x64xf32, #tpu.memory_space<any>>
    tpu.wait_dma2 semaphore(%arg7 : memref<!tpu.dma_semaphore, #tpu.memory_space<semaphore_mem>>) src(%dma_wait3A_2167 : memref<1x64xf32, #tpu.memory_space<any>>) dst(%dma_wait3A_2165 : memref<1x64xf32, #tpu.memory_space<vmem>>)
    %dma_wait3A_2168 = arith.constant 94 : i32
    %dma_wait3A_2169 = arith.constant 0 : i32
    %dma_wait3A_2170 = tpu.memref_slice %arg6[%dma_wait3A_2168, %dma_wait3A_2169] : memref<256x64xf32, #tpu.memory_space<vmem>> -> memref<1x64xf32, #tpu.memory_space<vmem>>
    %dma_wait3A_2171 = arith.constant 0 : i32
    %dma_wait3A_2172 = tpu.memref_slice %arg1[%get3A_188, %dma_wait3A_2171] : memref<100000x64xf32, #tpu.memory_space<any>> -> memref<1x64xf32, #tpu.memory_space<any>>
    tpu.wait_dma2 semaphore(%arg7 : memref<!tpu.dma_semaphore, #tpu.memory_space<semaphore_mem>>) src(%dma_wait3A_2172 : memref<1x64xf32, #tpu.memory_space<any>>) dst(%dma_wait3A_2170 : memref<1x64xf32, #tpu.memory_space<vmem>>)
    %dma_wait3A_2173 = arith.constant 95 : i32
    %dma_wait3A_2174 = arith.constant 0 : i32
    %dma_wait3A_2175 = tpu.memref_slice %arg6[%dma_wait3A_2173, %dma_wait3A_2174] : memref<256x64xf32, #tpu.memory_space<vmem>> -> memref<1x64xf32, #tpu.memory_space<vmem>>
    %dma_wait3A_2176 = arith.constant 0 : i32
    %dma_wait3A_2177 = tpu.memref_slice %arg1[%get3A_190, %dma_wait3A_2176] : memref<100000x64xf32, #tpu.memory_space<any>> -> memref<1x64xf32, #tpu.memory_space<any>>
    tpu.wait_dma2 semaphore(%arg7 : memref<!tpu.dma_semaphore, #tpu.memory_space<semaphore_mem>>) src(%dma_wait3A_2177 : memref<1x64xf32, #tpu.memory_space<any>>) dst(%dma_wait3A_2175 : memref<1x64xf32, #tpu.memory_space<vmem>>)
    %dma_wait3A_2178 = arith.constant 96 : i32
    %dma_wait3A_2179 = arith.constant 0 : i32
    %dma_wait3A_2180 = tpu.memref_slice %arg6[%dma_wait3A_2178, %dma_wait3A_2179] : memref<256x64xf32, #tpu.memory_space<vmem>> -> memref<1x64xf32, #tpu.memory_space<vmem>>
    %dma_wait3A_2181 = arith.constant 0 : i32
    %dma_wait3A_2182 = tpu.memref_slice %arg1[%get3A_192, %dma_wait3A_2181] : memref<100000x64xf32, #tpu.memory_space<any>> -> memref<1x64xf32, #tpu.memory_space<any>>
    tpu.wait_dma2 semaphore(%arg7 : memref<!tpu.dma_semaphore, #tpu.memory_space<semaphore_mem>>) src(%dma_wait3A_2182 : memref<1x64xf32, #tpu.memory_space<any>>) dst(%dma_wait3A_2180 : memref<1x64xf32, #tpu.memory_space<vmem>>)
    %dma_wait3A_2183 = arith.constant 97 : i32
    %dma_wait3A_2184 = arith.constant 0 : i32
    %dma_wait3A_2185 = tpu.memref_slice %arg6[%dma_wait3A_2183, %dma_wait3A_2184] : memref<256x64xf32, #tpu.memory_space<vmem>> -> memref<1x64xf32, #tpu.memory_space<vmem>>
    %dma_wait3A_2186 = arith.constant 0 : i32
    %dma_wait3A_2187 = tpu.memref_slice %arg1[%get3A_194, %dma_wait3A_2186] : memref<100000x64xf32, #tpu.memory_space<any>> -> memref<1x64xf32, #tpu.memory_space<any>>
    tpu.wait_dma2 semaphore(%arg7 : memref<!tpu.dma_semaphore, #tpu.memory_space<semaphore_mem>>) src(%dma_wait3A_2187 : memref<1x64xf32, #tpu.memory_space<any>>) dst(%dma_wait3A_2185 : memref<1x64xf32, #tpu.memory_space<vmem>>)
    %dma_wait3A_2188 = arith.constant 98 : i32
    %dma_wait3A_2189 = arith.constant 0 : i32
    %dma_wait3A_2190 = tpu.memref_slice %arg6[%dma_wait3A_2188, %dma_wait3A_2189] : memref<256x64xf32, #tpu.memory_space<vmem>> -> memref<1x64xf32, #tpu.memory_space<vmem>>
    %dma_wait3A_2191 = arith.constant 0 : i32
    %dma_wait3A_2192 = tpu.memref_slice %arg1[%get3A_196, %dma_wait3A_2191] : memref<100000x64xf32, #tpu.memory_space<any>> -> memref<1x64xf32, #tpu.memory_space<any>>
    tpu.wait_dma2 semaphore(%arg7 : memref<!tpu.dma_semaphore, #tpu.memory_space<semaphore_mem>>) src(%dma_wait3A_2192 : memref<1x64xf32, #tpu.memory_space<any>>) dst(%dma_wait3A_2190 : memref<1x64xf32, #tpu.memory_space<vmem>>)
    %dma_wait3A_2193 = arith.constant 99 : i32
    %dma_wait3A_2194 = arith.constant 0 : i32
    %dma_wait3A_2195 = tpu.memref_slice %arg6[%dma_wait3A_2193, %dma_wait3A_2194] : memref<256x64xf32, #tpu.memory_space<vmem>> -> memref<1x64xf32, #tpu.memory_space<vmem>>
    %dma_wait3A_2196 = arith.constant 0 : i32
    %dma_wait3A_2197 = tpu.memref_slice %arg1[%get3A_198, %dma_wait3A_2196] : memref<100000x64xf32, #tpu.memory_space<any>> -> memref<1x64xf32, #tpu.memory_space<any>>
    tpu.wait_dma2 semaphore(%arg7 : memref<!tpu.dma_semaphore, #tpu.memory_space<semaphore_mem>>) src(%dma_wait3A_2197 : memref<1x64xf32, #tpu.memory_space<any>>) dst(%dma_wait3A_2195 : memref<1x64xf32, #tpu.memory_space<vmem>>)
    %dma_wait3A_2198 = arith.constant 100 : i32
    %dma_wait3A_2199 = arith.constant 0 : i32
    %dma_wait3A_2200 = tpu.memref_slice %arg6[%dma_wait3A_2198, %dma_wait3A_2199] : memref<256x64xf32, #tpu.memory_space<vmem>> -> memref<1x64xf32, #tpu.memory_space<vmem>>
    %dma_wait3A_2201 = arith.constant 0 : i32
    %dma_wait3A_2202 = tpu.memref_slice %arg1[%get3A_200, %dma_wait3A_2201] : memref<100000x64xf32, #tpu.memory_space<any>> -> memref<1x64xf32, #tpu.memory_space<any>>
    tpu.wait_dma2 semaphore(%arg7 : memref<!tpu.dma_semaphore, #tpu.memory_space<semaphore_mem>>) src(%dma_wait3A_2202 : memref<1x64xf32, #tpu.memory_space<any>>) dst(%dma_wait3A_2200 : memref<1x64xf32, #tpu.memory_space<vmem>>)
    %dma_wait3A_2203 = arith.constant 101 : i32
    %dma_wait3A_2204 = arith.constant 0 : i32
    %dma_wait3A_2205 = tpu.memref_slice %arg6[%dma_wait3A_2203, %dma_wait3A_2204] : memref<256x64xf32, #tpu.memory_space<vmem>> -> memref<1x64xf32, #tpu.memory_space<vmem>>
    %dma_wait3A_2206 = arith.constant 0 : i32
    %dma_wait3A_2207 = tpu.memref_slice %arg1[%get3A_202, %dma_wait3A_2206] : memref<100000x64xf32, #tpu.memory_space<any>> -> memref<1x64xf32, #tpu.memory_space<any>>
    tpu.wait_dma2 semaphore(%arg7 : memref<!tpu.dma_semaphore, #tpu.memory_space<semaphore_mem>>) src(%dma_wait3A_2207 : memref<1x64xf32, #tpu.memory_space<any>>) dst(%dma_wait3A_2205 : memref<1x64xf32, #tpu.memory_space<vmem>>)
    %dma_wait3A_2208 = arith.constant 102 : i32
    %dma_wait3A_2209 = arith.constant 0 : i32
    %dma_wait3A_2210 = tpu.memref_slice %arg6[%dma_wait3A_2208, %dma_wait3A_2209] : memref<256x64xf32, #tpu.memory_space<vmem>> -> memref<1x64xf32, #tpu.memory_space<vmem>>
    %dma_wait3A_2211 = arith.constant 0 : i32
    %dma_wait3A_2212 = tpu.memref_slice %arg1[%get3A_204, %dma_wait3A_2211] : memref<100000x64xf32, #tpu.memory_space<any>> -> memref<1x64xf32, #tpu.memory_space<any>>
    tpu.wait_dma2 semaphore(%arg7 : memref<!tpu.dma_semaphore, #tpu.memory_space<semaphore_mem>>) src(%dma_wait3A_2212 : memref<1x64xf32, #tpu.memory_space<any>>) dst(%dma_wait3A_2210 : memref<1x64xf32, #tpu.memory_space<vmem>>)
    %dma_wait3A_2213 = arith.constant 103 : i32
    %dma_wait3A_2214 = arith.constant 0 : i32
    %dma_wait3A_2215 = tpu.memref_slice %arg6[%dma_wait3A_2213, %dma_wait3A_2214] : memref<256x64xf32, #tpu.memory_space<vmem>> -> memref<1x64xf32, #tpu.memory_space<vmem>>
    %dma_wait3A_2216 = arith.constant 0 : i32
    %dma_wait3A_2217 = tpu.memref_slice %arg1[%get3A_206, %dma_wait3A_2216] : memref<100000x64xf32, #tpu.memory_space<any>> -> memref<1x64xf32, #tpu.memory_space<any>>
    tpu.wait_dma2 semaphore(%arg7 : memref<!tpu.dma_semaphore, #tpu.memory_space<semaphore_mem>>) src(%dma_wait3A_2217 : memref<1x64xf32, #tpu.memory_space<any>>) dst(%dma_wait3A_2215 : memref<1x64xf32, #tpu.memory_space<vmem>>)
    %dma_wait3A_2218 = arith.constant 104 : i32
    %dma_wait3A_2219 = arith.constant 0 : i32
    %dma_wait3A_2220 = tpu.memref_slice %arg6[%dma_wait3A_2218, %dma_wait3A_2219] : memref<256x64xf32, #tpu.memory_space<vmem>> -> memref<1x64xf32, #tpu.memory_space<vmem>>
    %dma_wait3A_2221 = arith.constant 0 : i32
    %dma_wait3A_2222 = tpu.memref_slice %arg1[%get3A_208, %dma_wait3A_2221] : memref<100000x64xf32, #tpu.memory_space<any>> -> memref<1x64xf32, #tpu.memory_space<any>>
    tpu.wait_dma2 semaphore(%arg7 : memref<!tpu.dma_semaphore, #tpu.memory_space<semaphore_mem>>) src(%dma_wait3A_2222 : memref<1x64xf32, #tpu.memory_space<any>>) dst(%dma_wait3A_2220 : memref<1x64xf32, #tpu.memory_space<vmem>>)
    %dma_wait3A_2223 = arith.constant 105 : i32
    %dma_wait3A_2224 = arith.constant 0 : i32
    %dma_wait3A_2225 = tpu.memref_slice %arg6[%dma_wait3A_2223, %dma_wait3A_2224] : memref<256x64xf32, #tpu.memory_space<vmem>> -> memref<1x64xf32, #tpu.memory_space<vmem>>
    %dma_wait3A_2226 = arith.constant 0 : i32
    %dma_wait3A_2227 = tpu.memref_slice %arg1[%get3A_210, %dma_wait3A_2226] : memref<100000x64xf32, #tpu.memory_space<any>> -> memref<1x64xf32, #tpu.memory_space<any>>
    tpu.wait_dma2 semaphore(%arg7 : memref<!tpu.dma_semaphore, #tpu.memory_space<semaphore_mem>>) src(%dma_wait3A_2227 : memref<1x64xf32, #tpu.memory_space<any>>) dst(%dma_wait3A_2225 : memref<1x64xf32, #tpu.memory_space<vmem>>)
    %dma_wait3A_2228 = arith.constant 106 : i32
    %dma_wait3A_2229 = arith.constant 0 : i32
    %dma_wait3A_2230 = tpu.memref_slice %arg6[%dma_wait3A_2228, %dma_wait3A_2229] : memref<256x64xf32, #tpu.memory_space<vmem>> -> memref<1x64xf32, #tpu.memory_space<vmem>>
    %dma_wait3A_2231 = arith.constant 0 : i32
    %dma_wait3A_2232 = tpu.memref_slice %arg1[%get3A_212, %dma_wait3A_2231] : memref<100000x64xf32, #tpu.memory_space<any>> -> memref<1x64xf32, #tpu.memory_space<any>>
    tpu.wait_dma2 semaphore(%arg7 : memref<!tpu.dma_semaphore, #tpu.memory_space<semaphore_mem>>) src(%dma_wait3A_2232 : memref<1x64xf32, #tpu.memory_space<any>>) dst(%dma_wait3A_2230 : memref<1x64xf32, #tpu.memory_space<vmem>>)
    %dma_wait3A_2233 = arith.constant 107 : i32
    %dma_wait3A_2234 = arith.constant 0 : i32
    %dma_wait3A_2235 = tpu.memref_slice %arg6[%dma_wait3A_2233, %dma_wait3A_2234] : memref<256x64xf32, #tpu.memory_space<vmem>> -> memref<1x64xf32, #tpu.memory_space<vmem>>
    %dma_wait3A_2236 = arith.constant 0 : i32
    %dma_wait3A_2237 = tpu.memref_slice %arg1[%get3A_214, %dma_wait3A_2236] : memref<100000x64xf32, #tpu.memory_space<any>> -> memref<1x64xf32, #tpu.memory_space<any>>
    tpu.wait_dma2 semaphore(%arg7 : memref<!tpu.dma_semaphore, #tpu.memory_space<semaphore_mem>>) src(%dma_wait3A_2237 : memref<1x64xf32, #tpu.memory_space<any>>) dst(%dma_wait3A_2235 : memref<1x64xf32, #tpu.memory_space<vmem>>)
    %dma_wait3A_2238 = arith.constant 108 : i32
    %dma_wait3A_2239 = arith.constant 0 : i32
    %dma_wait3A_2240 = tpu.memref_slice %arg6[%dma_wait3A_2238, %dma_wait3A_2239] : memref<256x64xf32, #tpu.memory_space<vmem>> -> memref<1x64xf32, #tpu.memory_space<vmem>>
    %dma_wait3A_2241 = arith.constant 0 : i32
    %dma_wait3A_2242 = tpu.memref_slice %arg1[%get3A_216, %dma_wait3A_2241] : memref<100000x64xf32, #tpu.memory_space<any>> -> memref<1x64xf32, #tpu.memory_space<any>>
    tpu.wait_dma2 semaphore(%arg7 : memref<!tpu.dma_semaphore, #tpu.memory_space<semaphore_mem>>) src(%dma_wait3A_2242 : memref<1x64xf32, #tpu.memory_space<any>>) dst(%dma_wait3A_2240 : memref<1x64xf32, #tpu.memory_space<vmem>>)
    %dma_wait3A_2243 = arith.constant 109 : i32
    %dma_wait3A_2244 = arith.constant 0 : i32
    %dma_wait3A_2245 = tpu.memref_slice %arg6[%dma_wait3A_2243, %dma_wait3A_2244] : memref<256x64xf32, #tpu.memory_space<vmem>> -> memref<1x64xf32, #tpu.memory_space<vmem>>
    %dma_wait3A_2246 = arith.constant 0 : i32
    %dma_wait3A_2247 = tpu.memref_slice %arg1[%get3A_218, %dma_wait3A_2246] : memref<100000x64xf32, #tpu.memory_space<any>> -> memref<1x64xf32, #tpu.memory_space<any>>
    tpu.wait_dma2 semaphore(%arg7 : memref<!tpu.dma_semaphore, #tpu.memory_space<semaphore_mem>>) src(%dma_wait3A_2247 : memref<1x64xf32, #tpu.memory_space<any>>) dst(%dma_wait3A_2245 : memref<1x64xf32, #tpu.memory_space<vmem>>)
    %dma_wait3A_2248 = arith.constant 110 : i32
    %dma_wait3A_2249 = arith.constant 0 : i32
    %dma_wait3A_2250 = tpu.memref_slice %arg6[%dma_wait3A_2248, %dma_wait3A_2249] : memref<256x64xf32, #tpu.memory_space<vmem>> -> memref<1x64xf32, #tpu.memory_space<vmem>>
    %dma_wait3A_2251 = arith.constant 0 : i32
    %dma_wait3A_2252 = tpu.memref_slice %arg1[%get3A_220, %dma_wait3A_2251] : memref<100000x64xf32, #tpu.memory_space<any>> -> memref<1x64xf32, #tpu.memory_space<any>>
    tpu.wait_dma2 semaphore(%arg7 : memref<!tpu.dma_semaphore, #tpu.memory_space<semaphore_mem>>) src(%dma_wait3A_2252 : memref<1x64xf32, #tpu.memory_space<any>>) dst(%dma_wait3A_2250 : memref<1x64xf32, #tpu.memory_space<vmem>>)
    %dma_wait3A_2253 = arith.constant 111 : i32
    %dma_wait3A_2254 = arith.constant 0 : i32
    %dma_wait3A_2255 = tpu.memref_slice %arg6[%dma_wait3A_2253, %dma_wait3A_2254] : memref<256x64xf32, #tpu.memory_space<vmem>> -> memref<1x64xf32, #tpu.memory_space<vmem>>
    %dma_wait3A_2256 = arith.constant 0 : i32
    %dma_wait3A_2257 = tpu.memref_slice %arg1[%get3A_222, %dma_wait3A_2256] : memref<100000x64xf32, #tpu.memory_space<any>> -> memref<1x64xf32, #tpu.memory_space<any>>
    tpu.wait_dma2 semaphore(%arg7 : memref<!tpu.dma_semaphore, #tpu.memory_space<semaphore_mem>>) src(%dma_wait3A_2257 : memref<1x64xf32, #tpu.memory_space<any>>) dst(%dma_wait3A_2255 : memref<1x64xf32, #tpu.memory_space<vmem>>)
    %dma_wait3A_2258 = arith.constant 112 : i32
    %dma_wait3A_2259 = arith.constant 0 : i32
    %dma_wait3A_2260 = tpu.memref_slice %arg6[%dma_wait3A_2258, %dma_wait3A_2259] : memref<256x64xf32, #tpu.memory_space<vmem>> -> memref<1x64xf32, #tpu.memory_space<vmem>>
    %dma_wait3A_2261 = arith.constant 0 : i32
    %dma_wait3A_2262 = tpu.memref_slice %arg1[%get3A_224, %dma_wait3A_2261] : memref<100000x64xf32, #tpu.memory_space<any>> -> memref<1x64xf32, #tpu.memory_space<any>>
    tpu.wait_dma2 semaphore(%arg7 : memref<!tpu.dma_semaphore, #tpu.memory_space<semaphore_mem>>) src(%dma_wait3A_2262 : memref<1x64xf32, #tpu.memory_space<any>>) dst(%dma_wait3A_2260 : memref<1x64xf32, #tpu.memory_space<vmem>>)
    %dma_wait3A_2263 = arith.constant 113 : i32
    %dma_wait3A_2264 = arith.constant 0 : i32
    %dma_wait3A_2265 = tpu.memref_slice %arg6[%dma_wait3A_2263, %dma_wait3A_2264] : memref<256x64xf32, #tpu.memory_space<vmem>> -> memref<1x64xf32, #tpu.memory_space<vmem>>
    %dma_wait3A_2266 = arith.constant 0 : i32
    %dma_wait3A_2267 = tpu.memref_slice %arg1[%get3A_226, %dma_wait3A_2266] : memref<100000x64xf32, #tpu.memory_space<any>> -> memref<1x64xf32, #tpu.memory_space<any>>
    tpu.wait_dma2 semaphore(%arg7 : memref<!tpu.dma_semaphore, #tpu.memory_space<semaphore_mem>>) src(%dma_wait3A_2267 : memref<1x64xf32, #tpu.memory_space<any>>) dst(%dma_wait3A_2265 : memref<1x64xf32, #tpu.memory_space<vmem>>)
    %dma_wait3A_2268 = arith.constant 114 : i32
    %dma_wait3A_2269 = arith.constant 0 : i32
    %dma_wait3A_2270 = tpu.memref_slice %arg6[%dma_wait3A_2268, %dma_wait3A_2269] : memref<256x64xf32, #tpu.memory_space<vmem>> -> memref<1x64xf32, #tpu.memory_space<vmem>>
    %dma_wait3A_2271 = arith.constant 0 : i32
    %dma_wait3A_2272 = tpu.memref_slice %arg1[%get3A_228, %dma_wait3A_2271] : memref<100000x64xf32, #tpu.memory_space<any>> -> memref<1x64xf32, #tpu.memory_space<any>>
    tpu.wait_dma2 semaphore(%arg7 : memref<!tpu.dma_semaphore, #tpu.memory_space<semaphore_mem>>) src(%dma_wait3A_2272 : memref<1x64xf32, #tpu.memory_space<any>>) dst(%dma_wait3A_2270 : memref<1x64xf32, #tpu.memory_space<vmem>>)
    %dma_wait3A_2273 = arith.constant 115 : i32
    %dma_wait3A_2274 = arith.constant 0 : i32
    %dma_wait3A_2275 = tpu.memref_slice %arg6[%dma_wait3A_2273, %dma_wait3A_2274] : memref<256x64xf32, #tpu.memory_space<vmem>> -> memref<1x64xf32, #tpu.memory_space<vmem>>
    %dma_wait3A_2276 = arith.constant 0 : i32
    %dma_wait3A_2277 = tpu.memref_slice %arg1[%get3A_230, %dma_wait3A_2276] : memref<100000x64xf32, #tpu.memory_space<any>> -> memref<1x64xf32, #tpu.memory_space<any>>
    tpu.wait_dma2 semaphore(%arg7 : memref<!tpu.dma_semaphore, #tpu.memory_space<semaphore_mem>>) src(%dma_wait3A_2277 : memref<1x64xf32, #tpu.memory_space<any>>) dst(%dma_wait3A_2275 : memref<1x64xf32, #tpu.memory_space<vmem>>)
    %dma_wait3A_2278 = arith.constant 116 : i32
    %dma_wait3A_2279 = arith.constant 0 : i32
    %dma_wait3A_2280 = tpu.memref_slice %arg6[%dma_wait3A_2278, %dma_wait3A_2279] : memref<256x64xf32, #tpu.memory_space<vmem>> -> memref<1x64xf32, #tpu.memory_space<vmem>>
    %dma_wait3A_2281 = arith.constant 0 : i32
    %dma_wait3A_2282 = tpu.memref_slice %arg1[%get3A_232, %dma_wait3A_2281] : memref<100000x64xf32, #tpu.memory_space<any>> -> memref<1x64xf32, #tpu.memory_space<any>>
    tpu.wait_dma2 semaphore(%arg7 : memref<!tpu.dma_semaphore, #tpu.memory_space<semaphore_mem>>) src(%dma_wait3A_2282 : memref<1x64xf32, #tpu.memory_space<any>>) dst(%dma_wait3A_2280 : memref<1x64xf32, #tpu.memory_space<vmem>>)
    %dma_wait3A_2283 = arith.constant 117 : i32
    %dma_wait3A_2284 = arith.constant 0 : i32
    %dma_wait3A_2285 = tpu.memref_slice %arg6[%dma_wait3A_2283, %dma_wait3A_2284] : memref<256x64xf32, #tpu.memory_space<vmem>> -> memref<1x64xf32, #tpu.memory_space<vmem>>
    %dma_wait3A_2286 = arith.constant 0 : i32
    %dma_wait3A_2287 = tpu.memref_slice %arg1[%get3A_234, %dma_wait3A_2286] : memref<100000x64xf32, #tpu.memory_space<any>> -> memref<1x64xf32, #tpu.memory_space<any>>
    tpu.wait_dma2 semaphore(%arg7 : memref<!tpu.dma_semaphore, #tpu.memory_space<semaphore_mem>>) src(%dma_wait3A_2287 : memref<1x64xf32, #tpu.memory_space<any>>) dst(%dma_wait3A_2285 : memref<1x64xf32, #tpu.memory_space<vmem>>)
    %dma_wait3A_2288 = arith.constant 118 : i32
    %dma_wait3A_2289 = arith.constant 0 : i32
    %dma_wait3A_2290 = tpu.memref_slice %arg6[%dma_wait3A_2288, %dma_wait3A_2289] : memref<256x64xf32, #tpu.memory_space<vmem>> -> memref<1x64xf32, #tpu.memory_space<vmem>>
    %dma_wait3A_2291 = arith.constant 0 : i32
    %dma_wait3A_2292 = tpu.memref_slice %arg1[%get3A_236, %dma_wait3A_2291] : memref<100000x64xf32, #tpu.memory_space<any>> -> memref<1x64xf32, #tpu.memory_space<any>>
    tpu.wait_dma2 semaphore(%arg7 : memref<!tpu.dma_semaphore, #tpu.memory_space<semaphore_mem>>) src(%dma_wait3A_2292 : memref<1x64xf32, #tpu.memory_space<any>>) dst(%dma_wait3A_2290 : memref<1x64xf32, #tpu.memory_space<vmem>>)
    %dma_wait3A_2293 = arith.constant 119 : i32
    %dma_wait3A_2294 = arith.constant 0 : i32
    %dma_wait3A_2295 = tpu.memref_slice %arg6[%dma_wait3A_2293, %dma_wait3A_2294] : memref<256x64xf32, #tpu.memory_space<vmem>> -> memref<1x64xf32, #tpu.memory_space<vmem>>
    %dma_wait3A_2296 = arith.constant 0 : i32
    %dma_wait3A_2297 = tpu.memref_slice %arg1[%get3A_238, %dma_wait3A_2296] : memref<100000x64xf32, #tpu.memory_space<any>> -> memref<1x64xf32, #tpu.memory_space<any>>
    tpu.wait_dma2 semaphore(%arg7 : memref<!tpu.dma_semaphore, #tpu.memory_space<semaphore_mem>>) src(%dma_wait3A_2297 : memref<1x64xf32, #tpu.memory_space<any>>) dst(%dma_wait3A_2295 : memref<1x64xf32, #tpu.memory_space<vmem>>)
    %dma_wait3A_2298 = arith.constant 120 : i32
    %dma_wait3A_2299 = arith.constant 0 : i32
    %dma_wait3A_2300 = tpu.memref_slice %arg6[%dma_wait3A_2298, %dma_wait3A_2299] : memref<256x64xf32, #tpu.memory_space<vmem>> -> memref<1x64xf32, #tpu.memory_space<vmem>>
    %dma_wait3A_2301 = arith.constant 0 : i32
    %dma_wait3A_2302 = tpu.memref_slice %arg1[%get3A_240, %dma_wait3A_2301] : memref<100000x64xf32, #tpu.memory_space<any>> -> memref<1x64xf32, #tpu.memory_space<any>>
    tpu.wait_dma2 semaphore(%arg7 : memref<!tpu.dma_semaphore, #tpu.memory_space<semaphore_mem>>) src(%dma_wait3A_2302 : memref<1x64xf32, #tpu.memory_space<any>>) dst(%dma_wait3A_2300 : memref<1x64xf32, #tpu.memory_space<vmem>>)
    %dma_wait3A_2303 = arith.constant 121 : i32
    %dma_wait3A_2304 = arith.constant 0 : i32
    %dma_wait3A_2305 = tpu.memref_slice %arg6[%dma_wait3A_2303, %dma_wait3A_2304] : memref<256x64xf32, #tpu.memory_space<vmem>> -> memref<1x64xf32, #tpu.memory_space<vmem>>
    %dma_wait3A_2306 = arith.constant 0 : i32
    %dma_wait3A_2307 = tpu.memref_slice %arg1[%get3A_242, %dma_wait3A_2306] : memref<100000x64xf32, #tpu.memory_space<any>> -> memref<1x64xf32, #tpu.memory_space<any>>
    tpu.wait_dma2 semaphore(%arg7 : memref<!tpu.dma_semaphore, #tpu.memory_space<semaphore_mem>>) src(%dma_wait3A_2307 : memref<1x64xf32, #tpu.memory_space<any>>) dst(%dma_wait3A_2305 : memref<1x64xf32, #tpu.memory_space<vmem>>)
    %dma_wait3A_2308 = arith.constant 122 : i32
    %dma_wait3A_2309 = arith.constant 0 : i32
    %dma_wait3A_2310 = tpu.memref_slice %arg6[%dma_wait3A_2308, %dma_wait3A_2309] : memref<256x64xf32, #tpu.memory_space<vmem>> -> memref<1x64xf32, #tpu.memory_space<vmem>>
    %dma_wait3A_2311 = arith.constant 0 : i32
    %dma_wait3A_2312 = tpu.memref_slice %arg1[%get3A_244, %dma_wait3A_2311] : memref<100000x64xf32, #tpu.memory_space<any>> -> memref<1x64xf32, #tpu.memory_space<any>>
    tpu.wait_dma2 semaphore(%arg7 : memref<!tpu.dma_semaphore, #tpu.memory_space<semaphore_mem>>) src(%dma_wait3A_2312 : memref<1x64xf32, #tpu.memory_space<any>>) dst(%dma_wait3A_2310 : memref<1x64xf32, #tpu.memory_space<vmem>>)
    %dma_wait3A_2313 = arith.constant 123 : i32
    %dma_wait3A_2314 = arith.constant 0 : i32
    %dma_wait3A_2315 = tpu.memref_slice %arg6[%dma_wait3A_2313, %dma_wait3A_2314] : memref<256x64xf32, #tpu.memory_space<vmem>> -> memref<1x64xf32, #tpu.memory_space<vmem>>
    %dma_wait3A_2316 = arith.constant 0 : i32
    %dma_wait3A_2317 = tpu.memref_slice %arg1[%get3A_246, %dma_wait3A_2316] : memref<100000x64xf32, #tpu.memory_space<any>> -> memref<1x64xf32, #tpu.memory_space<any>>
    tpu.wait_dma2 semaphore(%arg7 : memref<!tpu.dma_semaphore, #tpu.memory_space<semaphore_mem>>) src(%dma_wait3A_2317 : memref<1x64xf32, #tpu.memory_space<any>>) dst(%dma_wait3A_2315 : memref<1x64xf32, #tpu.memory_space<vmem>>)
    %dma_wait3A_2318 = arith.constant 124 : i32
    %dma_wait3A_2319 = arith.constant 0 : i32
    %dma_wait3A_2320 = tpu.memref_slice %arg6[%dma_wait3A_2318, %dma_wait3A_2319] : memref<256x64xf32, #tpu.memory_space<vmem>> -> memref<1x64xf32, #tpu.memory_space<vmem>>
    %dma_wait3A_2321 = arith.constant 0 : i32
    %dma_wait3A_2322 = tpu.memref_slice %arg1[%get3A_248, %dma_wait3A_2321] : memref<100000x64xf32, #tpu.memory_space<any>> -> memref<1x64xf32, #tpu.memory_space<any>>
    tpu.wait_dma2 semaphore(%arg7 : memref<!tpu.dma_semaphore, #tpu.memory_space<semaphore_mem>>) src(%dma_wait3A_2322 : memref<1x64xf32, #tpu.memory_space<any>>) dst(%dma_wait3A_2320 : memref<1x64xf32, #tpu.memory_space<vmem>>)
    %dma_wait3A_2323 = arith.constant 125 : i32
    %dma_wait3A_2324 = arith.constant 0 : i32
    %dma_wait3A_2325 = tpu.memref_slice %arg6[%dma_wait3A_2323, %dma_wait3A_2324] : memref<256x64xf32, #tpu.memory_space<vmem>> -> memref<1x64xf32, #tpu.memory_space<vmem>>
    %dma_wait3A_2326 = arith.constant 0 : i32
    %dma_wait3A_2327 = tpu.memref_slice %arg1[%get3A_250, %dma_wait3A_2326] : memref<100000x64xf32, #tpu.memory_space<any>> -> memref<1x64xf32, #tpu.memory_space<any>>
    tpu.wait_dma2 semaphore(%arg7 : memref<!tpu.dma_semaphore, #tpu.memory_space<semaphore_mem>>) src(%dma_wait3A_2327 : memref<1x64xf32, #tpu.memory_space<any>>) dst(%dma_wait3A_2325 : memref<1x64xf32, #tpu.memory_space<vmem>>)
    %dma_wait3A_2328 = arith.constant 126 : i32
    %dma_wait3A_2329 = arith.constant 0 : i32
    %dma_wait3A_2330 = tpu.memref_slice %arg6[%dma_wait3A_2328, %dma_wait3A_2329] : memref<256x64xf32, #tpu.memory_space<vmem>> -> memref<1x64xf32, #tpu.memory_space<vmem>>
    %dma_wait3A_2331 = arith.constant 0 : i32
    %dma_wait3A_2332 = tpu.memref_slice %arg1[%get3A_252, %dma_wait3A_2331] : memref<100000x64xf32, #tpu.memory_space<any>> -> memref<1x64xf32, #tpu.memory_space<any>>
    tpu.wait_dma2 semaphore(%arg7 : memref<!tpu.dma_semaphore, #tpu.memory_space<semaphore_mem>>) src(%dma_wait3A_2332 : memref<1x64xf32, #tpu.memory_space<any>>) dst(%dma_wait3A_2330 : memref<1x64xf32, #tpu.memory_space<vmem>>)
    %dma_wait3A_2333 = arith.constant 127 : i32
    %dma_wait3A_2334 = arith.constant 0 : i32
    %dma_wait3A_2335 = tpu.memref_slice %arg6[%dma_wait3A_2333, %dma_wait3A_2334] : memref<256x64xf32, #tpu.memory_space<vmem>> -> memref<1x64xf32, #tpu.memory_space<vmem>>
    %dma_wait3A_2336 = arith.constant 0 : i32
    %dma_wait3A_2337 = tpu.memref_slice %arg1[%get3A_254, %dma_wait3A_2336] : memref<100000x64xf32, #tpu.memory_space<any>> -> memref<1x64xf32, #tpu.memory_space<any>>
    tpu.wait_dma2 semaphore(%arg7 : memref<!tpu.dma_semaphore, #tpu.memory_space<semaphore_mem>>) src(%dma_wait3A_2337 : memref<1x64xf32, #tpu.memory_space<any>>) dst(%dma_wait3A_2335 : memref<1x64xf32, #tpu.memory_space<vmem>>)
    %dma_wait3A_2338 = arith.constant 128 : i32
    %dma_wait3A_2339 = arith.constant 0 : i32
    %dma_wait3A_2340 = tpu.memref_slice %arg6[%dma_wait3A_2338, %dma_wait3A_2339] : memref<256x64xf32, #tpu.memory_space<vmem>> -> memref<1x64xf32, #tpu.memory_space<vmem>>
    %dma_wait3A_2341 = arith.constant 0 : i32
    %dma_wait3A_2342 = tpu.memref_slice %arg1[%get3A_256, %dma_wait3A_2341] : memref<100000x64xf32, #tpu.memory_space<any>> -> memref<1x64xf32, #tpu.memory_space<any>>
    tpu.wait_dma2 semaphore(%arg7 : memref<!tpu.dma_semaphore, #tpu.memory_space<semaphore_mem>>) src(%dma_wait3A_2342 : memref<1x64xf32, #tpu.memory_space<any>>) dst(%dma_wait3A_2340 : memref<1x64xf32, #tpu.memory_space<vmem>>)
    %dma_wait3A_2343 = arith.constant 129 : i32
    %dma_wait3A_2344 = arith.constant 0 : i32
    %dma_wait3A_2345 = tpu.memref_slice %arg6[%dma_wait3A_2343, %dma_wait3A_2344] : memref<256x64xf32, #tpu.memory_space<vmem>> -> memref<1x64xf32, #tpu.memory_space<vmem>>
    %dma_wait3A_2346 = arith.constant 0 : i32
    %dma_wait3A_2347 = tpu.memref_slice %arg1[%get3A_258, %dma_wait3A_2346] : memref<100000x64xf32, #tpu.memory_space<any>> -> memref<1x64xf32, #tpu.memory_space<any>>
    tpu.wait_dma2 semaphore(%arg7 : memref<!tpu.dma_semaphore, #tpu.memory_space<semaphore_mem>>) src(%dma_wait3A_2347 : memref<1x64xf32, #tpu.memory_space<any>>) dst(%dma_wait3A_2345 : memref<1x64xf32, #tpu.memory_space<vmem>>)
    %dma_wait3A_2348 = arith.constant 130 : i32
    %dma_wait3A_2349 = arith.constant 0 : i32
    %dma_wait3A_2350 = tpu.memref_slice %arg6[%dma_wait3A_2348, %dma_wait3A_2349] : memref<256x64xf32, #tpu.memory_space<vmem>> -> memref<1x64xf32, #tpu.memory_space<vmem>>
    %dma_wait3A_2351 = arith.constant 0 : i32
    %dma_wait3A_2352 = tpu.memref_slice %arg1[%get3A_260, %dma_wait3A_2351] : memref<100000x64xf32, #tpu.memory_space<any>> -> memref<1x64xf32, #tpu.memory_space<any>>
    tpu.wait_dma2 semaphore(%arg7 : memref<!tpu.dma_semaphore, #tpu.memory_space<semaphore_mem>>) src(%dma_wait3A_2352 : memref<1x64xf32, #tpu.memory_space<any>>) dst(%dma_wait3A_2350 : memref<1x64xf32, #tpu.memory_space<vmem>>)
    %dma_wait3A_2353 = arith.constant 131 : i32
    %dma_wait3A_2354 = arith.constant 0 : i32
    %dma_wait3A_2355 = tpu.memref_slice %arg6[%dma_wait3A_2353, %dma_wait3A_2354] : memref<256x64xf32, #tpu.memory_space<vmem>> -> memref<1x64xf32, #tpu.memory_space<vmem>>
    %dma_wait3A_2356 = arith.constant 0 : i32
    %dma_wait3A_2357 = tpu.memref_slice %arg1[%get3A_262, %dma_wait3A_2356] : memref<100000x64xf32, #tpu.memory_space<any>> -> memref<1x64xf32, #tpu.memory_space<any>>
    tpu.wait_dma2 semaphore(%arg7 : memref<!tpu.dma_semaphore, #tpu.memory_space<semaphore_mem>>) src(%dma_wait3A_2357 : memref<1x64xf32, #tpu.memory_space<any>>) dst(%dma_wait3A_2355 : memref<1x64xf32, #tpu.memory_space<vmem>>)
    %dma_wait3A_2358 = arith.constant 132 : i32
    %dma_wait3A_2359 = arith.constant 0 : i32
    %dma_wait3A_2360 = tpu.memref_slice %arg6[%dma_wait3A_2358, %dma_wait3A_2359] : memref<256x64xf32, #tpu.memory_space<vmem>> -> memref<1x64xf32, #tpu.memory_space<vmem>>
    %dma_wait3A_2361 = arith.constant 0 : i32
    %dma_wait3A_2362 = tpu.memref_slice %arg1[%get3A_264, %dma_wait3A_2361] : memref<100000x64xf32, #tpu.memory_space<any>> -> memref<1x64xf32, #tpu.memory_space<any>>
    tpu.wait_dma2 semaphore(%arg7 : memref<!tpu.dma_semaphore, #tpu.memory_space<semaphore_mem>>) src(%dma_wait3A_2362 : memref<1x64xf32, #tpu.memory_space<any>>) dst(%dma_wait3A_2360 : memref<1x64xf32, #tpu.memory_space<vmem>>)
    %dma_wait3A_2363 = arith.constant 133 : i32
    %dma_wait3A_2364 = arith.constant 0 : i32
    %dma_wait3A_2365 = tpu.memref_slice %arg6[%dma_wait3A_2363, %dma_wait3A_2364] : memref<256x64xf32, #tpu.memory_space<vmem>> -> memref<1x64xf32, #tpu.memory_space<vmem>>
    %dma_wait3A_2366 = arith.constant 0 : i32
    %dma_wait3A_2367 = tpu.memref_slice %arg1[%get3A_266, %dma_wait3A_2366] : memref<100000x64xf32, #tpu.memory_space<any>> -> memref<1x64xf32, #tpu.memory_space<any>>
    tpu.wait_dma2 semaphore(%arg7 : memref<!tpu.dma_semaphore, #tpu.memory_space<semaphore_mem>>) src(%dma_wait3A_2367 : memref<1x64xf32, #tpu.memory_space<any>>) dst(%dma_wait3A_2365 : memref<1x64xf32, #tpu.memory_space<vmem>>)
    %dma_wait3A_2368 = arith.constant 134 : i32
    %dma_wait3A_2369 = arith.constant 0 : i32
    %dma_wait3A_2370 = tpu.memref_slice %arg6[%dma_wait3A_2368, %dma_wait3A_2369] : memref<256x64xf32, #tpu.memory_space<vmem>> -> memref<1x64xf32, #tpu.memory_space<vmem>>
    %dma_wait3A_2371 = arith.constant 0 : i32
    %dma_wait3A_2372 = tpu.memref_slice %arg1[%get3A_268, %dma_wait3A_2371] : memref<100000x64xf32, #tpu.memory_space<any>> -> memref<1x64xf32, #tpu.memory_space<any>>
    tpu.wait_dma2 semaphore(%arg7 : memref<!tpu.dma_semaphore, #tpu.memory_space<semaphore_mem>>) src(%dma_wait3A_2372 : memref<1x64xf32, #tpu.memory_space<any>>) dst(%dma_wait3A_2370 : memref<1x64xf32, #tpu.memory_space<vmem>>)
    %dma_wait3A_2373 = arith.constant 135 : i32
    %dma_wait3A_2374 = arith.constant 0 : i32
    %dma_wait3A_2375 = tpu.memref_slice %arg6[%dma_wait3A_2373, %dma_wait3A_2374] : memref<256x64xf32, #tpu.memory_space<vmem>> -> memref<1x64xf32, #tpu.memory_space<vmem>>
    %dma_wait3A_2376 = arith.constant 0 : i32
    %dma_wait3A_2377 = tpu.memref_slice %arg1[%get3A_270, %dma_wait3A_2376] : memref<100000x64xf32, #tpu.memory_space<any>> -> memref<1x64xf32, #tpu.memory_space<any>>
    tpu.wait_dma2 semaphore(%arg7 : memref<!tpu.dma_semaphore, #tpu.memory_space<semaphore_mem>>) src(%dma_wait3A_2377 : memref<1x64xf32, #tpu.memory_space<any>>) dst(%dma_wait3A_2375 : memref<1x64xf32, #tpu.memory_space<vmem>>)
    %dma_wait3A_2378 = arith.constant 136 : i32
    %dma_wait3A_2379 = arith.constant 0 : i32
    %dma_wait3A_2380 = tpu.memref_slice %arg6[%dma_wait3A_2378, %dma_wait3A_2379] : memref<256x64xf32, #tpu.memory_space<vmem>> -> memref<1x64xf32, #tpu.memory_space<vmem>>
    %dma_wait3A_2381 = arith.constant 0 : i32
    %dma_wait3A_2382 = tpu.memref_slice %arg1[%get3A_272, %dma_wait3A_2381] : memref<100000x64xf32, #tpu.memory_space<any>> -> memref<1x64xf32, #tpu.memory_space<any>>
    tpu.wait_dma2 semaphore(%arg7 : memref<!tpu.dma_semaphore, #tpu.memory_space<semaphore_mem>>) src(%dma_wait3A_2382 : memref<1x64xf32, #tpu.memory_space<any>>) dst(%dma_wait3A_2380 : memref<1x64xf32, #tpu.memory_space<vmem>>)
    %dma_wait3A_2383 = arith.constant 137 : i32
    %dma_wait3A_2384 = arith.constant 0 : i32
    %dma_wait3A_2385 = tpu.memref_slice %arg6[%dma_wait3A_2383, %dma_wait3A_2384] : memref<256x64xf32, #tpu.memory_space<vmem>> -> memref<1x64xf32, #tpu.memory_space<vmem>>
    %dma_wait3A_2386 = arith.constant 0 : i32
    %dma_wait3A_2387 = tpu.memref_slice %arg1[%get3A_274, %dma_wait3A_2386] : memref<100000x64xf32, #tpu.memory_space<any>> -> memref<1x64xf32, #tpu.memory_space<any>>
    tpu.wait_dma2 semaphore(%arg7 : memref<!tpu.dma_semaphore, #tpu.memory_space<semaphore_mem>>) src(%dma_wait3A_2387 : memref<1x64xf32, #tpu.memory_space<any>>) dst(%dma_wait3A_2385 : memref<1x64xf32, #tpu.memory_space<vmem>>)
    %dma_wait3A_2388 = arith.constant 138 : i32
    %dma_wait3A_2389 = arith.constant 0 : i32
    %dma_wait3A_2390 = tpu.memref_slice %arg6[%dma_wait3A_2388, %dma_wait3A_2389] : memref<256x64xf32, #tpu.memory_space<vmem>> -> memref<1x64xf32, #tpu.memory_space<vmem>>
    %dma_wait3A_2391 = arith.constant 0 : i32
    %dma_wait3A_2392 = tpu.memref_slice %arg1[%get3A_276, %dma_wait3A_2391] : memref<100000x64xf32, #tpu.memory_space<any>> -> memref<1x64xf32, #tpu.memory_space<any>>
    tpu.wait_dma2 semaphore(%arg7 : memref<!tpu.dma_semaphore, #tpu.memory_space<semaphore_mem>>) src(%dma_wait3A_2392 : memref<1x64xf32, #tpu.memory_space<any>>) dst(%dma_wait3A_2390 : memref<1x64xf32, #tpu.memory_space<vmem>>)
    %dma_wait3A_2393 = arith.constant 139 : i32
    %dma_wait3A_2394 = arith.constant 0 : i32
    %dma_wait3A_2395 = tpu.memref_slice %arg6[%dma_wait3A_2393, %dma_wait3A_2394] : memref<256x64xf32, #tpu.memory_space<vmem>> -> memref<1x64xf32, #tpu.memory_space<vmem>>
    %dma_wait3A_2396 = arith.constant 0 : i32
    %dma_wait3A_2397 = tpu.memref_slice %arg1[%get3A_278, %dma_wait3A_2396] : memref<100000x64xf32, #tpu.memory_space<any>> -> memref<1x64xf32, #tpu.memory_space<any>>
    tpu.wait_dma2 semaphore(%arg7 : memref<!tpu.dma_semaphore, #tpu.memory_space<semaphore_mem>>) src(%dma_wait3A_2397 : memref<1x64xf32, #tpu.memory_space<any>>) dst(%dma_wait3A_2395 : memref<1x64xf32, #tpu.memory_space<vmem>>)
    %dma_wait3A_2398 = arith.constant 140 : i32
    %dma_wait3A_2399 = arith.constant 0 : i32
    %dma_wait3A_2400 = tpu.memref_slice %arg6[%dma_wait3A_2398, %dma_wait3A_2399] : memref<256x64xf32, #tpu.memory_space<vmem>> -> memref<1x64xf32, #tpu.memory_space<vmem>>
    %dma_wait3A_2401 = arith.constant 0 : i32
    %dma_wait3A_2402 = tpu.memref_slice %arg1[%get3A_280, %dma_wait3A_2401] : memref<100000x64xf32, #tpu.memory_space<any>> -> memref<1x64xf32, #tpu.memory_space<any>>
    tpu.wait_dma2 semaphore(%arg7 : memref<!tpu.dma_semaphore, #tpu.memory_space<semaphore_mem>>) src(%dma_wait3A_2402 : memref<1x64xf32, #tpu.memory_space<any>>) dst(%dma_wait3A_2400 : memref<1x64xf32, #tpu.memory_space<vmem>>)
    %dma_wait3A_2403 = arith.constant 141 : i32
    %dma_wait3A_2404 = arith.constant 0 : i32
    %dma_wait3A_2405 = tpu.memref_slice %arg6[%dma_wait3A_2403, %dma_wait3A_2404] : memref<256x64xf32, #tpu.memory_space<vmem>> -> memref<1x64xf32, #tpu.memory_space<vmem>>
    %dma_wait3A_2406 = arith.constant 0 : i32
    %dma_wait3A_2407 = tpu.memref_slice %arg1[%get3A_282, %dma_wait3A_2406] : memref<100000x64xf32, #tpu.memory_space<any>> -> memref<1x64xf32, #tpu.memory_space<any>>
    tpu.wait_dma2 semaphore(%arg7 : memref<!tpu.dma_semaphore, #tpu.memory_space<semaphore_mem>>) src(%dma_wait3A_2407 : memref<1x64xf32, #tpu.memory_space<any>>) dst(%dma_wait3A_2405 : memref<1x64xf32, #tpu.memory_space<vmem>>)
    %dma_wait3A_2408 = arith.constant 142 : i32
    %dma_wait3A_2409 = arith.constant 0 : i32
    %dma_wait3A_2410 = tpu.memref_slice %arg6[%dma_wait3A_2408, %dma_wait3A_2409] : memref<256x64xf32, #tpu.memory_space<vmem>> -> memref<1x64xf32, #tpu.memory_space<vmem>>
    %dma_wait3A_2411 = arith.constant 0 : i32
    %dma_wait3A_2412 = tpu.memref_slice %arg1[%get3A_284, %dma_wait3A_2411] : memref<100000x64xf32, #tpu.memory_space<any>> -> memref<1x64xf32, #tpu.memory_space<any>>
    tpu.wait_dma2 semaphore(%arg7 : memref<!tpu.dma_semaphore, #tpu.memory_space<semaphore_mem>>) src(%dma_wait3A_2412 : memref<1x64xf32, #tpu.memory_space<any>>) dst(%dma_wait3A_2410 : memref<1x64xf32, #tpu.memory_space<vmem>>)
    %dma_wait3A_2413 = arith.constant 143 : i32
    %dma_wait3A_2414 = arith.constant 0 : i32
    %dma_wait3A_2415 = tpu.memref_slice %arg6[%dma_wait3A_2413, %dma_wait3A_2414] : memref<256x64xf32, #tpu.memory_space<vmem>> -> memref<1x64xf32, #tpu.memory_space<vmem>>
    %dma_wait3A_2416 = arith.constant 0 : i32
    %dma_wait3A_2417 = tpu.memref_slice %arg1[%get3A_286, %dma_wait3A_2416] : memref<100000x64xf32, #tpu.memory_space<any>> -> memref<1x64xf32, #tpu.memory_space<any>>
    tpu.wait_dma2 semaphore(%arg7 : memref<!tpu.dma_semaphore, #tpu.memory_space<semaphore_mem>>) src(%dma_wait3A_2417 : memref<1x64xf32, #tpu.memory_space<any>>) dst(%dma_wait3A_2415 : memref<1x64xf32, #tpu.memory_space<vmem>>)
    %dma_wait3A_2418 = arith.constant 144 : i32
    %dma_wait3A_2419 = arith.constant 0 : i32
    %dma_wait3A_2420 = tpu.memref_slice %arg6[%dma_wait3A_2418, %dma_wait3A_2419] : memref<256x64xf32, #tpu.memory_space<vmem>> -> memref<1x64xf32, #tpu.memory_space<vmem>>
    %dma_wait3A_2421 = arith.constant 0 : i32
    %dma_wait3A_2422 = tpu.memref_slice %arg1[%get3A_288, %dma_wait3A_2421] : memref<100000x64xf32, #tpu.memory_space<any>> -> memref<1x64xf32, #tpu.memory_space<any>>
    tpu.wait_dma2 semaphore(%arg7 : memref<!tpu.dma_semaphore, #tpu.memory_space<semaphore_mem>>) src(%dma_wait3A_2422 : memref<1x64xf32, #tpu.memory_space<any>>) dst(%dma_wait3A_2420 : memref<1x64xf32, #tpu.memory_space<vmem>>)
    %dma_wait3A_2423 = arith.constant 145 : i32
    %dma_wait3A_2424 = arith.constant 0 : i32
    %dma_wait3A_2425 = tpu.memref_slice %arg6[%dma_wait3A_2423, %dma_wait3A_2424] : memref<256x64xf32, #tpu.memory_space<vmem>> -> memref<1x64xf32, #tpu.memory_space<vmem>>
    %dma_wait3A_2426 = arith.constant 0 : i32
    %dma_wait3A_2427 = tpu.memref_slice %arg1[%get3A_290, %dma_wait3A_2426] : memref<100000x64xf32, #tpu.memory_space<any>> -> memref<1x64xf32, #tpu.memory_space<any>>
    tpu.wait_dma2 semaphore(%arg7 : memref<!tpu.dma_semaphore, #tpu.memory_space<semaphore_mem>>) src(%dma_wait3A_2427 : memref<1x64xf32, #tpu.memory_space<any>>) dst(%dma_wait3A_2425 : memref<1x64xf32, #tpu.memory_space<vmem>>)
    %dma_wait3A_2428 = arith.constant 146 : i32
    %dma_wait3A_2429 = arith.constant 0 : i32
    %dma_wait3A_2430 = tpu.memref_slice %arg6[%dma_wait3A_2428, %dma_wait3A_2429] : memref<256x64xf32, #tpu.memory_space<vmem>> -> memref<1x64xf32, #tpu.memory_space<vmem>>
    %dma_wait3A_2431 = arith.constant 0 : i32
    %dma_wait3A_2432 = tpu.memref_slice %arg1[%get3A_292, %dma_wait3A_2431] : memref<100000x64xf32, #tpu.memory_space<any>> -> memref<1x64xf32, #tpu.memory_space<any>>
    tpu.wait_dma2 semaphore(%arg7 : memref<!tpu.dma_semaphore, #tpu.memory_space<semaphore_mem>>) src(%dma_wait3A_2432 : memref<1x64xf32, #tpu.memory_space<any>>) dst(%dma_wait3A_2430 : memref<1x64xf32, #tpu.memory_space<vmem>>)
    %dma_wait3A_2433 = arith.constant 147 : i32
    %dma_wait3A_2434 = arith.constant 0 : i32
    %dma_wait3A_2435 = tpu.memref_slice %arg6[%dma_wait3A_2433, %dma_wait3A_2434] : memref<256x64xf32, #tpu.memory_space<vmem>> -> memref<1x64xf32, #tpu.memory_space<vmem>>
    %dma_wait3A_2436 = arith.constant 0 : i32
    %dma_wait3A_2437 = tpu.memref_slice %arg1[%get3A_294, %dma_wait3A_2436] : memref<100000x64xf32, #tpu.memory_space<any>> -> memref<1x64xf32, #tpu.memory_space<any>>
    tpu.wait_dma2 semaphore(%arg7 : memref<!tpu.dma_semaphore, #tpu.memory_space<semaphore_mem>>) src(%dma_wait3A_2437 : memref<1x64xf32, #tpu.memory_space<any>>) dst(%dma_wait3A_2435 : memref<1x64xf32, #tpu.memory_space<vmem>>)
    %dma_wait3A_2438 = arith.constant 148 : i32
    %dma_wait3A_2439 = arith.constant 0 : i32
    %dma_wait3A_2440 = tpu.memref_slice %arg6[%dma_wait3A_2438, %dma_wait3A_2439] : memref<256x64xf32, #tpu.memory_space<vmem>> -> memref<1x64xf32, #tpu.memory_space<vmem>>
    %dma_wait3A_2441 = arith.constant 0 : i32
    %dma_wait3A_2442 = tpu.memref_slice %arg1[%get3A_296, %dma_wait3A_2441] : memref<100000x64xf32, #tpu.memory_space<any>> -> memref<1x64xf32, #tpu.memory_space<any>>
    tpu.wait_dma2 semaphore(%arg7 : memref<!tpu.dma_semaphore, #tpu.memory_space<semaphore_mem>>) src(%dma_wait3A_2442 : memref<1x64xf32, #tpu.memory_space<any>>) dst(%dma_wait3A_2440 : memref<1x64xf32, #tpu.memory_space<vmem>>)
    %dma_wait3A_2443 = arith.constant 149 : i32
    %dma_wait3A_2444 = arith.constant 0 : i32
    %dma_wait3A_2445 = tpu.memref_slice %arg6[%dma_wait3A_2443, %dma_wait3A_2444] : memref<256x64xf32, #tpu.memory_space<vmem>> -> memref<1x64xf32, #tpu.memory_space<vmem>>
    %dma_wait3A_2446 = arith.constant 0 : i32
    %dma_wait3A_2447 = tpu.memref_slice %arg1[%get3A_298, %dma_wait3A_2446] : memref<100000x64xf32, #tpu.memory_space<any>> -> memref<1x64xf32, #tpu.memory_space<any>>
    tpu.wait_dma2 semaphore(%arg7 : memref<!tpu.dma_semaphore, #tpu.memory_space<semaphore_mem>>) src(%dma_wait3A_2447 : memref<1x64xf32, #tpu.memory_space<any>>) dst(%dma_wait3A_2445 : memref<1x64xf32, #tpu.memory_space<vmem>>)
    %dma_wait3A_2448 = arith.constant 150 : i32
    %dma_wait3A_2449 = arith.constant 0 : i32
    %dma_wait3A_2450 = tpu.memref_slice %arg6[%dma_wait3A_2448, %dma_wait3A_2449] : memref<256x64xf32, #tpu.memory_space<vmem>> -> memref<1x64xf32, #tpu.memory_space<vmem>>
    %dma_wait3A_2451 = arith.constant 0 : i32
    %dma_wait3A_2452 = tpu.memref_slice %arg1[%get3A_300, %dma_wait3A_2451] : memref<100000x64xf32, #tpu.memory_space<any>> -> memref<1x64xf32, #tpu.memory_space<any>>
    tpu.wait_dma2 semaphore(%arg7 : memref<!tpu.dma_semaphore, #tpu.memory_space<semaphore_mem>>) src(%dma_wait3A_2452 : memref<1x64xf32, #tpu.memory_space<any>>) dst(%dma_wait3A_2450 : memref<1x64xf32, #tpu.memory_space<vmem>>)
    %dma_wait3A_2453 = arith.constant 151 : i32
    %dma_wait3A_2454 = arith.constant 0 : i32
    %dma_wait3A_2455 = tpu.memref_slice %arg6[%dma_wait3A_2453, %dma_wait3A_2454] : memref<256x64xf32, #tpu.memory_space<vmem>> -> memref<1x64xf32, #tpu.memory_space<vmem>>
    %dma_wait3A_2456 = arith.constant 0 : i32
    %dma_wait3A_2457 = tpu.memref_slice %arg1[%get3A_302, %dma_wait3A_2456] : memref<100000x64xf32, #tpu.memory_space<any>> -> memref<1x64xf32, #tpu.memory_space<any>>
    tpu.wait_dma2 semaphore(%arg7 : memref<!tpu.dma_semaphore, #tpu.memory_space<semaphore_mem>>) src(%dma_wait3A_2457 : memref<1x64xf32, #tpu.memory_space<any>>) dst(%dma_wait3A_2455 : memref<1x64xf32, #tpu.memory_space<vmem>>)
    %dma_wait3A_2458 = arith.constant 152 : i32
    %dma_wait3A_2459 = arith.constant 0 : i32
    %dma_wait3A_2460 = tpu.memref_slice %arg6[%dma_wait3A_2458, %dma_wait3A_2459] : memref<256x64xf32, #tpu.memory_space<vmem>> -> memref<1x64xf32, #tpu.memory_space<vmem>>
    %dma_wait3A_2461 = arith.constant 0 : i32
    %dma_wait3A_2462 = tpu.memref_slice %arg1[%get3A_304, %dma_wait3A_2461] : memref<100000x64xf32, #tpu.memory_space<any>> -> memref<1x64xf32, #tpu.memory_space<any>>
    tpu.wait_dma2 semaphore(%arg7 : memref<!tpu.dma_semaphore, #tpu.memory_space<semaphore_mem>>) src(%dma_wait3A_2462 : memref<1x64xf32, #tpu.memory_space<any>>) dst(%dma_wait3A_2460 : memref<1x64xf32, #tpu.memory_space<vmem>>)
    %dma_wait3A_2463 = arith.constant 153 : i32
    %dma_wait3A_2464 = arith.constant 0 : i32
    %dma_wait3A_2465 = tpu.memref_slice %arg6[%dma_wait3A_2463, %dma_wait3A_2464] : memref<256x64xf32, #tpu.memory_space<vmem>> -> memref<1x64xf32, #tpu.memory_space<vmem>>
    %dma_wait3A_2466 = arith.constant 0 : i32
    %dma_wait3A_2467 = tpu.memref_slice %arg1[%get3A_306, %dma_wait3A_2466] : memref<100000x64xf32, #tpu.memory_space<any>> -> memref<1x64xf32, #tpu.memory_space<any>>
    tpu.wait_dma2 semaphore(%arg7 : memref<!tpu.dma_semaphore, #tpu.memory_space<semaphore_mem>>) src(%dma_wait3A_2467 : memref<1x64xf32, #tpu.memory_space<any>>) dst(%dma_wait3A_2465 : memref<1x64xf32, #tpu.memory_space<vmem>>)
    %dma_wait3A_2468 = arith.constant 154 : i32
    %dma_wait3A_2469 = arith.constant 0 : i32
    %dma_wait3A_2470 = tpu.memref_slice %arg6[%dma_wait3A_2468, %dma_wait3A_2469] : memref<256x64xf32, #tpu.memory_space<vmem>> -> memref<1x64xf32, #tpu.memory_space<vmem>>
    %dma_wait3A_2471 = arith.constant 0 : i32
    %dma_wait3A_2472 = tpu.memref_slice %arg1[%get3A_308, %dma_wait3A_2471] : memref<100000x64xf32, #tpu.memory_space<any>> -> memref<1x64xf32, #tpu.memory_space<any>>
    tpu.wait_dma2 semaphore(%arg7 : memref<!tpu.dma_semaphore, #tpu.memory_space<semaphore_mem>>) src(%dma_wait3A_2472 : memref<1x64xf32, #tpu.memory_space<any>>) dst(%dma_wait3A_2470 : memref<1x64xf32, #tpu.memory_space<vmem>>)
    %dma_wait3A_2473 = arith.constant 155 : i32
    %dma_wait3A_2474 = arith.constant 0 : i32
    %dma_wait3A_2475 = tpu.memref_slice %arg6[%dma_wait3A_2473, %dma_wait3A_2474] : memref<256x64xf32, #tpu.memory_space<vmem>> -> memref<1x64xf32, #tpu.memory_space<vmem>>
    %dma_wait3A_2476 = arith.constant 0 : i32
    %dma_wait3A_2477 = tpu.memref_slice %arg1[%get3A_310, %dma_wait3A_2476] : memref<100000x64xf32, #tpu.memory_space<any>> -> memref<1x64xf32, #tpu.memory_space<any>>
    tpu.wait_dma2 semaphore(%arg7 : memref<!tpu.dma_semaphore, #tpu.memory_space<semaphore_mem>>) src(%dma_wait3A_2477 : memref<1x64xf32, #tpu.memory_space<any>>) dst(%dma_wait3A_2475 : memref<1x64xf32, #tpu.memory_space<vmem>>)
    %dma_wait3A_2478 = arith.constant 156 : i32
    %dma_wait3A_2479 = arith.constant 0 : i32
    %dma_wait3A_2480 = tpu.memref_slice %arg6[%dma_wait3A_2478, %dma_wait3A_2479] : memref<256x64xf32, #tpu.memory_space<vmem>> -> memref<1x64xf32, #tpu.memory_space<vmem>>
    %dma_wait3A_2481 = arith.constant 0 : i32
    %dma_wait3A_2482 = tpu.memref_slice %arg1[%get3A_312, %dma_wait3A_2481] : memref<100000x64xf32, #tpu.memory_space<any>> -> memref<1x64xf32, #tpu.memory_space<any>>
    tpu.wait_dma2 semaphore(%arg7 : memref<!tpu.dma_semaphore, #tpu.memory_space<semaphore_mem>>) src(%dma_wait3A_2482 : memref<1x64xf32, #tpu.memory_space<any>>) dst(%dma_wait3A_2480 : memref<1x64xf32, #tpu.memory_space<vmem>>)
    %dma_wait3A_2483 = arith.constant 157 : i32
    %dma_wait3A_2484 = arith.constant 0 : i32
    %dma_wait3A_2485 = tpu.memref_slice %arg6[%dma_wait3A_2483, %dma_wait3A_2484] : memref<256x64xf32, #tpu.memory_space<vmem>> -> memref<1x64xf32, #tpu.memory_space<vmem>>
    %dma_wait3A_2486 = arith.constant 0 : i32
    %dma_wait3A_2487 = tpu.memref_slice %arg1[%get3A_314, %dma_wait3A_2486] : memref<100000x64xf32, #tpu.memory_space<any>> -> memref<1x64xf32, #tpu.memory_space<any>>
    tpu.wait_dma2 semaphore(%arg7 : memref<!tpu.dma_semaphore, #tpu.memory_space<semaphore_mem>>) src(%dma_wait3A_2487 : memref<1x64xf32, #tpu.memory_space<any>>) dst(%dma_wait3A_2485 : memref<1x64xf32, #tpu.memory_space<vmem>>)
    %dma_wait3A_2488 = arith.constant 158 : i32
    %dma_wait3A_2489 = arith.constant 0 : i32
    %dma_wait3A_2490 = tpu.memref_slice %arg6[%dma_wait3A_2488, %dma_wait3A_2489] : memref<256x64xf32, #tpu.memory_space<vmem>> -> memref<1x64xf32, #tpu.memory_space<vmem>>
    %dma_wait3A_2491 = arith.constant 0 : i32
    %dma_wait3A_2492 = tpu.memref_slice %arg1[%get3A_316, %dma_wait3A_2491] : memref<100000x64xf32, #tpu.memory_space<any>> -> memref<1x64xf32, #tpu.memory_space<any>>
    tpu.wait_dma2 semaphore(%arg7 : memref<!tpu.dma_semaphore, #tpu.memory_space<semaphore_mem>>) src(%dma_wait3A_2492 : memref<1x64xf32, #tpu.memory_space<any>>) dst(%dma_wait3A_2490 : memref<1x64xf32, #tpu.memory_space<vmem>>)
    %dma_wait3A_2493 = arith.constant 159 : i32
    %dma_wait3A_2494 = arith.constant 0 : i32
    %dma_wait3A_2495 = tpu.memref_slice %arg6[%dma_wait3A_2493, %dma_wait3A_2494] : memref<256x64xf32, #tpu.memory_space<vmem>> -> memref<1x64xf32, #tpu.memory_space<vmem>>
    %dma_wait3A_2496 = arith.constant 0 : i32
    %dma_wait3A_2497 = tpu.memref_slice %arg1[%get3A_318, %dma_wait3A_2496] : memref<100000x64xf32, #tpu.memory_space<any>> -> memref<1x64xf32, #tpu.memory_space<any>>
    tpu.wait_dma2 semaphore(%arg7 : memref<!tpu.dma_semaphore, #tpu.memory_space<semaphore_mem>>) src(%dma_wait3A_2497 : memref<1x64xf32, #tpu.memory_space<any>>) dst(%dma_wait3A_2495 : memref<1x64xf32, #tpu.memory_space<vmem>>)
    %dma_wait3A_2498 = arith.constant 160 : i32
    %dma_wait3A_2499 = arith.constant 0 : i32
    %dma_wait3A_2500 = tpu.memref_slice %arg6[%dma_wait3A_2498, %dma_wait3A_2499] : memref<256x64xf32, #tpu.memory_space<vmem>> -> memref<1x64xf32, #tpu.memory_space<vmem>>
    %dma_wait3A_2501 = arith.constant 0 : i32
    %dma_wait3A_2502 = tpu.memref_slice %arg1[%get3A_320, %dma_wait3A_2501] : memref<100000x64xf32, #tpu.memory_space<any>> -> memref<1x64xf32, #tpu.memory_space<any>>
    tpu.wait_dma2 semaphore(%arg7 : memref<!tpu.dma_semaphore, #tpu.memory_space<semaphore_mem>>) src(%dma_wait3A_2502 : memref<1x64xf32, #tpu.memory_space<any>>) dst(%dma_wait3A_2500 : memref<1x64xf32, #tpu.memory_space<vmem>>)
    %dma_wait3A_2503 = arith.constant 161 : i32
    %dma_wait3A_2504 = arith.constant 0 : i32
    %dma_wait3A_2505 = tpu.memref_slice %arg6[%dma_wait3A_2503, %dma_wait3A_2504] : memref<256x64xf32, #tpu.memory_space<vmem>> -> memref<1x64xf32, #tpu.memory_space<vmem>>
    %dma_wait3A_2506 = arith.constant 0 : i32
    %dma_wait3A_2507 = tpu.memref_slice %arg1[%get3A_322, %dma_wait3A_2506] : memref<100000x64xf32, #tpu.memory_space<any>> -> memref<1x64xf32, #tpu.memory_space<any>>
    tpu.wait_dma2 semaphore(%arg7 : memref<!tpu.dma_semaphore, #tpu.memory_space<semaphore_mem>>) src(%dma_wait3A_2507 : memref<1x64xf32, #tpu.memory_space<any>>) dst(%dma_wait3A_2505 : memref<1x64xf32, #tpu.memory_space<vmem>>)
    %dma_wait3A_2508 = arith.constant 162 : i32
    %dma_wait3A_2509 = arith.constant 0 : i32
    %dma_wait3A_2510 = tpu.memref_slice %arg6[%dma_wait3A_2508, %dma_wait3A_2509] : memref<256x64xf32, #tpu.memory_space<vmem>> -> memref<1x64xf32, #tpu.memory_space<vmem>>
    %dma_wait3A_2511 = arith.constant 0 : i32
    %dma_wait3A_2512 = tpu.memref_slice %arg1[%get3A_324, %dma_wait3A_2511] : memref<100000x64xf32, #tpu.memory_space<any>> -> memref<1x64xf32, #tpu.memory_space<any>>
    tpu.wait_dma2 semaphore(%arg7 : memref<!tpu.dma_semaphore, #tpu.memory_space<semaphore_mem>>) src(%dma_wait3A_2512 : memref<1x64xf32, #tpu.memory_space<any>>) dst(%dma_wait3A_2510 : memref<1x64xf32, #tpu.memory_space<vmem>>)
    %dma_wait3A_2513 = arith.constant 163 : i32
    %dma_wait3A_2514 = arith.constant 0 : i32
    %dma_wait3A_2515 = tpu.memref_slice %arg6[%dma_wait3A_2513, %dma_wait3A_2514] : memref<256x64xf32, #tpu.memory_space<vmem>> -> memref<1x64xf32, #tpu.memory_space<vmem>>
    %dma_wait3A_2516 = arith.constant 0 : i32
    %dma_wait3A_2517 = tpu.memref_slice %arg1[%get3A_326, %dma_wait3A_2516] : memref<100000x64xf32, #tpu.memory_space<any>> -> memref<1x64xf32, #tpu.memory_space<any>>
    tpu.wait_dma2 semaphore(%arg7 : memref<!tpu.dma_semaphore, #tpu.memory_space<semaphore_mem>>) src(%dma_wait3A_2517 : memref<1x64xf32, #tpu.memory_space<any>>) dst(%dma_wait3A_2515 : memref<1x64xf32, #tpu.memory_space<vmem>>)
    %dma_wait3A_2518 = arith.constant 164 : i32
    %dma_wait3A_2519 = arith.constant 0 : i32
    %dma_wait3A_2520 = tpu.memref_slice %arg6[%dma_wait3A_2518, %dma_wait3A_2519] : memref<256x64xf32, #tpu.memory_space<vmem>> -> memref<1x64xf32, #tpu.memory_space<vmem>>
    %dma_wait3A_2521 = arith.constant 0 : i32
    %dma_wait3A_2522 = tpu.memref_slice %arg1[%get3A_328, %dma_wait3A_2521] : memref<100000x64xf32, #tpu.memory_space<any>> -> memref<1x64xf32, #tpu.memory_space<any>>
    tpu.wait_dma2 semaphore(%arg7 : memref<!tpu.dma_semaphore, #tpu.memory_space<semaphore_mem>>) src(%dma_wait3A_2522 : memref<1x64xf32, #tpu.memory_space<any>>) dst(%dma_wait3A_2520 : memref<1x64xf32, #tpu.memory_space<vmem>>)
    %dma_wait3A_2523 = arith.constant 165 : i32
    %dma_wait3A_2524 = arith.constant 0 : i32
    %dma_wait3A_2525 = tpu.memref_slice %arg6[%dma_wait3A_2523, %dma_wait3A_2524] : memref<256x64xf32, #tpu.memory_space<vmem>> -> memref<1x64xf32, #tpu.memory_space<vmem>>
    %dma_wait3A_2526 = arith.constant 0 : i32
    %dma_wait3A_2527 = tpu.memref_slice %arg1[%get3A_330, %dma_wait3A_2526] : memref<100000x64xf32, #tpu.memory_space<any>> -> memref<1x64xf32, #tpu.memory_space<any>>
    tpu.wait_dma2 semaphore(%arg7 : memref<!tpu.dma_semaphore, #tpu.memory_space<semaphore_mem>>) src(%dma_wait3A_2527 : memref<1x64xf32, #tpu.memory_space<any>>) dst(%dma_wait3A_2525 : memref<1x64xf32, #tpu.memory_space<vmem>>)
    %dma_wait3A_2528 = arith.constant 166 : i32
    %dma_wait3A_2529 = arith.constant 0 : i32
    %dma_wait3A_2530 = tpu.memref_slice %arg6[%dma_wait3A_2528, %dma_wait3A_2529] : memref<256x64xf32, #tpu.memory_space<vmem>> -> memref<1x64xf32, #tpu.memory_space<vmem>>
    %dma_wait3A_2531 = arith.constant 0 : i32
    %dma_wait3A_2532 = tpu.memref_slice %arg1[%get3A_332, %dma_wait3A_2531] : memref<100000x64xf32, #tpu.memory_space<any>> -> memref<1x64xf32, #tpu.memory_space<any>>
    tpu.wait_dma2 semaphore(%arg7 : memref<!tpu.dma_semaphore, #tpu.memory_space<semaphore_mem>>) src(%dma_wait3A_2532 : memref<1x64xf32, #tpu.memory_space<any>>) dst(%dma_wait3A_2530 : memref<1x64xf32, #tpu.memory_space<vmem>>)
    %dma_wait3A_2533 = arith.constant 167 : i32
    %dma_wait3A_2534 = arith.constant 0 : i32
    %dma_wait3A_2535 = tpu.memref_slice %arg6[%dma_wait3A_2533, %dma_wait3A_2534] : memref<256x64xf32, #tpu.memory_space<vmem>> -> memref<1x64xf32, #tpu.memory_space<vmem>>
    %dma_wait3A_2536 = arith.constant 0 : i32
    %dma_wait3A_2537 = tpu.memref_slice %arg1[%get3A_334, %dma_wait3A_2536] : memref<100000x64xf32, #tpu.memory_space<any>> -> memref<1x64xf32, #tpu.memory_space<any>>
    tpu.wait_dma2 semaphore(%arg7 : memref<!tpu.dma_semaphore, #tpu.memory_space<semaphore_mem>>) src(%dma_wait3A_2537 : memref<1x64xf32, #tpu.memory_space<any>>) dst(%dma_wait3A_2535 : memref<1x64xf32, #tpu.memory_space<vmem>>)
    %dma_wait3A_2538 = arith.constant 168 : i32
    %dma_wait3A_2539 = arith.constant 0 : i32
    %dma_wait3A_2540 = tpu.memref_slice %arg6[%dma_wait3A_2538, %dma_wait3A_2539] : memref<256x64xf32, #tpu.memory_space<vmem>> -> memref<1x64xf32, #tpu.memory_space<vmem>>
    %dma_wait3A_2541 = arith.constant 0 : i32
    %dma_wait3A_2542 = tpu.memref_slice %arg1[%get3A_336, %dma_wait3A_2541] : memref<100000x64xf32, #tpu.memory_space<any>> -> memref<1x64xf32, #tpu.memory_space<any>>
    tpu.wait_dma2 semaphore(%arg7 : memref<!tpu.dma_semaphore, #tpu.memory_space<semaphore_mem>>) src(%dma_wait3A_2542 : memref<1x64xf32, #tpu.memory_space<any>>) dst(%dma_wait3A_2540 : memref<1x64xf32, #tpu.memory_space<vmem>>)
    %dma_wait3A_2543 = arith.constant 169 : i32
    %dma_wait3A_2544 = arith.constant 0 : i32
    %dma_wait3A_2545 = tpu.memref_slice %arg6[%dma_wait3A_2543, %dma_wait3A_2544] : memref<256x64xf32, #tpu.memory_space<vmem>> -> memref<1x64xf32, #tpu.memory_space<vmem>>
    %dma_wait3A_2546 = arith.constant 0 : i32
    %dma_wait3A_2547 = tpu.memref_slice %arg1[%get3A_338, %dma_wait3A_2546] : memref<100000x64xf32, #tpu.memory_space<any>> -> memref<1x64xf32, #tpu.memory_space<any>>
    tpu.wait_dma2 semaphore(%arg7 : memref<!tpu.dma_semaphore, #tpu.memory_space<semaphore_mem>>) src(%dma_wait3A_2547 : memref<1x64xf32, #tpu.memory_space<any>>) dst(%dma_wait3A_2545 : memref<1x64xf32, #tpu.memory_space<vmem>>)
    %dma_wait3A_2548 = arith.constant 170 : i32
    %dma_wait3A_2549 = arith.constant 0 : i32
    %dma_wait3A_2550 = tpu.memref_slice %arg6[%dma_wait3A_2548, %dma_wait3A_2549] : memref<256x64xf32, #tpu.memory_space<vmem>> -> memref<1x64xf32, #tpu.memory_space<vmem>>
    %dma_wait3A_2551 = arith.constant 0 : i32
    %dma_wait3A_2552 = tpu.memref_slice %arg1[%get3A_340, %dma_wait3A_2551] : memref<100000x64xf32, #tpu.memory_space<any>> -> memref<1x64xf32, #tpu.memory_space<any>>
    tpu.wait_dma2 semaphore(%arg7 : memref<!tpu.dma_semaphore, #tpu.memory_space<semaphore_mem>>) src(%dma_wait3A_2552 : memref<1x64xf32, #tpu.memory_space<any>>) dst(%dma_wait3A_2550 : memref<1x64xf32, #tpu.memory_space<vmem>>)
    %dma_wait3A_2553 = arith.constant 171 : i32
    %dma_wait3A_2554 = arith.constant 0 : i32
    %dma_wait3A_2555 = tpu.memref_slice %arg6[%dma_wait3A_2553, %dma_wait3A_2554] : memref<256x64xf32, #tpu.memory_space<vmem>> -> memref<1x64xf32, #tpu.memory_space<vmem>>
    %dma_wait3A_2556 = arith.constant 0 : i32
    %dma_wait3A_2557 = tpu.memref_slice %arg1[%get3A_342, %dma_wait3A_2556] : memref<100000x64xf32, #tpu.memory_space<any>> -> memref<1x64xf32, #tpu.memory_space<any>>
    tpu.wait_dma2 semaphore(%arg7 : memref<!tpu.dma_semaphore, #tpu.memory_space<semaphore_mem>>) src(%dma_wait3A_2557 : memref<1x64xf32, #tpu.memory_space<any>>) dst(%dma_wait3A_2555 : memref<1x64xf32, #tpu.memory_space<vmem>>)
    %dma_wait3A_2558 = arith.constant 172 : i32
    %dma_wait3A_2559 = arith.constant 0 : i32
    %dma_wait3A_2560 = tpu.memref_slice %arg6[%dma_wait3A_2558, %dma_wait3A_2559] : memref<256x64xf32, #tpu.memory_space<vmem>> -> memref<1x64xf32, #tpu.memory_space<vmem>>
    %dma_wait3A_2561 = arith.constant 0 : i32
    %dma_wait3A_2562 = tpu.memref_slice %arg1[%get3A_344, %dma_wait3A_2561] : memref<100000x64xf32, #tpu.memory_space<any>> -> memref<1x64xf32, #tpu.memory_space<any>>
    tpu.wait_dma2 semaphore(%arg7 : memref<!tpu.dma_semaphore, #tpu.memory_space<semaphore_mem>>) src(%dma_wait3A_2562 : memref<1x64xf32, #tpu.memory_space<any>>) dst(%dma_wait3A_2560 : memref<1x64xf32, #tpu.memory_space<vmem>>)
    %dma_wait3A_2563 = arith.constant 173 : i32
    %dma_wait3A_2564 = arith.constant 0 : i32
    %dma_wait3A_2565 = tpu.memref_slice %arg6[%dma_wait3A_2563, %dma_wait3A_2564] : memref<256x64xf32, #tpu.memory_space<vmem>> -> memref<1x64xf32, #tpu.memory_space<vmem>>
    %dma_wait3A_2566 = arith.constant 0 : i32
    %dma_wait3A_2567 = tpu.memref_slice %arg1[%get3A_346, %dma_wait3A_2566] : memref<100000x64xf32, #tpu.memory_space<any>> -> memref<1x64xf32, #tpu.memory_space<any>>
    tpu.wait_dma2 semaphore(%arg7 : memref<!tpu.dma_semaphore, #tpu.memory_space<semaphore_mem>>) src(%dma_wait3A_2567 : memref<1x64xf32, #tpu.memory_space<any>>) dst(%dma_wait3A_2565 : memref<1x64xf32, #tpu.memory_space<vmem>>)
    %dma_wait3A_2568 = arith.constant 174 : i32
    %dma_wait3A_2569 = arith.constant 0 : i32
    %dma_wait3A_2570 = tpu.memref_slice %arg6[%dma_wait3A_2568, %dma_wait3A_2569] : memref<256x64xf32, #tpu.memory_space<vmem>> -> memref<1x64xf32, #tpu.memory_space<vmem>>
    %dma_wait3A_2571 = arith.constant 0 : i32
    %dma_wait3A_2572 = tpu.memref_slice %arg1[%get3A_348, %dma_wait3A_2571] : memref<100000x64xf32, #tpu.memory_space<any>> -> memref<1x64xf32, #tpu.memory_space<any>>
    tpu.wait_dma2 semaphore(%arg7 : memref<!tpu.dma_semaphore, #tpu.memory_space<semaphore_mem>>) src(%dma_wait3A_2572 : memref<1x64xf32, #tpu.memory_space<any>>) dst(%dma_wait3A_2570 : memref<1x64xf32, #tpu.memory_space<vmem>>)
    %dma_wait3A_2573 = arith.constant 175 : i32
    %dma_wait3A_2574 = arith.constant 0 : i32
    %dma_wait3A_2575 = tpu.memref_slice %arg6[%dma_wait3A_2573, %dma_wait3A_2574] : memref<256x64xf32, #tpu.memory_space<vmem>> -> memref<1x64xf32, #tpu.memory_space<vmem>>
    %dma_wait3A_2576 = arith.constant 0 : i32
    %dma_wait3A_2577 = tpu.memref_slice %arg1[%get3A_350, %dma_wait3A_2576] : memref<100000x64xf32, #tpu.memory_space<any>> -> memref<1x64xf32, #tpu.memory_space<any>>
    tpu.wait_dma2 semaphore(%arg7 : memref<!tpu.dma_semaphore, #tpu.memory_space<semaphore_mem>>) src(%dma_wait3A_2577 : memref<1x64xf32, #tpu.memory_space<any>>) dst(%dma_wait3A_2575 : memref<1x64xf32, #tpu.memory_space<vmem>>)
    %dma_wait3A_2578 = arith.constant 176 : i32
    %dma_wait3A_2579 = arith.constant 0 : i32
    %dma_wait3A_2580 = tpu.memref_slice %arg6[%dma_wait3A_2578, %dma_wait3A_2579] : memref<256x64xf32, #tpu.memory_space<vmem>> -> memref<1x64xf32, #tpu.memory_space<vmem>>
    %dma_wait3A_2581 = arith.constant 0 : i32
    %dma_wait3A_2582 = tpu.memref_slice %arg1[%get3A_352, %dma_wait3A_2581] : memref<100000x64xf32, #tpu.memory_space<any>> -> memref<1x64xf32, #tpu.memory_space<any>>
    tpu.wait_dma2 semaphore(%arg7 : memref<!tpu.dma_semaphore, #tpu.memory_space<semaphore_mem>>) src(%dma_wait3A_2582 : memref<1x64xf32, #tpu.memory_space<any>>) dst(%dma_wait3A_2580 : memref<1x64xf32, #tpu.memory_space<vmem>>)
    %dma_wait3A_2583 = arith.constant 177 : i32
    %dma_wait3A_2584 = arith.constant 0 : i32
    %dma_wait3A_2585 = tpu.memref_slice %arg6[%dma_wait3A_2583, %dma_wait3A_2584] : memref<256x64xf32, #tpu.memory_space<vmem>> -> memref<1x64xf32, #tpu.memory_space<vmem>>
    %dma_wait3A_2586 = arith.constant 0 : i32
    %dma_wait3A_2587 = tpu.memref_slice %arg1[%get3A_354, %dma_wait3A_2586] : memref<100000x64xf32, #tpu.memory_space<any>> -> memref<1x64xf32, #tpu.memory_space<any>>
    tpu.wait_dma2 semaphore(%arg7 : memref<!tpu.dma_semaphore, #tpu.memory_space<semaphore_mem>>) src(%dma_wait3A_2587 : memref<1x64xf32, #tpu.memory_space<any>>) dst(%dma_wait3A_2585 : memref<1x64xf32, #tpu.memory_space<vmem>>)
    %dma_wait3A_2588 = arith.constant 178 : i32
    %dma_wait3A_2589 = arith.constant 0 : i32
    %dma_wait3A_2590 = tpu.memref_slice %arg6[%dma_wait3A_2588, %dma_wait3A_2589] : memref<256x64xf32, #tpu.memory_space<vmem>> -> memref<1x64xf32, #tpu.memory_space<vmem>>
    %dma_wait3A_2591 = arith.constant 0 : i32
    %dma_wait3A_2592 = tpu.memref_slice %arg1[%get3A_356, %dma_wait3A_2591] : memref<100000x64xf32, #tpu.memory_space<any>> -> memref<1x64xf32, #tpu.memory_space<any>>
    tpu.wait_dma2 semaphore(%arg7 : memref<!tpu.dma_semaphore, #tpu.memory_space<semaphore_mem>>) src(%dma_wait3A_2592 : memref<1x64xf32, #tpu.memory_space<any>>) dst(%dma_wait3A_2590 : memref<1x64xf32, #tpu.memory_space<vmem>>)
    %dma_wait3A_2593 = arith.constant 179 : i32
    %dma_wait3A_2594 = arith.constant 0 : i32
    %dma_wait3A_2595 = tpu.memref_slice %arg6[%dma_wait3A_2593, %dma_wait3A_2594] : memref<256x64xf32, #tpu.memory_space<vmem>> -> memref<1x64xf32, #tpu.memory_space<vmem>>
    %dma_wait3A_2596 = arith.constant 0 : i32
    %dma_wait3A_2597 = tpu.memref_slice %arg1[%get3A_358, %dma_wait3A_2596] : memref<100000x64xf32, #tpu.memory_space<any>> -> memref<1x64xf32, #tpu.memory_space<any>>
    tpu.wait_dma2 semaphore(%arg7 : memref<!tpu.dma_semaphore, #tpu.memory_space<semaphore_mem>>) src(%dma_wait3A_2597 : memref<1x64xf32, #tpu.memory_space<any>>) dst(%dma_wait3A_2595 : memref<1x64xf32, #tpu.memory_space<vmem>>)
    %dma_wait3A_2598 = arith.constant 180 : i32
    %dma_wait3A_2599 = arith.constant 0 : i32
    %dma_wait3A_2600 = tpu.memref_slice %arg6[%dma_wait3A_2598, %dma_wait3A_2599] : memref<256x64xf32, #tpu.memory_space<vmem>> -> memref<1x64xf32, #tpu.memory_space<vmem>>
    %dma_wait3A_2601 = arith.constant 0 : i32
    %dma_wait3A_2602 = tpu.memref_slice %arg1[%get3A_360, %dma_wait3A_2601] : memref<100000x64xf32, #tpu.memory_space<any>> -> memref<1x64xf32, #tpu.memory_space<any>>
    tpu.wait_dma2 semaphore(%arg7 : memref<!tpu.dma_semaphore, #tpu.memory_space<semaphore_mem>>) src(%dma_wait3A_2602 : memref<1x64xf32, #tpu.memory_space<any>>) dst(%dma_wait3A_2600 : memref<1x64xf32, #tpu.memory_space<vmem>>)
    %dma_wait3A_2603 = arith.constant 181 : i32
    %dma_wait3A_2604 = arith.constant 0 : i32
    %dma_wait3A_2605 = tpu.memref_slice %arg6[%dma_wait3A_2603, %dma_wait3A_2604] : memref<256x64xf32, #tpu.memory_space<vmem>> -> memref<1x64xf32, #tpu.memory_space<vmem>>
    %dma_wait3A_2606 = arith.constant 0 : i32
    %dma_wait3A_2607 = tpu.memref_slice %arg1[%get3A_362, %dma_wait3A_2606] : memref<100000x64xf32, #tpu.memory_space<any>> -> memref<1x64xf32, #tpu.memory_space<any>>
    tpu.wait_dma2 semaphore(%arg7 : memref<!tpu.dma_semaphore, #tpu.memory_space<semaphore_mem>>) src(%dma_wait3A_2607 : memref<1x64xf32, #tpu.memory_space<any>>) dst(%dma_wait3A_2605 : memref<1x64xf32, #tpu.memory_space<vmem>>)
    %dma_wait3A_2608 = arith.constant 182 : i32
    %dma_wait3A_2609 = arith.constant 0 : i32
    %dma_wait3A_2610 = tpu.memref_slice %arg6[%dma_wait3A_2608, %dma_wait3A_2609] : memref<256x64xf32, #tpu.memory_space<vmem>> -> memref<1x64xf32, #tpu.memory_space<vmem>>
    %dma_wait3A_2611 = arith.constant 0 : i32
    %dma_wait3A_2612 = tpu.memref_slice %arg1[%get3A_364, %dma_wait3A_2611] : memref<100000x64xf32, #tpu.memory_space<any>> -> memref<1x64xf32, #tpu.memory_space<any>>
    tpu.wait_dma2 semaphore(%arg7 : memref<!tpu.dma_semaphore, #tpu.memory_space<semaphore_mem>>) src(%dma_wait3A_2612 : memref<1x64xf32, #tpu.memory_space<any>>) dst(%dma_wait3A_2610 : memref<1x64xf32, #tpu.memory_space<vmem>>)
    %dma_wait3A_2613 = arith.constant 183 : i32
    %dma_wait3A_2614 = arith.constant 0 : i32
    %dma_wait3A_2615 = tpu.memref_slice %arg6[%dma_wait3A_2613, %dma_wait3A_2614] : memref<256x64xf32, #tpu.memory_space<vmem>> -> memref<1x64xf32, #tpu.memory_space<vmem>>
    %dma_wait3A_2616 = arith.constant 0 : i32
    %dma_wait3A_2617 = tpu.memref_slice %arg1[%get3A_366, %dma_wait3A_2616] : memref<100000x64xf32, #tpu.memory_space<any>> -> memref<1x64xf32, #tpu.memory_space<any>>
    tpu.wait_dma2 semaphore(%arg7 : memref<!tpu.dma_semaphore, #tpu.memory_space<semaphore_mem>>) src(%dma_wait3A_2617 : memref<1x64xf32, #tpu.memory_space<any>>) dst(%dma_wait3A_2615 : memref<1x64xf32, #tpu.memory_space<vmem>>)
    %dma_wait3A_2618 = arith.constant 184 : i32
    %dma_wait3A_2619 = arith.constant 0 : i32
    %dma_wait3A_2620 = tpu.memref_slice %arg6[%dma_wait3A_2618, %dma_wait3A_2619] : memref<256x64xf32, #tpu.memory_space<vmem>> -> memref<1x64xf32, #tpu.memory_space<vmem>>
    %dma_wait3A_2621 = arith.constant 0 : i32
    %dma_wait3A_2622 = tpu.memref_slice %arg1[%get3A_368, %dma_wait3A_2621] : memref<100000x64xf32, #tpu.memory_space<any>> -> memref<1x64xf32, #tpu.memory_space<any>>
    tpu.wait_dma2 semaphore(%arg7 : memref<!tpu.dma_semaphore, #tpu.memory_space<semaphore_mem>>) src(%dma_wait3A_2622 : memref<1x64xf32, #tpu.memory_space<any>>) dst(%dma_wait3A_2620 : memref<1x64xf32, #tpu.memory_space<vmem>>)
    %dma_wait3A_2623 = arith.constant 185 : i32
    %dma_wait3A_2624 = arith.constant 0 : i32
    %dma_wait3A_2625 = tpu.memref_slice %arg6[%dma_wait3A_2623, %dma_wait3A_2624] : memref<256x64xf32, #tpu.memory_space<vmem>> -> memref<1x64xf32, #tpu.memory_space<vmem>>
    %dma_wait3A_2626 = arith.constant 0 : i32
    %dma_wait3A_2627 = tpu.memref_slice %arg1[%get3A_370, %dma_wait3A_2626] : memref<100000x64xf32, #tpu.memory_space<any>> -> memref<1x64xf32, #tpu.memory_space<any>>
    tpu.wait_dma2 semaphore(%arg7 : memref<!tpu.dma_semaphore, #tpu.memory_space<semaphore_mem>>) src(%dma_wait3A_2627 : memref<1x64xf32, #tpu.memory_space<any>>) dst(%dma_wait3A_2625 : memref<1x64xf32, #tpu.memory_space<vmem>>)
    %dma_wait3A_2628 = arith.constant 186 : i32
    %dma_wait3A_2629 = arith.constant 0 : i32
    %dma_wait3A_2630 = tpu.memref_slice %arg6[%dma_wait3A_2628, %dma_wait3A_2629] : memref<256x64xf32, #tpu.memory_space<vmem>> -> memref<1x64xf32, #tpu.memory_space<vmem>>
    %dma_wait3A_2631 = arith.constant 0 : i32
    %dma_wait3A_2632 = tpu.memref_slice %arg1[%get3A_372, %dma_wait3A_2631] : memref<100000x64xf32, #tpu.memory_space<any>> -> memref<1x64xf32, #tpu.memory_space<any>>
    tpu.wait_dma2 semaphore(%arg7 : memref<!tpu.dma_semaphore, #tpu.memory_space<semaphore_mem>>) src(%dma_wait3A_2632 : memref<1x64xf32, #tpu.memory_space<any>>) dst(%dma_wait3A_2630 : memref<1x64xf32, #tpu.memory_space<vmem>>)
    %dma_wait3A_2633 = arith.constant 187 : i32
    %dma_wait3A_2634 = arith.constant 0 : i32
    %dma_wait3A_2635 = tpu.memref_slice %arg6[%dma_wait3A_2633, %dma_wait3A_2634] : memref<256x64xf32, #tpu.memory_space<vmem>> -> memref<1x64xf32, #tpu.memory_space<vmem>>
    %dma_wait3A_2636 = arith.constant 0 : i32
    %dma_wait3A_2637 = tpu.memref_slice %arg1[%get3A_374, %dma_wait3A_2636] : memref<100000x64xf32, #tpu.memory_space<any>> -> memref<1x64xf32, #tpu.memory_space<any>>
    tpu.wait_dma2 semaphore(%arg7 : memref<!tpu.dma_semaphore, #tpu.memory_space<semaphore_mem>>) src(%dma_wait3A_2637 : memref<1x64xf32, #tpu.memory_space<any>>) dst(%dma_wait3A_2635 : memref<1x64xf32, #tpu.memory_space<vmem>>)
    %dma_wait3A_2638 = arith.constant 188 : i32
    %dma_wait3A_2639 = arith.constant 0 : i32
    %dma_wait3A_2640 = tpu.memref_slice %arg6[%dma_wait3A_2638, %dma_wait3A_2639] : memref<256x64xf32, #tpu.memory_space<vmem>> -> memref<1x64xf32, #tpu.memory_space<vmem>>
    %dma_wait3A_2641 = arith.constant 0 : i32
    %dma_wait3A_2642 = tpu.memref_slice %arg1[%get3A_376, %dma_wait3A_2641] : memref<100000x64xf32, #tpu.memory_space<any>> -> memref<1x64xf32, #tpu.memory_space<any>>
    tpu.wait_dma2 semaphore(%arg7 : memref<!tpu.dma_semaphore, #tpu.memory_space<semaphore_mem>>) src(%dma_wait3A_2642 : memref<1x64xf32, #tpu.memory_space<any>>) dst(%dma_wait3A_2640 : memref<1x64xf32, #tpu.memory_space<vmem>>)
    %dma_wait3A_2643 = arith.constant 189 : i32
    %dma_wait3A_2644 = arith.constant 0 : i32
    %dma_wait3A_2645 = tpu.memref_slice %arg6[%dma_wait3A_2643, %dma_wait3A_2644] : memref<256x64xf32, #tpu.memory_space<vmem>> -> memref<1x64xf32, #tpu.memory_space<vmem>>
    %dma_wait3A_2646 = arith.constant 0 : i32
    %dma_wait3A_2647 = tpu.memref_slice %arg1[%get3A_378, %dma_wait3A_2646] : memref<100000x64xf32, #tpu.memory_space<any>> -> memref<1x64xf32, #tpu.memory_space<any>>
    tpu.wait_dma2 semaphore(%arg7 : memref<!tpu.dma_semaphore, #tpu.memory_space<semaphore_mem>>) src(%dma_wait3A_2647 : memref<1x64xf32, #tpu.memory_space<any>>) dst(%dma_wait3A_2645 : memref<1x64xf32, #tpu.memory_space<vmem>>)
    %dma_wait3A_2648 = arith.constant 190 : i32
    %dma_wait3A_2649 = arith.constant 0 : i32
    %dma_wait3A_2650 = tpu.memref_slice %arg6[%dma_wait3A_2648, %dma_wait3A_2649] : memref<256x64xf32, #tpu.memory_space<vmem>> -> memref<1x64xf32, #tpu.memory_space<vmem>>
    %dma_wait3A_2651 = arith.constant 0 : i32
    %dma_wait3A_2652 = tpu.memref_slice %arg1[%get3A_380, %dma_wait3A_2651] : memref<100000x64xf32, #tpu.memory_space<any>> -> memref<1x64xf32, #tpu.memory_space<any>>
    tpu.wait_dma2 semaphore(%arg7 : memref<!tpu.dma_semaphore, #tpu.memory_space<semaphore_mem>>) src(%dma_wait3A_2652 : memref<1x64xf32, #tpu.memory_space<any>>) dst(%dma_wait3A_2650 : memref<1x64xf32, #tpu.memory_space<vmem>>)
    %dma_wait3A_2653 = arith.constant 191 : i32
    %dma_wait3A_2654 = arith.constant 0 : i32
    %dma_wait3A_2655 = tpu.memref_slice %arg6[%dma_wait3A_2653, %dma_wait3A_2654] : memref<256x64xf32, #tpu.memory_space<vmem>> -> memref<1x64xf32, #tpu.memory_space<vmem>>
    %dma_wait3A_2656 = arith.constant 0 : i32
    %dma_wait3A_2657 = tpu.memref_slice %arg1[%get3A_382, %dma_wait3A_2656] : memref<100000x64xf32, #tpu.memory_space<any>> -> memref<1x64xf32, #tpu.memory_space<any>>
    tpu.wait_dma2 semaphore(%arg7 : memref<!tpu.dma_semaphore, #tpu.memory_space<semaphore_mem>>) src(%dma_wait3A_2657 : memref<1x64xf32, #tpu.memory_space<any>>) dst(%dma_wait3A_2655 : memref<1x64xf32, #tpu.memory_space<vmem>>)
    %dma_wait3A_2658 = arith.constant 192 : i32
    %dma_wait3A_2659 = arith.constant 0 : i32
    %dma_wait3A_2660 = tpu.memref_slice %arg6[%dma_wait3A_2658, %dma_wait3A_2659] : memref<256x64xf32, #tpu.memory_space<vmem>> -> memref<1x64xf32, #tpu.memory_space<vmem>>
    %dma_wait3A_2661 = arith.constant 0 : i32
    %dma_wait3A_2662 = tpu.memref_slice %arg1[%get3A_384, %dma_wait3A_2661] : memref<100000x64xf32, #tpu.memory_space<any>> -> memref<1x64xf32, #tpu.memory_space<any>>
    tpu.wait_dma2 semaphore(%arg7 : memref<!tpu.dma_semaphore, #tpu.memory_space<semaphore_mem>>) src(%dma_wait3A_2662 : memref<1x64xf32, #tpu.memory_space<any>>) dst(%dma_wait3A_2660 : memref<1x64xf32, #tpu.memory_space<vmem>>)
    %dma_wait3A_2663 = arith.constant 193 : i32
    %dma_wait3A_2664 = arith.constant 0 : i32
    %dma_wait3A_2665 = tpu.memref_slice %arg6[%dma_wait3A_2663, %dma_wait3A_2664] : memref<256x64xf32, #tpu.memory_space<vmem>> -> memref<1x64xf32, #tpu.memory_space<vmem>>
    %dma_wait3A_2666 = arith.constant 0 : i32
    %dma_wait3A_2667 = tpu.memref_slice %arg1[%get3A_386, %dma_wait3A_2666] : memref<100000x64xf32, #tpu.memory_space<any>> -> memref<1x64xf32, #tpu.memory_space<any>>
    tpu.wait_dma2 semaphore(%arg7 : memref<!tpu.dma_semaphore, #tpu.memory_space<semaphore_mem>>) src(%dma_wait3A_2667 : memref<1x64xf32, #tpu.memory_space<any>>) dst(%dma_wait3A_2665 : memref<1x64xf32, #tpu.memory_space<vmem>>)
    %dma_wait3A_2668 = arith.constant 194 : i32
    %dma_wait3A_2669 = arith.constant 0 : i32
    %dma_wait3A_2670 = tpu.memref_slice %arg6[%dma_wait3A_2668, %dma_wait3A_2669] : memref<256x64xf32, #tpu.memory_space<vmem>> -> memref<1x64xf32, #tpu.memory_space<vmem>>
    %dma_wait3A_2671 = arith.constant 0 : i32
    %dma_wait3A_2672 = tpu.memref_slice %arg1[%get3A_388, %dma_wait3A_2671] : memref<100000x64xf32, #tpu.memory_space<any>> -> memref<1x64xf32, #tpu.memory_space<any>>
    tpu.wait_dma2 semaphore(%arg7 : memref<!tpu.dma_semaphore, #tpu.memory_space<semaphore_mem>>) src(%dma_wait3A_2672 : memref<1x64xf32, #tpu.memory_space<any>>) dst(%dma_wait3A_2670 : memref<1x64xf32, #tpu.memory_space<vmem>>)
    %dma_wait3A_2673 = arith.constant 195 : i32
    %dma_wait3A_2674 = arith.constant 0 : i32
    %dma_wait3A_2675 = tpu.memref_slice %arg6[%dma_wait3A_2673, %dma_wait3A_2674] : memref<256x64xf32, #tpu.memory_space<vmem>> -> memref<1x64xf32, #tpu.memory_space<vmem>>
    %dma_wait3A_2676 = arith.constant 0 : i32
    %dma_wait3A_2677 = tpu.memref_slice %arg1[%get3A_390, %dma_wait3A_2676] : memref<100000x64xf32, #tpu.memory_space<any>> -> memref<1x64xf32, #tpu.memory_space<any>>
    tpu.wait_dma2 semaphore(%arg7 : memref<!tpu.dma_semaphore, #tpu.memory_space<semaphore_mem>>) src(%dma_wait3A_2677 : memref<1x64xf32, #tpu.memory_space<any>>) dst(%dma_wait3A_2675 : memref<1x64xf32, #tpu.memory_space<vmem>>)
    %dma_wait3A_2678 = arith.constant 196 : i32
    %dma_wait3A_2679 = arith.constant 0 : i32
    %dma_wait3A_2680 = tpu.memref_slice %arg6[%dma_wait3A_2678, %dma_wait3A_2679] : memref<256x64xf32, #tpu.memory_space<vmem>> -> memref<1x64xf32, #tpu.memory_space<vmem>>
    %dma_wait3A_2681 = arith.constant 0 : i32
    %dma_wait3A_2682 = tpu.memref_slice %arg1[%get3A_392, %dma_wait3A_2681] : memref<100000x64xf32, #tpu.memory_space<any>> -> memref<1x64xf32, #tpu.memory_space<any>>
    tpu.wait_dma2 semaphore(%arg7 : memref<!tpu.dma_semaphore, #tpu.memory_space<semaphore_mem>>) src(%dma_wait3A_2682 : memref<1x64xf32, #tpu.memory_space<any>>) dst(%dma_wait3A_2680 : memref<1x64xf32, #tpu.memory_space<vmem>>)
    %dma_wait3A_2683 = arith.constant 197 : i32
    %dma_wait3A_2684 = arith.constant 0 : i32
    %dma_wait3A_2685 = tpu.memref_slice %arg6[%dma_wait3A_2683, %dma_wait3A_2684] : memref<256x64xf32, #tpu.memory_space<vmem>> -> memref<1x64xf32, #tpu.memory_space<vmem>>
    %dma_wait3A_2686 = arith.constant 0 : i32
    %dma_wait3A_2687 = tpu.memref_slice %arg1[%get3A_394, %dma_wait3A_2686] : memref<100000x64xf32, #tpu.memory_space<any>> -> memref<1x64xf32, #tpu.memory_space<any>>
    tpu.wait_dma2 semaphore(%arg7 : memref<!tpu.dma_semaphore, #tpu.memory_space<semaphore_mem>>) src(%dma_wait3A_2687 : memref<1x64xf32, #tpu.memory_space<any>>) dst(%dma_wait3A_2685 : memref<1x64xf32, #tpu.memory_space<vmem>>)
    %dma_wait3A_2688 = arith.constant 198 : i32
    %dma_wait3A_2689 = arith.constant 0 : i32
    %dma_wait3A_2690 = tpu.memref_slice %arg6[%dma_wait3A_2688, %dma_wait3A_2689] : memref<256x64xf32, #tpu.memory_space<vmem>> -> memref<1x64xf32, #tpu.memory_space<vmem>>
    %dma_wait3A_2691 = arith.constant 0 : i32
    %dma_wait3A_2692 = tpu.memref_slice %arg1[%get3A_396, %dma_wait3A_2691] : memref<100000x64xf32, #tpu.memory_space<any>> -> memref<1x64xf32, #tpu.memory_space<any>>
    tpu.wait_dma2 semaphore(%arg7 : memref<!tpu.dma_semaphore, #tpu.memory_space<semaphore_mem>>) src(%dma_wait3A_2692 : memref<1x64xf32, #tpu.memory_space<any>>) dst(%dma_wait3A_2690 : memref<1x64xf32, #tpu.memory_space<vmem>>)
    %dma_wait3A_2693 = arith.constant 199 : i32
    %dma_wait3A_2694 = arith.constant 0 : i32
    %dma_wait3A_2695 = tpu.memref_slice %arg6[%dma_wait3A_2693, %dma_wait3A_2694] : memref<256x64xf32, #tpu.memory_space<vmem>> -> memref<1x64xf32, #tpu.memory_space<vmem>>
    %dma_wait3A_2696 = arith.constant 0 : i32
    %dma_wait3A_2697 = tpu.memref_slice %arg1[%get3A_398, %dma_wait3A_2696] : memref<100000x64xf32, #tpu.memory_space<any>> -> memref<1x64xf32, #tpu.memory_space<any>>
    tpu.wait_dma2 semaphore(%arg7 : memref<!tpu.dma_semaphore, #tpu.memory_space<semaphore_mem>>) src(%dma_wait3A_2697 : memref<1x64xf32, #tpu.memory_space<any>>) dst(%dma_wait3A_2695 : memref<1x64xf32, #tpu.memory_space<vmem>>)
    %dma_wait3A_2698 = arith.constant 200 : i32
    %dma_wait3A_2699 = arith.constant 0 : i32
    %dma_wait3A_2700 = tpu.memref_slice %arg6[%dma_wait3A_2698, %dma_wait3A_2699] : memref<256x64xf32, #tpu.memory_space<vmem>> -> memref<1x64xf32, #tpu.memory_space<vmem>>
    %dma_wait3A_2701 = arith.constant 0 : i32
    %dma_wait3A_2702 = tpu.memref_slice %arg2[%get3A_400, %dma_wait3A_2701] : memref<100000x64xf32, #tpu.memory_space<any>> -> memref<1x64xf32, #tpu.memory_space<any>>
    tpu.wait_dma2 semaphore(%arg7 : memref<!tpu.dma_semaphore, #tpu.memory_space<semaphore_mem>>) src(%dma_wait3A_2702 : memref<1x64xf32, #tpu.memory_space<any>>) dst(%dma_wait3A_2700 : memref<1x64xf32, #tpu.memory_space<vmem>>)
    %dma_wait3A_2703 = arith.constant 221 : i32
    %dma_wait3A_2704 = arith.constant 0 : i32
    %dma_wait3A_2705 = tpu.memref_slice %arg6[%dma_wait3A_2703, %dma_wait3A_2704] : memref<256x64xf32, #tpu.memory_space<vmem>> -> memref<1x64xf32, #tpu.memory_space<vmem>>
    %dma_wait3A_2706 = arith.constant 0 : i32
    %dma_wait3A_2707 = tpu.memref_slice %arg3[%get3A_402, %dma_wait3A_2706] : memref<100000x64xf32, #tpu.memory_space<any>> -> memref<1x64xf32, #tpu.memory_space<any>>
    tpu.wait_dma2 semaphore(%arg7 : memref<!tpu.dma_semaphore, #tpu.memory_space<semaphore_mem>>) src(%dma_wait3A_2707 : memref<1x64xf32, #tpu.memory_space<any>>) dst(%dma_wait3A_2705 : memref<1x64xf32, #tpu.memory_space<vmem>>)
    %dma_wait3A_2708 = arith.constant 201 : i32
    %dma_wait3A_2709 = arith.constant 0 : i32
    %dma_wait3A_2710 = tpu.memref_slice %arg6[%dma_wait3A_2708, %dma_wait3A_2709] : memref<256x64xf32, #tpu.memory_space<vmem>> -> memref<1x64xf32, #tpu.memory_space<vmem>>
    %dma_wait3A_2711 = arith.constant 0 : i32
    %dma_wait3A_2712 = tpu.memref_slice %arg2[%get3A_404, %dma_wait3A_2711] : memref<100000x64xf32, #tpu.memory_space<any>> -> memref<1x64xf32, #tpu.memory_space<any>>
    tpu.wait_dma2 semaphore(%arg7 : memref<!tpu.dma_semaphore, #tpu.memory_space<semaphore_mem>>) src(%dma_wait3A_2712 : memref<1x64xf32, #tpu.memory_space<any>>) dst(%dma_wait3A_2710 : memref<1x64xf32, #tpu.memory_space<vmem>>)
    %dma_wait3A_2713 = arith.constant 222 : i32
    %dma_wait3A_2714 = arith.constant 0 : i32
    %dma_wait3A_2715 = tpu.memref_slice %arg6[%dma_wait3A_2713, %dma_wait3A_2714] : memref<256x64xf32, #tpu.memory_space<vmem>> -> memref<1x64xf32, #tpu.memory_space<vmem>>
    %dma_wait3A_2716 = arith.constant 0 : i32
    %dma_wait3A_2717 = tpu.memref_slice %arg3[%get3A_406, %dma_wait3A_2716] : memref<100000x64xf32, #tpu.memory_space<any>> -> memref<1x64xf32, #tpu.memory_space<any>>
    tpu.wait_dma2 semaphore(%arg7 : memref<!tpu.dma_semaphore, #tpu.memory_space<semaphore_mem>>) src(%dma_wait3A_2717 : memref<1x64xf32, #tpu.memory_space<any>>) dst(%dma_wait3A_2715 : memref<1x64xf32, #tpu.memory_space<vmem>>)
    %dma_wait3A_2718 = arith.constant 202 : i32
    %dma_wait3A_2719 = arith.constant 0 : i32
    %dma_wait3A_2720 = tpu.memref_slice %arg6[%dma_wait3A_2718, %dma_wait3A_2719] : memref<256x64xf32, #tpu.memory_space<vmem>> -> memref<1x64xf32, #tpu.memory_space<vmem>>
    %dma_wait3A_2721 = arith.constant 0 : i32
    %dma_wait3A_2722 = tpu.memref_slice %arg2[%get3A_408, %dma_wait3A_2721] : memref<100000x64xf32, #tpu.memory_space<any>> -> memref<1x64xf32, #tpu.memory_space<any>>
    tpu.wait_dma2 semaphore(%arg7 : memref<!tpu.dma_semaphore, #tpu.memory_space<semaphore_mem>>) src(%dma_wait3A_2722 : memref<1x64xf32, #tpu.memory_space<any>>) dst(%dma_wait3A_2720 : memref<1x64xf32, #tpu.memory_space<vmem>>)
    %dma_wait3A_2723 = arith.constant 223 : i32
    %dma_wait3A_2724 = arith.constant 0 : i32
    %dma_wait3A_2725 = tpu.memref_slice %arg6[%dma_wait3A_2723, %dma_wait3A_2724] : memref<256x64xf32, #tpu.memory_space<vmem>> -> memref<1x64xf32, #tpu.memory_space<vmem>>
    %dma_wait3A_2726 = arith.constant 0 : i32
    %dma_wait3A_2727 = tpu.memref_slice %arg3[%get3A_410, %dma_wait3A_2726] : memref<100000x64xf32, #tpu.memory_space<any>> -> memref<1x64xf32, #tpu.memory_space<any>>
    tpu.wait_dma2 semaphore(%arg7 : memref<!tpu.dma_semaphore, #tpu.memory_space<semaphore_mem>>) src(%dma_wait3A_2727 : memref<1x64xf32, #tpu.memory_space<any>>) dst(%dma_wait3A_2725 : memref<1x64xf32, #tpu.memory_space<vmem>>)
    %dma_wait3A_2728 = arith.constant 203 : i32
    %dma_wait3A_2729 = arith.constant 0 : i32
    %dma_wait3A_2730 = tpu.memref_slice %arg6[%dma_wait3A_2728, %dma_wait3A_2729] : memref<256x64xf32, #tpu.memory_space<vmem>> -> memref<1x64xf32, #tpu.memory_space<vmem>>
    %dma_wait3A_2731 = arith.constant 0 : i32
    %dma_wait3A_2732 = tpu.memref_slice %arg2[%get3A_412, %dma_wait3A_2731] : memref<100000x64xf32, #tpu.memory_space<any>> -> memref<1x64xf32, #tpu.memory_space<any>>
    tpu.wait_dma2 semaphore(%arg7 : memref<!tpu.dma_semaphore, #tpu.memory_space<semaphore_mem>>) src(%dma_wait3A_2732 : memref<1x64xf32, #tpu.memory_space<any>>) dst(%dma_wait3A_2730 : memref<1x64xf32, #tpu.memory_space<vmem>>)
    %dma_wait3A_2733 = arith.constant 224 : i32
    %dma_wait3A_2734 = arith.constant 0 : i32
    %dma_wait3A_2735 = tpu.memref_slice %arg6[%dma_wait3A_2733, %dma_wait3A_2734] : memref<256x64xf32, #tpu.memory_space<vmem>> -> memref<1x64xf32, #tpu.memory_space<vmem>>
    %dma_wait3A_2736 = arith.constant 0 : i32
    %dma_wait3A_2737 = tpu.memref_slice %arg3[%get3A_414, %dma_wait3A_2736] : memref<100000x64xf32, #tpu.memory_space<any>> -> memref<1x64xf32, #tpu.memory_space<any>>
    tpu.wait_dma2 semaphore(%arg7 : memref<!tpu.dma_semaphore, #tpu.memory_space<semaphore_mem>>) src(%dma_wait3A_2737 : memref<1x64xf32, #tpu.memory_space<any>>) dst(%dma_wait3A_2735 : memref<1x64xf32, #tpu.memory_space<vmem>>)
    %dma_wait3A_2738 = arith.constant 204 : i32
    %dma_wait3A_2739 = arith.constant 0 : i32
    %dma_wait3A_2740 = tpu.memref_slice %arg6[%dma_wait3A_2738, %dma_wait3A_2739] : memref<256x64xf32, #tpu.memory_space<vmem>> -> memref<1x64xf32, #tpu.memory_space<vmem>>
    %dma_wait3A_2741 = arith.constant 0 : i32
    %dma_wait3A_2742 = tpu.memref_slice %arg2[%get3A_416, %dma_wait3A_2741] : memref<100000x64xf32, #tpu.memory_space<any>> -> memref<1x64xf32, #tpu.memory_space<any>>
    tpu.wait_dma2 semaphore(%arg7 : memref<!tpu.dma_semaphore, #tpu.memory_space<semaphore_mem>>) src(%dma_wait3A_2742 : memref<1x64xf32, #tpu.memory_space<any>>) dst(%dma_wait3A_2740 : memref<1x64xf32, #tpu.memory_space<vmem>>)
    %dma_wait3A_2743 = arith.constant 225 : i32
    %dma_wait3A_2744 = arith.constant 0 : i32
    %dma_wait3A_2745 = tpu.memref_slice %arg6[%dma_wait3A_2743, %dma_wait3A_2744] : memref<256x64xf32, #tpu.memory_space<vmem>> -> memref<1x64xf32, #tpu.memory_space<vmem>>
    %dma_wait3A_2746 = arith.constant 0 : i32
    %dma_wait3A_2747 = tpu.memref_slice %arg3[%get3A_418, %dma_wait3A_2746] : memref<100000x64xf32, #tpu.memory_space<any>> -> memref<1x64xf32, #tpu.memory_space<any>>
    tpu.wait_dma2 semaphore(%arg7 : memref<!tpu.dma_semaphore, #tpu.memory_space<semaphore_mem>>) src(%dma_wait3A_2747 : memref<1x64xf32, #tpu.memory_space<any>>) dst(%dma_wait3A_2745 : memref<1x64xf32, #tpu.memory_space<vmem>>)
    %dma_wait3A_2748 = arith.constant 205 : i32
    %dma_wait3A_2749 = arith.constant 0 : i32
    %dma_wait3A_2750 = tpu.memref_slice %arg6[%dma_wait3A_2748, %dma_wait3A_2749] : memref<256x64xf32, #tpu.memory_space<vmem>> -> memref<1x64xf32, #tpu.memory_space<vmem>>
    %dma_wait3A_2751 = arith.constant 0 : i32
    %dma_wait3A_2752 = tpu.memref_slice %arg2[%get3A_420, %dma_wait3A_2751] : memref<100000x64xf32, #tpu.memory_space<any>> -> memref<1x64xf32, #tpu.memory_space<any>>
    tpu.wait_dma2 semaphore(%arg7 : memref<!tpu.dma_semaphore, #tpu.memory_space<semaphore_mem>>) src(%dma_wait3A_2752 : memref<1x64xf32, #tpu.memory_space<any>>) dst(%dma_wait3A_2750 : memref<1x64xf32, #tpu.memory_space<vmem>>)
    %dma_wait3A_2753 = arith.constant 226 : i32
    %dma_wait3A_2754 = arith.constant 0 : i32
    %dma_wait3A_2755 = tpu.memref_slice %arg6[%dma_wait3A_2753, %dma_wait3A_2754] : memref<256x64xf32, #tpu.memory_space<vmem>> -> memref<1x64xf32, #tpu.memory_space<vmem>>
    %dma_wait3A_2756 = arith.constant 0 : i32
    %dma_wait3A_2757 = tpu.memref_slice %arg3[%get3A_422, %dma_wait3A_2756] : memref<100000x64xf32, #tpu.memory_space<any>> -> memref<1x64xf32, #tpu.memory_space<any>>
    tpu.wait_dma2 semaphore(%arg7 : memref<!tpu.dma_semaphore, #tpu.memory_space<semaphore_mem>>) src(%dma_wait3A_2757 : memref<1x64xf32, #tpu.memory_space<any>>) dst(%dma_wait3A_2755 : memref<1x64xf32, #tpu.memory_space<vmem>>)
    %dma_wait3A_2758 = arith.constant 206 : i32
    %dma_wait3A_2759 = arith.constant 0 : i32
    %dma_wait3A_2760 = tpu.memref_slice %arg6[%dma_wait3A_2758, %dma_wait3A_2759] : memref<256x64xf32, #tpu.memory_space<vmem>> -> memref<1x64xf32, #tpu.memory_space<vmem>>
    %dma_wait3A_2761 = arith.constant 0 : i32
    %dma_wait3A_2762 = tpu.memref_slice %arg2[%get3A_424, %dma_wait3A_2761] : memref<100000x64xf32, #tpu.memory_space<any>> -> memref<1x64xf32, #tpu.memory_space<any>>
    tpu.wait_dma2 semaphore(%arg7 : memref<!tpu.dma_semaphore, #tpu.memory_space<semaphore_mem>>) src(%dma_wait3A_2762 : memref<1x64xf32, #tpu.memory_space<any>>) dst(%dma_wait3A_2760 : memref<1x64xf32, #tpu.memory_space<vmem>>)
    %dma_wait3A_2763 = arith.constant 227 : i32
    %dma_wait3A_2764 = arith.constant 0 : i32
    %dma_wait3A_2765 = tpu.memref_slice %arg6[%dma_wait3A_2763, %dma_wait3A_2764] : memref<256x64xf32, #tpu.memory_space<vmem>> -> memref<1x64xf32, #tpu.memory_space<vmem>>
    %dma_wait3A_2766 = arith.constant 0 : i32
    %dma_wait3A_2767 = tpu.memref_slice %arg3[%get3A_426, %dma_wait3A_2766] : memref<100000x64xf32, #tpu.memory_space<any>> -> memref<1x64xf32, #tpu.memory_space<any>>
    tpu.wait_dma2 semaphore(%arg7 : memref<!tpu.dma_semaphore, #tpu.memory_space<semaphore_mem>>) src(%dma_wait3A_2767 : memref<1x64xf32, #tpu.memory_space<any>>) dst(%dma_wait3A_2765 : memref<1x64xf32, #tpu.memory_space<vmem>>)
    %dma_wait3A_2768 = arith.constant 207 : i32
    %dma_wait3A_2769 = arith.constant 0 : i32
    %dma_wait3A_2770 = tpu.memref_slice %arg6[%dma_wait3A_2768, %dma_wait3A_2769] : memref<256x64xf32, #tpu.memory_space<vmem>> -> memref<1x64xf32, #tpu.memory_space<vmem>>
    %dma_wait3A_2771 = arith.constant 0 : i32
    %dma_wait3A_2772 = tpu.memref_slice %arg2[%get3A_428, %dma_wait3A_2771] : memref<100000x64xf32, #tpu.memory_space<any>> -> memref<1x64xf32, #tpu.memory_space<any>>
    tpu.wait_dma2 semaphore(%arg7 : memref<!tpu.dma_semaphore, #tpu.memory_space<semaphore_mem>>) src(%dma_wait3A_2772 : memref<1x64xf32, #tpu.memory_space<any>>) dst(%dma_wait3A_2770 : memref<1x64xf32, #tpu.memory_space<vmem>>)
    %dma_wait3A_2773 = arith.constant 228 : i32
    %dma_wait3A_2774 = arith.constant 0 : i32
    %dma_wait3A_2775 = tpu.memref_slice %arg6[%dma_wait3A_2773, %dma_wait3A_2774] : memref<256x64xf32, #tpu.memory_space<vmem>> -> memref<1x64xf32, #tpu.memory_space<vmem>>
    %dma_wait3A_2776 = arith.constant 0 : i32
    %dma_wait3A_2777 = tpu.memref_slice %arg3[%get3A_430, %dma_wait3A_2776] : memref<100000x64xf32, #tpu.memory_space<any>> -> memref<1x64xf32, #tpu.memory_space<any>>
    tpu.wait_dma2 semaphore(%arg7 : memref<!tpu.dma_semaphore, #tpu.memory_space<semaphore_mem>>) src(%dma_wait3A_2777 : memref<1x64xf32, #tpu.memory_space<any>>) dst(%dma_wait3A_2775 : memref<1x64xf32, #tpu.memory_space<vmem>>)
    %dma_wait3A_2778 = arith.constant 208 : i32
    %dma_wait3A_2779 = arith.constant 0 : i32
    %dma_wait3A_2780 = tpu.memref_slice %arg6[%dma_wait3A_2778, %dma_wait3A_2779] : memref<256x64xf32, #tpu.memory_space<vmem>> -> memref<1x64xf32, #tpu.memory_space<vmem>>
    %dma_wait3A_2781 = arith.constant 0 : i32
    %dma_wait3A_2782 = tpu.memref_slice %arg2[%get3A_432, %dma_wait3A_2781] : memref<100000x64xf32, #tpu.memory_space<any>> -> memref<1x64xf32, #tpu.memory_space<any>>
    tpu.wait_dma2 semaphore(%arg7 : memref<!tpu.dma_semaphore, #tpu.memory_space<semaphore_mem>>) src(%dma_wait3A_2782 : memref<1x64xf32, #tpu.memory_space<any>>) dst(%dma_wait3A_2780 : memref<1x64xf32, #tpu.memory_space<vmem>>)
    %dma_wait3A_2783 = arith.constant 229 : i32
    %dma_wait3A_2784 = arith.constant 0 : i32
    %dma_wait3A_2785 = tpu.memref_slice %arg6[%dma_wait3A_2783, %dma_wait3A_2784] : memref<256x64xf32, #tpu.memory_space<vmem>> -> memref<1x64xf32, #tpu.memory_space<vmem>>
    %dma_wait3A_2786 = arith.constant 0 : i32
    %dma_wait3A_2787 = tpu.memref_slice %arg3[%get3A_434, %dma_wait3A_2786] : memref<100000x64xf32, #tpu.memory_space<any>> -> memref<1x64xf32, #tpu.memory_space<any>>
    tpu.wait_dma2 semaphore(%arg7 : memref<!tpu.dma_semaphore, #tpu.memory_space<semaphore_mem>>) src(%dma_wait3A_2787 : memref<1x64xf32, #tpu.memory_space<any>>) dst(%dma_wait3A_2785 : memref<1x64xf32, #tpu.memory_space<vmem>>)
    %dma_wait3A_2788 = arith.constant 209 : i32
    %dma_wait3A_2789 = arith.constant 0 : i32
    %dma_wait3A_2790 = tpu.memref_slice %arg6[%dma_wait3A_2788, %dma_wait3A_2789] : memref<256x64xf32, #tpu.memory_space<vmem>> -> memref<1x64xf32, #tpu.memory_space<vmem>>
    %dma_wait3A_2791 = arith.constant 0 : i32
    %dma_wait3A_2792 = tpu.memref_slice %arg2[%get3A_436, %dma_wait3A_2791] : memref<100000x64xf32, #tpu.memory_space<any>> -> memref<1x64xf32, #tpu.memory_space<any>>
    tpu.wait_dma2 semaphore(%arg7 : memref<!tpu.dma_semaphore, #tpu.memory_space<semaphore_mem>>) src(%dma_wait3A_2792 : memref<1x64xf32, #tpu.memory_space<any>>) dst(%dma_wait3A_2790 : memref<1x64xf32, #tpu.memory_space<vmem>>)
    %dma_wait3A_2793 = arith.constant 230 : i32
    %dma_wait3A_2794 = arith.constant 0 : i32
    %dma_wait3A_2795 = tpu.memref_slice %arg6[%dma_wait3A_2793, %dma_wait3A_2794] : memref<256x64xf32, #tpu.memory_space<vmem>> -> memref<1x64xf32, #tpu.memory_space<vmem>>
    %dma_wait3A_2796 = arith.constant 0 : i32
    %dma_wait3A_2797 = tpu.memref_slice %arg3[%get3A_438, %dma_wait3A_2796] : memref<100000x64xf32, #tpu.memory_space<any>> -> memref<1x64xf32, #tpu.memory_space<any>>
    tpu.wait_dma2 semaphore(%arg7 : memref<!tpu.dma_semaphore, #tpu.memory_space<semaphore_mem>>) src(%dma_wait3A_2797 : memref<1x64xf32, #tpu.memory_space<any>>) dst(%dma_wait3A_2795 : memref<1x64xf32, #tpu.memory_space<vmem>>)
    %dma_wait3A_2798 = arith.constant 210 : i32
    %dma_wait3A_2799 = arith.constant 0 : i32
    %dma_wait3A_2800 = tpu.memref_slice %arg6[%dma_wait3A_2798, %dma_wait3A_2799] : memref<256x64xf32, #tpu.memory_space<vmem>> -> memref<1x64xf32, #tpu.memory_space<vmem>>
    %dma_wait3A_2801 = arith.constant 0 : i32
    %dma_wait3A_2802 = tpu.memref_slice %arg2[%get3A_440, %dma_wait3A_2801] : memref<100000x64xf32, #tpu.memory_space<any>> -> memref<1x64xf32, #tpu.memory_space<any>>
    tpu.wait_dma2 semaphore(%arg7 : memref<!tpu.dma_semaphore, #tpu.memory_space<semaphore_mem>>) src(%dma_wait3A_2802 : memref<1x64xf32, #tpu.memory_space<any>>) dst(%dma_wait3A_2800 : memref<1x64xf32, #tpu.memory_space<vmem>>)
    %dma_wait3A_2803 = arith.constant 231 : i32
    %dma_wait3A_2804 = arith.constant 0 : i32
    %dma_wait3A_2805 = tpu.memref_slice %arg6[%dma_wait3A_2803, %dma_wait3A_2804] : memref<256x64xf32, #tpu.memory_space<vmem>> -> memref<1x64xf32, #tpu.memory_space<vmem>>
    %dma_wait3A_2806 = arith.constant 0 : i32
    %dma_wait3A_2807 = tpu.memref_slice %arg3[%get3A_442, %dma_wait3A_2806] : memref<100000x64xf32, #tpu.memory_space<any>> -> memref<1x64xf32, #tpu.memory_space<any>>
    tpu.wait_dma2 semaphore(%arg7 : memref<!tpu.dma_semaphore, #tpu.memory_space<semaphore_mem>>) src(%dma_wait3A_2807 : memref<1x64xf32, #tpu.memory_space<any>>) dst(%dma_wait3A_2805 : memref<1x64xf32, #tpu.memory_space<vmem>>)
    %dma_wait3A_2808 = arith.constant 211 : i32
    %dma_wait3A_2809 = arith.constant 0 : i32
    %dma_wait3A_2810 = tpu.memref_slice %arg6[%dma_wait3A_2808, %dma_wait3A_2809] : memref<256x64xf32, #tpu.memory_space<vmem>> -> memref<1x64xf32, #tpu.memory_space<vmem>>
    %dma_wait3A_2811 = arith.constant 0 : i32
    %dma_wait3A_2812 = tpu.memref_slice %arg2[%get3A_444, %dma_wait3A_2811] : memref<100000x64xf32, #tpu.memory_space<any>> -> memref<1x64xf32, #tpu.memory_space<any>>
    tpu.wait_dma2 semaphore(%arg7 : memref<!tpu.dma_semaphore, #tpu.memory_space<semaphore_mem>>) src(%dma_wait3A_2812 : memref<1x64xf32, #tpu.memory_space<any>>) dst(%dma_wait3A_2810 : memref<1x64xf32, #tpu.memory_space<vmem>>)
    %dma_wait3A_2813 = arith.constant 232 : i32
    %dma_wait3A_2814 = arith.constant 0 : i32
    %dma_wait3A_2815 = tpu.memref_slice %arg6[%dma_wait3A_2813, %dma_wait3A_2814] : memref<256x64xf32, #tpu.memory_space<vmem>> -> memref<1x64xf32, #tpu.memory_space<vmem>>
    %dma_wait3A_2816 = arith.constant 0 : i32
    %dma_wait3A_2817 = tpu.memref_slice %arg3[%get3A_446, %dma_wait3A_2816] : memref<100000x64xf32, #tpu.memory_space<any>> -> memref<1x64xf32, #tpu.memory_space<any>>
    tpu.wait_dma2 semaphore(%arg7 : memref<!tpu.dma_semaphore, #tpu.memory_space<semaphore_mem>>) src(%dma_wait3A_2817 : memref<1x64xf32, #tpu.memory_space<any>>) dst(%dma_wait3A_2815 : memref<1x64xf32, #tpu.memory_space<vmem>>)
    %dma_wait3A_2818 = arith.constant 212 : i32
    %dma_wait3A_2819 = arith.constant 0 : i32
    %dma_wait3A_2820 = tpu.memref_slice %arg6[%dma_wait3A_2818, %dma_wait3A_2819] : memref<256x64xf32, #tpu.memory_space<vmem>> -> memref<1x64xf32, #tpu.memory_space<vmem>>
    %dma_wait3A_2821 = arith.constant 0 : i32
    %dma_wait3A_2822 = tpu.memref_slice %arg2[%get3A_448, %dma_wait3A_2821] : memref<100000x64xf32, #tpu.memory_space<any>> -> memref<1x64xf32, #tpu.memory_space<any>>
    tpu.wait_dma2 semaphore(%arg7 : memref<!tpu.dma_semaphore, #tpu.memory_space<semaphore_mem>>) src(%dma_wait3A_2822 : memref<1x64xf32, #tpu.memory_space<any>>) dst(%dma_wait3A_2820 : memref<1x64xf32, #tpu.memory_space<vmem>>)
    %dma_wait3A_2823 = arith.constant 233 : i32
    %dma_wait3A_2824 = arith.constant 0 : i32
    %dma_wait3A_2825 = tpu.memref_slice %arg6[%dma_wait3A_2823, %dma_wait3A_2824] : memref<256x64xf32, #tpu.memory_space<vmem>> -> memref<1x64xf32, #tpu.memory_space<vmem>>
    %dma_wait3A_2826 = arith.constant 0 : i32
    %dma_wait3A_2827 = tpu.memref_slice %arg3[%get3A_450, %dma_wait3A_2826] : memref<100000x64xf32, #tpu.memory_space<any>> -> memref<1x64xf32, #tpu.memory_space<any>>
    tpu.wait_dma2 semaphore(%arg7 : memref<!tpu.dma_semaphore, #tpu.memory_space<semaphore_mem>>) src(%dma_wait3A_2827 : memref<1x64xf32, #tpu.memory_space<any>>) dst(%dma_wait3A_2825 : memref<1x64xf32, #tpu.memory_space<vmem>>)
    %dma_wait3A_2828 = arith.constant 213 : i32
    %dma_wait3A_2829 = arith.constant 0 : i32
    %dma_wait3A_2830 = tpu.memref_slice %arg6[%dma_wait3A_2828, %dma_wait3A_2829] : memref<256x64xf32, #tpu.memory_space<vmem>> -> memref<1x64xf32, #tpu.memory_space<vmem>>
    %dma_wait3A_2831 = arith.constant 0 : i32
    %dma_wait3A_2832 = tpu.memref_slice %arg2[%get3A_452, %dma_wait3A_2831] : memref<100000x64xf32, #tpu.memory_space<any>> -> memref<1x64xf32, #tpu.memory_space<any>>
    tpu.wait_dma2 semaphore(%arg7 : memref<!tpu.dma_semaphore, #tpu.memory_space<semaphore_mem>>) src(%dma_wait3A_2832 : memref<1x64xf32, #tpu.memory_space<any>>) dst(%dma_wait3A_2830 : memref<1x64xf32, #tpu.memory_space<vmem>>)
    %dma_wait3A_2833 = arith.constant 234 : i32
    %dma_wait3A_2834 = arith.constant 0 : i32
    %dma_wait3A_2835 = tpu.memref_slice %arg6[%dma_wait3A_2833, %dma_wait3A_2834] : memref<256x64xf32, #tpu.memory_space<vmem>> -> memref<1x64xf32, #tpu.memory_space<vmem>>
    %dma_wait3A_2836 = arith.constant 0 : i32
    %dma_wait3A_2837 = tpu.memref_slice %arg3[%get3A_454, %dma_wait3A_2836] : memref<100000x64xf32, #tpu.memory_space<any>> -> memref<1x64xf32, #tpu.memory_space<any>>
    tpu.wait_dma2 semaphore(%arg7 : memref<!tpu.dma_semaphore, #tpu.memory_space<semaphore_mem>>) src(%dma_wait3A_2837 : memref<1x64xf32, #tpu.memory_space<any>>) dst(%dma_wait3A_2835 : memref<1x64xf32, #tpu.memory_space<vmem>>)
    %dma_wait3A_2838 = arith.constant 214 : i32
    %dma_wait3A_2839 = arith.constant 0 : i32
    %dma_wait3A_2840 = tpu.memref_slice %arg6[%dma_wait3A_2838, %dma_wait3A_2839] : memref<256x64xf32, #tpu.memory_space<vmem>> -> memref<1x64xf32, #tpu.memory_space<vmem>>
    %dma_wait3A_2841 = arith.constant 0 : i32
    %dma_wait3A_2842 = tpu.memref_slice %arg2[%get3A_456, %dma_wait3A_2841] : memref<100000x64xf32, #tpu.memory_space<any>> -> memref<1x64xf32, #tpu.memory_space<any>>
    tpu.wait_dma2 semaphore(%arg7 : memref<!tpu.dma_semaphore, #tpu.memory_space<semaphore_mem>>) src(%dma_wait3A_2842 : memref<1x64xf32, #tpu.memory_space<any>>) dst(%dma_wait3A_2840 : memref<1x64xf32, #tpu.memory_space<vmem>>)
    %dma_wait3A_2843 = arith.constant 235 : i32
    %dma_wait3A_2844 = arith.constant 0 : i32
    %dma_wait3A_2845 = tpu.memref_slice %arg6[%dma_wait3A_2843, %dma_wait3A_2844] : memref<256x64xf32, #tpu.memory_space<vmem>> -> memref<1x64xf32, #tpu.memory_space<vmem>>
    %dma_wait3A_2846 = arith.constant 0 : i32
    %dma_wait3A_2847 = tpu.memref_slice %arg3[%get3A_458, %dma_wait3A_2846] : memref<100000x64xf32, #tpu.memory_space<any>> -> memref<1x64xf32, #tpu.memory_space<any>>
    tpu.wait_dma2 semaphore(%arg7 : memref<!tpu.dma_semaphore, #tpu.memory_space<semaphore_mem>>) src(%dma_wait3A_2847 : memref<1x64xf32, #tpu.memory_space<any>>) dst(%dma_wait3A_2845 : memref<1x64xf32, #tpu.memory_space<vmem>>)
    %dma_wait3A_2848 = arith.constant 215 : i32
    %dma_wait3A_2849 = arith.constant 0 : i32
    %dma_wait3A_2850 = tpu.memref_slice %arg6[%dma_wait3A_2848, %dma_wait3A_2849] : memref<256x64xf32, #tpu.memory_space<vmem>> -> memref<1x64xf32, #tpu.memory_space<vmem>>
    %dma_wait3A_2851 = arith.constant 0 : i32
    %dma_wait3A_2852 = tpu.memref_slice %arg2[%get3A_460, %dma_wait3A_2851] : memref<100000x64xf32, #tpu.memory_space<any>> -> memref<1x64xf32, #tpu.memory_space<any>>
    tpu.wait_dma2 semaphore(%arg7 : memref<!tpu.dma_semaphore, #tpu.memory_space<semaphore_mem>>) src(%dma_wait3A_2852 : memref<1x64xf32, #tpu.memory_space<any>>) dst(%dma_wait3A_2850 : memref<1x64xf32, #tpu.memory_space<vmem>>)
    %dma_wait3A_2853 = arith.constant 236 : i32
    %dma_wait3A_2854 = arith.constant 0 : i32
    %dma_wait3A_2855 = tpu.memref_slice %arg6[%dma_wait3A_2853, %dma_wait3A_2854] : memref<256x64xf32, #tpu.memory_space<vmem>> -> memref<1x64xf32, #tpu.memory_space<vmem>>
    %dma_wait3A_2856 = arith.constant 0 : i32
    %dma_wait3A_2857 = tpu.memref_slice %arg3[%get3A_462, %dma_wait3A_2856] : memref<100000x64xf32, #tpu.memory_space<any>> -> memref<1x64xf32, #tpu.memory_space<any>>
    tpu.wait_dma2 semaphore(%arg7 : memref<!tpu.dma_semaphore, #tpu.memory_space<semaphore_mem>>) src(%dma_wait3A_2857 : memref<1x64xf32, #tpu.memory_space<any>>) dst(%dma_wait3A_2855 : memref<1x64xf32, #tpu.memory_space<vmem>>)
    %dma_wait3A_2858 = arith.constant 216 : i32
    %dma_wait3A_2859 = arith.constant 0 : i32
    %dma_wait3A_2860 = tpu.memref_slice %arg6[%dma_wait3A_2858, %dma_wait3A_2859] : memref<256x64xf32, #tpu.memory_space<vmem>> -> memref<1x64xf32, #tpu.memory_space<vmem>>
    %dma_wait3A_2861 = arith.constant 0 : i32
    %dma_wait3A_2862 = tpu.memref_slice %arg2[%get3A_464, %dma_wait3A_2861] : memref<100000x64xf32, #tpu.memory_space<any>> -> memref<1x64xf32, #tpu.memory_space<any>>
    tpu.wait_dma2 semaphore(%arg7 : memref<!tpu.dma_semaphore, #tpu.memory_space<semaphore_mem>>) src(%dma_wait3A_2862 : memref<1x64xf32, #tpu.memory_space<any>>) dst(%dma_wait3A_2860 : memref<1x64xf32, #tpu.memory_space<vmem>>)
    %dma_wait3A_2863 = arith.constant 237 : i32
    %dma_wait3A_2864 = arith.constant 0 : i32
    %dma_wait3A_2865 = tpu.memref_slice %arg6[%dma_wait3A_2863, %dma_wait3A_2864] : memref<256x64xf32, #tpu.memory_space<vmem>> -> memref<1x64xf32, #tpu.memory_space<vmem>>
    %dma_wait3A_2866 = arith.constant 0 : i32
    %dma_wait3A_2867 = tpu.memref_slice %arg3[%get3A_466, %dma_wait3A_2866] : memref<100000x64xf32, #tpu.memory_space<any>> -> memref<1x64xf32, #tpu.memory_space<any>>
    tpu.wait_dma2 semaphore(%arg7 : memref<!tpu.dma_semaphore, #tpu.memory_space<semaphore_mem>>) src(%dma_wait3A_2867 : memref<1x64xf32, #tpu.memory_space<any>>) dst(%dma_wait3A_2865 : memref<1x64xf32, #tpu.memory_space<vmem>>)
    %dma_wait3A_2868 = arith.constant 217 : i32
    %dma_wait3A_2869 = arith.constant 0 : i32
    %dma_wait3A_2870 = tpu.memref_slice %arg6[%dma_wait3A_2868, %dma_wait3A_2869] : memref<256x64xf32, #tpu.memory_space<vmem>> -> memref<1x64xf32, #tpu.memory_space<vmem>>
    %dma_wait3A_2871 = arith.constant 0 : i32
    %dma_wait3A_2872 = tpu.memref_slice %arg2[%get3A_468, %dma_wait3A_2871] : memref<100000x64xf32, #tpu.memory_space<any>> -> memref<1x64xf32, #tpu.memory_space<any>>
    tpu.wait_dma2 semaphore(%arg7 : memref<!tpu.dma_semaphore, #tpu.memory_space<semaphore_mem>>) src(%dma_wait3A_2872 : memref<1x64xf32, #tpu.memory_space<any>>) dst(%dma_wait3A_2870 : memref<1x64xf32, #tpu.memory_space<vmem>>)
    %dma_wait3A_2873 = arith.constant 238 : i32
    %dma_wait3A_2874 = arith.constant 0 : i32
    %dma_wait3A_2875 = tpu.memref_slice %arg6[%dma_wait3A_2873, %dma_wait3A_2874] : memref<256x64xf32, #tpu.memory_space<vmem>> -> memref<1x64xf32, #tpu.memory_space<vmem>>
    %dma_wait3A_2876 = arith.constant 0 : i32
    %dma_wait3A_2877 = tpu.memref_slice %arg3[%get3A_470, %dma_wait3A_2876] : memref<100000x64xf32, #tpu.memory_space<any>> -> memref<1x64xf32, #tpu.memory_space<any>>
    tpu.wait_dma2 semaphore(%arg7 : memref<!tpu.dma_semaphore, #tpu.memory_space<semaphore_mem>>) src(%dma_wait3A_2877 : memref<1x64xf32, #tpu.memory_space<any>>) dst(%dma_wait3A_2875 : memref<1x64xf32, #tpu.memory_space<vmem>>)
    %dma_wait3A_2878 = arith.constant 218 : i32
    %dma_wait3A_2879 = arith.constant 0 : i32
    %dma_wait3A_2880 = tpu.memref_slice %arg6[%dma_wait3A_2878, %dma_wait3A_2879] : memref<256x64xf32, #tpu.memory_space<vmem>> -> memref<1x64xf32, #tpu.memory_space<vmem>>
    %dma_wait3A_2881 = arith.constant 0 : i32
    %dma_wait3A_2882 = tpu.memref_slice %arg2[%get3A_472, %dma_wait3A_2881] : memref<100000x64xf32, #tpu.memory_space<any>> -> memref<1x64xf32, #tpu.memory_space<any>>
    tpu.wait_dma2 semaphore(%arg7 : memref<!tpu.dma_semaphore, #tpu.memory_space<semaphore_mem>>) src(%dma_wait3A_2882 : memref<1x64xf32, #tpu.memory_space<any>>) dst(%dma_wait3A_2880 : memref<1x64xf32, #tpu.memory_space<vmem>>)
    %dma_wait3A_2883 = arith.constant 239 : i32
    %dma_wait3A_2884 = arith.constant 0 : i32
    %dma_wait3A_2885 = tpu.memref_slice %arg6[%dma_wait3A_2883, %dma_wait3A_2884] : memref<256x64xf32, #tpu.memory_space<vmem>> -> memref<1x64xf32, #tpu.memory_space<vmem>>
    %dma_wait3A_2886 = arith.constant 0 : i32
    %dma_wait3A_2887 = tpu.memref_slice %arg3[%get3A_474, %dma_wait3A_2886] : memref<100000x64xf32, #tpu.memory_space<any>> -> memref<1x64xf32, #tpu.memory_space<any>>
    tpu.wait_dma2 semaphore(%arg7 : memref<!tpu.dma_semaphore, #tpu.memory_space<semaphore_mem>>) src(%dma_wait3A_2887 : memref<1x64xf32, #tpu.memory_space<any>>) dst(%dma_wait3A_2885 : memref<1x64xf32, #tpu.memory_space<vmem>>)
    %dma_wait3A_2888 = arith.constant 219 : i32
    %dma_wait3A_2889 = arith.constant 0 : i32
    %dma_wait3A_2890 = tpu.memref_slice %arg6[%dma_wait3A_2888, %dma_wait3A_2889] : memref<256x64xf32, #tpu.memory_space<vmem>> -> memref<1x64xf32, #tpu.memory_space<vmem>>
    %dma_wait3A_2891 = arith.constant 0 : i32
    %dma_wait3A_2892 = tpu.memref_slice %arg2[%get3A_476, %dma_wait3A_2891] : memref<100000x64xf32, #tpu.memory_space<any>> -> memref<1x64xf32, #tpu.memory_space<any>>
    tpu.wait_dma2 semaphore(%arg7 : memref<!tpu.dma_semaphore, #tpu.memory_space<semaphore_mem>>) src(%dma_wait3A_2892 : memref<1x64xf32, #tpu.memory_space<any>>) dst(%dma_wait3A_2890 : memref<1x64xf32, #tpu.memory_space<vmem>>)
    %dma_wait3A_2893 = arith.constant 240 : i32
    %dma_wait3A_2894 = arith.constant 0 : i32
    %dma_wait3A_2895 = tpu.memref_slice %arg6[%dma_wait3A_2893, %dma_wait3A_2894] : memref<256x64xf32, #tpu.memory_space<vmem>> -> memref<1x64xf32, #tpu.memory_space<vmem>>
    %dma_wait3A_2896 = arith.constant 0 : i32
    %dma_wait3A_2897 = tpu.memref_slice %arg3[%get3A_478, %dma_wait3A_2896] : memref<100000x64xf32, #tpu.memory_space<any>> -> memref<1x64xf32, #tpu.memory_space<any>>
    tpu.wait_dma2 semaphore(%arg7 : memref<!tpu.dma_semaphore, #tpu.memory_space<semaphore_mem>>) src(%dma_wait3A_2897 : memref<1x64xf32, #tpu.memory_space<any>>) dst(%dma_wait3A_2895 : memref<1x64xf32, #tpu.memory_space<vmem>>)
    %dma_wait3A_2898 = arith.constant 220 : i32
    %dma_wait3A_2899 = arith.constant 0 : i32
    %dma_wait3A_2900 = tpu.memref_slice %arg6[%dma_wait3A_2898, %dma_wait3A_2899] : memref<256x64xf32, #tpu.memory_space<vmem>> -> memref<1x64xf32, #tpu.memory_space<vmem>>
    %dma_wait3A_2901 = arith.constant 0 : i32
    %dma_wait3A_2902 = tpu.memref_slice %arg2[%get3A_480, %dma_wait3A_2901] : memref<100000x64xf32, #tpu.memory_space<any>> -> memref<1x64xf32, #tpu.memory_space<any>>
    tpu.wait_dma2 semaphore(%arg7 : memref<!tpu.dma_semaphore, #tpu.memory_space<semaphore_mem>>) src(%dma_wait3A_2902 : memref<1x64xf32, #tpu.memory_space<any>>) dst(%dma_wait3A_2900 : memref<1x64xf32, #tpu.memory_space<vmem>>)
    %dma_wait3A_2903 = arith.constant 241 : i32
    %dma_wait3A_2904 = arith.constant 0 : i32
    %dma_wait3A_2905 = tpu.memref_slice %arg6[%dma_wait3A_2903, %dma_wait3A_2904] : memref<256x64xf32, #tpu.memory_space<vmem>> -> memref<1x64xf32, #tpu.memory_space<vmem>>
    %dma_wait3A_2906 = arith.constant 0 : i32
    %dma_wait3A_2907 = tpu.memref_slice %arg3[%get3A_482, %dma_wait3A_2906] : memref<100000x64xf32, #tpu.memory_space<any>> -> memref<1x64xf32, #tpu.memory_space<any>>
    tpu.wait_dma2 semaphore(%arg7 : memref<!tpu.dma_semaphore, #tpu.memory_space<semaphore_mem>>) src(%dma_wait3A_2907 : memref<1x64xf32, #tpu.memory_space<any>>) dst(%dma_wait3A_2905 : memref<1x64xf32, #tpu.memory_space<vmem>>)
    %dma_wait3A_2908 = arith.constant 242 : i32
    %dma_wait3A_2909 = arith.constant 0 : i32
    %dma_wait3A_2910 = tpu.memref_slice %arg6[%dma_wait3A_2908, %dma_wait3A_2909] : memref<256x64xf32, #tpu.memory_space<vmem>> -> memref<1x64xf32, #tpu.memory_space<vmem>>
    %dma_wait3A_2911 = arith.constant 0 : i32
    %dma_wait3A_2912 = tpu.memref_slice %arg4[%get3A_484, %dma_wait3A_2911] : memref<100000x64xf32, #tpu.memory_space<any>> -> memref<1x64xf32, #tpu.memory_space<any>>
    tpu.wait_dma2 semaphore(%arg7 : memref<!tpu.dma_semaphore, #tpu.memory_space<semaphore_mem>>) src(%dma_wait3A_2912 : memref<1x64xf32, #tpu.memory_space<any>>) dst(%dma_wait3A_2910 : memref<1x64xf32, #tpu.memory_space<vmem>>)
    tpu.enqueue_dma source(%arg6 : memref<256x64xf32, #tpu.memory_space<vmem>>) target(%arg5 : memref<256x64xf32, #tpu.memory_space<any>>) target_semaphore(%arg8 : memref<!tpu.dma_semaphore, #tpu.memory_space<semaphore_mem>>)
    tpu.wait_dma2 semaphore(%arg8 : memref<!tpu.dma_semaphore, #tpu.memory_space<semaphore_mem>>) src(%arg6 : memref<256x64xf32, #tpu.memory_space<vmem>>) dst(%arg5 : memref<256x64xf32, #tpu.memory_space<any>>)
    return
  }
}

module attributes {stable_mosaic.version = 14 : i64} {
  func.func @_tc_logsigmoid_sum(%arg0: memref<32x64xf32, #tpu.memory_space<vmem>>, %arg1: memref<1x1xf32, #tpu.memory_space<vmem>>) attributes {dimension_semantics = [], scalar_prefetch = 0 : i64, scratch_operands = 0 : i64, tpu.core_type = #tpu.core_type<tc>} {
    %get3A = arith.constant 0 : index
    %get3A_0 = arith.constant 0 : index
    %get3A_1 = vector.load %arg0[%get3A, %get3A_0] : memref<32x64xf32, #tpu.memory_space<vmem>>, vector<32x64xf32>
    %reduce_sum3A = arith.constant dense<0.000000e+00> : vector<32xf32>
    %reduce_sum3A_2 = vector.multi_reduction <add>, %get3A_1, %reduce_sum3A [1] : vector<32x64xf32> to vector<32xf32>
    %broadcast_in_dim3A = vector.shape_cast %reduce_sum3A_2 : vector<32xf32> to vector<32x1xf32>
    %iota3A = tpu.iota {dimensions = array<i32: 0>} : vector<32x1xi32>
    %eq3A = arith.constant 0 : i32
    %eq3A_3 = vector.broadcast %eq3A : i32 to vector<32x1xi32>
    %eq3A_4 = arith.cmpi eq, %iota3A, %eq3A_3 : vector<32x1xi32>
    %jit3A = arith.constant 1.000000e+00 : f32
    %jit3A_5 = arith.constant -1.000000e+00 : f32
    %broadcast_in_dim3A_6 = vector.broadcast %jit3A : f32 to vector<32x1xf32>
    %broadcast_in_dim3A_7 = vector.broadcast %jit3A_5 : f32 to vector<32x1xf32>
    %select_n3A = arith.select %eq3A_4, %broadcast_in_dim3A_6, %broadcast_in_dim3A_7 : vector<32x1xi1>, vector<32x1xf32>
    %mul3A = arith.mulf %select_n3A, %broadcast_in_dim3A : vector<32x1xf32>
    %min3A = arith.constant 0.000000e+00 : f32
    %min3A_8 = vector.broadcast %min3A : f32 to vector<32x1xf32>
    %min3A_9 = arith.minimumf %mul3A, %min3A_8 : vector<32x1xf32>
    %abs3A = math.absf %mul3A : vector<32x1xf32>
    %neg3A = arith.constant 0.000000e+00 : f32
    %neg3A_10 = vector.broadcast %neg3A : f32 to vector<32x1xf32>
    %neg3A_11 = arith.subf %neg3A_10, %abs3A : vector<32x1xf32>
    %exp3A = math.exp %neg3A_11 : vector<32x1xf32>
    %log1p3A = math.log1p %exp3A : vector<32x1xf32>
    %sub3A = arith.subf %min3A_9, %log1p3A : vector<32x1xf32>
    %lt3A = arith.constant 21 : i32
    %lt3A_12 = vector.broadcast %lt3A : i32 to vector<32x1xi32>
    %lt3A_13 = arith.cmpi slt, %iota3A, %lt3A_12 : vector<32x1xi32>
    %jit3A_14 = arith.constant 0.000000e+00 : f32
    %broadcast_in_dim3A_15 = vector.broadcast %jit3A_14 : f32 to vector<32x1xf32>
    %select_n3A_16 = arith.select %lt3A_13, %sub3A, %broadcast_in_dim3A_15 : vector<32x1xi1>, vector<32x1xf32>
    %reduce_sum3A_17 = vector.shape_cast %select_n3A_16 : vector<32x1xf32> to vector<1x32x1xf32>
    %reduce_sum3A_18 = arith.constant dense<0.000000e+00> : vector<1xf32>
    %reduce_sum3A_19 = vector.multi_reduction <add>, %reduce_sum3A_17, %reduce_sum3A_18 [1, 2] : vector<1x32x1xf32> to vector<1xf32>
    %reduce_sum3A_20 = vector.shape_cast %reduce_sum3A_19 : vector<1xf32> to vector<1x1x1xf32>
    %reduce_sum3A_21 = vector.extract %reduce_sum3A_20[0, 0, 0] : f32 from vector<1x1x1xf32>
    %mul3A_22 = arith.constant -24.0258503 : f32
    %mul3A_23 = arith.mulf %mul3A_22, %reduce_sum3A_21 : f32
    %reshape3A = vector.broadcast %mul3A_23 : f32 to vector<1x1xf32>
    %swap3A = arith.constant 0 : index
    %swap3A_24 = arith.constant 0 : index
    %swap3A_25 = vector.load %arg1[%swap3A, %swap3A_24] : memref<1x1xf32, #tpu.memory_space<vmem>>, vector<1x1xf32>
    tpu.vector_store %arg1[%swap3A, %swap3A_24], %reshape3A {strides = array<i32>} : memref<1x1xf32, #tpu.memory_space<vmem>>, vector<1x1xf32>,
    return
  }
}

</mosaic_0001>

<sc_bundles>
// kernel: kernel.5.cloned.1.call-start
scs
__scs_entry_jumppad:
0x0: {  	(pc) =	sbr.rel $0x88, $3  }
0x1: {  	(tag) =	ssettag $0x0;
	lr =	simm.s32 $0x1  }
0x2: {  	[smem:$0x3F97] =	sst lr;
	_ =	strace $0xD0000000  }
0x3: {  	_ = 	snop  }
0x4: {  	_ = 	snop  }
0x5: {  	_ = 	snop  }
0x6: {  	_ = 	snop  }
0x7: {  	_ = 	snop  }
__scs_overlays_trampoline_lowered:
0x8: {  	[smem:$0x3FA6] =	sst s0  }
0x9: {  	[smem:$0x3FA7] =	sst s1  }
0xa: {  	[smem:$0x3FA8] =	sst s2  }
0xb: {  	[smem:$0x3FA9] =	sst s3  }
0xc: {  	[smem:$0x3FAA] =	sst s4  }
0xd: {  	[smem:$0x3FAB] =	sst s5  }
0xe: {  	[smem:$0x3FAC] =	sst s6  }
0xf: {  	[smem:$0x3FAD] =	sst s7  }
0x10: {  	[smem:$0x3FAE] =	sst s8  }
0x11: {  	[smem:$0x3FAF] =	sst s9;
	s0 =	simm.s32 @!p0 $0x0  }
0x12: {  	s1 =	sld [smem:$0x3F95];
	s0 =	simm.s32 @p0 $0x1  }
0x13: {  	[smem:$0x3FB0] =	sst s0;
	s0 =	simm.s32 @!p1 $0x0  }
0x14: {  	s2 =	sld [smem:$0x3F94];
	s0 =	simm.s32 @p1 $0x1  }
0x15: {  	[smem:$0x3FB1] =	sst s0;
	s0 =	simm.s32 @!p2 $0x0  }
0x16: {  	s3 =	sld [smem:$0x3FDB];
	s0 =	simm.s32 @p2 $0x1  }
0x17: {  	s4 =	simm.s32 $0x1BF5;
	[smem:$0x3FB3] =	sst s0  }
0x18: {  	s0 =	sld [smem:$0x3F96];
	_ =	swait.ge [sflag:s4], $0x0  }
0x19: {  	s7 =	sld [smem:$0x3F97]  }
0x1a: {  	s8 =	sadd.s32 $0xFFFFE003, lr  }
0x1b: {  	s9 =	sadd.s32 $0xFFFFFEF7, lr;
	s5 =	simm.s32 $0xFFFFFFFF;
	p2 =	slt.u32 s8, $0xFFFFF086  }
0x1c: {  	p1 =	slt.u32 s9, $0xF7A;
	s5 =	simm.s32 @!p2 $0x0  }
0x1d: {  	s5 =	simm.s32 @p1 $0x1;
	p0 =	seq.s32 s7, s2  }
0x1e: {  	s7 =	smul.u32 @!p0 $0xF7A, s2;
	p2 =	seq.s32 @!p0 s5, $0x0  }
0x1f: {  	s9 =	smul.u32 $0xF7A, s1;
	s8 =	simm.s32 @!p0 $0x1BF5;
	p2 =	por !p2, p0  }
0x20: {  	[sflag:s8] =	ssyncset.s32 @!p0 $0xFFFFF086;
	s6 =	sadd.s32 @!p0 s3, s7;
	s7 =	simm.s32 @!p0 $0x108  }
0x21: {  	s3 =	sadd.s32 s3, s9;
	s6 =	sadd.s32 @!p0 $0x88, s6;
	s7 =	simm.s32 @p2 $0x1082  }
0x22: {  	[simem:s7], [sflag:s8] =	dma.local @!p0 [hbm:s6], $0xF7A  }
0x23: {  	s9 =	sor.u32 $0xD0000000, s2;
	s6 =	simm.s32 $0x108;
	_ =	swait.ge @!p0 [sflag:s8], $0x0  }
0x24: {  	s3 =	sadd.s32 $0x88, s3;
	s6 =	simm.s32 @!p1 $0x1082;
	[sflag:s4] =	ssyncset.s32 $0xFFFFF086  }
0x25: {  	[simem:s6], [sflag:s4] =	dma.local [hbm:s3], $0xF7A  }
0x26: {  	[smem:$0x3F97] =	sst s1;
	(tag) =	ssettag s2;
	_ =	strace s9  }
0x27: {  	s1 =	sld [smem:$0x3FA7]  }
0x28: {  	s2 =	sld [smem:$0x3FA8]  }
0x29: {  	s4 =	sld [smem:$0x3FAA]  }
0x2a: {  	p0 =	seq.s32 s5, $0x0;
	s5 =	sld [smem:$0x3FAB]  }
0x2b: {  	s6 =	sld [smem:$0x3FAC]  }
0x2c: {  	s7 =	sld [smem:$0x3FAD]  }
0x2d: {  	s3 =	simm.s32 $0x108;
	s8 =	sld [smem:$0x3FAE]  }
0x2e: {  	s3 =	simm.s32 @!p0 $0x1082;
	s9 =	sld [smem:$0x3FAF]  }
0x2f: {  	lr =	sadd.s32 s0, s3;
	s0 =	sld [smem:$0x3FA6]  }
0x30: {  	s3 =	sld [smem:$0x3FA9]  }
0x31: {  	[smem:$0x3FB2] =	sst s10  }
0x32: {  	s10 =	sld [smem:$0x3FB0];
	_ =	sdelay $0x3  }
0x33: {  	p0 =	seq.s32 s10, $0x1;
	s10 =	sld [smem:$0x3FB2];
	_ =	sdelay $0x3  }
0x34: {  	[smem:$0x3FB2] =	sst s10  }
0x35: {  	s10 =	sld [smem:$0x3FB1];
	_ =	sdelay $0x3  }
0x36: {  	p1 =	seq.s32 s10, $0x1;
	s10 =	sld [smem:$0x3FB2];
	_ =	sdelay $0x3  }
0x37: {  	[smem:$0x3FB2] =	sst s10  }
0x38: {  	s10 =	sld [smem:$0x3FB3]  }
0x39: {  	_ = 	snop;
	(pc) =	sbr.ind lr, $3  }
0x3a: {  	_ = 	snop  }
0x3b: {  	_ = 	snop  }
0x3c: {  	p2 =	seq.s32 s10, $0x1;
	s10 =	sld [smem:$0x3FB2]  }
0x3d: {  	_ =	shalt  }
0x3e: {  	_ =	shalt  }
0x3f: {  	_ =	shalt  }
0x40: {  	_ =	shalt  }
0x41: {  	_ =	shalt  }
0x42: {  	_ =	shalt  }
0x43: {  	_ =	shalt  }
0x44: {  	_ =	shalt  }
0x45: {  	_ =	shalt  }
0x46: {  	_ =	shalt  }
0x47: {  	_ =	shalt  }
0x48: {  	_ =	shalt  }
0x49: {  	_ =	shalt  }
0x4a: {  	_ =	shalt  }
0x4b: {  	_ =	shalt  }
0x4c: {  	_ =	shalt  }
0x4d: {  	_ =	shalt  }
0x4e: {  	_ =	shalt  }
0x4f: {  	_ =	shalt  }
0x50: {  	_ =	shalt  }
0x51: {  	_ =	shalt  }
0x52: {  	_ =	shalt  }
0x53: {  	_ =	shalt  }
0x54: {  	_ =	shalt  }
0x55: {  	_ =	shalt  }
0x56: {  	_ =	shalt  }
0x57: {  	_ =	shalt  }
0x58: {  	_ =	shalt  }
0x59: {  	_ =	shalt  }
0x5a: {  	_ =	shalt  }
0x5b: {  	_ =	shalt  }
0x5c: {  	_ =	shalt  }
0x5d: {  	_ =	shalt  }
0x5e: {  	_ =	shalt  }
0x5f: {  	_ =	shalt  }
0x60: {  	_ =	shalt  }
0x61: {  	_ =	shalt  }
0x62: {  	_ =	shalt  }
0x63: {  	_ =	shalt  }
0x64: {  	_ =	shalt  }
0x65: {  	_ =	shalt  }
0x66: {  	_ =	shalt  }
0x67: {  	_ =	shalt  }
0x68: {  	_ =	shalt  }
0x69: {  	_ =	shalt  }
0x6a: {  	_ =	shalt  }
0x6b: {  	_ =	shalt  }
0x6c: {  	_ =	shalt  }
0x6d: {  	_ =	shalt  }
0x6e: {  	_ =	shalt  }
0x6f: {  	_ =	shalt  }
0x70: {  	_ =	shalt  }
0x71: {  	_ =	shalt  }
0x72: {  	_ =	shalt  }
0x73: {  	_ =	shalt  }
0x74: {  	_ =	shalt  }
0x75: {  	_ =	shalt  }
0x76: {  	_ =	shalt  }
0x77: {  	_ =	shalt  }
0x78: {  	_ =	shalt  }
0x79: {  	_ =	shalt  }
0x7a: {  	_ =	shalt  }
0x7b: {  	_ =	shalt  }
0x7c: {  	_ =	shalt  }
0x7d: {  	_ =	shalt  }
0x7e: {  	_ =	shalt  }
0x7f: {  	_ =	shalt  }
0x80: {  	_ =	shalt  }
0x81: {  	_ =	shalt  }
0x82: {  	_ =	shalt  }
0x83: {  	_ =	shalt  }
0x84: {  	_ =	shalt  }
0x85: {  	_ =	shalt  }
0x86: {  	_ =	shalt  }
0x87: {  	_ =	shalt  }
.Lfunc_end0:
.L_simem_size_0:
called_computation_lowered:
.L_overlay_start_0:
0x88: {  	s2 =	sld [smem:$0x3FD9]  }
0x89: {  	s3 =	sld [smem:$0x3FFE];
	_ =	sdelay $0x1  }
0x8a: {  	s1 =	srdreg.scid  }
0x8b: {  	s0 =	sand.u32 $0x1, s1  }
0x8c: {  	s16 =	sshll.u32 s0, $0xA;
	s2 =	sadd.s32 s3, s2  }
0x8d: {  	s2 =	sadd.s32 s2, s16  }
0x8e: {  	[smem:$0x3FBE] =	sst s2  }
0x8f: {  	_ = 	snop  }
0x90: {  	(tm) =	ssettm $0x1  }
0x91: {  	s17 =	sld [smem:$0x3FFB];
	_ =	sdelay $0x3  }
0x92: {  	_ =	strace s17  }
0x93: {  	s2 =	sld [smem:$0x3FFC];
	_ =	sdelay $0x3  }
0x94: {  	_ =	strace s2  }
0x95: {  	s2 =	sld [smem:$0x3FFD];
	_ =	sdelay $0x3  }
0x96: {  	_ =	strace s2  }
0x97: {  	_ =	strace $0x8FFFFFFF  }
0x98: {  	s18 =	sld [smem:$0x3FDB];
	_ =	sdelay $0x1  }
0x99: {  	s19 =	simm.s32 $_scs_section_size  }
0x9a: {  	s4 =	simm.s32 $_size__tile_overlayer_lowered;
	s5 =	simm.s32 $_tile_overlayer_lowered  }
0x9b: {  	s22 =	simm.s32 $0x1BFF;
	s21 =	sshll.u32 s5, $0x1;
	s2 =	sadd.s32 s19, s18  }
0x9c: {  	s6 =	simm.s32 $0x0;
	s20 =	sshll.u32 s4, $0x1;
	s4 =	sadd.s32 s21, s2  }
0x9d: {  	[timem:s6], [sflag:s22] =	dma.local [hbm:s4], s20  }
0x9e: {  	_ =	swait.ge [sflag:s22], s20  }
0x9f: {  	s3 =	ssub.s32 $0x0, s20;
	[sflag:s22] =	ssyncset.done $0x0  }
0xa0: {  	[sflag:s22] =	ssyncadd.s32 s3;
	_ =	sdelay $0x1  }
0xa1: {  	s23 =	simm.s32 $0x1B8B  }
0xa2: {  	_ =	swait.ge [sflag:s23], $0x1  }
0xa3: {  	[sflag:s23] =	ssyncset.done $0x0  }
0xa4: {  	s25 =	simm.s32 $0x1B8E;
	s24 =	sld [smem:$0x3FFE];
	[sflag:s23] =	ssyncadd.s32 $0xFFFFFFFF  }
0xa5: {  	s26 =	simm.s32 $execute0_lowered;
	[smem:$0x3FD2] =	sst s25  }
0xa6: {  	s4 =	sshll.u32 s26, $0x1;
	_ =	strace $0x80000046;
	[dreg:$0x1] =	wrdreg $0xFFFFFFFF  }
0xa7: {  	s28 =	simm.s32 $_size_execute0_lowered;
	s2 =	sadd.s32 s2, s4;
	[dreg:$0x0] =	wrdreg $0x0  }
0xa8: {  	s4 =	sshll.u32 s28, $0x1;
	[dreg:$0x2] =	wrdreg s2  }
0xa9: {  	[dreg:$0x3] =	wrdreg s4  }
0xaa: {  	[dreg:$0x4] =	wrdreg $0xC0  }
0xab: {  	_ =	task [dreg:s6], $0x5FFFF  }
0xac: {  	[dreg:$0x1] =	wrdreg $0xFFFFFFFF  }
0xad: {  	[dreg:$0x0] =	wrdreg $0x60  }
0xae: {  	[dreg:$0x2] =	wrdreg s24  }
0xaf: {  	[dreg:$0x3] =	wrdreg $0x9  }
0xb0: {  	_ =	task.clear_ibuf [dreg:s6], $0x4FFFF;
	_ =	strace $0x90000046  }
0xb1: {  	s29 =	simm.s32 $0x9;
	_ =	strace $0x80000048  }
0xb2: {  	_ =	swait.ge [sflag:s29], $0x1  }
0xb3: {  	[sflag:s29] =	ssyncadd.s32 $0xFFFFFFFF  }
0xb4: {  	_ =	strace $0x90000048  }
0xb5: {  	_ =	sfence  }
0xb6: {  	s30 =	sld [smem:$0x0];
	_ =	sdelay $0x2  }
0xb7: {  	s31 =	sshll.u32 s1, $0xD;
	s1 =	sshrl.u32 s1, $0x2  }
0xb8: {  	s3 =	sand.u32 $0x4000, s31;
	s1 =	sadd.s32 s1, s30  }
0xb9: {  	s0 =	sor.u32 s3, s0;
	s1 =	sshll.u32 s1, $0x11  }
0xba: {  	s0 =	sor.u32 s1, s0  }
0xbb: {  	s0 =	sadd.s32 $0x8F2B, s0  }
0xbc: {  	[sflag:s0] =	ssyncadd.remote.s32 $0x1  }
0xbd: {  	_ =	sfence.sel $0xFFFF  }
0xbe: {  	[dreg:$0x0] =	wrdreg $0xFFFFFFFF;
	(pc) =	sbr.abs _section_cstart, $3  }
0xbf: {  	[dreg:$0x1] =	wrdreg $0xFFFFFFFF  }
0xc0: {  	_ =	task.clear_ibuf [dreg:s6], $0x2FFFF;
	_ =	strace $0x9FFFFFFF  }
0xc1: {  	(tm) =	ssettm $0x7FFFFFFF  }
tec
execute0_lowered:
.L_overlay_start_1:
0x0: {  	(tag) =	ssettag $0x1  }
0x1: {  	s1 =	srdreg.scid;
	s0 =	stileid.u32  }
0x2: {  	s7 =	rddreg [dreg:$0x0];
	s2 =	simm.s32 $0x0;
	s11 =	simm.s32 $0x3400  }
0x3: {  	s12 =	simm.s32 $0x33C0;
	s13 =	simm.s32 $0x3440;
	s14 =	simm.s32 $0x1  }
0x4: {  	s15 =	simm.s32 $0x3480;
	s4 =	sand.u32 $0x1, s1;
	s30 =	sshll.u32 s0, $0x1  }
0x5: {  	s16 =	simm.s32 $0x2;
	s1 =	rddreg [dreg:$0x1];
	s5 =	sor.u32 s4, s30  }
0x6: {  	s17 =	simm.s32 $0x0;
	[smem:$0x7FF] =	sst s2;
	s6 =	smin.u32 s5, $0x14  }
0x7: {  	_ =	strace $0x80000047;
	s4 =	ssub.s32 $0x2, s4;
	s3 =	smul.u32 $0x19, s6  }
0x8: {  	s5 =	sshll.u32 s5, $0x3;
	s31 =	sshrl.u32 s4, $0x1;
	s6 =	sshll.u32 s6, $0x3  }
0x9: {  	s9 =	sadd.s32 s5, s7;
	s8 =	sadd.s32 s3, s7;
	s3 =	sadd.s32 $0x2600, s7  }
0xa: {  	s10 =	ssub.s32 s4, s31;
	s7 =	sadd.s32 $0x2D90, s7;
	s6 =	sadd.s32 s3, s6  }
0xb: {  	s4 =	sadd.s32 $0x2E00, s8;
	s8 =	sadd.s32 $0x3200, s9;
	s9 =	smax.u32 s10, $0x1  }
0xc: {  	s10 =	simm.s32 $0x1C0;
	s5 =	sadd.s32 $0x640, s6;
	s6 =	sadd.s32 $0x6E8, s6  }
.LBB2_1:
0xd: {  	[tilespmem:s2], [sflag:$0x1] =	stream.linear.gather [hbm4b:s4+s2], $0xC8, $0x38;
	[tilespmem:$0x34C0] =	vst v63  }
0xe: {  	_ = 	snop  }
0xf: {  	[tilespmem:s10], [sflag:$0x1] =	stream.linear.gather [hbm4b:s3+s2], $0x3200, $0x38;
	[tilespmem:$0x34C0] =	vst v63  }
0x10: {  	_ = 	snop  }
0x11: {  	[tilespmem:s11], [sflag:$0x1] =	stream.linear.gather [hbm4b:s5+s2], $0x40, $0x38;
	[tilespmem:$0x34C0] =	vst v63  }
0x12: {  	_ = 	snop  }
0x13: {  	[tilespmem:s12], [sflag:$0x1] =	stream.linear.gather [hbm4b:s6+s2], $0x40, $0x38;
	[tilespmem:$0x34C0] =	vst v63  }
0x14: {  	_ = 	snop  }
0x15: {  	[tilespmem:s13], [sflag:$0x1] =	stream.linear.gather [hbm4b:s7+s2], $0x40, $0x38;
	[tilespmem:$0x34C0] =	vst v63  }
0x16: {  	_ =	swait.ge [sflag:s14], $0xC8  }
0x17: {  	[sflag:s14] =	ssyncset.done $0x0  }
0x18: {  	[sflag:s14] =	ssyncadd.s32 $0xFFFFFF38  }
0x19: {  	v0 =	vld [tilespmem:$0x0];
	_ =	sdelay $0x4  }
0x1a: {  	v0 =	vmul.f32 v0, v0;
	_ =	sdelay $0x1  }
0x1b: {  	(erf) = vrcp.f32 v0;
	_ =	sdelay $0x1  }
0x1c: {  	v0 =	vld [tilespmem:$0x10]  }
0x1d: {  	v1 =	vld [tilespmem:$0x20]  }
0x1e: {  	v2 =	vld [tilespmem:$0x30]  }
0x1f: {  	v3 =	vld [tilespmem:$0x40]  }
0x20: {  	v4 =	vld [tilespmem:$0x50]  }
0x21: {  	v6 =	vld [tilespmem:$0x60];
	v0 =	vmul.f32 v0, v0  }
0x22: {  	v7 =	vld [tilespmem:$0x70];
	v1 =	vmul.f32 v1, v1  }
0x23: {  	v5 =	vpop (erf);
	(erf) = vrcp.f32 v0;
	v0 =	vmul.f32 v2, v2;
	v2 =	vld [tilespmem:$0x80]  }
0x24: {  	(erf) = vrcp.f32 v1;
	v1 =	vmul.f32 v3, v3;
	v3 =	vld [tilespmem:$0x90]  }
0x25: {  	(erf) = vrcp.f32 v0;
	v0 =	vmul.f32 v4, v4;
	v4 =	vld [tilespmem:$0xA0]  }
0x26: {  	(erf) = vrcp.f32 v1;
	v1 =	vmul.f32 v6, v6  }
0x27: {  	(erf) = vrcp.f32 v0;
	v0 =	vmul.f32 v7, v7;
	v7 =	vld [tilespmem:$0xC0]  }
0x28: {  	v6 =	vld [tilespmem:$0xB0];
	(erf) = vrcp.f32 v1;
	v1 =	vmul.f32 v2, v2  }
0x29: {  	(erf) = vrcp.f32 v0;
	v0 =	vmul.f32 v3, v3  }
0x2a: {  	(erf) = vrcp.f32 v1;
	v1 =	vmul.f32 v4, v4  }
0x2b: {  	(erf) = vrcp.f32 v0  }
0x2c: {  	v2 =	vpop (erf);
	(erf) = vrcp.f32 v1;
	v1 =	vmul.f32 v7, v7  }
0x2d: {  	v0 =	vmul.f32 v6, v6  }
0x2e: {  	v2 =	vmul.f32 $1.000000010e-01, v2;
	v3 =	vpop (erf)  }
0x2f: {  	(erf) = vrcp.f32 v0;
	v0 =	vmul.f32 $1.000000010e-01, v3;
	v3 =	vpop (erf)  }
0x30: {  	(erf) = vrcp.f32 v1;
	[tilespmem:$0xF0] =	vst v2;
	v2 =	vmul.f32 $1.000000010e-01, v3;
	v1 =	vpop (erf)  }
0x31: {  	[tilespmem:$0x100] =	vst v0;
	v3 =	vpop (erf);
	v0 =	vmul.f32 $1.000000010e-01, v1  }
0x32: {  	[tilespmem:$0x110] =	vst v2;
	v1 =	vpop (erf);
	v2 =	vmul.f32 $1.000000010e-01, v3  }
0x33: {  	v3 =	vpop (erf);
	[tilespmem:$0x120] =	vst v0  }
0x34: {  	v0 =	vmul.f32 $1.000000010e-01, v1;
	v1 =	vpop (erf);
	[tilespmem:$0x130] =	vst v2;
	v2 =	vmul.f32 $1.000000010e-01, v3  }
0x35: {  	v3 =	vpop (erf)  }
0x36: {  	v5 =	vmul.f32 $1.000000010e-01, v5;
	[tilespmem:$0x150] =	vst v2;
	v2 =	vmul.f32 $1.000000010e-01, v3  }
0x37: {  	[tilespmem:$0x140] =	vst v0;
	v0 =	vmul.f32 $1.000000010e-01, v1  }
0x38: {  	[tilespmem:$0xE0] =	vst v5;
	v1 =	vpop (erf)  }
0x39: {  	v3 =	vpop (erf);
	[tilespmem:$0x160] =	vst v0;
	v0 =	vmul.f32 $1.000000010e-01, v1  }
0x3a: {  	[tilespmem:$0x170] =	vst v2;
	v1 =	vmul.f32 $1.000000010e-01, v3;
	v2 =	vpop (erf)  }
0x3b: {  	[tilespmem:$0x180] =	vst v0;
	v0 =	vmul.f32 $1.000000010e-01, v2  }
0x3c: {  	[tilespmem:$0x190] =	vst v1  }
0x3d: {  	[tilespmem:$0x1A0] =	vst v0  }
0x3e: {  	_ =	swait.ge [sflag:s14], $0x3200  }
0x3f: {  	[sflag:s14] =	ssyncset.done $0x0  }
0x40: {  	[sflag:s14] =	ssyncadd.s32 $0xFFFFCE00  }
0x41: {  	_ =	swait.ge [sflag:s14], $0x40  }
0x42: {  	[sflag:s14] =	ssyncset.done $0x0  }
0x43: {  	[sflag:s14] =	ssyncadd.s32 $0xFFFFFFC0  }
0x44: {  	_ =	swait.ge [sflag:s14], $0x40  }
0x45: {  	[sflag:s14] =	ssyncset.done $0x0  }
0x46: {  	[sflag:s14] =	ssyncadd.s32 $0xFFFFFFC0  }
0x47: {  	_ =	swait.ge [sflag:s14], $0x40  }
0x48: {  	[sflag:s14] =	ssyncset.done $0x0  }
0x49: {  	s18 =	simm.s32 $0x0;
	[sflag:s14] =	ssyncadd.s32 $0xFFFFFFC0  }
0x4a: {  	s19 =	simm.s32 $0x1E0;
	v4 =	vld.msk [tilespmem:s18+$0xE0 ss:$0x0], $0xffff  }
0x4b: {  	v1 =	vld [tilespmem:s19+$0x10]  }
0x4c: {  	v5 =	vld [tilespmem:s19+$0xFFFFFFE0]  }
0x4d: {  	v7 =	vld [tilespmem:s19+$0xFFFFFFF0]  }
0x4e: {  	v9 =	vld [tilespmem:s19+$0x0]  }
0x4f: {  	s31 =	simm.s32 $0x1  }
0x50: {  	v0 =	vld.msk [tilespmem:s31+$0xE0 ss:$0x0], $0xffff;
	s18 =	simm.s32 $0x220  }
0x51: {  	v3 =	vld [tilespmem:s18+$0x10];
	v1 =	vmul.f32 v1, v4  }
0x52: {  	v2 =	vimm.f32 $0.0e+00;
	v6 =	vld [tilespmem:s18+$0xFFFFFFE0];
	v5 =	vmul.f32 v5, v4;
	v10 =	vmul.f32 v7, v4  }
0x53: {  	v8 =	vld [tilespmem:s18+$0xFFFFFFF0];
	v9 =	vmul.f32 v9, v4;
	v1 =	vadd.f32 v1, v2  }
0x54: {  	s19 =	simm.s32 $0x8;
	v7 =	vld [tilespmem:s18+$0x0];
	v5 =	vadd.f32 v5, v2;
	v4 =	vadd.f32 v10, v2  }
.LBB2_2:
0x55: {  	s20 =	sshra.s32 s19, $0x2;
	p0 =	sne.s32 s19, $0x31C;
	s19 =	sadd.s32 $0x4, s19;
	v2 =	vadd.f32 v9, v2  }
.Ltmp0:
0x56: {  	s18 =	sadd.s32 $0x40, s18;
	v10 =	vmov v0;
	v9 =	vmul.f32 v3, v0;
	v0 =	vld.msk [tilespmem:s20+$0xE0 ss:$0x0], $0xffff;
	(pc) =	sbr.rel @p0 .LBB2_2-.Ltmp0, $4  }
0x57: {  	v3 =	vld [tilespmem:s18+$0x10];
	v11 =	vmul.f32 v6, v10  }
0x58: {  	v6 =	vld [tilespmem:s18+$0xFFFFFFE0];
	v12 =	vmul.f32 v8, v10;
	v1 =	vadd.f32 v9, v1  }
0x59: {  	v8 =	vld [tilespmem:s18+$0xFFFFFFF0];
	v5 =	vadd.f32 v11, v5;
	v9 =	vmul.f32 v7, v10  }
0x5a: {  	v7 =	vld [tilespmem:s18+$0x0];
	v4 =	vadd.f32 v12, v4  }
0x5b: {  	v10 =	vld [tilespmem:$0x33C0]  }
0x5c: {  	v11 =	vld [tilespmem:$0x3440]  }
0x5d: {  	v12 =	vld [tilespmem:$0x3400]  }
0x5e: {  	v13 =	vld [tilespmem:$0x33D0]  }
0x5f: {  	v14 =	vld [tilespmem:$0x3450]  }
0x60: {  	v54 =	vld [tilespmem:$0x33F0]  }
0x61: {  	v57 =	vld [tilespmem:$0x3470]  }
0x62: {  	v59 =	vld [tilespmem:$0x3430];
	v6 =	vmul.f32 v6, v0  }
0x63: {  	v15 =	vld [tilespmem:$0x3410];
	v55 =	vmul.f32 v3, v0  }
0x64: {  	v16 =	vld [tilespmem:$0x33E0];
	v8 =	vmul.f32 v8, v0;
	v5 =	vadd.f32 v6, v5  }
0x65: {  	v17 =	vld [tilespmem:$0x3460];
	v2 =	vadd.f32 v9, v2;
	v53 =	vmul.f32 v7, v0;
	v0 =	vadd.f32 v55, v1  }
0x66: {  	v18 =	vld [tilespmem:$0x3420];
	v56 =	vadd.f32 v8, v4;
	v58 =	vmul.f32 v12, v11;
	v5 =	vmul.f32 v10, v5  }
0x67: {  	v63 =	vmul.f32 v59, v57;
	v2 =	vadd.f32 v53, v2;
	v0 =	vmul.f32 v54, v0  }
0x68: {  	v60 =	vmul.f32 v13, v56;
	v5 =	vmul.f32 $4.999999890e-03, v5  }
0x69: {  	v2 =	vmul.f32 v16, v2;
	v0 =	vmul.f32 $4.999999890e-03, v0  }
0x6a: {  	v61 =	vmul.f32 v15, v14;
	v1 =	vmul.f32 $4.999999890e-03, v60;
	v5 =	vadd.f32 v58, v5  }
0x6b: {  	v62 =	vmul.f32 v18, v17;
	v2 =	vmul.f32 $4.999999890e-03, v2;
	v0 =	vadd.f32 v63, v0  }
0x6c: {  	v1 =	vadd.f32 v61, v1;
	[tilespmem:$0x3480] =	vst v5  }
0x6d: {  	s17 =	sadd.s32 $0x1, s17;
	v2 =	vadd.f32 v62, v2;
	[tilespmem:$0x34B0] =	vst v0  }
0x6e: {  	p0 =	sne.s32 s17, s9;
	[tilespmem:$0x3490] =	vst v1  }
.Ltmp1:
0x6f: {  	[tilespmem:$0x34A0] =	vst v2;
	(pc) =	sbr.rel @p0 .LBB2_1-.Ltmp1, $4  }
0x70: {  	[hbm4b:s8+s2] =	stream.linear.scatter [tilespmem:s15], [sflag:$0x2], $0x40, $0x38;
	[tilespmem:$0x34C0] =	vst v63  }
0x71: {  	_ =	swait.ge [sflag:s16], $0x40  }
0x72: {  	[sflag:s16] =	ssyncset.done $0x0  }
0x73: {  	[sflag:s16] =	ssyncadd.s32 $0xFFFFFFC0  }
0x74: {  	_ =	sfence.sel $0x180000  }
0x75: {  	[bflag:$0x0] =	sbarrier.arrive $0xFFFF  }
0x76: {  	p0 =	sne.s32 s0, $0x0;
	_ =	strace $0x90000047  }
0x77: {  	s0 =	sadd.s32 @!p0 $0x100000, s1;
	[bflag:$0x2] =	sbarrier.arrive $0xFFFF  }
0x78: {  	[sflag:s0] =	ssyncadd.tile.s32 @!p0 $0x1;
	_ =	shalt  }
.Lfunc_end2:
_tile_overlayer_lowered:
.L_overlay_start_2:
0x79: {  	(tag) =	ssettag $0x2  }
0x7a: {  	s0 =	rddreg [dreg:$0x0];
	s2 =	stileid.u32  }
0x7b: {  	s1 =	rddreg [dreg:$0x1];
	p0 =	sne.s32 s2, $0x0  }
0x7c: {  	s3 =	rddreg [dreg:$0x2];
	[bflag:$0x3] =	sbarrier.arrive $0xFFFF;
	s2 =	simm.s32 @!p0 $0x1C02  }
0x7d: {  	[timem:s3], [sflag:s2] =	dma.local @!p0 [hbm:s0], s1  }
0x7e: {  	s0 =	simm.s32 @!p0 $0x2  }
0x7f: {  	_ =	swait.ge @!p0 [sflag:s0], s1  }
0x80: {  	s1 =	ssub.s32 @!p0 $0x0, s1;
	[sflag:s0] =	ssyncset.done @!p0 $0x0  }
0x81: {  	[sflag:s0] =	ssyncadd.s32 @!p0 s1  }
0x82: {  	[bflag:$0x3] =	sbarrier.arrive $0xFFFF  }
0x83: {  	_ =	shalt  }

</sc_bundles>
